<compile_context>
chip_gen: v7x
topology: tpu7x:2x2x1
jax: 0.10.2.dev20260603
libtpu: 0.0.44.dev20260713+nightly
codegen_flags: <defaults>
</compile_context>

<pallas_src>
import functools

import jax
import jax.numpy as jnp
from jax import lax
from jax.experimental import pallas as pl
from jax.experimental.pallas import tpu as pltpu, tpu_sc as plsc

N_NODES = 10000
N_RELATIONS = 237
N_CHANNELS = 128
N_EDGES = 320000

NC = 2
NS = 16
NW = NC * NS
L = 16

B = 64
NB = 158
NPT = NB * B
E_PAD = NW * NPT
NJ = N_CHANNELS // L


def _tile_body(node_hbm, rel_hbm, nidx_hbm, ridx_hbm, out_hbm,
               nidx_v, ridx_v, rel_v, rows0_v, rows1_v,
               pbuf_v, scores_v, sem0, sem1):
    wid = lax.axis_index("s") * NC + lax.axis_index("c")

    pltpu.sync_copy(nidx_hbm.at[wid], nidx_v)
    pltpu.sync_copy(ridx_hbm.at[wid], ridx_v)
    pltpu.sync_copy(rel_hbm, rel_v)

    lane_iota = lax.iota(jnp.int32, L)

    def compute(b, rows_v):
        def group(g, _):
            base = g * L
            rv = ridx_v[b, pl.ds(base, L)]
            for e in range(L):
                row = base + e
                rid = rv[e]
                sl = pl.ds(0, L)
                acc = (rows_v[row, sl] * rel_v[rid, sl]) * rows_v[B + row, sl]
                for j in range(1, NJ):
                    sl = pl.ds(j * L, L)
                    acc = acc + (rows_v[row, sl] * rel_v[rid, sl]) * rows_v[B + row, sl]
                pbuf_v[e, :] = acc
            tot = plsc.load_gather(pbuf_v, [lane_iota, jnp.full((L,), 0, jnp.int32)])
            for i in range(1, L):
                col = jnp.full((L,), i, dtype=jnp.int32)
                tot = tot + plsc.load_gather(pbuf_v, [lane_iota, col])
            scores_v[b, pl.ds(base, L)] = tot
            return 0

        lax.fori_loop(0, B // L, group, 0, unroll=False)

    def fire(b, rows_v, sem):
        return pltpu.async_copy(node_hbm.at[nidx_v.at[b]], rows_v, sem)

    def wait(b, rows_v, sem):
        pltpu.make_async_copy(node_hbm.at[nidx_v.at[b]], rows_v, sem).wait()

    fire(0, rows0_v, sem0)

    def step(t, _):
        b0 = 2 * t
        b1 = b0 + 1
        fire(b1, rows1_v, sem1)
        wait(b0, rows0_v, sem0)
        compute(b0, rows0_v)

        @pl.when(b1 + 1 < NB)
        def _():
            fire(b1 + 1, rows0_v, sem0)

        wait(b1, rows1_v, sem1)
        compute(b1, rows1_v)
        return 0

    lax.fori_loop(0, NB // 2, step, 0, unroll=False)
    pltpu.sync_copy(scores_v, out_hbm.at[wid])


@jax.jit
def _dist_mult_sc(node_tbl, rel_tbl, nidx, ridx):
    mesh = plsc.VectorSubcoreMesh(core_axis_name="c", subcore_axis_name="s",
                                  num_cores=NC, num_subcores=NS)
    out = pl.kernel(
        _tile_body,
        out_type=jax.ShapeDtypeStruct((NW, NB, B), jnp.float32),
        mesh=mesh,
        compiler_params=pltpu.CompilerParams(needs_layout_passes=False),
        scratch_types=[
            pltpu.VMEM((NB, 2 * B), jnp.int32),
            pltpu.VMEM((NB, B), jnp.int32),
            pltpu.VMEM((N_RELATIONS, N_CHANNELS), jnp.float32),
            pltpu.VMEM((2 * B, N_CHANNELS), jnp.float32),
            pltpu.VMEM((2 * B, N_CHANNELS), jnp.float32),
            pltpu.VMEM((L, L), jnp.float32),
            pltpu.VMEM((NB, B), jnp.float32),
            pltpu.SemaphoreType.DMA,
            pltpu.SemaphoreType.DMA,
        ],
    )(node_tbl, rel_tbl, nidx, ridx)
    return out


def kernel(initializations, rel_emb, edge_index, edge_type):
    src = edge_index[0].astype(jnp.int32)
    dst = edge_index[1].astype(jnp.int32)
    rel = edge_type.astype(jnp.int32)
    pad = E_PAD - N_EDGES
    src = jnp.pad(src, (0, pad)).reshape(NW, NB, B)
    dst = jnp.pad(dst, (0, pad)).reshape(NW, NB, B)
    nidx = jnp.concatenate([src, dst], axis=-1)
    ridx = jnp.pad(rel, (0, pad)).reshape(NW, NB, B)
    out = _dist_mult_sc(initializations, rel_emb, nidx, ridx)
    return out.reshape(-1)[:N_EDGES]

# --- scband reference (transcript-rebuilt; emitter-appended) ---
"""Pipeline reference for scband-dist-mult-model-7335804141800 (READ-ONLY COPY).

The authoritative reference and input builder live on the scoring server;
editing this copy changes nothing except your own understanding.
"""

import jax, jax.numpy as jnp
import numpy as np

N_NODES = 10000
N_RELATIONS = 237
N_CHANNELS = 128
N_EDGES = 320000

def setup_inputs(seed: int = 0) -> dict:
    key = jax.random.key(seed)
    k1, k2, k3, k4 = jax.random.split(key, 4)
    # learned parameters (per __init__): node embeddings + DistMult relation embeddings
    initializations = jax.random.normal(k1, (N_NODES, N_CHANNELS), dtype=jnp.float32) * 0.01
    rel_emb = jax.random.normal(k2, (N_RELATIONS, N_CHANNELS), dtype=jnp.float32) * 0.01
    # forward args
    edge_index = jax.random.randint(k3, (2, N_EDGES), 0, N_NODES, dtype=jnp.int64)
    edge_type = jax.random.randint(k4, (N_EDGES,), 0, N_RELATIONS, dtype=jnp.int64)
    return {
        "initializations": initializations,
        "rel_emb": rel_emb,
        "edge_index": edge_index,
        "edge_type": edge_type,
    }

def reference(initializations, rel_emb, edge_index, edge_type):
    # DistMultModel.__call__: decoder(initializations, edge_index, edge_type)
    # DistMult decoder: score(h, r, t) = sum_c h_c * R_{r,c} * t_c
    src = jnp.take(initializations, edge_index[0], axis=0)   # [E, C] gather
    dst = jnp.take(initializations, edge_index[1], axis=0)   # [E, C] gather
    rel = jnp.take(rel_emb, edge_type, axis=0)               # [E, C] gather
    scores = jnp.sum(src * rel * dst, axis=-1)               # [E]
    return scores

if __name__ == "__main__":
    import jax
    _d = setup_inputs()
    print(jax.jit(kernel)(*tuple(_d.values())))

</pallas_src>

<mosaic_0001>
#map = affine_map<(d0, d1) -> (0, 0)>
#map1 = affine_map<(d0, d1) -> (0, 0, 0)>
module attributes {stable_mosaic.version = 14 : i64} {
  func.func @_tile_body(%arg0: i32, %arg1: i32, %arg2: memref<10000x128xf32, #tpu.memory_space<hbm>>, %arg3: memref<237x128xf32, #tpu.memory_space<hbm>>, %arg4: memref<32x158x128xi32, #tpu.memory_space<hbm>>, %arg5: memref<32x158x64xi32, #tpu.memory_space<hbm>>, %arg6: memref<32x158x64xf32, #tpu.memory_space<hbm>>, %arg7: memref<158x128xi32, #tpu.memory_space<vmem>>, %arg8: memref<158x64xi32, #tpu.memory_space<vmem>>, %arg9: memref<237x128xf32, #tpu.memory_space<vmem>>, %arg10: memref<128x128xf32, #tpu.memory_space<vmem>>, %arg11: memref<128x128xf32, #tpu.memory_space<vmem>>, %arg12: memref<16x16xf32, #tpu.memory_space<vmem>>, %arg13: memref<158x64xf32, #tpu.memory_space<vmem>>, %arg14: memref<!tpu.dma_semaphore, #tpu.memory_space<semaphore_mem>>, %arg15: memref<!tpu.dma_semaphore, #tpu.memory_space<semaphore_mem>>) attributes {dimension_semantics = [#tpu.dimension_semantics<core_parallel>, #tpu.dimension_semantics<subcore_parallel>], iteration_bounds = array<i64: 2, 16>, scalar_prefetch = 0 : i64, scratch_operands = 9 : i64, tpu.core_type = #tpu.core_type<sc_vector_subcore>, window_params = [{transform_indices = #map}, {transform_indices = #map}, {transform_indices = #map1}, {transform_indices = #map1}, {transform_indices = #map1}]} {
    %mul3A = arith.constant 2 : i32
    %mul3A_0 = arith.muli %arg1, %mul3A : i32
    %add3A = arith.addi %mul3A_0, %arg0 : i32
    "tpu.region"() ({
      %run_scoped3A = tpu.sem_alloc : memref<!tpu.dma_semaphore, #tpu.memory_space<semaphore_mem>>
      %dma_start3A_13 = arith.constant 0 : i32
      %dma_start3A_14 = arith.constant 0 : i32
      %dma_start3A_15 = tpu.memref_slice %arg4[%add3A, %dma_start3A_13, %dma_start3A_14] : memref<32x158x128xi32, #tpu.memory_space<hbm>> -> memref<1x158x128xi32, #tpu.memory_space<hbm>>
      %dma_start3A_16 = tpu.memref_squeeze %dma_start3A_15 : memref<1x158x128xi32, #tpu.memory_space<hbm>> -> memref<158x128xi32, #tpu.memory_space<hbm>>
      %dma_start3A_17 = arith.constant 0 : i32
      %dma_start3A_18 = arith.constant 0 : i32
      %dma_start3A_19 = tpu.memref_slice %arg4[%add3A, %dma_start3A_17, %dma_start3A_18] : memref<32x158x128xi32, #tpu.memory_space<hbm>> -> memref<1x158x128xi32, #tpu.memory_space<hbm>>
      %dma_start3A_20 = tpu.memref_squeeze %dma_start3A_19 : memref<1x158x128xi32, #tpu.memory_space<hbm>> -> memref<158x128xi32, #tpu.memory_space<hbm>>
      tpu.enqueue_dma source(%dma_start3A_20 : memref<158x128xi32, #tpu.memory_space<hbm>>) target(%arg7 : memref<158x128xi32, #tpu.memory_space<vmem>>) target_semaphore(%run_scoped3A : memref<!tpu.dma_semaphore, #tpu.memory_space<semaphore_mem>>)
      %dma_wait3A = arith.constant 0 : i32
      %dma_wait3A_21 = arith.constant 0 : i32
      %dma_wait3A_22 = tpu.memref_slice %arg4[%add3A, %dma_wait3A, %dma_wait3A_21] : memref<32x158x128xi32, #tpu.memory_space<hbm>> -> memref<1x158x128xi32, #tpu.memory_space<hbm>>
      %dma_wait3A_23 = tpu.memref_squeeze %dma_wait3A_22 : memref<1x158x128xi32, #tpu.memory_space<hbm>> -> memref<158x128xi32, #tpu.memory_space<hbm>>
      %dma_wait3A_24 = arith.constant 0 : i32
      %dma_wait3A_25 = arith.constant 0 : i32
      %dma_wait3A_26 = tpu.memref_slice %arg4[%add3A, %dma_wait3A_24, %dma_wait3A_25] : memref<32x158x128xi32, #tpu.memory_space<hbm>> -> memref<1x158x128xi32, #tpu.memory_space<hbm>>
      %dma_wait3A_27 = tpu.memref_squeeze %dma_wait3A_26 : memref<1x158x128xi32, #tpu.memory_space<hbm>> -> memref<158x128xi32, #tpu.memory_space<hbm>>
      tpu.wait_dma2 semaphore(%run_scoped3A : memref<!tpu.dma_semaphore, #tpu.memory_space<semaphore_mem>>) src(%dma_wait3A_27 : memref<158x128xi32, #tpu.memory_space<hbm>>) dst(%arg7 : memref<158x128xi32, #tpu.memory_space<vmem>>)
      tpu.yield
    }) : () -> ()
    "tpu.region"() ({
      %run_scoped3A = tpu.sem_alloc : memref<!tpu.dma_semaphore, #tpu.memory_space<semaphore_mem>>
      %dma_start3A_13 = arith.constant 0 : i32
      %dma_start3A_14 = arith.constant 0 : i32
      %dma_start3A_15 = tpu.memref_slice %arg5[%add3A, %dma_start3A_13, %dma_start3A_14] : memref<32x158x64xi32, #tpu.memory_space<hbm>> -> memref<1x158x64xi32, #tpu.memory_space<hbm>>
      %dma_start3A_16 = tpu.memref_squeeze %dma_start3A_15 : memref<1x158x64xi32, #tpu.memory_space<hbm>> -> memref<158x64xi32, #tpu.memory_space<hbm>>
      %dma_start3A_17 = arith.constant 0 : i32
      %dma_start3A_18 = arith.constant 0 : i32
      %dma_start3A_19 = tpu.memref_slice %arg5[%add3A, %dma_start3A_17, %dma_start3A_18] : memref<32x158x64xi32, #tpu.memory_space<hbm>> -> memref<1x158x64xi32, #tpu.memory_space<hbm>>
      %dma_start3A_20 = tpu.memref_squeeze %dma_start3A_19 : memref<1x158x64xi32, #tpu.memory_space<hbm>> -> memref<158x64xi32, #tpu.memory_space<hbm>>
      tpu.enqueue_dma source(%dma_start3A_20 : memref<158x64xi32, #tpu.memory_space<hbm>>) target(%arg8 : memref<158x64xi32, #tpu.memory_space<vmem>>) target_semaphore(%run_scoped3A : memref<!tpu.dma_semaphore, #tpu.memory_space<semaphore_mem>>)
      %dma_wait3A = arith.constant 0 : i32
      %dma_wait3A_21 = arith.constant 0 : i32
      %dma_wait3A_22 = tpu.memref_slice %arg5[%add3A, %dma_wait3A, %dma_wait3A_21] : memref<32x158x64xi32, #tpu.memory_space<hbm>> -> memref<1x158x64xi32, #tpu.memory_space<hbm>>
      %dma_wait3A_23 = tpu.memref_squeeze %dma_wait3A_22 : memref<1x158x64xi32, #tpu.memory_space<hbm>> -> memref<158x64xi32, #tpu.memory_space<hbm>>
      %dma_wait3A_24 = arith.constant 0 : i32
      %dma_wait3A_25 = arith.constant 0 : i32
      %dma_wait3A_26 = tpu.memref_slice %arg5[%add3A, %dma_wait3A_24, %dma_wait3A_25] : memref<32x158x64xi32, #tpu.memory_space<hbm>> -> memref<1x158x64xi32, #tpu.memory_space<hbm>>
      %dma_wait3A_27 = tpu.memref_squeeze %dma_wait3A_26 : memref<1x158x64xi32, #tpu.memory_space<hbm>> -> memref<158x64xi32, #tpu.memory_space<hbm>>
      tpu.wait_dma2 semaphore(%run_scoped3A : memref<!tpu.dma_semaphore, #tpu.memory_space<semaphore_mem>>) src(%dma_wait3A_27 : memref<158x64xi32, #tpu.memory_space<hbm>>) dst(%arg8 : memref<158x64xi32, #tpu.memory_space<vmem>>)
      tpu.yield
    }) : () -> ()
    "tpu.region"() ({
      %run_scoped3A = tpu.sem_alloc : memref<!tpu.dma_semaphore, #tpu.memory_space<semaphore_mem>>
      tpu.enqueue_dma source(%arg3 : memref<237x128xf32, #tpu.memory_space<hbm>>) target(%arg9 : memref<237x128xf32, #tpu.memory_space<vmem>>) target_semaphore(%run_scoped3A : memref<!tpu.dma_semaphore, #tpu.memory_space<semaphore_mem>>)
      tpu.wait_dma2 semaphore(%run_scoped3A : memref<!tpu.dma_semaphore, #tpu.memory_space<semaphore_mem>>) src(%arg3 : memref<237x128xf32, #tpu.memory_space<hbm>>) dst(%arg9 : memref<237x128xf32, #tpu.memory_space<vmem>>)
      tpu.yield
    }) : () -> ()
    %iota3A = tpu.iota {dimensions = array<i32: 0>} : vector<16xi32>
    %dma_start3A = arith.constant 0 : i32
    %dma_start3A_1 = arith.constant 0 : i32
    %dma_start3A_2 = tpu.memref_slice %arg7[%dma_start3A, %dma_start3A_1] : memref<158x128xi32, #tpu.memory_space<vmem>> -> memref<1x128xi32, #tpu.memory_space<vmem>>
    %dma_start3A_3 = tpu.memref_squeeze %dma_start3A_2 : memref<1x128xi32, #tpu.memory_space<vmem>> -> memref<128xi32, #tpu.memory_space<vmem>>
    %dma_start3A_4 = arith.constant 0 : i32
    %dma_start3A_5 = arith.constant 0 : i32
    %dma_start3A_6 = tpu.memref_slice %arg2[%dma_start3A_4, %dma_start3A_5] : memref<10000x128xf32, #tpu.memory_space<hbm>> -> memref<10000x128xf32, #tpu.memory_space<hbm>>
    tpu.enqueue_indirect_dma source(%dma_start3A_6 : memref<10000x128xf32, #tpu.memory_space<hbm>>) target(%arg10 : memref<128x128xf32, #tpu.memory_space<vmem>>) offsets(%dma_start3A_3 : memref<128xi32, #tpu.memory_space<vmem>>) semaphore(%arg14 : memref<!tpu.dma_semaphore, #tpu.memory_space<semaphore_mem>>)
    %scan3A = arith.constant 0 : i32
    %scan3A_7 = arith.constant 0 : i32
    %scan3A_8 = arith.constant 79 : i32
    %scan3A_9 = arith.addi %scan3A_7, %scan3A_8 : i32
    %scan3A_10 = arith.constant 1 : i32
    %scan3A_11 = scf.for %scan3A_13 = %scan3A_7 to %scan3A_9 step %scan3A_10 iter_args(%scan3A_14 = %scan3A) -> (i32)  : i32 {
      %mul3A_15 = arith.constant 2 : i32
      %mul3A_16 = arith.muli %mul3A_15, %scan3A_13 : i32
      %add3A_17 = arith.constant 1 : i32
      %add3A_18 = arith.addi %mul3A_16, %add3A_17 : i32
      %dma_start3A_19 = arith.constant 0 : i32
      %dma_start3A_20 = tpu.memref_slice %arg7[%add3A_18, %dma_start3A_19] : memref<158x128xi32, #tpu.memory_space<vmem>> -> memref<1x128xi32, #tpu.memory_space<vmem>>
      %dma_start3A_21 = tpu.memref_squeeze %dma_start3A_20 : memref<1x128xi32, #tpu.memory_space<vmem>> -> memref<128xi32, #tpu.memory_space<vmem>>
      %dma_start3A_22 = arith.constant 0 : i32
      %dma_start3A_23 = arith.constant 0 : i32
      %dma_start3A_24 = tpu.memref_slice %arg2[%dma_start3A_22, %dma_start3A_23] : memref<10000x128xf32, #tpu.memory_space<hbm>> -> memref<10000x128xf32, #tpu.memory_space<hbm>>
      tpu.enqueue_indirect_dma source(%dma_start3A_24 : memref<10000x128xf32, #tpu.memory_space<hbm>>) target(%arg11 : memref<128x128xf32, #tpu.memory_space<vmem>>) offsets(%dma_start3A_21 : memref<128xi32, #tpu.memory_space<vmem>>) semaphore(%arg15 : memref<!tpu.dma_semaphore, #tpu.memory_space<semaphore_mem>>)
      %dma_wait3A = arith.constant 0 : i32
      %dma_wait3A_25 = tpu.memref_slice %arg7[%mul3A_16, %dma_wait3A] : memref<158x128xi32, #tpu.memory_space<vmem>> -> memref<1x128xi32, #tpu.memory_space<vmem>>
      %dma_wait3A_26 = tpu.memref_squeeze %dma_wait3A_25 : memref<1x128xi32, #tpu.memory_space<vmem>> -> memref<128xi32, #tpu.memory_space<vmem>>
      %dma_wait3A_27 = arith.constant 0 : i32
      %dma_wait3A_28 = arith.constant 0 : i32
      %dma_wait3A_29 = tpu.memref_slice %arg2[%dma_wait3A_27, %dma_wait3A_28] : memref<10000x128xf32, #tpu.memory_space<hbm>> -> memref<10000x128xf32, #tpu.memory_space<hbm>>
      tpu.wait_indirect_dma semaphore(%arg14 : memref<!tpu.dma_semaphore, #tpu.memory_space<semaphore_mem>>) src(%dma_wait3A_29 : memref<10000x128xf32, #tpu.memory_space<hbm>>) dst(%arg10 : memref<128x128xf32, #tpu.memory_space<vmem>>)
      %scan3A_30 = arith.constant 0 : i32
      %scan3A_31 = arith.constant 0 : i32
      %scan3A_32 = arith.constant 4 : i32
      %scan3A_33 = arith.addi %scan3A_31, %scan3A_32 : i32
      %scan3A_34 = arith.constant 1 : i32
      %scan3A_35 = scf.for %scan3A_55 = %scan3A_31 to %scan3A_33 step %scan3A_34 iter_args(%scan3A_56 = %scan3A_30) -> (i32)  : i32 {
        %mul3A_57 = arith.constant 16 : i32
        %mul3A_58 = arith.muli %scan3A_55, %mul3A_57 : i32
        %get3A = arith.index_cast %mul3A_16 : i32 to index
        %get3A_59 = arith.index_cast %mul3A_58 : i32 to index
        %get3A_60 = tpu.vector_load %arg8[%get3A, %get3A_59] {strides = array<i32>} : memref<158x64xi32, #tpu.memory_space<vmem>>, vector<16xi32>,
        %add3A_61 = arith.constant 0 : i32
        %add3A_62 = arith.addi %mul3A_58, %add3A_61 : i32
        %slice3A = vector.extract_strided_slice %get3A_60 {offsets = [0], sizes = [1], strides = [1]} : vector<16xi32> to vector<1xi32>
        %squeeze3A = vector.extract %slice3A[0] : i32 from vector<1xi32>
        %get3A_63 = arith.index_cast %add3A_62 : i32 to index
        %get3A_64 = arith.constant 0 : index
        %get3A_65 = tpu.vector_load %arg10[%get3A_63, %get3A_64] {strides = array<i32>} : memref<128x128xf32, #tpu.memory_space<vmem>>, vector<16xf32>,
        %get3A_66 = arith.index_cast %squeeze3A : i32 to index
        %get3A_67 = arith.constant 0 : index
        %get3A_68 = tpu.vector_load %arg9[%get3A_66, %get3A_67] {strides = array<i32>} : memref<237x128xf32, #tpu.memory_space<vmem>>, vector<16xf32>,
        %mul3A_69 = arith.mulf %get3A_65, %get3A_68 : vector<16xf32>
        %add3A_70 = arith.constant 64 : i32
        %add3A_71 = arith.addi %add3A_70, %add3A_62 : i32
        %get3A_72 = arith.index_cast %add3A_71 : i32 to index
        %get3A_73 = arith.constant 0 : index
        %get3A_74 = tpu.vector_load %arg10[%get3A_72, %get3A_73] {strides = array<i32>} : memref<128x128xf32, #tpu.memory_space<vmem>>, vector<16xf32>,
        %mul3A_75 = arith.mulf %mul3A_69, %get3A_74 : vector<16xf32>
        %get3A_76 = arith.index_cast %add3A_62 : i32 to index
        %get3A_77 = arith.constant 16 : index
        %get3A_78 = tpu.vector_load %arg10[%get3A_76, %get3A_77] {strides = array<i32>} : memref<128x128xf32, #tpu.memory_space<vmem>>, vector<16xf32>,
        %get3A_79 = arith.index_cast %squeeze3A : i32 to index
        %get3A_80 = arith.constant 16 : index
        %get3A_81 = tpu.vector_load %arg9[%get3A_79, %get3A_80] {strides = array<i32>} : memref<237x128xf32, #tpu.memory_space<vmem>>, vector<16xf32>,
        %mul3A_82 = arith.mulf %get3A_78, %get3A_81 : vector<16xf32>
        %add3A_83 = arith.constant 64 : i32
        %add3A_84 = arith.addi %add3A_83, %add3A_62 : i32
        %get3A_85 = arith.index_cast %add3A_84 : i32 to index
        %get3A_86 = arith.constant 16 : index
        %get3A_87 = tpu.vector_load %arg10[%get3A_85, %get3A_86] {strides = array<i32>} : memref<128x128xf32, #tpu.memory_space<vmem>>, vector<16xf32>,
        %mul3A_88 = arith.mulf %mul3A_82, %get3A_87 : vector<16xf32>
        %add3A_89 = arith.addf %mul3A_75, %mul3A_88 : vector<16xf32>
        %get3A_90 = arith.index_cast %add3A_62 : i32 to index
        %get3A_91 = arith.constant 32 : index
        %get3A_92 = tpu.vector_load %arg10[%get3A_90, %get3A_91] {strides = array<i32>} : memref<128x128xf32, #tpu.memory_space<vmem>>, vector<16xf32>,
        %get3A_93 = arith.index_cast %squeeze3A : i32 to index
        %get3A_94 = arith.constant 32 : index
        %get3A_95 = tpu.vector_load %arg9[%get3A_93, %get3A_94] {strides = array<i32>} : memref<237x128xf32, #tpu.memory_space<vmem>>, vector<16xf32>,
        %mul3A_96 = arith.mulf %get3A_92, %get3A_95 : vector<16xf32>
        %add3A_97 = arith.constant 64 : i32
        %add3A_98 = arith.addi %add3A_97, %add3A_62 : i32
        %get3A_99 = arith.index_cast %add3A_98 : i32 to index
        %get3A_100 = arith.constant 32 : index
        %get3A_101 = tpu.vector_load %arg10[%get3A_99, %get3A_100] {strides = array<i32>} : memref<128x128xf32, #tpu.memory_space<vmem>>, vector<16xf32>,
        %mul3A_102 = arith.mulf %mul3A_96, %get3A_101 : vector<16xf32>
        %add3A_103 = arith.addf %add3A_89, %mul3A_102 : vector<16xf32>
        %get3A_104 = arith.index_cast %add3A_62 : i32 to index
        %get3A_105 = arith.constant 48 : index
        %get3A_106 = tpu.vector_load %arg10[%get3A_104, %get3A_105] {strides = array<i32>} : memref<128x128xf32, #tpu.memory_space<vmem>>, vector<16xf32>,
        %get3A_107 = arith.index_cast %squeeze3A : i32 to index
        %get3A_108 = arith.constant 48 : index
        %get3A_109 = tpu.vector_load %arg9[%get3A_107, %get3A_108] {strides = array<i32>} : memref<237x128xf32, #tpu.memory_space<vmem>>, vector<16xf32>,
        %mul3A_110 = arith.mulf %get3A_106, %get3A_109 : vector<16xf32>
        %add3A_111 = arith.constant 64 : i32
        %add3A_112 = arith.addi %add3A_111, %add3A_62 : i32
        %get3A_113 = arith.index_cast %add3A_112 : i32 to index
        %get3A_114 = arith.constant 48 : index
        %get3A_115 = tpu.vector_load %arg10[%get3A_113, %get3A_114] {strides = array<i32>} : memref<128x128xf32, #tpu.memory_space<vmem>>, vector<16xf32>,
        %mul3A_116 = arith.mulf %mul3A_110, %get3A_115 : vector<16xf32>
        %add3A_117 = arith.addf %add3A_103, %mul3A_116 : vector<16xf32>
        %get3A_118 = arith.index_cast %add3A_62 : i32 to index
        %get3A_119 = arith.constant 64 : index
        %get3A_120 = tpu.vector_load %arg10[%get3A_118, %get3A_119] {strides = array<i32>} : memref<128x128xf32, #tpu.memory_space<vmem>>, vector<16xf32>,
        %get3A_121 = arith.index_cast %squeeze3A : i32 to index
        %get3A_122 = arith.constant 64 : index
        %get3A_123 = tpu.vector_load %arg9[%get3A_121, %get3A_122] {strides = array<i32>} : memref<237x128xf32, #tpu.memory_space<vmem>>, vector<16xf32>,
        %mul3A_124 = arith.mulf %get3A_120, %get3A_123 : vector<16xf32>
        %add3A_125 = arith.constant 64 : i32
        %add3A_126 = arith.addi %add3A_125, %add3A_62 : i32
        %get3A_127 = arith.index_cast %add3A_126 : i32 to index
        %get3A_128 = arith.constant 64 : index
        %get3A_129 = tpu.vector_load %arg10[%get3A_127, %get3A_128] {strides = array<i32>} : memref<128x128xf32, #tpu.memory_space<vmem>>, vector<16xf32>,
        %mul3A_130 = arith.mulf %mul3A_124, %get3A_129 : vector<16xf32>
        %add3A_131 = arith.addf %add3A_117, %mul3A_130 : vector<16xf32>
        %get3A_132 = arith.index_cast %add3A_62 : i32 to index
        %get3A_133 = arith.constant 80 : index
        %get3A_134 = tpu.vector_load %arg10[%get3A_132, %get3A_133] {strides = array<i32>} : memref<128x128xf32, #tpu.memory_space<vmem>>, vector<16xf32>,
        %get3A_135 = arith.index_cast %squeeze3A : i32 to index
        %get3A_136 = arith.constant 80 : index
        %get3A_137 = tpu.vector_load %arg9[%get3A_135, %get3A_136] {strides = array<i32>} : memref<237x128xf32, #tpu.memory_space<vmem>>, vector<16xf32>,
        %mul3A_138 = arith.mulf %get3A_134, %get3A_137 : vector<16xf32>
        %add3A_139 = arith.constant 64 : i32
        %add3A_140 = arith.addi %add3A_139, %add3A_62 : i32
        %get3A_141 = arith.index_cast %add3A_140 : i32 to index
        %get3A_142 = arith.constant 80 : index
        %get3A_143 = tpu.vector_load %arg10[%get3A_141, %get3A_142] {strides = array<i32>} : memref<128x128xf32, #tpu.memory_space<vmem>>, vector<16xf32>,
        %mul3A_144 = arith.mulf %mul3A_138, %get3A_143 : vector<16xf32>
        %add3A_145 = arith.addf %add3A_131, %mul3A_144 : vector<16xf32>
        %get3A_146 = arith.index_cast %add3A_62 : i32 to index
        %get3A_147 = arith.constant 96 : index
        %get3A_148 = tpu.vector_load %arg10[%get3A_146, %get3A_147] {strides = array<i32>} : memref<128x128xf32, #tpu.memory_space<vmem>>, vector<16xf32>,
        %get3A_149 = arith.index_cast %squeeze3A : i32 to index
        %get3A_150 = arith.constant 96 : index
        %get3A_151 = tpu.vector_load %arg9[%get3A_149, %get3A_150] {strides = array<i32>} : memref<237x128xf32, #tpu.memory_space<vmem>>, vector<16xf32>,
        %mul3A_152 = arith.mulf %get3A_148, %get3A_151 : vector<16xf32>
        %add3A_153 = arith.constant 64 : i32
        %add3A_154 = arith.addi %add3A_153, %add3A_62 : i32
        %get3A_155 = arith.index_cast %add3A_154 : i32 to index
        %get3A_156 = arith.constant 96 : index
        %get3A_157 = tpu.vector_load %arg10[%get3A_155, %get3A_156] {strides = array<i32>} : memref<128x128xf32, #tpu.memory_space<vmem>>, vector<16xf32>,
        %mul3A_158 = arith.mulf %mul3A_152, %get3A_157 : vector<16xf32>
        %add3A_159 = arith.addf %add3A_145, %mul3A_158 : vector<16xf32>
        %get3A_160 = arith.index_cast %add3A_62 : i32 to index
        %get3A_161 = arith.constant 112 : index
        %get3A_162 = tpu.vector_load %arg10[%get3A_160, %get3A_161] {strides = array<i32>} : memref<128x128xf32, #tpu.memory_space<vmem>>, vector<16xf32>,
        %get3A_163 = arith.index_cast %squeeze3A : i32 to index
        %get3A_164 = arith.constant 112 : index
        %get3A_165 = tpu.vector_load %arg9[%get3A_163, %get3A_164] {strides = array<i32>} : memref<237x128xf32, #tpu.memory_space<vmem>>, vector<16xf32>,
        %mul3A_166 = arith.mulf %get3A_162, %get3A_165 : vector<16xf32>
        %add3A_167 = arith.constant 64 : i32
        %add3A_168 = arith.addi %add3A_167, %add3A_62 : i32
        %get3A_169 = arith.index_cast %add3A_168 : i32 to index
        %get3A_170 = arith.constant 112 : index
        %get3A_171 = tpu.vector_load %arg10[%get3A_169, %get3A_170] {strides = array<i32>} : memref<128x128xf32, #tpu.memory_space<vmem>>, vector<16xf32>,
        %mul3A_172 = arith.mulf %mul3A_166, %get3A_171 : vector<16xf32>
        %add3A_173 = arith.addf %add3A_159, %mul3A_172 : vector<16xf32>
        %swap3A = arith.constant 0 : i32
        %swap3A_174 = arith.index_cast %swap3A : i32 to index
        %swap3A_175 = arith.constant 0 : index
        %swap3A_176 = tpu.vector_load %arg12[%swap3A_174, %swap3A_175] {strides = array<i32>} : memref<16x16xf32, #tpu.memory_space<vmem>>, vector<16xf32>,
        tpu.vector_store %arg12[%swap3A_174, %swap3A_175], %add3A_173 {strides = array<i32>} : memref<16x16xf32, #tpu.memory_space<vmem>>, vector<16xf32>,
        %add3A_177 = arith.constant 1 : i32
        %add3A_178 = arith.addi %mul3A_58, %add3A_177 : i32
        %slice3A_179 = vector.extract_strided_slice %get3A_60 {offsets = [1], sizes = [1], strides = [1]} : vector<16xi32> to vector<1xi32>
        %squeeze3A_180 = vector.extract %slice3A_179[0] : i32 from vector<1xi32>
        %get3A_181 = arith.index_cast %add3A_178 : i32 to index
        %get3A_182 = arith.constant 0 : index
        %get3A_183 = tpu.vector_load %arg10[%get3A_181, %get3A_182] {strides = array<i32>} : memref<128x128xf32, #tpu.memory_space<vmem>>, vector<16xf32>,
        %get3A_184 = arith.index_cast %squeeze3A_180 : i32 to index
        %get3A_185 = arith.constant 0 : index
        %get3A_186 = tpu.vector_load %arg9[%get3A_184, %get3A_185] {strides = array<i32>} : memref<237x128xf32, #tpu.memory_space<vmem>>, vector<16xf32>,
        %mul3A_187 = arith.mulf %get3A_183, %get3A_186 : vector<16xf32>
        %add3A_188 = arith.constant 64 : i32
        %add3A_189 = arith.addi %add3A_188, %add3A_178 : i32
        %get3A_190 = arith.index_cast %add3A_189 : i32 to index
        %get3A_191 = arith.constant 0 : index
        %get3A_192 = tpu.vector_load %arg10[%get3A_190, %get3A_191] {strides = array<i32>} : memref<128x128xf32, #tpu.memory_space<vmem>>, vector<16xf32>,
        %mul3A_193 = arith.mulf %mul3A_187, %get3A_192 : vector<16xf32>
        %get3A_194 = arith.index_cast %add3A_178 : i32 to index
        %get3A_195 = arith.constant 16 : index
        %get3A_196 = tpu.vector_load %arg10[%get3A_194, %get3A_195] {strides = array<i32>} : memref<128x128xf32, #tpu.memory_space<vmem>>, vector<16xf32>,
        %get3A_197 = arith.index_cast %squeeze3A_180 : i32 to index
        %get3A_198 = arith.constant 16 : index
        %get3A_199 = tpu.vector_load %arg9[%get3A_197, %get3A_198] {strides = array<i32>} : memref<237x128xf32, #tpu.memory_space<vmem>>, vector<16xf32>,
        %mul3A_200 = arith.mulf %get3A_196, %get3A_199 : vector<16xf32>
        %add3A_201 = arith.constant 64 : i32
        %add3A_202 = arith.addi %add3A_201, %add3A_178 : i32
        %get3A_203 = arith.index_cast %add3A_202 : i32 to index
        %get3A_204 = arith.constant 16 : index
        %get3A_205 = tpu.vector_load %arg10[%get3A_203, %get3A_204] {strides = array<i32>} : memref<128x128xf32, #tpu.memory_space<vmem>>, vector<16xf32>,
        %mul3A_206 = arith.mulf %mul3A_200, %get3A_205 : vector<16xf32>
        %add3A_207 = arith.addf %mul3A_193, %mul3A_206 : vector<16xf32>
        %get3A_208 = arith.index_cast %add3A_178 : i32 to index
        %get3A_209 = arith.constant 32 : index
        %get3A_210 = tpu.vector_load %arg10[%get3A_208, %get3A_209] {strides = array<i32>} : memref<128x128xf32, #tpu.memory_space<vmem>>, vector<16xf32>,
        %get3A_211 = arith.index_cast %squeeze3A_180 : i32 to index
        %get3A_212 = arith.constant 32 : index
        %get3A_213 = tpu.vector_load %arg9[%get3A_211, %get3A_212] {strides = array<i32>} : memref<237x128xf32, #tpu.memory_space<vmem>>, vector<16xf32>,
        %mul3A_214 = arith.mulf %get3A_210, %get3A_213 : vector<16xf32>
        %add3A_215 = arith.constant 64 : i32
        %add3A_216 = arith.addi %add3A_215, %add3A_178 : i32
        %get3A_217 = arith.index_cast %add3A_216 : i32 to index
        %get3A_218 = arith.constant 32 : index
        %get3A_219 = tpu.vector_load %arg10[%get3A_217, %get3A_218] {strides = array<i32>} : memref<128x128xf32, #tpu.memory_space<vmem>>, vector<16xf32>,
        %mul3A_220 = arith.mulf %mul3A_214, %get3A_219 : vector<16xf32>
        %add3A_221 = arith.addf %add3A_207, %mul3A_220 : vector<16xf32>
        %get3A_222 = arith.index_cast %add3A_178 : i32 to index
        %get3A_223 = arith.constant 48 : index
        %get3A_224 = tpu.vector_load %arg10[%get3A_222, %get3A_223] {strides = array<i32>} : memref<128x128xf32, #tpu.memory_space<vmem>>, vector<16xf32>,
        %get3A_225 = arith.index_cast %squeeze3A_180 : i32 to index
        %get3A_226 = arith.constant 48 : index
        %get3A_227 = tpu.vector_load %arg9[%get3A_225, %get3A_226] {strides = array<i32>} : memref<237x128xf32, #tpu.memory_space<vmem>>, vector<16xf32>,
        %mul3A_228 = arith.mulf %get3A_224, %get3A_227 : vector<16xf32>
        %add3A_229 = arith.constant 64 : i32
        %add3A_230 = arith.addi %add3A_229, %add3A_178 : i32
        %get3A_231 = arith.index_cast %add3A_230 : i32 to index
        %get3A_232 = arith.constant 48 : index
        %get3A_233 = tpu.vector_load %arg10[%get3A_231, %get3A_232] {strides = array<i32>} : memref<128x128xf32, #tpu.memory_space<vmem>>, vector<16xf32>,
        %mul3A_234 = arith.mulf %mul3A_228, %get3A_233 : vector<16xf32>
        %add3A_235 = arith.addf %add3A_221, %mul3A_234 : vector<16xf32>
        %get3A_236 = arith.index_cast %add3A_178 : i32 to index
        %get3A_237 = arith.constant 64 : index
        %get3A_238 = tpu.vector_load %arg10[%get3A_236, %get3A_237] {strides = array<i32>} : memref<128x128xf32, #tpu.memory_space<vmem>>, vector<16xf32>,
        %get3A_239 = arith.index_cast %squeeze3A_180 : i32 to index
        %get3A_240 = arith.constant 64 : index
        %get3A_241 = tpu.vector_load %arg9[%get3A_239, %get3A_240] {strides = array<i32>} : memref<237x128xf32, #tpu.memory_space<vmem>>, vector<16xf32>,
        %mul3A_242 = arith.mulf %get3A_238, %get3A_241 : vector<16xf32>
        %add3A_243 = arith.constant 64 : i32
        %add3A_244 = arith.addi %add3A_243, %add3A_178 : i32
        %get3A_245 = arith.index_cast %add3A_244 : i32 to index
        %get3A_246 = arith.constant 64 : index
        %get3A_247 = tpu.vector_load %arg10[%get3A_245, %get3A_246] {strides = array<i32>} : memref<128x128xf32, #tpu.memory_space<vmem>>, vector<16xf32>,
        %mul3A_248 = arith.mulf %mul3A_242, %get3A_247 : vector<16xf32>
        %add3A_249 = arith.addf %add3A_235, %mul3A_248 : vector<16xf32>
        %get3A_250 = arith.index_cast %add3A_178 : i32 to index
        %get3A_251 = arith.constant 80 : index
        %get3A_252 = tpu.vector_load %arg10[%get3A_250, %get3A_251] {strides = array<i32>} : memref<128x128xf32, #tpu.memory_space<vmem>>, vector<16xf32>,
        %get3A_253 = arith.index_cast %squeeze3A_180 : i32 to index
        %get3A_254 = arith.constant 80 : index
        %get3A_255 = tpu.vector_load %arg9[%get3A_253, %get3A_254] {strides = array<i32>} : memref<237x128xf32, #tpu.memory_space<vmem>>, vector<16xf32>,
        %mul3A_256 = arith.mulf %get3A_252, %get3A_255 : vector<16xf32>
        %add3A_257 = arith.constant 64 : i32
        %add3A_258 = arith.addi %add3A_257, %add3A_178 : i32
        %get3A_259 = arith.index_cast %add3A_258 : i32 to index
        %get3A_260 = arith.constant 80 : index
        %get3A_261 = tpu.vector_load %arg10[%get3A_259, %get3A_260] {strides = array<i32>} : memref<128x128xf32, #tpu.memory_space<vmem>>, vector<16xf32>,
        %mul3A_262 = arith.mulf %mul3A_256, %get3A_261 : vector<16xf32>
        %add3A_263 = arith.addf %add3A_249, %mul3A_262 : vector<16xf32>
        %get3A_264 = arith.index_cast %add3A_178 : i32 to index
        %get3A_265 = arith.constant 96 : index
        %get3A_266 = tpu.vector_load %arg10[%get3A_264, %get3A_265] {strides = array<i32>} : memref<128x128xf32, #tpu.memory_space<vmem>>, vector<16xf32>,
        %get3A_267 = arith.index_cast %squeeze3A_180 : i32 to index
        %get3A_268 = arith.constant 96 : index
        %get3A_269 = tpu.vector_load %arg9[%get3A_267, %get3A_268] {strides = array<i32>} : memref<237x128xf32, #tpu.memory_space<vmem>>, vector<16xf32>,
        %mul3A_270 = arith.mulf %get3A_266, %get3A_269 : vector<16xf32>
        %add3A_271 = arith.constant 64 : i32
        %add3A_272 = arith.addi %add3A_271, %add3A_178 : i32
        %get3A_273 = arith.index_cast %add3A_272 : i32 to index
        %get3A_274 = arith.constant 96 : index
        %get3A_275 = tpu.vector_load %arg10[%get3A_273, %get3A_274] {strides = array<i32>} : memref<128x128xf32, #tpu.memory_space<vmem>>, vector<16xf32>,
        %mul3A_276 = arith.mulf %mul3A_270, %get3A_275 : vector<16xf32>
        %add3A_277 = arith.addf %add3A_263, %mul3A_276 : vector<16xf32>
        %get3A_278 = arith.index_cast %add3A_178 : i32 to index
        %get3A_279 = arith.constant 112 : index
        %get3A_280 = tpu.vector_load %arg10[%get3A_278, %get3A_279] {strides = array<i32>} : memref<128x128xf32, #tpu.memory_space<vmem>>, vector<16xf32>,
        %get3A_281 = arith.index_cast %squeeze3A_180 : i32 to index
        %get3A_282 = arith.constant 112 : index
        %get3A_283 = tpu.vector_load %arg9[%get3A_281, %get3A_282] {strides = array<i32>} : memref<237x128xf32, #tpu.memory_space<vmem>>, vector<16xf32>,
        %mul3A_284 = arith.mulf %get3A_280, %get3A_283 : vector<16xf32>
        %add3A_285 = arith.constant 64 : i32
        %add3A_286 = arith.addi %add3A_285, %add3A_178 : i32
        %get3A_287 = arith.index_cast %add3A_286 : i32 to index
        %get3A_288 = arith.constant 112 : index
        %get3A_289 = tpu.vector_load %arg10[%get3A_287, %get3A_288] {strides = array<i32>} : memref<128x128xf32, #tpu.memory_space<vmem>>, vector<16xf32>,
        %mul3A_290 = arith.mulf %mul3A_284, %get3A_289 : vector<16xf32>
        %add3A_291 = arith.addf %add3A_277, %mul3A_290 : vector<16xf32>
        %swap3A_292 = arith.constant 1 : i32
        %swap3A_293 = arith.index_cast %swap3A_292 : i32 to index
        %swap3A_294 = arith.constant 0 : index
        %swap3A_295 = tpu.vector_load %arg12[%swap3A_293, %swap3A_294] {strides = array<i32>} : memref<16x16xf32, #tpu.memory_space<vmem>>, vector<16xf32>,
        tpu.vector_store %arg12[%swap3A_293, %swap3A_294], %add3A_291 {strides = array<i32>} : memref<16x16xf32, #tpu.memory_space<vmem>>, vector<16xf32>,
        %add3A_296 = arith.constant 2 : i32
        %add3A_297 = arith.addi %mul3A_58, %add3A_296 : i32
        %slice3A_298 = vector.extract_strided_slice %get3A_60 {offsets = [2], sizes = [1], strides = [1]} : vector<16xi32> to vector<1xi32>
        %squeeze3A_299 = vector.extract %slice3A_298[0] : i32 from vector<1xi32>
        %get3A_300 = arith.index_cast %add3A_297 : i32 to index
        %get3A_301 = arith.constant 0 : index
        %get3A_302 = tpu.vector_load %arg10[%get3A_300, %get3A_301] {strides = array<i32>} : memref<128x128xf32, #tpu.memory_space<vmem>>, vector<16xf32>,
        %get3A_303 = arith.index_cast %squeeze3A_299 : i32 to index
        %get3A_304 = arith.constant 0 : index
        %get3A_305 = tpu.vector_load %arg9[%get3A_303, %get3A_304] {strides = array<i32>} : memref<237x128xf32, #tpu.memory_space<vmem>>, vector<16xf32>,
        %mul3A_306 = arith.mulf %get3A_302, %get3A_305 : vector<16xf32>
        %add3A_307 = arith.constant 64 : i32
        %add3A_308 = arith.addi %add3A_307, %add3A_297 : i32
        %get3A_309 = arith.index_cast %add3A_308 : i32 to index
        %get3A_310 = arith.constant 0 : index
        %get3A_311 = tpu.vector_load %arg10[%get3A_309, %get3A_310] {strides = array<i32>} : memref<128x128xf32, #tpu.memory_space<vmem>>, vector<16xf32>,
        %mul3A_312 = arith.mulf %mul3A_306, %get3A_311 : vector<16xf32>
        %get3A_313 = arith.index_cast %add3A_297 : i32 to index
        %get3A_314 = arith.constant 16 : index
        %get3A_315 = tpu.vector_load %arg10[%get3A_313, %get3A_314] {strides = array<i32>} : memref<128x128xf32, #tpu.memory_space<vmem>>, vector<16xf32>,
        %get3A_316 = arith.index_cast %squeeze3A_299 : i32 to index
        %get3A_317 = arith.constant 16 : index
        %get3A_318 = tpu.vector_load %arg9[%get3A_316, %get3A_317] {strides = array<i32>} : memref<237x128xf32, #tpu.memory_space<vmem>>, vector<16xf32>,
        %mul3A_319 = arith.mulf %get3A_315, %get3A_318 : vector<16xf32>
        %add3A_320 = arith.constant 64 : i32
        %add3A_321 = arith.addi %add3A_320, %add3A_297 : i32
        %get3A_322 = arith.index_cast %add3A_321 : i32 to index
        %get3A_323 = arith.constant 16 : index
        %get3A_324 = tpu.vector_load %arg10[%get3A_322, %get3A_323] {strides = array<i32>} : memref<128x128xf32, #tpu.memory_space<vmem>>, vector<16xf32>,
        %mul3A_325 = arith.mulf %mul3A_319, %get3A_324 : vector<16xf32>
        %add3A_326 = arith.addf %mul3A_312, %mul3A_325 : vector<16xf32>
        %get3A_327 = arith.index_cast %add3A_297 : i32 to index
        %get3A_328 = arith.constant 32 : index
        %get3A_329 = tpu.vector_load %arg10[%get3A_327, %get3A_328] {strides = array<i32>} : memref<128x128xf32, #tpu.memory_space<vmem>>, vector<16xf32>,
        %get3A_330 = arith.index_cast %squeeze3A_299 : i32 to index
        %get3A_331 = arith.constant 32 : index
        %get3A_332 = tpu.vector_load %arg9[%get3A_330, %get3A_331] {strides = array<i32>} : memref<237x128xf32, #tpu.memory_space<vmem>>, vector<16xf32>,
        %mul3A_333 = arith.mulf %get3A_329, %get3A_332 : vector<16xf32>
        %add3A_334 = arith.constant 64 : i32
        %add3A_335 = arith.addi %add3A_334, %add3A_297 : i32
        %get3A_336 = arith.index_cast %add3A_335 : i32 to index
        %get3A_337 = arith.constant 32 : index
        %get3A_338 = tpu.vector_load %arg10[%get3A_336, %get3A_337] {strides = array<i32>} : memref<128x128xf32, #tpu.memory_space<vmem>>, vector<16xf32>,
        %mul3A_339 = arith.mulf %mul3A_333, %get3A_338 : vector<16xf32>
        %add3A_340 = arith.addf %add3A_326, %mul3A_339 : vector<16xf32>
        %get3A_341 = arith.index_cast %add3A_297 : i32 to index
        %get3A_342 = arith.constant 48 : index
        %get3A_343 = tpu.vector_load %arg10[%get3A_341, %get3A_342] {strides = array<i32>} : memref<128x128xf32, #tpu.memory_space<vmem>>, vector<16xf32>,
        %get3A_344 = arith.index_cast %squeeze3A_299 : i32 to index
        %get3A_345 = arith.constant 48 : index
        %get3A_346 = tpu.vector_load %arg9[%get3A_344, %get3A_345] {strides = array<i32>} : memref<237x128xf32, #tpu.memory_space<vmem>>, vector<16xf32>,
        %mul3A_347 = arith.mulf %get3A_343, %get3A_346 : vector<16xf32>
        %add3A_348 = arith.constant 64 : i32
        %add3A_349 = arith.addi %add3A_348, %add3A_297 : i32
        %get3A_350 = arith.index_cast %add3A_349 : i32 to index
        %get3A_351 = arith.constant 48 : index
        %get3A_352 = tpu.vector_load %arg10[%get3A_350, %get3A_351] {strides = array<i32>} : memref<128x128xf32, #tpu.memory_space<vmem>>, vector<16xf32>,
        %mul3A_353 = arith.mulf %mul3A_347, %get3A_352 : vector<16xf32>
        %add3A_354 = arith.addf %add3A_340, %mul3A_353 : vector<16xf32>
        %get3A_355 = arith.index_cast %add3A_297 : i32 to index
        %get3A_356 = arith.constant 64 : index
        %get3A_357 = tpu.vector_load %arg10[%get3A_355, %get3A_356] {strides = array<i32>} : memref<128x128xf32, #tpu.memory_space<vmem>>, vector<16xf32>,
        %get3A_358 = arith.index_cast %squeeze3A_299 : i32 to index
        %get3A_359 = arith.constant 64 : index
        %get3A_360 = tpu.vector_load %arg9[%get3A_358, %get3A_359] {strides = array<i32>} : memref<237x128xf32, #tpu.memory_space<vmem>>, vector<16xf32>,
        %mul3A_361 = arith.mulf %get3A_357, %get3A_360 : vector<16xf32>
        %add3A_362 = arith.constant 64 : i32
        %add3A_363 = arith.addi %add3A_362, %add3A_297 : i32
        %get3A_364 = arith.index_cast %add3A_363 : i32 to index
        %get3A_365 = arith.constant 64 : index
        %get3A_366 = tpu.vector_load %arg10[%get3A_364, %get3A_365] {strides = array<i32>} : memref<128x128xf32, #tpu.memory_space<vmem>>, vector<16xf32>,
        %mul3A_367 = arith.mulf %mul3A_361, %get3A_366 : vector<16xf32>
        %add3A_368 = arith.addf %add3A_354, %mul3A_367 : vector<16xf32>
        %get3A_369 = arith.index_cast %add3A_297 : i32 to index
        %get3A_370 = arith.constant 80 : index
        %get3A_371 = tpu.vector_load %arg10[%get3A_369, %get3A_370] {strides = array<i32>} : memref<128x128xf32, #tpu.memory_space<vmem>>, vector<16xf32>,
        %get3A_372 = arith.index_cast %squeeze3A_299 : i32 to index
        %get3A_373 = arith.constant 80 : index
        %get3A_374 = tpu.vector_load %arg9[%get3A_372, %get3A_373] {strides = array<i32>} : memref<237x128xf32, #tpu.memory_space<vmem>>, vector<16xf32>,
        %mul3A_375 = arith.mulf %get3A_371, %get3A_374 : vector<16xf32>
        %add3A_376 = arith.constant 64 : i32
        %add3A_377 = arith.addi %add3A_376, %add3A_297 : i32
        %get3A_378 = arith.index_cast %add3A_377 : i32 to index
        %get3A_379 = arith.constant 80 : index
        %get3A_380 = tpu.vector_load %arg10[%get3A_378, %get3A_379] {strides = array<i32>} : memref<128x128xf32, #tpu.memory_space<vmem>>, vector<16xf32>,
        %mul3A_381 = arith.mulf %mul3A_375, %get3A_380 : vector<16xf32>
        %add3A_382 = arith.addf %add3A_368, %mul3A_381 : vector<16xf32>
        %get3A_383 = arith.index_cast %add3A_297 : i32 to index
        %get3A_384 = arith.constant 96 : index
        %get3A_385 = tpu.vector_load %arg10[%get3A_383, %get3A_384] {strides = array<i32>} : memref<128x128xf32, #tpu.memory_space<vmem>>, vector<16xf32>,
        %get3A_386 = arith.index_cast %squeeze3A_299 : i32 to index
        %get3A_387 = arith.constant 96 : index
        %get3A_388 = tpu.vector_load %arg9[%get3A_386, %get3A_387] {strides = array<i32>} : memref<237x128xf32, #tpu.memory_space<vmem>>, vector<16xf32>,
        %mul3A_389 = arith.mulf %get3A_385, %get3A_388 : vector<16xf32>
        %add3A_390 = arith.constant 64 : i32
        %add3A_391 = arith.addi %add3A_390, %add3A_297 : i32
        %get3A_392 = arith.index_cast %add3A_391 : i32 to index
        %get3A_393 = arith.constant 96 : index
        %get3A_394 = tpu.vector_load %arg10[%get3A_392, %get3A_393] {strides = array<i32>} : memref<128x128xf32, #tpu.memory_space<vmem>>, vector<16xf32>,
        %mul3A_395 = arith.mulf %mul3A_389, %get3A_394 : vector<16xf32>
        %add3A_396 = arith.addf %add3A_382, %mul3A_395 : vector<16xf32>
        %get3A_397 = arith.index_cast %add3A_297 : i32 to index
        %get3A_398 = arith.constant 112 : index
        %get3A_399 = tpu.vector_load %arg10[%get3A_397, %get3A_398] {strides = array<i32>} : memref<128x128xf32, #tpu.memory_space<vmem>>, vector<16xf32>,
        %get3A_400 = arith.index_cast %squeeze3A_299 : i32 to index
        %get3A_401 = arith.constant 112 : index
        %get3A_402 = tpu.vector_load %arg9[%get3A_400, %get3A_401] {strides = array<i32>} : memref<237x128xf32, #tpu.memory_space<vmem>>, vector<16xf32>,
        %mul3A_403 = arith.mulf %get3A_399, %get3A_402 : vector<16xf32>
        %add3A_404 = arith.constant 64 : i32
        %add3A_405 = arith.addi %add3A_404, %add3A_297 : i32
        %get3A_406 = arith.index_cast %add3A_405 : i32 to index
        %get3A_407 = arith.constant 112 : index
        %get3A_408 = tpu.vector_load %arg10[%get3A_406, %get3A_407] {strides = array<i32>} : memref<128x128xf32, #tpu.memory_space<vmem>>, vector<16xf32>,
        %mul3A_409 = arith.mulf %mul3A_403, %get3A_408 : vector<16xf32>
        %add3A_410 = arith.addf %add3A_396, %mul3A_409 : vector<16xf32>
        %swap3A_411 = arith.constant 2 : i32
        %swap3A_412 = arith.index_cast %swap3A_411 : i32 to index
        %swap3A_413 = arith.constant 0 : index
        %swap3A_414 = tpu.vector_load %arg12[%swap3A_412, %swap3A_413] {strides = array<i32>} : memref<16x16xf32, #tpu.memory_space<vmem>>, vector<16xf32>,
        tpu.vector_store %arg12[%swap3A_412, %swap3A_413], %add3A_410 {strides = array<i32>} : memref<16x16xf32, #tpu.memory_space<vmem>>, vector<16xf32>,
        %add3A_415 = arith.constant 3 : i32
        %add3A_416 = arith.addi %mul3A_58, %add3A_415 : i32
        %slice3A_417 = vector.extract_strided_slice %get3A_60 {offsets = [3], sizes = [1], strides = [1]} : vector<16xi32> to vector<1xi32>
        %squeeze3A_418 = vector.extract %slice3A_417[0] : i32 from vector<1xi32>
        %get3A_419 = arith.index_cast %add3A_416 : i32 to index
        %get3A_420 = arith.constant 0 : index
        %get3A_421 = tpu.vector_load %arg10[%get3A_419, %get3A_420] {strides = array<i32>} : memref<128x128xf32, #tpu.memory_space<vmem>>, vector<16xf32>,
        %get3A_422 = arith.index_cast %squeeze3A_418 : i32 to index
        %get3A_423 = arith.constant 0 : index
        %get3A_424 = tpu.vector_load %arg9[%get3A_422, %get3A_423] {strides = array<i32>} : memref<237x128xf32, #tpu.memory_space<vmem>>, vector<16xf32>,
        %mul3A_425 = arith.mulf %get3A_421, %get3A_424 : vector<16xf32>
        %add3A_426 = arith.constant 64 : i32
        %add3A_427 = arith.addi %add3A_426, %add3A_416 : i32
        %get3A_428 = arith.index_cast %add3A_427 : i32 to index
        %get3A_429 = arith.constant 0 : index
        %get3A_430 = tpu.vector_load %arg10[%get3A_428, %get3A_429] {strides = array<i32>} : memref<128x128xf32, #tpu.memory_space<vmem>>, vector<16xf32>,
        %mul3A_431 = arith.mulf %mul3A_425, %get3A_430 : vector<16xf32>
        %get3A_432 = arith.index_cast %add3A_416 : i32 to index
        %get3A_433 = arith.constant 16 : index
        %get3A_434 = tpu.vector_load %arg10[%get3A_432, %get3A_433] {strides = array<i32>} : memref<128x128xf32, #tpu.memory_space<vmem>>, vector<16xf32>,
        %get3A_435 = arith.index_cast %squeeze3A_418 : i32 to index
        %get3A_436 = arith.constant 16 : index
        %get3A_437 = tpu.vector_load %arg9[%get3A_435, %get3A_436] {strides = array<i32>} : memref<237x128xf32, #tpu.memory_space<vmem>>, vector<16xf32>,
        %mul3A_438 = arith.mulf %get3A_434, %get3A_437 : vector<16xf32>
        %add3A_439 = arith.constant 64 : i32
        %add3A_440 = arith.addi %add3A_439, %add3A_416 : i32
        %get3A_441 = arith.index_cast %add3A_440 : i32 to index
        %get3A_442 = arith.constant 16 : index
        %get3A_443 = tpu.vector_load %arg10[%get3A_441, %get3A_442] {strides = array<i32>} : memref<128x128xf32, #tpu.memory_space<vmem>>, vector<16xf32>,
        %mul3A_444 = arith.mulf %mul3A_438, %get3A_443 : vector<16xf32>
        %add3A_445 = arith.addf %mul3A_431, %mul3A_444 : vector<16xf32>
        %get3A_446 = arith.index_cast %add3A_416 : i32 to index
        %get3A_447 = arith.constant 32 : index
        %get3A_448 = tpu.vector_load %arg10[%get3A_446, %get3A_447] {strides = array<i32>} : memref<128x128xf32, #tpu.memory_space<vmem>>, vector<16xf32>,
        %get3A_449 = arith.index_cast %squeeze3A_418 : i32 to index
        %get3A_450 = arith.constant 32 : index
        %get3A_451 = tpu.vector_load %arg9[%get3A_449, %get3A_450] {strides = array<i32>} : memref<237x128xf32, #tpu.memory_space<vmem>>, vector<16xf32>,
        %mul3A_452 = arith.mulf %get3A_448, %get3A_451 : vector<16xf32>
        %add3A_453 = arith.constant 64 : i32
        %add3A_454 = arith.addi %add3A_453, %add3A_416 : i32
        %get3A_455 = arith.index_cast %add3A_454 : i32 to index
        %get3A_456 = arith.constant 32 : index
        %get3A_457 = tpu.vector_load %arg10[%get3A_455, %get3A_456] {strides = array<i32>} : memref<128x128xf32, #tpu.memory_space<vmem>>, vector<16xf32>,
        %mul3A_458 = arith.mulf %mul3A_452, %get3A_457 : vector<16xf32>
        %add3A_459 = arith.addf %add3A_445, %mul3A_458 : vector<16xf32>
        %get3A_460 = arith.index_cast %add3A_416 : i32 to index
        %get3A_461 = arith.constant 48 : index
        %get3A_462 = tpu.vector_load %arg10[%get3A_460, %get3A_461] {strides = array<i32>} : memref<128x128xf32, #tpu.memory_space<vmem>>, vector<16xf32>,
        %get3A_463 = arith.index_cast %squeeze3A_418 : i32 to index
        %get3A_464 = arith.constant 48 : index
        %get3A_465 = tpu.vector_load %arg9[%get3A_463, %get3A_464] {strides = array<i32>} : memref<237x128xf32, #tpu.memory_space<vmem>>, vector<16xf32>,
        %mul3A_466 = arith.mulf %get3A_462, %get3A_465 : vector<16xf32>
        %add3A_467 = arith.constant 64 : i32
        %add3A_468 = arith.addi %add3A_467, %add3A_416 : i32
        %get3A_469 = arith.index_cast %add3A_468 : i32 to index
        %get3A_470 = arith.constant 48 : index
        %get3A_471 = tpu.vector_load %arg10[%get3A_469, %get3A_470] {strides = array<i32>} : memref<128x128xf32, #tpu.memory_space<vmem>>, vector<16xf32>,
        %mul3A_472 = arith.mulf %mul3A_466, %get3A_471 : vector<16xf32>
        %add3A_473 = arith.addf %add3A_459, %mul3A_472 : vector<16xf32>
        %get3A_474 = arith.index_cast %add3A_416 : i32 to index
        %get3A_475 = arith.constant 64 : index
        %get3A_476 = tpu.vector_load %arg10[%get3A_474, %get3A_475] {strides = array<i32>} : memref<128x128xf32, #tpu.memory_space<vmem>>, vector<16xf32>,
        %get3A_477 = arith.index_cast %squeeze3A_418 : i32 to index
        %get3A_478 = arith.constant 64 : index
        %get3A_479 = tpu.vector_load %arg9[%get3A_477, %get3A_478] {strides = array<i32>} : memref<237x128xf32, #tpu.memory_space<vmem>>, vector<16xf32>,
        %mul3A_480 = arith.mulf %get3A_476, %get3A_479 : vector<16xf32>
        %add3A_481 = arith.constant 64 : i32
        %add3A_482 = arith.addi %add3A_481, %add3A_416 : i32
        %get3A_483 = arith.index_cast %add3A_482 : i32 to index
        %get3A_484 = arith.constant 64 : index
        %get3A_485 = tpu.vector_load %arg10[%get3A_483, %get3A_484] {strides = array<i32>} : memref<128x128xf32, #tpu.memory_space<vmem>>, vector<16xf32>,
        %mul3A_486 = arith.mulf %mul3A_480, %get3A_485 : vector<16xf32>
        %add3A_487 = arith.addf %add3A_473, %mul3A_486 : vector<16xf32>
        %get3A_488 = arith.index_cast %add3A_416 : i32 to index
        %get3A_489 = arith.constant 80 : index
        %get3A_490 = tpu.vector_load %arg10[%get3A_488, %get3A_489] {strides = array<i32>} : memref<128x128xf32, #tpu.memory_space<vmem>>, vector<16xf32>,
        %get3A_491 = arith.index_cast %squeeze3A_418 : i32 to index
        %get3A_492 = arith.constant 80 : index
        %get3A_493 = tpu.vector_load %arg9[%get3A_491, %get3A_492] {strides = array<i32>} : memref<237x128xf32, #tpu.memory_space<vmem>>, vector<16xf32>,
        %mul3A_494 = arith.mulf %get3A_490, %get3A_493 : vector<16xf32>
        %add3A_495 = arith.constant 64 : i32
        %add3A_496 = arith.addi %add3A_495, %add3A_416 : i32
        %get3A_497 = arith.index_cast %add3A_496 : i32 to index
        %get3A_498 = arith.constant 80 : index
        %get3A_499 = tpu.vector_load %arg10[%get3A_497, %get3A_498] {strides = array<i32>} : memref<128x128xf32, #tpu.memory_space<vmem>>, vector<16xf32>,
        %mul3A_500 = arith.mulf %mul3A_494, %get3A_499 : vector<16xf32>
        %add3A_501 = arith.addf %add3A_487, %mul3A_500 : vector<16xf32>
        %get3A_502 = arith.index_cast %add3A_416 : i32 to index
        %get3A_503 = arith.constant 96 : index
        %get3A_504 = tpu.vector_load %arg10[%get3A_502, %get3A_503] {strides = array<i32>} : memref<128x128xf32, #tpu.memory_space<vmem>>, vector<16xf32>,
        %get3A_505 = arith.index_cast %squeeze3A_418 : i32 to index
        %get3A_506 = arith.constant 96 : index
        %get3A_507 = tpu.vector_load %arg9[%get3A_505, %get3A_506] {strides = array<i32>} : memref<237x128xf32, #tpu.memory_space<vmem>>, vector<16xf32>,
        %mul3A_508 = arith.mulf %get3A_504, %get3A_507 : vector<16xf32>
        %add3A_509 = arith.constant 64 : i32
        %add3A_510 = arith.addi %add3A_509, %add3A_416 : i32
        %get3A_511 = arith.index_cast %add3A_510 : i32 to index
        %get3A_512 = arith.constant 96 : index
        %get3A_513 = tpu.vector_load %arg10[%get3A_511, %get3A_512] {strides = array<i32>} : memref<128x128xf32, #tpu.memory_space<vmem>>, vector<16xf32>,
        %mul3A_514 = arith.mulf %mul3A_508, %get3A_513 : vector<16xf32>
        %add3A_515 = arith.addf %add3A_501, %mul3A_514 : vector<16xf32>
        %get3A_516 = arith.index_cast %add3A_416 : i32 to index
        %get3A_517 = arith.constant 112 : index
        %get3A_518 = tpu.vector_load %arg10[%get3A_516, %get3A_517] {strides = array<i32>} : memref<128x128xf32, #tpu.memory_space<vmem>>, vector<16xf32>,
        %get3A_519 = arith.index_cast %squeeze3A_418 : i32 to index
        %get3A_520 = arith.constant 112 : index
        %get3A_521 = tpu.vector_load %arg9[%get3A_519, %get3A_520] {strides = array<i32>} : memref<237x128xf32, #tpu.memory_space<vmem>>, vector<16xf32>,
        %mul3A_522 = arith.mulf %get3A_518, %get3A_521 : vector<16xf32>
        %add3A_523 = arith.constant 64 : i32
        %add3A_524 = arith.addi %add3A_523, %add3A_416 : i32
        %get3A_525 = arith.index_cast %add3A_524 : i32 to index
        %get3A_526 = arith.constant 112 : index
        %get3A_527 = tpu.vector_load %arg10[%get3A_525, %get3A_526] {strides = array<i32>} : memref<128x128xf32, #tpu.memory_space<vmem>>, vector<16xf32>,
        %mul3A_528 = arith.mulf %mul3A_522, %get3A_527 : vector<16xf32>
        %add3A_529 = arith.addf %add3A_515, %mul3A_528 : vector<16xf32>
        %swap3A_530 = arith.constant 3 : i32
        %swap3A_531 = arith.index_cast %swap3A_530 : i32 to index
        %swap3A_532 = arith.constant 0 : index
        %swap3A_533 = tpu.vector_load %arg12[%swap3A_531, %swap3A_532] {strides = array<i32>} : memref<16x16xf32, #tpu.memory_space<vmem>>, vector<16xf32>,
        tpu.vector_store %arg12[%swap3A_531, %swap3A_532], %add3A_529 {strides = array<i32>} : memref<16x16xf32, #tpu.memory_space<vmem>>, vector<16xf32>,
        %add3A_534 = arith.constant 4 : i32
        %add3A_535 = arith.addi %mul3A_58, %add3A_534 : i32
        %slice3A_536 = vector.extract_strided_slice %get3A_60 {offsets = [4], sizes = [1], strides = [1]} : vector<16xi32> to vector<1xi32>
        %squeeze3A_537 = vector.extract %slice3A_536[0] : i32 from vector<1xi32>
        %get3A_538 = arith.index_cast %add3A_535 : i32 to index
        %get3A_539 = arith.constant 0 : index
        %get3A_540 = tpu.vector_load %arg10[%get3A_538, %get3A_539] {strides = array<i32>} : memref<128x128xf32, #tpu.memory_space<vmem>>, vector<16xf32>,
        %get3A_541 = arith.index_cast %squeeze3A_537 : i32 to index
        %get3A_542 = arith.constant 0 : index
        %get3A_543 = tpu.vector_load %arg9[%get3A_541, %get3A_542] {strides = array<i32>} : memref<237x128xf32, #tpu.memory_space<vmem>>, vector<16xf32>,
        %mul3A_544 = arith.mulf %get3A_540, %get3A_543 : vector<16xf32>
        %add3A_545 = arith.constant 64 : i32
        %add3A_546 = arith.addi %add3A_545, %add3A_535 : i32
        %get3A_547 = arith.index_cast %add3A_546 : i32 to index
        %get3A_548 = arith.constant 0 : index
        %get3A_549 = tpu.vector_load %arg10[%get3A_547, %get3A_548] {strides = array<i32>} : memref<128x128xf32, #tpu.memory_space<vmem>>, vector<16xf32>,
        %mul3A_550 = arith.mulf %mul3A_544, %get3A_549 : vector<16xf32>
        %get3A_551 = arith.index_cast %add3A_535 : i32 to index
        %get3A_552 = arith.constant 16 : index
        %get3A_553 = tpu.vector_load %arg10[%get3A_551, %get3A_552] {strides = array<i32>} : memref<128x128xf32, #tpu.memory_space<vmem>>, vector<16xf32>,
        %get3A_554 = arith.index_cast %squeeze3A_537 : i32 to index
        %get3A_555 = arith.constant 16 : index
        %get3A_556 = tpu.vector_load %arg9[%get3A_554, %get3A_555] {strides = array<i32>} : memref<237x128xf32, #tpu.memory_space<vmem>>, vector<16xf32>,
        %mul3A_557 = arith.mulf %get3A_553, %get3A_556 : vector<16xf32>
        %add3A_558 = arith.constant 64 : i32
        %add3A_559 = arith.addi %add3A_558, %add3A_535 : i32
        %get3A_560 = arith.index_cast %add3A_559 : i32 to index
        %get3A_561 = arith.constant 16 : index
        %get3A_562 = tpu.vector_load %arg10[%get3A_560, %get3A_561] {strides = array<i32>} : memref<128x128xf32, #tpu.memory_space<vmem>>, vector<16xf32>,
        %mul3A_563 = arith.mulf %mul3A_557, %get3A_562 : vector<16xf32>
        %add3A_564 = arith.addf %mul3A_550, %mul3A_563 : vector<16xf32>
        %get3A_565 = arith.index_cast %add3A_535 : i32 to index
        %get3A_566 = arith.constant 32 : index
        %get3A_567 = tpu.vector_load %arg10[%get3A_565, %get3A_566] {strides = array<i32>} : memref<128x128xf32, #tpu.memory_space<vmem>>, vector<16xf32>,
        %get3A_568 = arith.index_cast %squeeze3A_537 : i32 to index
        %get3A_569 = arith.constant 32 : index
        %get3A_570 = tpu.vector_load %arg9[%get3A_568, %get3A_569] {strides = array<i32>} : memref<237x128xf32, #tpu.memory_space<vmem>>, vector<16xf32>,
        %mul3A_571 = arith.mulf %get3A_567, %get3A_570 : vector<16xf32>
        %add3A_572 = arith.constant 64 : i32
        %add3A_573 = arith.addi %add3A_572, %add3A_535 : i32
        %get3A_574 = arith.index_cast %add3A_573 : i32 to index
        %get3A_575 = arith.constant 32 : index
        %get3A_576 = tpu.vector_load %arg10[%get3A_574, %get3A_575] {strides = array<i32>} : memref<128x128xf32, #tpu.memory_space<vmem>>, vector<16xf32>,
        %mul3A_577 = arith.mulf %mul3A_571, %get3A_576 : vector<16xf32>
        %add3A_578 = arith.addf %add3A_564, %mul3A_577 : vector<16xf32>
        %get3A_579 = arith.index_cast %add3A_535 : i32 to index
        %get3A_580 = arith.constant 48 : index
        %get3A_581 = tpu.vector_load %arg10[%get3A_579, %get3A_580] {strides = array<i32>} : memref<128x128xf32, #tpu.memory_space<vmem>>, vector<16xf32>,
        %get3A_582 = arith.index_cast %squeeze3A_537 : i32 to index
        %get3A_583 = arith.constant 48 : index
        %get3A_584 = tpu.vector_load %arg9[%get3A_582, %get3A_583] {strides = array<i32>} : memref<237x128xf32, #tpu.memory_space<vmem>>, vector<16xf32>,
        %mul3A_585 = arith.mulf %get3A_581, %get3A_584 : vector<16xf32>
        %add3A_586 = arith.constant 64 : i32
        %add3A_587 = arith.addi %add3A_586, %add3A_535 : i32
        %get3A_588 = arith.index_cast %add3A_587 : i32 to index
        %get3A_589 = arith.constant 48 : index
        %get3A_590 = tpu.vector_load %arg10[%get3A_588, %get3A_589] {strides = array<i32>} : memref<128x128xf32, #tpu.memory_space<vmem>>, vector<16xf32>,
        %mul3A_591 = arith.mulf %mul3A_585, %get3A_590 : vector<16xf32>
        %add3A_592 = arith.addf %add3A_578, %mul3A_591 : vector<16xf32>
        %get3A_593 = arith.index_cast %add3A_535 : i32 to index
        %get3A_594 = arith.constant 64 : index
        %get3A_595 = tpu.vector_load %arg10[%get3A_593, %get3A_594] {strides = array<i32>} : memref<128x128xf32, #tpu.memory_space<vmem>>, vector<16xf32>,
        %get3A_596 = arith.index_cast %squeeze3A_537 : i32 to index
        %get3A_597 = arith.constant 64 : index
        %get3A_598 = tpu.vector_load %arg9[%get3A_596, %get3A_597] {strides = array<i32>} : memref<237x128xf32, #tpu.memory_space<vmem>>, vector<16xf32>,
        %mul3A_599 = arith.mulf %get3A_595, %get3A_598 : vector<16xf32>
        %add3A_600 = arith.constant 64 : i32
        %add3A_601 = arith.addi %add3A_600, %add3A_535 : i32
        %get3A_602 = arith.index_cast %add3A_601 : i32 to index
        %get3A_603 = arith.constant 64 : index
        %get3A_604 = tpu.vector_load %arg10[%get3A_602, %get3A_603] {strides = array<i32>} : memref<128x128xf32, #tpu.memory_space<vmem>>, vector<16xf32>,
        %mul3A_605 = arith.mulf %mul3A_599, %get3A_604 : vector<16xf32>
        %add3A_606 = arith.addf %add3A_592, %mul3A_605 : vector<16xf32>
        %get3A_607 = arith.index_cast %add3A_535 : i32 to index
        %get3A_608 = arith.constant 80 : index
        %get3A_609 = tpu.vector_load %arg10[%get3A_607, %get3A_608] {strides = array<i32>} : memref<128x128xf32, #tpu.memory_space<vmem>>, vector<16xf32>,
        %get3A_610 = arith.index_cast %squeeze3A_537 : i32 to index
        %get3A_611 = arith.constant 80 : index
        %get3A_612 = tpu.vector_load %arg9[%get3A_610, %get3A_611] {strides = array<i32>} : memref<237x128xf32, #tpu.memory_space<vmem>>, vector<16xf32>,
        %mul3A_613 = arith.mulf %get3A_609, %get3A_612 : vector<16xf32>
        %add3A_614 = arith.constant 64 : i32
        %add3A_615 = arith.addi %add3A_614, %add3A_535 : i32
        %get3A_616 = arith.index_cast %add3A_615 : i32 to index
        %get3A_617 = arith.constant 80 : index
        %get3A_618 = tpu.vector_load %arg10[%get3A_616, %get3A_617] {strides = array<i32>} : memref<128x128xf32, #tpu.memory_space<vmem>>, vector<16xf32>,
        %mul3A_619 = arith.mulf %mul3A_613, %get3A_618 : vector<16xf32>
        %add3A_620 = arith.addf %add3A_606, %mul3A_619 : vector<16xf32>
        %get3A_621 = arith.index_cast %add3A_535 : i32 to index
        %get3A_622 = arith.constant 96 : index
        %get3A_623 = tpu.vector_load %arg10[%get3A_621, %get3A_622] {strides = array<i32>} : memref<128x128xf32, #tpu.memory_space<vmem>>, vector<16xf32>,
        %get3A_624 = arith.index_cast %squeeze3A_537 : i32 to index
        %get3A_625 = arith.constant 96 : index
        %get3A_626 = tpu.vector_load %arg9[%get3A_624, %get3A_625] {strides = array<i32>} : memref<237x128xf32, #tpu.memory_space<vmem>>, vector<16xf32>,
        %mul3A_627 = arith.mulf %get3A_623, %get3A_626 : vector<16xf32>
        %add3A_628 = arith.constant 64 : i32
        %add3A_629 = arith.addi %add3A_628, %add3A_535 : i32
        %get3A_630 = arith.index_cast %add3A_629 : i32 to index
        %get3A_631 = arith.constant 96 : index
        %get3A_632 = tpu.vector_load %arg10[%get3A_630, %get3A_631] {strides = array<i32>} : memref<128x128xf32, #tpu.memory_space<vmem>>, vector<16xf32>,
        %mul3A_633 = arith.mulf %mul3A_627, %get3A_632 : vector<16xf32>
        %add3A_634 = arith.addf %add3A_620, %mul3A_633 : vector<16xf32>
        %get3A_635 = arith.index_cast %add3A_535 : i32 to index
        %get3A_636 = arith.constant 112 : index
        %get3A_637 = tpu.vector_load %arg10[%get3A_635, %get3A_636] {strides = array<i32>} : memref<128x128xf32, #tpu.memory_space<vmem>>, vector<16xf32>,
        %get3A_638 = arith.index_cast %squeeze3A_537 : i32 to index
        %get3A_639 = arith.constant 112 : index
        %get3A_640 = tpu.vector_load %arg9[%get3A_638, %get3A_639] {strides = array<i32>} : memref<237x128xf32, #tpu.memory_space<vmem>>, vector<16xf32>,
        %mul3A_641 = arith.mulf %get3A_637, %get3A_640 : vector<16xf32>
        %add3A_642 = arith.constant 64 : i32
        %add3A_643 = arith.addi %add3A_642, %add3A_535 : i32
        %get3A_644 = arith.index_cast %add3A_643 : i32 to index
        %get3A_645 = arith.constant 112 : index
        %get3A_646 = tpu.vector_load %arg10[%get3A_644, %get3A_645] {strides = array<i32>} : memref<128x128xf32, #tpu.memory_space<vmem>>, vector<16xf32>,
        %mul3A_647 = arith.mulf %mul3A_641, %get3A_646 : vector<16xf32>
        %add3A_648 = arith.addf %add3A_634, %mul3A_647 : vector<16xf32>
        %swap3A_649 = arith.constant 4 : i32
        %swap3A_650 = arith.index_cast %swap3A_649 : i32 to index
        %swap3A_651 = arith.constant 0 : index
        %swap3A_652 = tpu.vector_load %arg12[%swap3A_650, %swap3A_651] {strides = array<i32>} : memref<16x16xf32, #tpu.memory_space<vmem>>, vector<16xf32>,
        tpu.vector_store %arg12[%swap3A_650, %swap3A_651], %add3A_648 {strides = array<i32>} : memref<16x16xf32, #tpu.memory_space<vmem>>, vector<16xf32>,
        %add3A_653 = arith.constant 5 : i32
        %add3A_654 = arith.addi %mul3A_58, %add3A_653 : i32
        %slice3A_655 = vector.extract_strided_slice %get3A_60 {offsets = [5], sizes = [1], strides = [1]} : vector<16xi32> to vector<1xi32>
        %squeeze3A_656 = vector.extract %slice3A_655[0] : i32 from vector<1xi32>
        %get3A_657 = arith.index_cast %add3A_654 : i32 to index
        %get3A_658 = arith.constant 0 : index
        %get3A_659 = tpu.vector_load %arg10[%get3A_657, %get3A_658] {strides = array<i32>} : memref<128x128xf32, #tpu.memory_space<vmem>>, vector<16xf32>,
        %get3A_660 = arith.index_cast %squeeze3A_656 : i32 to index
        %get3A_661 = arith.constant 0 : index
        %get3A_662 = tpu.vector_load %arg9[%get3A_660, %get3A_661] {strides = array<i32>} : memref<237x128xf32, #tpu.memory_space<vmem>>, vector<16xf32>,
        %mul3A_663 = arith.mulf %get3A_659, %get3A_662 : vector<16xf32>
        %add3A_664 = arith.constant 64 : i32
        %add3A_665 = arith.addi %add3A_664, %add3A_654 : i32
        %get3A_666 = arith.index_cast %add3A_665 : i32 to index
        %get3A_667 = arith.constant 0 : index
        %get3A_668 = tpu.vector_load %arg10[%get3A_666, %get3A_667] {strides = array<i32>} : memref<128x128xf32, #tpu.memory_space<vmem>>, vector<16xf32>,
        %mul3A_669 = arith.mulf %mul3A_663, %get3A_668 : vector<16xf32>
        %get3A_670 = arith.index_cast %add3A_654 : i32 to index
        %get3A_671 = arith.constant 16 : index
        %get3A_672 = tpu.vector_load %arg10[%get3A_670, %get3A_671] {strides = array<i32>} : memref<128x128xf32, #tpu.memory_space<vmem>>, vector<16xf32>,
        %get3A_673 = arith.index_cast %squeeze3A_656 : i32 to index
        %get3A_674 = arith.constant 16 : index
        %get3A_675 = tpu.vector_load %arg9[%get3A_673, %get3A_674] {strides = array<i32>} : memref<237x128xf32, #tpu.memory_space<vmem>>, vector<16xf32>,
        %mul3A_676 = arith.mulf %get3A_672, %get3A_675 : vector<16xf32>
        %add3A_677 = arith.constant 64 : i32
        %add3A_678 = arith.addi %add3A_677, %add3A_654 : i32
        %get3A_679 = arith.index_cast %add3A_678 : i32 to index
        %get3A_680 = arith.constant 16 : index
        %get3A_681 = tpu.vector_load %arg10[%get3A_679, %get3A_680] {strides = array<i32>} : memref<128x128xf32, #tpu.memory_space<vmem>>, vector<16xf32>,
        %mul3A_682 = arith.mulf %mul3A_676, %get3A_681 : vector<16xf32>
        %add3A_683 = arith.addf %mul3A_669, %mul3A_682 : vector<16xf32>
        %get3A_684 = arith.index_cast %add3A_654 : i32 to index
        %get3A_685 = arith.constant 32 : index
        %get3A_686 = tpu.vector_load %arg10[%get3A_684, %get3A_685] {strides = array<i32>} : memref<128x128xf32, #tpu.memory_space<vmem>>, vector<16xf32>,
        %get3A_687 = arith.index_cast %squeeze3A_656 : i32 to index
        %get3A_688 = arith.constant 32 : index
        %get3A_689 = tpu.vector_load %arg9[%get3A_687, %get3A_688] {strides = array<i32>} : memref<237x128xf32, #tpu.memory_space<vmem>>, vector<16xf32>,
        %mul3A_690 = arith.mulf %get3A_686, %get3A_689 : vector<16xf32>
        %add3A_691 = arith.constant 64 : i32
        %add3A_692 = arith.addi %add3A_691, %add3A_654 : i32
        %get3A_693 = arith.index_cast %add3A_692 : i32 to index
        %get3A_694 = arith.constant 32 : index
        %get3A_695 = tpu.vector_load %arg10[%get3A_693, %get3A_694] {strides = array<i32>} : memref<128x128xf32, #tpu.memory_space<vmem>>, vector<16xf32>,
        %mul3A_696 = arith.mulf %mul3A_690, %get3A_695 : vector<16xf32>
        %add3A_697 = arith.addf %add3A_683, %mul3A_696 : vector<16xf32>
        %get3A_698 = arith.index_cast %add3A_654 : i32 to index
        %get3A_699 = arith.constant 48 : index
        %get3A_700 = tpu.vector_load %arg10[%get3A_698, %get3A_699] {strides = array<i32>} : memref<128x128xf32, #tpu.memory_space<vmem>>, vector<16xf32>,
        %get3A_701 = arith.index_cast %squeeze3A_656 : i32 to index
        %get3A_702 = arith.constant 48 : index
        %get3A_703 = tpu.vector_load %arg9[%get3A_701, %get3A_702] {strides = array<i32>} : memref<237x128xf32, #tpu.memory_space<vmem>>, vector<16xf32>,
        %mul3A_704 = arith.mulf %get3A_700, %get3A_703 : vector<16xf32>
        %add3A_705 = arith.constant 64 : i32
        %add3A_706 = arith.addi %add3A_705, %add3A_654 : i32
        %get3A_707 = arith.index_cast %add3A_706 : i32 to index
        %get3A_708 = arith.constant 48 : index
        %get3A_709 = tpu.vector_load %arg10[%get3A_707, %get3A_708] {strides = array<i32>} : memref<128x128xf32, #tpu.memory_space<vmem>>, vector<16xf32>,
        %mul3A_710 = arith.mulf %mul3A_704, %get3A_709 : vector<16xf32>
        %add3A_711 = arith.addf %add3A_697, %mul3A_710 : vector<16xf32>
        %get3A_712 = arith.index_cast %add3A_654 : i32 to index
        %get3A_713 = arith.constant 64 : index
        %get3A_714 = tpu.vector_load %arg10[%get3A_712, %get3A_713] {strides = array<i32>} : memref<128x128xf32, #tpu.memory_space<vmem>>, vector<16xf32>,
        %get3A_715 = arith.index_cast %squeeze3A_656 : i32 to index
        %get3A_716 = arith.constant 64 : index
        %get3A_717 = tpu.vector_load %arg9[%get3A_715, %get3A_716] {strides = array<i32>} : memref<237x128xf32, #tpu.memory_space<vmem>>, vector<16xf32>,
        %mul3A_718 = arith.mulf %get3A_714, %get3A_717 : vector<16xf32>
        %add3A_719 = arith.constant 64 : i32
        %add3A_720 = arith.addi %add3A_719, %add3A_654 : i32
        %get3A_721 = arith.index_cast %add3A_720 : i32 to index
        %get3A_722 = arith.constant 64 : index
        %get3A_723 = tpu.vector_load %arg10[%get3A_721, %get3A_722] {strides = array<i32>} : memref<128x128xf32, #tpu.memory_space<vmem>>, vector<16xf32>,
        %mul3A_724 = arith.mulf %mul3A_718, %get3A_723 : vector<16xf32>
        %add3A_725 = arith.addf %add3A_711, %mul3A_724 : vector<16xf32>
        %get3A_726 = arith.index_cast %add3A_654 : i32 to index
        %get3A_727 = arith.constant 80 : index
        %get3A_728 = tpu.vector_load %arg10[%get3A_726, %get3A_727] {strides = array<i32>} : memref<128x128xf32, #tpu.memory_space<vmem>>, vector<16xf32>,
        %get3A_729 = arith.index_cast %squeeze3A_656 : i32 to index
        %get3A_730 = arith.constant 80 : index
        %get3A_731 = tpu.vector_load %arg9[%get3A_729, %get3A_730] {strides = array<i32>} : memref<237x128xf32, #tpu.memory_space<vmem>>, vector<16xf32>,
        %mul3A_732 = arith.mulf %get3A_728, %get3A_731 : vector<16xf32>
        %add3A_733 = arith.constant 64 : i32
        %add3A_734 = arith.addi %add3A_733, %add3A_654 : i32
        %get3A_735 = arith.index_cast %add3A_734 : i32 to index
        %get3A_736 = arith.constant 80 : index
        %get3A_737 = tpu.vector_load %arg10[%get3A_735, %get3A_736] {strides = array<i32>} : memref<128x128xf32, #tpu.memory_space<vmem>>, vector<16xf32>,
        %mul3A_738 = arith.mulf %mul3A_732, %get3A_737 : vector<16xf32>
        %add3A_739 = arith.addf %add3A_725, %mul3A_738 : vector<16xf32>
        %get3A_740 = arith.index_cast %add3A_654 : i32 to index
        %get3A_741 = arith.constant 96 : index
        %get3A_742 = tpu.vector_load %arg10[%get3A_740, %get3A_741] {strides = array<i32>} : memref<128x128xf32, #tpu.memory_space<vmem>>, vector<16xf32>,
        %get3A_743 = arith.index_cast %squeeze3A_656 : i32 to index
        %get3A_744 = arith.constant 96 : index
        %get3A_745 = tpu.vector_load %arg9[%get3A_743, %get3A_744] {strides = array<i32>} : memref<237x128xf32, #tpu.memory_space<vmem>>, vector<16xf32>,
        %mul3A_746 = arith.mulf %get3A_742, %get3A_745 : vector<16xf32>
        %add3A_747 = arith.constant 64 : i32
        %add3A_748 = arith.addi %add3A_747, %add3A_654 : i32
        %get3A_749 = arith.index_cast %add3A_748 : i32 to index
        %get3A_750 = arith.constant 96 : index
        %get3A_751 = tpu.vector_load %arg10[%get3A_749, %get3A_750] {strides = array<i32>} : memref<128x128xf32, #tpu.memory_space<vmem>>, vector<16xf32>,
        %mul3A_752 = arith.mulf %mul3A_746, %get3A_751 : vector<16xf32>
        %add3A_753 = arith.addf %add3A_739, %mul3A_752 : vector<16xf32>
        %get3A_754 = arith.index_cast %add3A_654 : i32 to index
        %get3A_755 = arith.constant 112 : index
        %get3A_756 = tpu.vector_load %arg10[%get3A_754, %get3A_755] {strides = array<i32>} : memref<128x128xf32, #tpu.memory_space<vmem>>, vector<16xf32>,
        %get3A_757 = arith.index_cast %squeeze3A_656 : i32 to index
        %get3A_758 = arith.constant 112 : index
        %get3A_759 = tpu.vector_load %arg9[%get3A_757, %get3A_758] {strides = array<i32>} : memref<237x128xf32, #tpu.memory_space<vmem>>, vector<16xf32>,
        %mul3A_760 = arith.mulf %get3A_756, %get3A_759 : vector<16xf32>
        %add3A_761 = arith.constant 64 : i32
        %add3A_762 = arith.addi %add3A_761, %add3A_654 : i32
        %get3A_763 = arith.index_cast %add3A_762 : i32 to index
        %get3A_764 = arith.constant 112 : index
        %get3A_765 = tpu.vector_load %arg10[%get3A_763, %get3A_764] {strides = array<i32>} : memref<128x128xf32, #tpu.memory_space<vmem>>, vector<16xf32>,
        %mul3A_766 = arith.mulf %mul3A_760, %get3A_765 : vector<16xf32>
        %add3A_767 = arith.addf %add3A_753, %mul3A_766 : vector<16xf32>
        %swap3A_768 = arith.constant 5 : i32
        %swap3A_769 = arith.index_cast %swap3A_768 : i32 to index
        %swap3A_770 = arith.constant 0 : index
        %swap3A_771 = tpu.vector_load %arg12[%swap3A_769, %swap3A_770] {strides = array<i32>} : memref<16x16xf32, #tpu.memory_space<vmem>>, vector<16xf32>,
        tpu.vector_store %arg12[%swap3A_769, %swap3A_770], %add3A_767 {strides = array<i32>} : memref<16x16xf32, #tpu.memory_space<vmem>>, vector<16xf32>,
        %add3A_772 = arith.constant 6 : i32
        %add3A_773 = arith.addi %mul3A_58, %add3A_772 : i32
        %slice3A_774 = vector.extract_strided_slice %get3A_60 {offsets = [6], sizes = [1], strides = [1]} : vector<16xi32> to vector<1xi32>
        %squeeze3A_775 = vector.extract %slice3A_774[0] : i32 from vector<1xi32>
        %get3A_776 = arith.index_cast %add3A_773 : i32 to index
        %get3A_777 = arith.constant 0 : index
        %get3A_778 = tpu.vector_load %arg10[%get3A_776, %get3A_777] {strides = array<i32>} : memref<128x128xf32, #tpu.memory_space<vmem>>, vector<16xf32>,
        %get3A_779 = arith.index_cast %squeeze3A_775 : i32 to index
        %get3A_780 = arith.constant 0 : index
        %get3A_781 = tpu.vector_load %arg9[%get3A_779, %get3A_780] {strides = array<i32>} : memref<237x128xf32, #tpu.memory_space<vmem>>, vector<16xf32>,
        %mul3A_782 = arith.mulf %get3A_778, %get3A_781 : vector<16xf32>
        %add3A_783 = arith.constant 64 : i32
        %add3A_784 = arith.addi %add3A_783, %add3A_773 : i32
        %get3A_785 = arith.index_cast %add3A_784 : i32 to index
        %get3A_786 = arith.constant 0 : index
        %get3A_787 = tpu.vector_load %arg10[%get3A_785, %get3A_786] {strides = array<i32>} : memref<128x128xf32, #tpu.memory_space<vmem>>, vector<16xf32>,
        %mul3A_788 = arith.mulf %mul3A_782, %get3A_787 : vector<16xf32>
        %get3A_789 = arith.index_cast %add3A_773 : i32 to index
        %get3A_790 = arith.constant 16 : index
        %get3A_791 = tpu.vector_load %arg10[%get3A_789, %get3A_790] {strides = array<i32>} : memref<128x128xf32, #tpu.memory_space<vmem>>, vector<16xf32>,
        %get3A_792 = arith.index_cast %squeeze3A_775 : i32 to index
        %get3A_793 = arith.constant 16 : index
        %get3A_794 = tpu.vector_load %arg9[%get3A_792, %get3A_793] {strides = array<i32>} : memref<237x128xf32, #tpu.memory_space<vmem>>, vector<16xf32>,
        %mul3A_795 = arith.mulf %get3A_791, %get3A_794 : vector<16xf32>
        %add3A_796 = arith.constant 64 : i32
        %add3A_797 = arith.addi %add3A_796, %add3A_773 : i32
        %get3A_798 = arith.index_cast %add3A_797 : i32 to index
        %get3A_799 = arith.constant 16 : index
        %get3A_800 = tpu.vector_load %arg10[%get3A_798, %get3A_799] {strides = array<i32>} : memref<128x128xf32, #tpu.memory_space<vmem>>, vector<16xf32>,
        %mul3A_801 = arith.mulf %mul3A_795, %get3A_800 : vector<16xf32>
        %add3A_802 = arith.addf %mul3A_788, %mul3A_801 : vector<16xf32>
        %get3A_803 = arith.index_cast %add3A_773 : i32 to index
        %get3A_804 = arith.constant 32 : index
        %get3A_805 = tpu.vector_load %arg10[%get3A_803, %get3A_804] {strides = array<i32>} : memref<128x128xf32, #tpu.memory_space<vmem>>, vector<16xf32>,
        %get3A_806 = arith.index_cast %squeeze3A_775 : i32 to index
        %get3A_807 = arith.constant 32 : index
        %get3A_808 = tpu.vector_load %arg9[%get3A_806, %get3A_807] {strides = array<i32>} : memref<237x128xf32, #tpu.memory_space<vmem>>, vector<16xf32>,
        %mul3A_809 = arith.mulf %get3A_805, %get3A_808 : vector<16xf32>
        %add3A_810 = arith.constant 64 : i32
        %add3A_811 = arith.addi %add3A_810, %add3A_773 : i32
        %get3A_812 = arith.index_cast %add3A_811 : i32 to index
        %get3A_813 = arith.constant 32 : index
        %get3A_814 = tpu.vector_load %arg10[%get3A_812, %get3A_813] {strides = array<i32>} : memref<128x128xf32, #tpu.memory_space<vmem>>, vector<16xf32>,
        %mul3A_815 = arith.mulf %mul3A_809, %get3A_814 : vector<16xf32>
        %add3A_816 = arith.addf %add3A_802, %mul3A_815 : vector<16xf32>
        %get3A_817 = arith.index_cast %add3A_773 : i32 to index
        %get3A_818 = arith.constant 48 : index
        %get3A_819 = tpu.vector_load %arg10[%get3A_817, %get3A_818] {strides = array<i32>} : memref<128x128xf32, #tpu.memory_space<vmem>>, vector<16xf32>,
        %get3A_820 = arith.index_cast %squeeze3A_775 : i32 to index
        %get3A_821 = arith.constant 48 : index
        %get3A_822 = tpu.vector_load %arg9[%get3A_820, %get3A_821] {strides = array<i32>} : memref<237x128xf32, #tpu.memory_space<vmem>>, vector<16xf32>,
        %mul3A_823 = arith.mulf %get3A_819, %get3A_822 : vector<16xf32>
        %add3A_824 = arith.constant 64 : i32
        %add3A_825 = arith.addi %add3A_824, %add3A_773 : i32
        %get3A_826 = arith.index_cast %add3A_825 : i32 to index
        %get3A_827 = arith.constant 48 : index
        %get3A_828 = tpu.vector_load %arg10[%get3A_826, %get3A_827] {strides = array<i32>} : memref<128x128xf32, #tpu.memory_space<vmem>>, vector<16xf32>,
        %mul3A_829 = arith.mulf %mul3A_823, %get3A_828 : vector<16xf32>
        %add3A_830 = arith.addf %add3A_816, %mul3A_829 : vector<16xf32>
        %get3A_831 = arith.index_cast %add3A_773 : i32 to index
        %get3A_832 = arith.constant 64 : index
        %get3A_833 = tpu.vector_load %arg10[%get3A_831, %get3A_832] {strides = array<i32>} : memref<128x128xf32, #tpu.memory_space<vmem>>, vector<16xf32>,
        %get3A_834 = arith.index_cast %squeeze3A_775 : i32 to index
        %get3A_835 = arith.constant 64 : index
        %get3A_836 = tpu.vector_load %arg9[%get3A_834, %get3A_835] {strides = array<i32>} : memref<237x128xf32, #tpu.memory_space<vmem>>, vector<16xf32>,
        %mul3A_837 = arith.mulf %get3A_833, %get3A_836 : vector<16xf32>
        %add3A_838 = arith.constant 64 : i32
        %add3A_839 = arith.addi %add3A_838, %add3A_773 : i32
        %get3A_840 = arith.index_cast %add3A_839 : i32 to index
        %get3A_841 = arith.constant 64 : index
        %get3A_842 = tpu.vector_load %arg10[%get3A_840, %get3A_841] {strides = array<i32>} : memref<128x128xf32, #tpu.memory_space<vmem>>, vector<16xf32>,
        %mul3A_843 = arith.mulf %mul3A_837, %get3A_842 : vector<16xf32>
        %add3A_844 = arith.addf %add3A_830, %mul3A_843 : vector<16xf32>
        %get3A_845 = arith.index_cast %add3A_773 : i32 to index
        %get3A_846 = arith.constant 80 : index
        %get3A_847 = tpu.vector_load %arg10[%get3A_845, %get3A_846] {strides = array<i32>} : memref<128x128xf32, #tpu.memory_space<vmem>>, vector<16xf32>,
        %get3A_848 = arith.index_cast %squeeze3A_775 : i32 to index
        %get3A_849 = arith.constant 80 : index
        %get3A_850 = tpu.vector_load %arg9[%get3A_848, %get3A_849] {strides = array<i32>} : memref<237x128xf32, #tpu.memory_space<vmem>>, vector<16xf32>,
        %mul3A_851 = arith.mulf %get3A_847, %get3A_850 : vector<16xf32>
        %add3A_852 = arith.constant 64 : i32
        %add3A_853 = arith.addi %add3A_852, %add3A_773 : i32
        %get3A_854 = arith.index_cast %add3A_853 : i32 to index
        %get3A_855 = arith.constant 80 : index
        %get3A_856 = tpu.vector_load %arg10[%get3A_854, %get3A_855] {strides = array<i32>} : memref<128x128xf32, #tpu.memory_space<vmem>>, vector<16xf32>,
        %mul3A_857 = arith.mulf %mul3A_851, %get3A_856 : vector<16xf32>
        %add3A_858 = arith.addf %add3A_844, %mul3A_857 : vector<16xf32>
        %get3A_859 = arith.index_cast %add3A_773 : i32 to index
        %get3A_860 = arith.constant 96 : index
        %get3A_861 = tpu.vector_load %arg10[%get3A_859, %get3A_860] {strides = array<i32>} : memref<128x128xf32, #tpu.memory_space<vmem>>, vector<16xf32>,
        %get3A_862 = arith.index_cast %squeeze3A_775 : i32 to index
        %get3A_863 = arith.constant 96 : index
        %get3A_864 = tpu.vector_load %arg9[%get3A_862, %get3A_863] {strides = array<i32>} : memref<237x128xf32, #tpu.memory_space<vmem>>, vector<16xf32>,
        %mul3A_865 = arith.mulf %get3A_861, %get3A_864 : vector<16xf32>
        %add3A_866 = arith.constant 64 : i32
        %add3A_867 = arith.addi %add3A_866, %add3A_773 : i32
        %get3A_868 = arith.index_cast %add3A_867 : i32 to index
        %get3A_869 = arith.constant 96 : index
        %get3A_870 = tpu.vector_load %arg10[%get3A_868, %get3A_869] {strides = array<i32>} : memref<128x128xf32, #tpu.memory_space<vmem>>, vector<16xf32>,
        %mul3A_871 = arith.mulf %mul3A_865, %get3A_870 : vector<16xf32>
        %add3A_872 = arith.addf %add3A_858, %mul3A_871 : vector<16xf32>
        %get3A_873 = arith.index_cast %add3A_773 : i32 to index
        %get3A_874 = arith.constant 112 : index
        %get3A_875 = tpu.vector_load %arg10[%get3A_873, %get3A_874] {strides = array<i32>} : memref<128x128xf32, #tpu.memory_space<vmem>>, vector<16xf32>,
        %get3A_876 = arith.index_cast %squeeze3A_775 : i32 to index
        %get3A_877 = arith.constant 112 : index
        %get3A_878 = tpu.vector_load %arg9[%get3A_876, %get3A_877] {strides = array<i32>} : memref<237x128xf32, #tpu.memory_space<vmem>>, vector<16xf32>,
        %mul3A_879 = arith.mulf %get3A_875, %get3A_878 : vector<16xf32>
        %add3A_880 = arith.constant 64 : i32
        %add3A_881 = arith.addi %add3A_880, %add3A_773 : i32
        %get3A_882 = arith.index_cast %add3A_881 : i32 to index
        %get3A_883 = arith.constant 112 : index
        %get3A_884 = tpu.vector_load %arg10[%get3A_882, %get3A_883] {strides = array<i32>} : memref<128x128xf32, #tpu.memory_space<vmem>>, vector<16xf32>,
        %mul3A_885 = arith.mulf %mul3A_879, %get3A_884 : vector<16xf32>
        %add3A_886 = arith.addf %add3A_872, %mul3A_885 : vector<16xf32>
        %swap3A_887 = arith.constant 6 : i32
        %swap3A_888 = arith.index_cast %swap3A_887 : i32 to index
        %swap3A_889 = arith.constant 0 : index
        %swap3A_890 = tpu.vector_load %arg12[%swap3A_888, %swap3A_889] {strides = array<i32>} : memref<16x16xf32, #tpu.memory_space<vmem>>, vector<16xf32>,
        tpu.vector_store %arg12[%swap3A_888, %swap3A_889], %add3A_886 {strides = array<i32>} : memref<16x16xf32, #tpu.memory_space<vmem>>, vector<16xf32>,
        %add3A_891 = arith.constant 7 : i32
        %add3A_892 = arith.addi %mul3A_58, %add3A_891 : i32
        %slice3A_893 = vector.extract_strided_slice %get3A_60 {offsets = [7], sizes = [1], strides = [1]} : vector<16xi32> to vector<1xi32>
        %squeeze3A_894 = vector.extract %slice3A_893[0] : i32 from vector<1xi32>
        %get3A_895 = arith.index_cast %add3A_892 : i32 to index
        %get3A_896 = arith.constant 0 : index
        %get3A_897 = tpu.vector_load %arg10[%get3A_895, %get3A_896] {strides = array<i32>} : memref<128x128xf32, #tpu.memory_space<vmem>>, vector<16xf32>,
        %get3A_898 = arith.index_cast %squeeze3A_894 : i32 to index
        %get3A_899 = arith.constant 0 : index
        %get3A_900 = tpu.vector_load %arg9[%get3A_898, %get3A_899] {strides = array<i32>} : memref<237x128xf32, #tpu.memory_space<vmem>>, vector<16xf32>,
        %mul3A_901 = arith.mulf %get3A_897, %get3A_900 : vector<16xf32>
        %add3A_902 = arith.constant 64 : i32
        %add3A_903 = arith.addi %add3A_902, %add3A_892 : i32
        %get3A_904 = arith.index_cast %add3A_903 : i32 to index
        %get3A_905 = arith.constant 0 : index
        %get3A_906 = tpu.vector_load %arg10[%get3A_904, %get3A_905] {strides = array<i32>} : memref<128x128xf32, #tpu.memory_space<vmem>>, vector<16xf32>,
        %mul3A_907 = arith.mulf %mul3A_901, %get3A_906 : vector<16xf32>
        %get3A_908 = arith.index_cast %add3A_892 : i32 to index
        %get3A_909 = arith.constant 16 : index
        %get3A_910 = tpu.vector_load %arg10[%get3A_908, %get3A_909] {strides = array<i32>} : memref<128x128xf32, #tpu.memory_space<vmem>>, vector<16xf32>,
        %get3A_911 = arith.index_cast %squeeze3A_894 : i32 to index
        %get3A_912 = arith.constant 16 : index
        %get3A_913 = tpu.vector_load %arg9[%get3A_911, %get3A_912] {strides = array<i32>} : memref<237x128xf32, #tpu.memory_space<vmem>>, vector<16xf32>,
        %mul3A_914 = arith.mulf %get3A_910, %get3A_913 : vector<16xf32>
        %add3A_915 = arith.constant 64 : i32
        %add3A_916 = arith.addi %add3A_915, %add3A_892 : i32
        %get3A_917 = arith.index_cast %add3A_916 : i32 to index
        %get3A_918 = arith.constant 16 : index
        %get3A_919 = tpu.vector_load %arg10[%get3A_917, %get3A_918] {strides = array<i32>} : memref<128x128xf32, #tpu.memory_space<vmem>>, vector<16xf32>,
        %mul3A_920 = arith.mulf %mul3A_914, %get3A_919 : vector<16xf32>
        %add3A_921 = arith.addf %mul3A_907, %mul3A_920 : vector<16xf32>
        %get3A_922 = arith.index_cast %add3A_892 : i32 to index
        %get3A_923 = arith.constant 32 : index
        %get3A_924 = tpu.vector_load %arg10[%get3A_922, %get3A_923] {strides = array<i32>} : memref<128x128xf32, #tpu.memory_space<vmem>>, vector<16xf32>,
        %get3A_925 = arith.index_cast %squeeze3A_894 : i32 to index
        %get3A_926 = arith.constant 32 : index
        %get3A_927 = tpu.vector_load %arg9[%get3A_925, %get3A_926] {strides = array<i32>} : memref<237x128xf32, #tpu.memory_space<vmem>>, vector<16xf32>,
        %mul3A_928 = arith.mulf %get3A_924, %get3A_927 : vector<16xf32>
        %add3A_929 = arith.constant 64 : i32
        %add3A_930 = arith.addi %add3A_929, %add3A_892 : i32
        %get3A_931 = arith.index_cast %add3A_930 : i32 to index
        %get3A_932 = arith.constant 32 : index
        %get3A_933 = tpu.vector_load %arg10[%get3A_931, %get3A_932] {strides = array<i32>} : memref<128x128xf32, #tpu.memory_space<vmem>>, vector<16xf32>,
        %mul3A_934 = arith.mulf %mul3A_928, %get3A_933 : vector<16xf32>
        %add3A_935 = arith.addf %add3A_921, %mul3A_934 : vector<16xf32>
        %get3A_936 = arith.index_cast %add3A_892 : i32 to index
        %get3A_937 = arith.constant 48 : index
        %get3A_938 = tpu.vector_load %arg10[%get3A_936, %get3A_937] {strides = array<i32>} : memref<128x128xf32, #tpu.memory_space<vmem>>, vector<16xf32>,
        %get3A_939 = arith.index_cast %squeeze3A_894 : i32 to index
        %get3A_940 = arith.constant 48 : index
        %get3A_941 = tpu.vector_load %arg9[%get3A_939, %get3A_940] {strides = array<i32>} : memref<237x128xf32, #tpu.memory_space<vmem>>, vector<16xf32>,
        %mul3A_942 = arith.mulf %get3A_938, %get3A_941 : vector<16xf32>
        %add3A_943 = arith.constant 64 : i32
        %add3A_944 = arith.addi %add3A_943, %add3A_892 : i32
        %get3A_945 = arith.index_cast %add3A_944 : i32 to index
        %get3A_946 = arith.constant 48 : index
        %get3A_947 = tpu.vector_load %arg10[%get3A_945, %get3A_946] {strides = array<i32>} : memref<128x128xf32, #tpu.memory_space<vmem>>, vector<16xf32>,
        %mul3A_948 = arith.mulf %mul3A_942, %get3A_947 : vector<16xf32>
        %add3A_949 = arith.addf %add3A_935, %mul3A_948 : vector<16xf32>
        %get3A_950 = arith.index_cast %add3A_892 : i32 to index
        %get3A_951 = arith.constant 64 : index
        %get3A_952 = tpu.vector_load %arg10[%get3A_950, %get3A_951] {strides = array<i32>} : memref<128x128xf32, #tpu.memory_space<vmem>>, vector<16xf32>,
        %get3A_953 = arith.index_cast %squeeze3A_894 : i32 to index
        %get3A_954 = arith.constant 64 : index
        %get3A_955 = tpu.vector_load %arg9[%get3A_953, %get3A_954] {strides = array<i32>} : memref<237x128xf32, #tpu.memory_space<vmem>>, vector<16xf32>,
        %mul3A_956 = arith.mulf %get3A_952, %get3A_955 : vector<16xf32>
        %add3A_957 = arith.constant 64 : i32
        %add3A_958 = arith.addi %add3A_957, %add3A_892 : i32
        %get3A_959 = arith.index_cast %add3A_958 : i32 to index
        %get3A_960 = arith.constant 64 : index
        %get3A_961 = tpu.vector_load %arg10[%get3A_959, %get3A_960] {strides = array<i32>} : memref<128x128xf32, #tpu.memory_space<vmem>>, vector<16xf32>,
        %mul3A_962 = arith.mulf %mul3A_956, %get3A_961 : vector<16xf32>
        %add3A_963 = arith.addf %add3A_949, %mul3A_962 : vector<16xf32>
        %get3A_964 = arith.index_cast %add3A_892 : i32 to index
        %get3A_965 = arith.constant 80 : index
        %get3A_966 = tpu.vector_load %arg10[%get3A_964, %get3A_965] {strides = array<i32>} : memref<128x128xf32, #tpu.memory_space<vmem>>, vector<16xf32>,
        %get3A_967 = arith.index_cast %squeeze3A_894 : i32 to index
        %get3A_968 = arith.constant 80 : index
        %get3A_969 = tpu.vector_load %arg9[%get3A_967, %get3A_968] {strides = array<i32>} : memref<237x128xf32, #tpu.memory_space<vmem>>, vector<16xf32>,
        %mul3A_970 = arith.mulf %get3A_966, %get3A_969 : vector<16xf32>
        %add3A_971 = arith.constant 64 : i32
        %add3A_972 = arith.addi %add3A_971, %add3A_892 : i32
        %get3A_973 = arith.index_cast %add3A_972 : i32 to index
        %get3A_974 = arith.constant 80 : index
        %get3A_975 = tpu.vector_load %arg10[%get3A_973, %get3A_974] {strides = array<i32>} : memref<128x128xf32, #tpu.memory_space<vmem>>, vector<16xf32>,
        %mul3A_976 = arith.mulf %mul3A_970, %get3A_975 : vector<16xf32>
        %add3A_977 = arith.addf %add3A_963, %mul3A_976 : vector<16xf32>
        %get3A_978 = arith.index_cast %add3A_892 : i32 to index
        %get3A_979 = arith.constant 96 : index
        %get3A_980 = tpu.vector_load %arg10[%get3A_978, %get3A_979] {strides = array<i32>} : memref<128x128xf32, #tpu.memory_space<vmem>>, vector<16xf32>,
        %get3A_981 = arith.index_cast %squeeze3A_894 : i32 to index
        %get3A_982 = arith.constant 96 : index
        %get3A_983 = tpu.vector_load %arg9[%get3A_981, %get3A_982] {strides = array<i32>} : memref<237x128xf32, #tpu.memory_space<vmem>>, vector<16xf32>,
        %mul3A_984 = arith.mulf %get3A_980, %get3A_983 : vector<16xf32>
        %add3A_985 = arith.constant 64 : i32
        %add3A_986 = arith.addi %add3A_985, %add3A_892 : i32
        %get3A_987 = arith.index_cast %add3A_986 : i32 to index
        %get3A_988 = arith.constant 96 : index
        %get3A_989 = tpu.vector_load %arg10[%get3A_987, %get3A_988] {strides = array<i32>} : memref<128x128xf32, #tpu.memory_space<vmem>>, vector<16xf32>,
        %mul3A_990 = arith.mulf %mul3A_984, %get3A_989 : vector<16xf32>
        %add3A_991 = arith.addf %add3A_977, %mul3A_990 : vector<16xf32>
        %get3A_992 = arith.index_cast %add3A_892 : i32 to index
        %get3A_993 = arith.constant 112 : index
        %get3A_994 = tpu.vector_load %arg10[%get3A_992, %get3A_993] {strides = array<i32>} : memref<128x128xf32, #tpu.memory_space<vmem>>, vector<16xf32>,
        %get3A_995 = arith.index_cast %squeeze3A_894 : i32 to index
        %get3A_996 = arith.constant 112 : index
        %get3A_997 = tpu.vector_load %arg9[%get3A_995, %get3A_996] {strides = array<i32>} : memref<237x128xf32, #tpu.memory_space<vmem>>, vector<16xf32>,
        %mul3A_998 = arith.mulf %get3A_994, %get3A_997 : vector<16xf32>
        %add3A_999 = arith.constant 64 : i32
        %add3A_1000 = arith.addi %add3A_999, %add3A_892 : i32
        %get3A_1001 = arith.index_cast %add3A_1000 : i32 to index
        %get3A_1002 = arith.constant 112 : index
        %get3A_1003 = tpu.vector_load %arg10[%get3A_1001, %get3A_1002] {strides = array<i32>} : memref<128x128xf32, #tpu.memory_space<vmem>>, vector<16xf32>,
        %mul3A_1004 = arith.mulf %mul3A_998, %get3A_1003 : vector<16xf32>
        %add3A_1005 = arith.addf %add3A_991, %mul3A_1004 : vector<16xf32>
        %swap3A_1006 = arith.constant 7 : i32
        %swap3A_1007 = arith.index_cast %swap3A_1006 : i32 to index
        %swap3A_1008 = arith.constant 0 : index
        %swap3A_1009 = tpu.vector_load %arg12[%swap3A_1007, %swap3A_1008] {strides = array<i32>} : memref<16x16xf32, #tpu.memory_space<vmem>>, vector<16xf32>,
        tpu.vector_store %arg12[%swap3A_1007, %swap3A_1008], %add3A_1005 {strides = array<i32>} : memref<16x16xf32, #tpu.memory_space<vmem>>, vector<16xf32>,
        %add3A_1010 = arith.constant 8 : i32
        %add3A_1011 = arith.addi %mul3A_58, %add3A_1010 : i32
        %slice3A_1012 = vector.extract_strided_slice %get3A_60 {offsets = [8], sizes = [1], strides = [1]} : vector<16xi32> to vector<1xi32>
        %squeeze3A_1013 = vector.extract %slice3A_1012[0] : i32 from vector<1xi32>
        %get3A_1014 = arith.index_cast %add3A_1011 : i32 to index
        %get3A_1015 = arith.constant 0 : index
        %get3A_1016 = tpu.vector_load %arg10[%get3A_1014, %get3A_1015] {strides = array<i32>} : memref<128x128xf32, #tpu.memory_space<vmem>>, vector<16xf32>,
        %get3A_1017 = arith.index_cast %squeeze3A_1013 : i32 to index
        %get3A_1018 = arith.constant 0 : index
        %get3A_1019 = tpu.vector_load %arg9[%get3A_1017, %get3A_1018] {strides = array<i32>} : memref<237x128xf32, #tpu.memory_space<vmem>>, vector<16xf32>,
        %mul3A_1020 = arith.mulf %get3A_1016, %get3A_1019 : vector<16xf32>
        %add3A_1021 = arith.constant 64 : i32
        %add3A_1022 = arith.addi %add3A_1021, %add3A_1011 : i32
        %get3A_1023 = arith.index_cast %add3A_1022 : i32 to index
        %get3A_1024 = arith.constant 0 : index
        %get3A_1025 = tpu.vector_load %arg10[%get3A_1023, %get3A_1024] {strides = array<i32>} : memref<128x128xf32, #tpu.memory_space<vmem>>, vector<16xf32>,
        %mul3A_1026 = arith.mulf %mul3A_1020, %get3A_1025 : vector<16xf32>
        %get3A_1027 = arith.index_cast %add3A_1011 : i32 to index
        %get3A_1028 = arith.constant 16 : index
        %get3A_1029 = tpu.vector_load %arg10[%get3A_1027, %get3A_1028] {strides = array<i32>} : memref<128x128xf32, #tpu.memory_space<vmem>>, vector<16xf32>,
        %get3A_1030 = arith.index_cast %squeeze3A_1013 : i32 to index
        %get3A_1031 = arith.constant 16 : index
        %get3A_1032 = tpu.vector_load %arg9[%get3A_1030, %get3A_1031] {strides = array<i32>} : memref<237x128xf32, #tpu.memory_space<vmem>>, vector<16xf32>,
        %mul3A_1033 = arith.mulf %get3A_1029, %get3A_1032 : vector<16xf32>
        %add3A_1034 = arith.constant 64 : i32
        %add3A_1035 = arith.addi %add3A_1034, %add3A_1011 : i32
        %get3A_1036 = arith.index_cast %add3A_1035 : i32 to index
        %get3A_1037 = arith.constant 16 : index
        %get3A_1038 = tpu.vector_load %arg10[%get3A_1036, %get3A_1037] {strides = array<i32>} : memref<128x128xf32, #tpu.memory_space<vmem>>, vector<16xf32>,
        %mul3A_1039 = arith.mulf %mul3A_1033, %get3A_1038 : vector<16xf32>
        %add3A_1040 = arith.addf %mul3A_1026, %mul3A_1039 : vector<16xf32>
        %get3A_1041 = arith.index_cast %add3A_1011 : i32 to index
        %get3A_1042 = arith.constant 32 : index
        %get3A_1043 = tpu.vector_load %arg10[%get3A_1041, %get3A_1042] {strides = array<i32>} : memref<128x128xf32, #tpu.memory_space<vmem>>, vector<16xf32>,
        %get3A_1044 = arith.index_cast %squeeze3A_1013 : i32 to index
        %get3A_1045 = arith.constant 32 : index
        %get3A_1046 = tpu.vector_load %arg9[%get3A_1044, %get3A_1045] {strides = array<i32>} : memref<237x128xf32, #tpu.memory_space<vmem>>, vector<16xf32>,
        %mul3A_1047 = arith.mulf %get3A_1043, %get3A_1046 : vector<16xf32>
        %add3A_1048 = arith.constant 64 : i32
        %add3A_1049 = arith.addi %add3A_1048, %add3A_1011 : i32
        %get3A_1050 = arith.index_cast %add3A_1049 : i32 to index
        %get3A_1051 = arith.constant 32 : index
        %get3A_1052 = tpu.vector_load %arg10[%get3A_1050, %get3A_1051] {strides = array<i32>} : memref<128x128xf32, #tpu.memory_space<vmem>>, vector<16xf32>,
        %mul3A_1053 = arith.mulf %mul3A_1047, %get3A_1052 : vector<16xf32>
        %add3A_1054 = arith.addf %add3A_1040, %mul3A_1053 : vector<16xf32>
        %get3A_1055 = arith.index_cast %add3A_1011 : i32 to index
        %get3A_1056 = arith.constant 48 : index
        %get3A_1057 = tpu.vector_load %arg10[%get3A_1055, %get3A_1056] {strides = array<i32>} : memref<128x128xf32, #tpu.memory_space<vmem>>, vector<16xf32>,
        %get3A_1058 = arith.index_cast %squeeze3A_1013 : i32 to index
        %get3A_1059 = arith.constant 48 : index
        %get3A_1060 = tpu.vector_load %arg9[%get3A_1058, %get3A_1059] {strides = array<i32>} : memref<237x128xf32, #tpu.memory_space<vmem>>, vector<16xf32>,
        %mul3A_1061 = arith.mulf %get3A_1057, %get3A_1060 : vector<16xf32>
        %add3A_1062 = arith.constant 64 : i32
        %add3A_1063 = arith.addi %add3A_1062, %add3A_1011 : i32
        %get3A_1064 = arith.index_cast %add3A_1063 : i32 to index
        %get3A_1065 = arith.constant 48 : index
        %get3A_1066 = tpu.vector_load %arg10[%get3A_1064, %get3A_1065] {strides = array<i32>} : memref<128x128xf32, #tpu.memory_space<vmem>>, vector<16xf32>,
        %mul3A_1067 = arith.mulf %mul3A_1061, %get3A_1066 : vector<16xf32>
        %add3A_1068 = arith.addf %add3A_1054, %mul3A_1067 : vector<16xf32>
        %get3A_1069 = arith.index_cast %add3A_1011 : i32 to index
        %get3A_1070 = arith.constant 64 : index
        %get3A_1071 = tpu.vector_load %arg10[%get3A_1069, %get3A_1070] {strides = array<i32>} : memref<128x128xf32, #tpu.memory_space<vmem>>, vector<16xf32>,
        %get3A_1072 = arith.index_cast %squeeze3A_1013 : i32 to index
        %get3A_1073 = arith.constant 64 : index
        %get3A_1074 = tpu.vector_load %arg9[%get3A_1072, %get3A_1073] {strides = array<i32>} : memref<237x128xf32, #tpu.memory_space<vmem>>, vector<16xf32>,
        %mul3A_1075 = arith.mulf %get3A_1071, %get3A_1074 : vector<16xf32>
        %add3A_1076 = arith.constant 64 : i32
        %add3A_1077 = arith.addi %add3A_1076, %add3A_1011 : i32
        %get3A_1078 = arith.index_cast %add3A_1077 : i32 to index
        %get3A_1079 = arith.constant 64 : index
        %get3A_1080 = tpu.vector_load %arg10[%get3A_1078, %get3A_1079] {strides = array<i32>} : memref<128x128xf32, #tpu.memory_space<vmem>>, vector<16xf32>,
        %mul3A_1081 = arith.mulf %mul3A_1075, %get3A_1080 : vector<16xf32>
        %add3A_1082 = arith.addf %add3A_1068, %mul3A_1081 : vector<16xf32>
        %get3A_1083 = arith.index_cast %add3A_1011 : i32 to index
        %get3A_1084 = arith.constant 80 : index
        %get3A_1085 = tpu.vector_load %arg10[%get3A_1083, %get3A_1084] {strides = array<i32>} : memref<128x128xf32, #tpu.memory_space<vmem>>, vector<16xf32>,
        %get3A_1086 = arith.index_cast %squeeze3A_1013 : i32 to index
        %get3A_1087 = arith.constant 80 : index
        %get3A_1088 = tpu.vector_load %arg9[%get3A_1086, %get3A_1087] {strides = array<i32>} : memref<237x128xf32, #tpu.memory_space<vmem>>, vector<16xf32>,
        %mul3A_1089 = arith.mulf %get3A_1085, %get3A_1088 : vector<16xf32>
        %add3A_1090 = arith.constant 64 : i32
        %add3A_1091 = arith.addi %add3A_1090, %add3A_1011 : i32
        %get3A_1092 = arith.index_cast %add3A_1091 : i32 to index
        %get3A_1093 = arith.constant 80 : index
        %get3A_1094 = tpu.vector_load %arg10[%get3A_1092, %get3A_1093] {strides = array<i32>} : memref<128x128xf32, #tpu.memory_space<vmem>>, vector<16xf32>,
        %mul3A_1095 = arith.mulf %mul3A_1089, %get3A_1094 : vector<16xf32>
        %add3A_1096 = arith.addf %add3A_1082, %mul3A_1095 : vector<16xf32>
        %get3A_1097 = arith.index_cast %add3A_1011 : i32 to index
        %get3A_1098 = arith.constant 96 : index
        %get3A_1099 = tpu.vector_load %arg10[%get3A_1097, %get3A_1098] {strides = array<i32>} : memref<128x128xf32, #tpu.memory_space<vmem>>, vector<16xf32>,
        %get3A_1100 = arith.index_cast %squeeze3A_1013 : i32 to index
        %get3A_1101 = arith.constant 96 : index
        %get3A_1102 = tpu.vector_load %arg9[%get3A_1100, %get3A_1101] {strides = array<i32>} : memref<237x128xf32, #tpu.memory_space<vmem>>, vector<16xf32>,
        %mul3A_1103 = arith.mulf %get3A_1099, %get3A_1102 : vector<16xf32>
        %add3A_1104 = arith.constant 64 : i32
        %add3A_1105 = arith.addi %add3A_1104, %add3A_1011 : i32
        %get3A_1106 = arith.index_cast %add3A_1105 : i32 to index
        %get3A_1107 = arith.constant 96 : index
        %get3A_1108 = tpu.vector_load %arg10[%get3A_1106, %get3A_1107] {strides = array<i32>} : memref<128x128xf32, #tpu.memory_space<vmem>>, vector<16xf32>,
        %mul3A_1109 = arith.mulf %mul3A_1103, %get3A_1108 : vector<16xf32>
        %add3A_1110 = arith.addf %add3A_1096, %mul3A_1109 : vector<16xf32>
        %get3A_1111 = arith.index_cast %add3A_1011 : i32 to index
        %get3A_1112 = arith.constant 112 : index
        %get3A_1113 = tpu.vector_load %arg10[%get3A_1111, %get3A_1112] {strides = array<i32>} : memref<128x128xf32, #tpu.memory_space<vmem>>, vector<16xf32>,
        %get3A_1114 = arith.index_cast %squeeze3A_1013 : i32 to index
        %get3A_1115 = arith.constant 112 : index
        %get3A_1116 = tpu.vector_load %arg9[%get3A_1114, %get3A_1115] {strides = array<i32>} : memref<237x128xf32, #tpu.memory_space<vmem>>, vector<16xf32>,
        %mul3A_1117 = arith.mulf %get3A_1113, %get3A_1116 : vector<16xf32>
        %add3A_1118 = arith.constant 64 : i32
        %add3A_1119 = arith.addi %add3A_1118, %add3A_1011 : i32
        %get3A_1120 = arith.index_cast %add3A_1119 : i32 to index
        %get3A_1121 = arith.constant 112 : index
        %get3A_1122 = tpu.vector_load %arg10[%get3A_1120, %get3A_1121] {strides = array<i32>} : memref<128x128xf32, #tpu.memory_space<vmem>>, vector<16xf32>,
        %mul3A_1123 = arith.mulf %mul3A_1117, %get3A_1122 : vector<16xf32>
        %add3A_1124 = arith.addf %add3A_1110, %mul3A_1123 : vector<16xf32>
        %swap3A_1125 = arith.constant 8 : i32
        %swap3A_1126 = arith.index_cast %swap3A_1125 : i32 to index
        %swap3A_1127 = arith.constant 0 : index
        %swap3A_1128 = tpu.vector_load %arg12[%swap3A_1126, %swap3A_1127] {strides = array<i32>} : memref<16x16xf32, #tpu.memory_space<vmem>>, vector<16xf32>,
        tpu.vector_store %arg12[%swap3A_1126, %swap3A_1127], %add3A_1124 {strides = array<i32>} : memref<16x16xf32, #tpu.memory_space<vmem>>, vector<16xf32>,
        %add3A_1129 = arith.constant 9 : i32
        %add3A_1130 = arith.addi %mul3A_58, %add3A_1129 : i32
        %slice3A_1131 = vector.extract_strided_slice %get3A_60 {offsets = [9], sizes = [1], strides = [1]} : vector<16xi32> to vector<1xi32>
        %squeeze3A_1132 = vector.extract %slice3A_1131[0] : i32 from vector<1xi32>
        %get3A_1133 = arith.index_cast %add3A_1130 : i32 to index
        %get3A_1134 = arith.constant 0 : index
        %get3A_1135 = tpu.vector_load %arg10[%get3A_1133, %get3A_1134] {strides = array<i32>} : memref<128x128xf32, #tpu.memory_space<vmem>>, vector<16xf32>,
        %get3A_1136 = arith.index_cast %squeeze3A_1132 : i32 to index
        %get3A_1137 = arith.constant 0 : index
        %get3A_1138 = tpu.vector_load %arg9[%get3A_1136, %get3A_1137] {strides = array<i32>} : memref<237x128xf32, #tpu.memory_space<vmem>>, vector<16xf32>,
        %mul3A_1139 = arith.mulf %get3A_1135, %get3A_1138 : vector<16xf32>
        %add3A_1140 = arith.constant 64 : i32
        %add3A_1141 = arith.addi %add3A_1140, %add3A_1130 : i32
        %get3A_1142 = arith.index_cast %add3A_1141 : i32 to index
        %get3A_1143 = arith.constant 0 : index
        %get3A_1144 = tpu.vector_load %arg10[%get3A_1142, %get3A_1143] {strides = array<i32>} : memref<128x128xf32, #tpu.memory_space<vmem>>, vector<16xf32>,
        %mul3A_1145 = arith.mulf %mul3A_1139, %get3A_1144 : vector<16xf32>
        %get3A_1146 = arith.index_cast %add3A_1130 : i32 to index
        %get3A_1147 = arith.constant 16 : index
        %get3A_1148 = tpu.vector_load %arg10[%get3A_1146, %get3A_1147] {strides = array<i32>} : memref<128x128xf32, #tpu.memory_space<vmem>>, vector<16xf32>,
        %get3A_1149 = arith.index_cast %squeeze3A_1132 : i32 to index
        %get3A_1150 = arith.constant 16 : index
        %get3A_1151 = tpu.vector_load %arg9[%get3A_1149, %get3A_1150] {strides = array<i32>} : memref<237x128xf32, #tpu.memory_space<vmem>>, vector<16xf32>,
        %mul3A_1152 = arith.mulf %get3A_1148, %get3A_1151 : vector<16xf32>
        %add3A_1153 = arith.constant 64 : i32
        %add3A_1154 = arith.addi %add3A_1153, %add3A_1130 : i32
        %get3A_1155 = arith.index_cast %add3A_1154 : i32 to index
        %get3A_1156 = arith.constant 16 : index
        %get3A_1157 = tpu.vector_load %arg10[%get3A_1155, %get3A_1156] {strides = array<i32>} : memref<128x128xf32, #tpu.memory_space<vmem>>, vector<16xf32>,
        %mul3A_1158 = arith.mulf %mul3A_1152, %get3A_1157 : vector<16xf32>
        %add3A_1159 = arith.addf %mul3A_1145, %mul3A_1158 : vector<16xf32>
        %get3A_1160 = arith.index_cast %add3A_1130 : i32 to index
        %get3A_1161 = arith.constant 32 : index
        %get3A_1162 = tpu.vector_load %arg10[%get3A_1160, %get3A_1161] {strides = array<i32>} : memref<128x128xf32, #tpu.memory_space<vmem>>, vector<16xf32>,
        %get3A_1163 = arith.index_cast %squeeze3A_1132 : i32 to index
        %get3A_1164 = arith.constant 32 : index
        %get3A_1165 = tpu.vector_load %arg9[%get3A_1163, %get3A_1164] {strides = array<i32>} : memref<237x128xf32, #tpu.memory_space<vmem>>, vector<16xf32>,
        %mul3A_1166 = arith.mulf %get3A_1162, %get3A_1165 : vector<16xf32>
        %add3A_1167 = arith.constant 64 : i32
        %add3A_1168 = arith.addi %add3A_1167, %add3A_1130 : i32
        %get3A_1169 = arith.index_cast %add3A_1168 : i32 to index
        %get3A_1170 = arith.constant 32 : index
        %get3A_1171 = tpu.vector_load %arg10[%get3A_1169, %get3A_1170] {strides = array<i32>} : memref<128x128xf32, #tpu.memory_space<vmem>>, vector<16xf32>,
        %mul3A_1172 = arith.mulf %mul3A_1166, %get3A_1171 : vector<16xf32>
        %add3A_1173 = arith.addf %add3A_1159, %mul3A_1172 : vector<16xf32>
        %get3A_1174 = arith.index_cast %add3A_1130 : i32 to index
        %get3A_1175 = arith.constant 48 : index
        %get3A_1176 = tpu.vector_load %arg10[%get3A_1174, %get3A_1175] {strides = array<i32>} : memref<128x128xf32, #tpu.memory_space<vmem>>, vector<16xf32>,
        %get3A_1177 = arith.index_cast %squeeze3A_1132 : i32 to index
        %get3A_1178 = arith.constant 48 : index
        %get3A_1179 = tpu.vector_load %arg9[%get3A_1177, %get3A_1178] {strides = array<i32>} : memref<237x128xf32, #tpu.memory_space<vmem>>, vector<16xf32>,
        %mul3A_1180 = arith.mulf %get3A_1176, %get3A_1179 : vector<16xf32>
        %add3A_1181 = arith.constant 64 : i32
        %add3A_1182 = arith.addi %add3A_1181, %add3A_1130 : i32
        %get3A_1183 = arith.index_cast %add3A_1182 : i32 to index
        %get3A_1184 = arith.constant 48 : index
        %get3A_1185 = tpu.vector_load %arg10[%get3A_1183, %get3A_1184] {strides = array<i32>} : memref<128x128xf32, #tpu.memory_space<vmem>>, vector<16xf32>,
        %mul3A_1186 = arith.mulf %mul3A_1180, %get3A_1185 : vector<16xf32>
        %add3A_1187 = arith.addf %add3A_1173, %mul3A_1186 : vector<16xf32>
        %get3A_1188 = arith.index_cast %add3A_1130 : i32 to index
        %get3A_1189 = arith.constant 64 : index
        %get3A_1190 = tpu.vector_load %arg10[%get3A_1188, %get3A_1189] {strides = array<i32>} : memref<128x128xf32, #tpu.memory_space<vmem>>, vector<16xf32>,
        %get3A_1191 = arith.index_cast %squeeze3A_1132 : i32 to index
        %get3A_1192 = arith.constant 64 : index
        %get3A_1193 = tpu.vector_load %arg9[%get3A_1191, %get3A_1192] {strides = array<i32>} : memref<237x128xf32, #tpu.memory_space<vmem>>, vector<16xf32>,
        %mul3A_1194 = arith.mulf %get3A_1190, %get3A_1193 : vector<16xf32>
        %add3A_1195 = arith.constant 64 : i32
        %add3A_1196 = arith.addi %add3A_1195, %add3A_1130 : i32
        %get3A_1197 = arith.index_cast %add3A_1196 : i32 to index
        %get3A_1198 = arith.constant 64 : index
        %get3A_1199 = tpu.vector_load %arg10[%get3A_1197, %get3A_1198] {strides = array<i32>} : memref<128x128xf32, #tpu.memory_space<vmem>>, vector<16xf32>,
        %mul3A_1200 = arith.mulf %mul3A_1194, %get3A_1199 : vector<16xf32>
        %add3A_1201 = arith.addf %add3A_1187, %mul3A_1200 : vector<16xf32>
        %get3A_1202 = arith.index_cast %add3A_1130 : i32 to index
        %get3A_1203 = arith.constant 80 : index
        %get3A_1204 = tpu.vector_load %arg10[%get3A_1202, %get3A_1203] {strides = array<i32>} : memref<128x128xf32, #tpu.memory_space<vmem>>, vector<16xf32>,
        %get3A_1205 = arith.index_cast %squeeze3A_1132 : i32 to index
        %get3A_1206 = arith.constant 80 : index
        %get3A_1207 = tpu.vector_load %arg9[%get3A_1205, %get3A_1206] {strides = array<i32>} : memref<237x128xf32, #tpu.memory_space<vmem>>, vector<16xf32>,
        %mul3A_1208 = arith.mulf %get3A_1204, %get3A_1207 : vector<16xf32>
        %add3A_1209 = arith.constant 64 : i32
        %add3A_1210 = arith.addi %add3A_1209, %add3A_1130 : i32
        %get3A_1211 = arith.index_cast %add3A_1210 : i32 to index
        %get3A_1212 = arith.constant 80 : index
        %get3A_1213 = tpu.vector_load %arg10[%get3A_1211, %get3A_1212] {strides = array<i32>} : memref<128x128xf32, #tpu.memory_space<vmem>>, vector<16xf32>,
        %mul3A_1214 = arith.mulf %mul3A_1208, %get3A_1213 : vector<16xf32>
        %add3A_1215 = arith.addf %add3A_1201, %mul3A_1214 : vector<16xf32>
        %get3A_1216 = arith.index_cast %add3A_1130 : i32 to index
        %get3A_1217 = arith.constant 96 : index
        %get3A_1218 = tpu.vector_load %arg10[%get3A_1216, %get3A_1217] {strides = array<i32>} : memref<128x128xf32, #tpu.memory_space<vmem>>, vector<16xf32>,
        %get3A_1219 = arith.index_cast %squeeze3A_1132 : i32 to index
        %get3A_1220 = arith.constant 96 : index
        %get3A_1221 = tpu.vector_load %arg9[%get3A_1219, %get3A_1220] {strides = array<i32>} : memref<237x128xf32, #tpu.memory_space<vmem>>, vector<16xf32>,
        %mul3A_1222 = arith.mulf %get3A_1218, %get3A_1221 : vector<16xf32>
        %add3A_1223 = arith.constant 64 : i32
        %add3A_1224 = arith.addi %add3A_1223, %add3A_1130 : i32
        %get3A_1225 = arith.index_cast %add3A_1224 : i32 to index
        %get3A_1226 = arith.constant 96 : index
        %get3A_1227 = tpu.vector_load %arg10[%get3A_1225, %get3A_1226] {strides = array<i32>} : memref<128x128xf32, #tpu.memory_space<vmem>>, vector<16xf32>,
        %mul3A_1228 = arith.mulf %mul3A_1222, %get3A_1227 : vector<16xf32>
        %add3A_1229 = arith.addf %add3A_1215, %mul3A_1228 : vector<16xf32>
        %get3A_1230 = arith.index_cast %add3A_1130 : i32 to index
        %get3A_1231 = arith.constant 112 : index
        %get3A_1232 = tpu.vector_load %arg10[%get3A_1230, %get3A_1231] {strides = array<i32>} : memref<128x128xf32, #tpu.memory_space<vmem>>, vector<16xf32>,
        %get3A_1233 = arith.index_cast %squeeze3A_1132 : i32 to index
        %get3A_1234 = arith.constant 112 : index
        %get3A_1235 = tpu.vector_load %arg9[%get3A_1233, %get3A_1234] {strides = array<i32>} : memref<237x128xf32, #tpu.memory_space<vmem>>, vector<16xf32>,
        %mul3A_1236 = arith.mulf %get3A_1232, %get3A_1235 : vector<16xf32>
        %add3A_1237 = arith.constant 64 : i32
        %add3A_1238 = arith.addi %add3A_1237, %add3A_1130 : i32
        %get3A_1239 = arith.index_cast %add3A_1238 : i32 to index
        %get3A_1240 = arith.constant 112 : index
        %get3A_1241 = tpu.vector_load %arg10[%get3A_1239, %get3A_1240] {strides = array<i32>} : memref<128x128xf32, #tpu.memory_space<vmem>>, vector<16xf32>,
        %mul3A_1242 = arith.mulf %mul3A_1236, %get3A_1241 : vector<16xf32>
        %add3A_1243 = arith.addf %add3A_1229, %mul3A_1242 : vector<16xf32>
        %swap3A_1244 = arith.constant 9 : i32
        %swap3A_1245 = arith.index_cast %swap3A_1244 : i32 to index
        %swap3A_1246 = arith.constant 0 : index
        %swap3A_1247 = tpu.vector_load %arg12[%swap3A_1245, %swap3A_1246] {strides = array<i32>} : memref<16x16xf32, #tpu.memory_space<vmem>>, vector<16xf32>,
        tpu.vector_store %arg12[%swap3A_1245, %swap3A_1246], %add3A_1243 {strides = array<i32>} : memref<16x16xf32, #tpu.memory_space<vmem>>, vector<16xf32>,
        %add3A_1248 = arith.constant 10 : i32
        %add3A_1249 = arith.addi %mul3A_58, %add3A_1248 : i32
        %slice3A_1250 = vector.extract_strided_slice %get3A_60 {offsets = [10], sizes = [1], strides = [1]} : vector<16xi32> to vector<1xi32>
        %squeeze3A_1251 = vector.extract %slice3A_1250[0] : i32 from vector<1xi32>
        %get3A_1252 = arith.index_cast %add3A_1249 : i32 to index
        %get3A_1253 = arith.constant 0 : index
        %get3A_1254 = tpu.vector_load %arg10[%get3A_1252, %get3A_1253] {strides = array<i32>} : memref<128x128xf32, #tpu.memory_space<vmem>>, vector<16xf32>,
        %get3A_1255 = arith.index_cast %squeeze3A_1251 : i32 to index
        %get3A_1256 = arith.constant 0 : index
        %get3A_1257 = tpu.vector_load %arg9[%get3A_1255, %get3A_1256] {strides = array<i32>} : memref<237x128xf32, #tpu.memory_space<vmem>>, vector<16xf32>,
        %mul3A_1258 = arith.mulf %get3A_1254, %get3A_1257 : vector<16xf32>
        %add3A_1259 = arith.constant 64 : i32
        %add3A_1260 = arith.addi %add3A_1259, %add3A_1249 : i32
        %get3A_1261 = arith.index_cast %add3A_1260 : i32 to index
        %get3A_1262 = arith.constant 0 : index
        %get3A_1263 = tpu.vector_load %arg10[%get3A_1261, %get3A_1262] {strides = array<i32>} : memref<128x128xf32, #tpu.memory_space<vmem>>, vector<16xf32>,
        %mul3A_1264 = arith.mulf %mul3A_1258, %get3A_1263 : vector<16xf32>
        %get3A_1265 = arith.index_cast %add3A_1249 : i32 to index
        %get3A_1266 = arith.constant 16 : index
        %get3A_1267 = tpu.vector_load %arg10[%get3A_1265, %get3A_1266] {strides = array<i32>} : memref<128x128xf32, #tpu.memory_space<vmem>>, vector<16xf32>,
        %get3A_1268 = arith.index_cast %squeeze3A_1251 : i32 to index
        %get3A_1269 = arith.constant 16 : index
        %get3A_1270 = tpu.vector_load %arg9[%get3A_1268, %get3A_1269] {strides = array<i32>} : memref<237x128xf32, #tpu.memory_space<vmem>>, vector<16xf32>,
        %mul3A_1271 = arith.mulf %get3A_1267, %get3A_1270 : vector<16xf32>
        %add3A_1272 = arith.constant 64 : i32
        %add3A_1273 = arith.addi %add3A_1272, %add3A_1249 : i32
        %get3A_1274 = arith.index_cast %add3A_1273 : i32 to index
        %get3A_1275 = arith.constant 16 : index
        %get3A_1276 = tpu.vector_load %arg10[%get3A_1274, %get3A_1275] {strides = array<i32>} : memref<128x128xf32, #tpu.memory_space<vmem>>, vector<16xf32>,
        %mul3A_1277 = arith.mulf %mul3A_1271, %get3A_1276 : vector<16xf32>
        %add3A_1278 = arith.addf %mul3A_1264, %mul3A_1277 : vector<16xf32>
        %get3A_1279 = arith.index_cast %add3A_1249 : i32 to index
        %get3A_1280 = arith.constant 32 : index
        %get3A_1281 = tpu.vector_load %arg10[%get3A_1279, %get3A_1280] {strides = array<i32>} : memref<128x128xf32, #tpu.memory_space<vmem>>, vector<16xf32>,
        %get3A_1282 = arith.index_cast %squeeze3A_1251 : i32 to index
        %get3A_1283 = arith.constant 32 : index
        %get3A_1284 = tpu.vector_load %arg9[%get3A_1282, %get3A_1283] {strides = array<i32>} : memref<237x128xf32, #tpu.memory_space<vmem>>, vector<16xf32>,
        %mul3A_1285 = arith.mulf %get3A_1281, %get3A_1284 : vector<16xf32>
        %add3A_1286 = arith.constant 64 : i32
        %add3A_1287 = arith.addi %add3A_1286, %add3A_1249 : i32
        %get3A_1288 = arith.index_cast %add3A_1287 : i32 to index
        %get3A_1289 = arith.constant 32 : index
        %get3A_1290 = tpu.vector_load %arg10[%get3A_1288, %get3A_1289] {strides = array<i32>} : memref<128x128xf32, #tpu.memory_space<vmem>>, vector<16xf32>,
        %mul3A_1291 = arith.mulf %mul3A_1285, %get3A_1290 : vector<16xf32>
        %add3A_1292 = arith.addf %add3A_1278, %mul3A_1291 : vector<16xf32>
        %get3A_1293 = arith.index_cast %add3A_1249 : i32 to index
        %get3A_1294 = arith.constant 48 : index
        %get3A_1295 = tpu.vector_load %arg10[%get3A_1293, %get3A_1294] {strides = array<i32>} : memref<128x128xf32, #tpu.memory_space<vmem>>, vector<16xf32>,
        %get3A_1296 = arith.index_cast %squeeze3A_1251 : i32 to index
        %get3A_1297 = arith.constant 48 : index
        %get3A_1298 = tpu.vector_load %arg9[%get3A_1296, %get3A_1297] {strides = array<i32>} : memref<237x128xf32, #tpu.memory_space<vmem>>, vector<16xf32>,
        %mul3A_1299 = arith.mulf %get3A_1295, %get3A_1298 : vector<16xf32>
        %add3A_1300 = arith.constant 64 : i32
        %add3A_1301 = arith.addi %add3A_1300, %add3A_1249 : i32
        %get3A_1302 = arith.index_cast %add3A_1301 : i32 to index
        %get3A_1303 = arith.constant 48 : index
        %get3A_1304 = tpu.vector_load %arg10[%get3A_1302, %get3A_1303] {strides = array<i32>} : memref<128x128xf32, #tpu.memory_space<vmem>>, vector<16xf32>,
        %mul3A_1305 = arith.mulf %mul3A_1299, %get3A_1304 : vector<16xf32>
        %add3A_1306 = arith.addf %add3A_1292, %mul3A_1305 : vector<16xf32>
        %get3A_1307 = arith.index_cast %add3A_1249 : i32 to index
        %get3A_1308 = arith.constant 64 : index
        %get3A_1309 = tpu.vector_load %arg10[%get3A_1307, %get3A_1308] {strides = array<i32>} : memref<128x128xf32, #tpu.memory_space<vmem>>, vector<16xf32>,
        %get3A_1310 = arith.index_cast %squeeze3A_1251 : i32 to index
        %get3A_1311 = arith.constant 64 : index
        %get3A_1312 = tpu.vector_load %arg9[%get3A_1310, %get3A_1311] {strides = array<i32>} : memref<237x128xf32, #tpu.memory_space<vmem>>, vector<16xf32>,
        %mul3A_1313 = arith.mulf %get3A_1309, %get3A_1312 : vector<16xf32>
        %add3A_1314 = arith.constant 64 : i32
        %add3A_1315 = arith.addi %add3A_1314, %add3A_1249 : i32
        %get3A_1316 = arith.index_cast %add3A_1315 : i32 to index
        %get3A_1317 = arith.constant 64 : index
        %get3A_1318 = tpu.vector_load %arg10[%get3A_1316, %get3A_1317] {strides = array<i32>} : memref<128x128xf32, #tpu.memory_space<vmem>>, vector<16xf32>,
        %mul3A_1319 = arith.mulf %mul3A_1313, %get3A_1318 : vector<16xf32>
        %add3A_1320 = arith.addf %add3A_1306, %mul3A_1319 : vector<16xf32>
        %get3A_1321 = arith.index_cast %add3A_1249 : i32 to index
        %get3A_1322 = arith.constant 80 : index
        %get3A_1323 = tpu.vector_load %arg10[%get3A_1321, %get3A_1322] {strides = array<i32>} : memref<128x128xf32, #tpu.memory_space<vmem>>, vector<16xf32>,
        %get3A_1324 = arith.index_cast %squeeze3A_1251 : i32 to index
        %get3A_1325 = arith.constant 80 : index
        %get3A_1326 = tpu.vector_load %arg9[%get3A_1324, %get3A_1325] {strides = array<i32>} : memref<237x128xf32, #tpu.memory_space<vmem>>, vector<16xf32>,
        %mul3A_1327 = arith.mulf %get3A_1323, %get3A_1326 : vector<16xf32>
        %add3A_1328 = arith.constant 64 : i32
        %add3A_1329 = arith.addi %add3A_1328, %add3A_1249 : i32
        %get3A_1330 = arith.index_cast %add3A_1329 : i32 to index
        %get3A_1331 = arith.constant 80 : index
        %get3A_1332 = tpu.vector_load %arg10[%get3A_1330, %get3A_1331] {strides = array<i32>} : memref<128x128xf32, #tpu.memory_space<vmem>>, vector<16xf32>,
        %mul3A_1333 = arith.mulf %mul3A_1327, %get3A_1332 : vector<16xf32>
        %add3A_1334 = arith.addf %add3A_1320, %mul3A_1333 : vector<16xf32>
        %get3A_1335 = arith.index_cast %add3A_1249 : i32 to index
        %get3A_1336 = arith.constant 96 : index
        %get3A_1337 = tpu.vector_load %arg10[%get3A_1335, %get3A_1336] {strides = array<i32>} : memref<128x128xf32, #tpu.memory_space<vmem>>, vector<16xf32>,
        %get3A_1338 = arith.index_cast %squeeze3A_1251 : i32 to index
        %get3A_1339 = arith.constant 96 : index
        %get3A_1340 = tpu.vector_load %arg9[%get3A_1338, %get3A_1339] {strides = array<i32>} : memref<237x128xf32, #tpu.memory_space<vmem>>, vector<16xf32>,
        %mul3A_1341 = arith.mulf %get3A_1337, %get3A_1340 : vector<16xf32>
        %add3A_1342 = arith.constant 64 : i32
        %add3A_1343 = arith.addi %add3A_1342, %add3A_1249 : i32
        %get3A_1344 = arith.index_cast %add3A_1343 : i32 to index
        %get3A_1345 = arith.constant 96 : index
        %get3A_1346 = tpu.vector_load %arg10[%get3A_1344, %get3A_1345] {strides = array<i32>} : memref<128x128xf32, #tpu.memory_space<vmem>>, vector<16xf32>,
        %mul3A_1347 = arith.mulf %mul3A_1341, %get3A_1346 : vector<16xf32>
        %add3A_1348 = arith.addf %add3A_1334, %mul3A_1347 : vector<16xf32>
        %get3A_1349 = arith.index_cast %add3A_1249 : i32 to index
        %get3A_1350 = arith.constant 112 : index
        %get3A_1351 = tpu.vector_load %arg10[%get3A_1349, %get3A_1350] {strides = array<i32>} : memref<128x128xf32, #tpu.memory_space<vmem>>, vector<16xf32>,
        %get3A_1352 = arith.index_cast %squeeze3A_1251 : i32 to index
        %get3A_1353 = arith.constant 112 : index
        %get3A_1354 = tpu.vector_load %arg9[%get3A_1352, %get3A_1353] {strides = array<i32>} : memref<237x128xf32, #tpu.memory_space<vmem>>, vector<16xf32>,
        %mul3A_1355 = arith.mulf %get3A_1351, %get3A_1354 : vector<16xf32>
        %add3A_1356 = arith.constant 64 : i32
        %add3A_1357 = arith.addi %add3A_1356, %add3A_1249 : i32
        %get3A_1358 = arith.index_cast %add3A_1357 : i32 to index
        %get3A_1359 = arith.constant 112 : index
        %get3A_1360 = tpu.vector_load %arg10[%get3A_1358, %get3A_1359] {strides = array<i32>} : memref<128x128xf32, #tpu.memory_space<vmem>>, vector<16xf32>,
        %mul3A_1361 = arith.mulf %mul3A_1355, %get3A_1360 : vector<16xf32>
        %add3A_1362 = arith.addf %add3A_1348, %mul3A_1361 : vector<16xf32>
        %swap3A_1363 = arith.constant 10 : i32
        %swap3A_1364 = arith.index_cast %swap3A_1363 : i32 to index
        %swap3A_1365 = arith.constant 0 : index
        %swap3A_1366 = tpu.vector_load %arg12[%swap3A_1364, %swap3A_1365] {strides = array<i32>} : memref<16x16xf32, #tpu.memory_space<vmem>>, vector<16xf32>,
        tpu.vector_store %arg12[%swap3A_1364, %swap3A_1365], %add3A_1362 {strides = array<i32>} : memref<16x16xf32, #tpu.memory_space<vmem>>, vector<16xf32>,
        %add3A_1367 = arith.constant 11 : i32
        %add3A_1368 = arith.addi %mul3A_58, %add3A_1367 : i32
        %slice3A_1369 = vector.extract_strided_slice %get3A_60 {offsets = [11], sizes = [1], strides = [1]} : vector<16xi32> to vector<1xi32>
        %squeeze3A_1370 = vector.extract %slice3A_1369[0] : i32 from vector<1xi32>
        %get3A_1371 = arith.index_cast %add3A_1368 : i32 to index
        %get3A_1372 = arith.constant 0 : index
        %get3A_1373 = tpu.vector_load %arg10[%get3A_1371, %get3A_1372] {strides = array<i32>} : memref<128x128xf32, #tpu.memory_space<vmem>>, vector<16xf32>,
        %get3A_1374 = arith.index_cast %squeeze3A_1370 : i32 to index
        %get3A_1375 = arith.constant 0 : index
        %get3A_1376 = tpu.vector_load %arg9[%get3A_1374, %get3A_1375] {strides = array<i32>} : memref<237x128xf32, #tpu.memory_space<vmem>>, vector<16xf32>,
        %mul3A_1377 = arith.mulf %get3A_1373, %get3A_1376 : vector<16xf32>
        %add3A_1378 = arith.constant 64 : i32
        %add3A_1379 = arith.addi %add3A_1378, %add3A_1368 : i32
        %get3A_1380 = arith.index_cast %add3A_1379 : i32 to index
        %get3A_1381 = arith.constant 0 : index
        %get3A_1382 = tpu.vector_load %arg10[%get3A_1380, %get3A_1381] {strides = array<i32>} : memref<128x128xf32, #tpu.memory_space<vmem>>, vector<16xf32>,
        %mul3A_1383 = arith.mulf %mul3A_1377, %get3A_1382 : vector<16xf32>
        %get3A_1384 = arith.index_cast %add3A_1368 : i32 to index
        %get3A_1385 = arith.constant 16 : index
        %get3A_1386 = tpu.vector_load %arg10[%get3A_1384, %get3A_1385] {strides = array<i32>} : memref<128x128xf32, #tpu.memory_space<vmem>>, vector<16xf32>,
        %get3A_1387 = arith.index_cast %squeeze3A_1370 : i32 to index
        %get3A_1388 = arith.constant 16 : index
        %get3A_1389 = tpu.vector_load %arg9[%get3A_1387, %get3A_1388] {strides = array<i32>} : memref<237x128xf32, #tpu.memory_space<vmem>>, vector<16xf32>,
        %mul3A_1390 = arith.mulf %get3A_1386, %get3A_1389 : vector<16xf32>
        %add3A_1391 = arith.constant 64 : i32
        %add3A_1392 = arith.addi %add3A_1391, %add3A_1368 : i32
        %get3A_1393 = arith.index_cast %add3A_1392 : i32 to index
        %get3A_1394 = arith.constant 16 : index
        %get3A_1395 = tpu.vector_load %arg10[%get3A_1393, %get3A_1394] {strides = array<i32>} : memref<128x128xf32, #tpu.memory_space<vmem>>, vector<16xf32>,
        %mul3A_1396 = arith.mulf %mul3A_1390, %get3A_1395 : vector<16xf32>
        %add3A_1397 = arith.addf %mul3A_1383, %mul3A_1396 : vector<16xf32>
        %get3A_1398 = arith.index_cast %add3A_1368 : i32 to index
        %get3A_1399 = arith.constant 32 : index
        %get3A_1400 = tpu.vector_load %arg10[%get3A_1398, %get3A_1399] {strides = array<i32>} : memref<128x128xf32, #tpu.memory_space<vmem>>, vector<16xf32>,
        %get3A_1401 = arith.index_cast %squeeze3A_1370 : i32 to index
        %get3A_1402 = arith.constant 32 : index
        %get3A_1403 = tpu.vector_load %arg9[%get3A_1401, %get3A_1402] {strides = array<i32>} : memref<237x128xf32, #tpu.memory_space<vmem>>, vector<16xf32>,
        %mul3A_1404 = arith.mulf %get3A_1400, %get3A_1403 : vector<16xf32>
        %add3A_1405 = arith.constant 64 : i32
        %add3A_1406 = arith.addi %add3A_1405, %add3A_1368 : i32
        %get3A_1407 = arith.index_cast %add3A_1406 : i32 to index
        %get3A_1408 = arith.constant 32 : index
        %get3A_1409 = tpu.vector_load %arg10[%get3A_1407, %get3A_1408] {strides = array<i32>} : memref<128x128xf32, #tpu.memory_space<vmem>>, vector<16xf32>,
        %mul3A_1410 = arith.mulf %mul3A_1404, %get3A_1409 : vector<16xf32>
        %add3A_1411 = arith.addf %add3A_1397, %mul3A_1410 : vector<16xf32>
        %get3A_1412 = arith.index_cast %add3A_1368 : i32 to index
        %get3A_1413 = arith.constant 48 : index
        %get3A_1414 = tpu.vector_load %arg10[%get3A_1412, %get3A_1413] {strides = array<i32>} : memref<128x128xf32, #tpu.memory_space<vmem>>, vector<16xf32>,
        %get3A_1415 = arith.index_cast %squeeze3A_1370 : i32 to index
        %get3A_1416 = arith.constant 48 : index
        %get3A_1417 = tpu.vector_load %arg9[%get3A_1415, %get3A_1416] {strides = array<i32>} : memref<237x128xf32, #tpu.memory_space<vmem>>, vector<16xf32>,
        %mul3A_1418 = arith.mulf %get3A_1414, %get3A_1417 : vector<16xf32>
        %add3A_1419 = arith.constant 64 : i32
        %add3A_1420 = arith.addi %add3A_1419, %add3A_1368 : i32
        %get3A_1421 = arith.index_cast %add3A_1420 : i32 to index
        %get3A_1422 = arith.constant 48 : index
        %get3A_1423 = tpu.vector_load %arg10[%get3A_1421, %get3A_1422] {strides = array<i32>} : memref<128x128xf32, #tpu.memory_space<vmem>>, vector<16xf32>,
        %mul3A_1424 = arith.mulf %mul3A_1418, %get3A_1423 : vector<16xf32>
        %add3A_1425 = arith.addf %add3A_1411, %mul3A_1424 : vector<16xf32>
        %get3A_1426 = arith.index_cast %add3A_1368 : i32 to index
        %get3A_1427 = arith.constant 64 : index
        %get3A_1428 = tpu.vector_load %arg10[%get3A_1426, %get3A_1427] {strides = array<i32>} : memref<128x128xf32, #tpu.memory_space<vmem>>, vector<16xf32>,
        %get3A_1429 = arith.index_cast %squeeze3A_1370 : i32 to index
        %get3A_1430 = arith.constant 64 : index
        %get3A_1431 = tpu.vector_load %arg9[%get3A_1429, %get3A_1430] {strides = array<i32>} : memref<237x128xf32, #tpu.memory_space<vmem>>, vector<16xf32>,
        %mul3A_1432 = arith.mulf %get3A_1428, %get3A_1431 : vector<16xf32>
        %add3A_1433 = arith.constant 64 : i32
        %add3A_1434 = arith.addi %add3A_1433, %add3A_1368 : i32
        %get3A_1435 = arith.index_cast %add3A_1434 : i32 to index
        %get3A_1436 = arith.constant 64 : index
        %get3A_1437 = tpu.vector_load %arg10[%get3A_1435, %get3A_1436] {strides = array<i32>} : memref<128x128xf32, #tpu.memory_space<vmem>>, vector<16xf32>,
        %mul3A_1438 = arith.mulf %mul3A_1432, %get3A_1437 : vector<16xf32>
        %add3A_1439 = arith.addf %add3A_1425, %mul3A_1438 : vector<16xf32>
        %get3A_1440 = arith.index_cast %add3A_1368 : i32 to index
        %get3A_1441 = arith.constant 80 : index
        %get3A_1442 = tpu.vector_load %arg10[%get3A_1440, %get3A_1441] {strides = array<i32>} : memref<128x128xf32, #tpu.memory_space<vmem>>, vector<16xf32>,
        %get3A_1443 = arith.index_cast %squeeze3A_1370 : i32 to index
        %get3A_1444 = arith.constant 80 : index
        %get3A_1445 = tpu.vector_load %arg9[%get3A_1443, %get3A_1444] {strides = array<i32>} : memref<237x128xf32, #tpu.memory_space<vmem>>, vector<16xf32>,
        %mul3A_1446 = arith.mulf %get3A_1442, %get3A_1445 : vector<16xf32>
        %add3A_1447 = arith.constant 64 : i32
        %add3A_1448 = arith.addi %add3A_1447, %add3A_1368 : i32
        %get3A_1449 = arith.index_cast %add3A_1448 : i32 to index
        %get3A_1450 = arith.constant 80 : index
        %get3A_1451 = tpu.vector_load %arg10[%get3A_1449, %get3A_1450] {strides = array<i32>} : memref<128x128xf32, #tpu.memory_space<vmem>>, vector<16xf32>,
        %mul3A_1452 = arith.mulf %mul3A_1446, %get3A_1451 : vector<16xf32>
        %add3A_1453 = arith.addf %add3A_1439, %mul3A_1452 : vector<16xf32>
        %get3A_1454 = arith.index_cast %add3A_1368 : i32 to index
        %get3A_1455 = arith.constant 96 : index
        %get3A_1456 = tpu.vector_load %arg10[%get3A_1454, %get3A_1455] {strides = array<i32>} : memref<128x128xf32, #tpu.memory_space<vmem>>, vector<16xf32>,
        %get3A_1457 = arith.index_cast %squeeze3A_1370 : i32 to index
        %get3A_1458 = arith.constant 96 : index
        %get3A_1459 = tpu.vector_load %arg9[%get3A_1457, %get3A_1458] {strides = array<i32>} : memref<237x128xf32, #tpu.memory_space<vmem>>, vector<16xf32>,
        %mul3A_1460 = arith.mulf %get3A_1456, %get3A_1459 : vector<16xf32>
        %add3A_1461 = arith.constant 64 : i32
        %add3A_1462 = arith.addi %add3A_1461, %add3A_1368 : i32
        %get3A_1463 = arith.index_cast %add3A_1462 : i32 to index
        %get3A_1464 = arith.constant 96 : index
        %get3A_1465 = tpu.vector_load %arg10[%get3A_1463, %get3A_1464] {strides = array<i32>} : memref<128x128xf32, #tpu.memory_space<vmem>>, vector<16xf32>,
        %mul3A_1466 = arith.mulf %mul3A_1460, %get3A_1465 : vector<16xf32>
        %add3A_1467 = arith.addf %add3A_1453, %mul3A_1466 : vector<16xf32>
        %get3A_1468 = arith.index_cast %add3A_1368 : i32 to index
        %get3A_1469 = arith.constant 112 : index
        %get3A_1470 = tpu.vector_load %arg10[%get3A_1468, %get3A_1469] {strides = array<i32>} : memref<128x128xf32, #tpu.memory_space<vmem>>, vector<16xf32>,
        %get3A_1471 = arith.index_cast %squeeze3A_1370 : i32 to index
        %get3A_1472 = arith.constant 112 : index
        %get3A_1473 = tpu.vector_load %arg9[%get3A_1471, %get3A_1472] {strides = array<i32>} : memref<237x128xf32, #tpu.memory_space<vmem>>, vector<16xf32>,
        %mul3A_1474 = arith.mulf %get3A_1470, %get3A_1473 : vector<16xf32>
        %add3A_1475 = arith.constant 64 : i32
        %add3A_1476 = arith.addi %add3A_1475, %add3A_1368 : i32
        %get3A_1477 = arith.index_cast %add3A_1476 : i32 to index
        %get3A_1478 = arith.constant 112 : index
        %get3A_1479 = tpu.vector_load %arg10[%get3A_1477, %get3A_1478] {strides = array<i32>} : memref<128x128xf32, #tpu.memory_space<vmem>>, vector<16xf32>,
        %mul3A_1480 = arith.mulf %mul3A_1474, %get3A_1479 : vector<16xf32>
        %add3A_1481 = arith.addf %add3A_1467, %mul3A_1480 : vector<16xf32>
        %swap3A_1482 = arith.constant 11 : i32
        %swap3A_1483 = arith.index_cast %swap3A_1482 : i32 to index
        %swap3A_1484 = arith.constant 0 : index
        %swap3A_1485 = tpu.vector_load %arg12[%swap3A_1483, %swap3A_1484] {strides = array<i32>} : memref<16x16xf32, #tpu.memory_space<vmem>>, vector<16xf32>,
        tpu.vector_store %arg12[%swap3A_1483, %swap3A_1484], %add3A_1481 {strides = array<i32>} : memref<16x16xf32, #tpu.memory_space<vmem>>, vector<16xf32>,
        %add3A_1486 = arith.constant 12 : i32
        %add3A_1487 = arith.addi %mul3A_58, %add3A_1486 : i32
        %slice3A_1488 = vector.extract_strided_slice %get3A_60 {offsets = [12], sizes = [1], strides = [1]} : vector<16xi32> to vector<1xi32>
        %squeeze3A_1489 = vector.extract %slice3A_1488[0] : i32 from vector<1xi32>
        %get3A_1490 = arith.index_cast %add3A_1487 : i32 to index
        %get3A_1491 = arith.constant 0 : index
        %get3A_1492 = tpu.vector_load %arg10[%get3A_1490, %get3A_1491] {strides = array<i32>} : memref<128x128xf32, #tpu.memory_space<vmem>>, vector<16xf32>,
        %get3A_1493 = arith.index_cast %squeeze3A_1489 : i32 to index
        %get3A_1494 = arith.constant 0 : index
        %get3A_1495 = tpu.vector_load %arg9[%get3A_1493, %get3A_1494] {strides = array<i32>} : memref<237x128xf32, #tpu.memory_space<vmem>>, vector<16xf32>,
        %mul3A_1496 = arith.mulf %get3A_1492, %get3A_1495 : vector<16xf32>
        %add3A_1497 = arith.constant 64 : i32
        %add3A_1498 = arith.addi %add3A_1497, %add3A_1487 : i32
        %get3A_1499 = arith.index_cast %add3A_1498 : i32 to index
        %get3A_1500 = arith.constant 0 : index
        %get3A_1501 = tpu.vector_load %arg10[%get3A_1499, %get3A_1500] {strides = array<i32>} : memref<128x128xf32, #tpu.memory_space<vmem>>, vector<16xf32>,
        %mul3A_1502 = arith.mulf %mul3A_1496, %get3A_1501 : vector<16xf32>
        %get3A_1503 = arith.index_cast %add3A_1487 : i32 to index
        %get3A_1504 = arith.constant 16 : index
        %get3A_1505 = tpu.vector_load %arg10[%get3A_1503, %get3A_1504] {strides = array<i32>} : memref<128x128xf32, #tpu.memory_space<vmem>>, vector<16xf32>,
        %get3A_1506 = arith.index_cast %squeeze3A_1489 : i32 to index
        %get3A_1507 = arith.constant 16 : index
        %get3A_1508 = tpu.vector_load %arg9[%get3A_1506, %get3A_1507] {strides = array<i32>} : memref<237x128xf32, #tpu.memory_space<vmem>>, vector<16xf32>,
        %mul3A_1509 = arith.mulf %get3A_1505, %get3A_1508 : vector<16xf32>
        %add3A_1510 = arith.constant 64 : i32
        %add3A_1511 = arith.addi %add3A_1510, %add3A_1487 : i32
        %get3A_1512 = arith.index_cast %add3A_1511 : i32 to index
        %get3A_1513 = arith.constant 16 : index
        %get3A_1514 = tpu.vector_load %arg10[%get3A_1512, %get3A_1513] {strides = array<i32>} : memref<128x128xf32, #tpu.memory_space<vmem>>, vector<16xf32>,
        %mul3A_1515 = arith.mulf %mul3A_1509, %get3A_1514 : vector<16xf32>
        %add3A_1516 = arith.addf %mul3A_1502, %mul3A_1515 : vector<16xf32>
        %get3A_1517 = arith.index_cast %add3A_1487 : i32 to index
        %get3A_1518 = arith.constant 32 : index
        %get3A_1519 = tpu.vector_load %arg10[%get3A_1517, %get3A_1518] {strides = array<i32>} : memref<128x128xf32, #tpu.memory_space<vmem>>, vector<16xf32>,
        %get3A_1520 = arith.index_cast %squeeze3A_1489 : i32 to index
        %get3A_1521 = arith.constant 32 : index
        %get3A_1522 = tpu.vector_load %arg9[%get3A_1520, %get3A_1521] {strides = array<i32>} : memref<237x128xf32, #tpu.memory_space<vmem>>, vector<16xf32>,
        %mul3A_1523 = arith.mulf %get3A_1519, %get3A_1522 : vector<16xf32>
        %add3A_1524 = arith.constant 64 : i32
        %add3A_1525 = arith.addi %add3A_1524, %add3A_1487 : i32
        %get3A_1526 = arith.index_cast %add3A_1525 : i32 to index
        %get3A_1527 = arith.constant 32 : index
        %get3A_1528 = tpu.vector_load %arg10[%get3A_1526, %get3A_1527] {strides = array<i32>} : memref<128x128xf32, #tpu.memory_space<vmem>>, vector<16xf32>,
        %mul3A_1529 = arith.mulf %mul3A_1523, %get3A_1528 : vector<16xf32>
        %add3A_1530 = arith.addf %add3A_1516, %mul3A_1529 : vector<16xf32>
        %get3A_1531 = arith.index_cast %add3A_1487 : i32 to index
        %get3A_1532 = arith.constant 48 : index
        %get3A_1533 = tpu.vector_load %arg10[%get3A_1531, %get3A_1532] {strides = array<i32>} : memref<128x128xf32, #tpu.memory_space<vmem>>, vector<16xf32>,
        %get3A_1534 = arith.index_cast %squeeze3A_1489 : i32 to index
        %get3A_1535 = arith.constant 48 : index
        %get3A_1536 = tpu.vector_load %arg9[%get3A_1534, %get3A_1535] {strides = array<i32>} : memref<237x128xf32, #tpu.memory_space<vmem>>, vector<16xf32>,
        %mul3A_1537 = arith.mulf %get3A_1533, %get3A_1536 : vector<16xf32>
        %add3A_1538 = arith.constant 64 : i32
        %add3A_1539 = arith.addi %add3A_1538, %add3A_1487 : i32
        %get3A_1540 = arith.index_cast %add3A_1539 : i32 to index
        %get3A_1541 = arith.constant 48 : index
        %get3A_1542 = tpu.vector_load %arg10[%get3A_1540, %get3A_1541] {strides = array<i32>} : memref<128x128xf32, #tpu.memory_space<vmem>>, vector<16xf32>,
        %mul3A_1543 = arith.mulf %mul3A_1537, %get3A_1542 : vector<16xf32>
        %add3A_1544 = arith.addf %add3A_1530, %mul3A_1543 : vector<16xf32>
        %get3A_1545 = arith.index_cast %add3A_1487 : i32 to index
        %get3A_1546 = arith.constant 64 : index
        %get3A_1547 = tpu.vector_load %arg10[%get3A_1545, %get3A_1546] {strides = array<i32>} : memref<128x128xf32, #tpu.memory_space<vmem>>, vector<16xf32>,
        %get3A_1548 = arith.index_cast %squeeze3A_1489 : i32 to index
        %get3A_1549 = arith.constant 64 : index
        %get3A_1550 = tpu.vector_load %arg9[%get3A_1548, %get3A_1549] {strides = array<i32>} : memref<237x128xf32, #tpu.memory_space<vmem>>, vector<16xf32>,
        %mul3A_1551 = arith.mulf %get3A_1547, %get3A_1550 : vector<16xf32>
        %add3A_1552 = arith.constant 64 : i32
        %add3A_1553 = arith.addi %add3A_1552, %add3A_1487 : i32
        %get3A_1554 = arith.index_cast %add3A_1553 : i32 to index
        %get3A_1555 = arith.constant 64 : index
        %get3A_1556 = tpu.vector_load %arg10[%get3A_1554, %get3A_1555] {strides = array<i32>} : memref<128x128xf32, #tpu.memory_space<vmem>>, vector<16xf32>,
        %mul3A_1557 = arith.mulf %mul3A_1551, %get3A_1556 : vector<16xf32>
        %add3A_1558 = arith.addf %add3A_1544, %mul3A_1557 : vector<16xf32>
        %get3A_1559 = arith.index_cast %add3A_1487 : i32 to index
        %get3A_1560 = arith.constant 80 : index
        %get3A_1561 = tpu.vector_load %arg10[%get3A_1559, %get3A_1560] {strides = array<i32>} : memref<128x128xf32, #tpu.memory_space<vmem>>, vector<16xf32>,
        %get3A_1562 = arith.index_cast %squeeze3A_1489 : i32 to index
        %get3A_1563 = arith.constant 80 : index
        %get3A_1564 = tpu.vector_load %arg9[%get3A_1562, %get3A_1563] {strides = array<i32>} : memref<237x128xf32, #tpu.memory_space<vmem>>, vector<16xf32>,
        %mul3A_1565 = arith.mulf %get3A_1561, %get3A_1564 : vector<16xf32>
        %add3A_1566 = arith.constant 64 : i32
        %add3A_1567 = arith.addi %add3A_1566, %add3A_1487 : i32
        %get3A_1568 = arith.index_cast %add3A_1567 : i32 to index
        %get3A_1569 = arith.constant 80 : index
        %get3A_1570 = tpu.vector_load %arg10[%get3A_1568, %get3A_1569] {strides = array<i32>} : memref<128x128xf32, #tpu.memory_space<vmem>>, vector<16xf32>,
        %mul3A_1571 = arith.mulf %mul3A_1565, %get3A_1570 : vector<16xf32>
        %add3A_1572 = arith.addf %add3A_1558, %mul3A_1571 : vector<16xf32>
        %get3A_1573 = arith.index_cast %add3A_1487 : i32 to index
        %get3A_1574 = arith.constant 96 : index
        %get3A_1575 = tpu.vector_load %arg10[%get3A_1573, %get3A_1574] {strides = array<i32>} : memref<128x128xf32, #tpu.memory_space<vmem>>, vector<16xf32>,
        %get3A_1576 = arith.index_cast %squeeze3A_1489 : i32 to index
        %get3A_1577 = arith.constant 96 : index
        %get3A_1578 = tpu.vector_load %arg9[%get3A_1576, %get3A_1577] {strides = array<i32>} : memref<237x128xf32, #tpu.memory_space<vmem>>, vector<16xf32>,
        %mul3A_1579 = arith.mulf %get3A_1575, %get3A_1578 : vector<16xf32>
        %add3A_1580 = arith.constant 64 : i32
        %add3A_1581 = arith.addi %add3A_1580, %add3A_1487 : i32
        %get3A_1582 = arith.index_cast %add3A_1581 : i32 to index
        %get3A_1583 = arith.constant 96 : index
        %get3A_1584 = tpu.vector_load %arg10[%get3A_1582, %get3A_1583] {strides = array<i32>} : memref<128x128xf32, #tpu.memory_space<vmem>>, vector<16xf32>,
        %mul3A_1585 = arith.mulf %mul3A_1579, %get3A_1584 : vector<16xf32>
        %add3A_1586 = arith.addf %add3A_1572, %mul3A_1585 : vector<16xf32>
        %get3A_1587 = arith.index_cast %add3A_1487 : i32 to index
        %get3A_1588 = arith.constant 112 : index
        %get3A_1589 = tpu.vector_load %arg10[%get3A_1587, %get3A_1588] {strides = array<i32>} : memref<128x128xf32, #tpu.memory_space<vmem>>, vector<16xf32>,
        %get3A_1590 = arith.index_cast %squeeze3A_1489 : i32 to index
        %get3A_1591 = arith.constant 112 : index
        %get3A_1592 = tpu.vector_load %arg9[%get3A_1590, %get3A_1591] {strides = array<i32>} : memref<237x128xf32, #tpu.memory_space<vmem>>, vector<16xf32>,
        %mul3A_1593 = arith.mulf %get3A_1589, %get3A_1592 : vector<16xf32>
        %add3A_1594 = arith.constant 64 : i32
        %add3A_1595 = arith.addi %add3A_1594, %add3A_1487 : i32
        %get3A_1596 = arith.index_cast %add3A_1595 : i32 to index
        %get3A_1597 = arith.constant 112 : index
        %get3A_1598 = tpu.vector_load %arg10[%get3A_1596, %get3A_1597] {strides = array<i32>} : memref<128x128xf32, #tpu.memory_space<vmem>>, vector<16xf32>,
        %mul3A_1599 = arith.mulf %mul3A_1593, %get3A_1598 : vector<16xf32>
        %add3A_1600 = arith.addf %add3A_1586, %mul3A_1599 : vector<16xf32>
        %swap3A_1601 = arith.constant 12 : i32
        %swap3A_1602 = arith.index_cast %swap3A_1601 : i32 to index
        %swap3A_1603 = arith.constant 0 : index
        %swap3A_1604 = tpu.vector_load %arg12[%swap3A_1602, %swap3A_1603] {strides = array<i32>} : memref<16x16xf32, #tpu.memory_space<vmem>>, vector<16xf32>,
        tpu.vector_store %arg12[%swap3A_1602, %swap3A_1603], %add3A_1600 {strides = array<i32>} : memref<16x16xf32, #tpu.memory_space<vmem>>, vector<16xf32>,
        %add3A_1605 = arith.constant 13 : i32
        %add3A_1606 = arith.addi %mul3A_58, %add3A_1605 : i32
        %slice3A_1607 = vector.extract_strided_slice %get3A_60 {offsets = [13], sizes = [1], strides = [1]} : vector<16xi32> to vector<1xi32>
        %squeeze3A_1608 = vector.extract %slice3A_1607[0] : i32 from vector<1xi32>
        %get3A_1609 = arith.index_cast %add3A_1606 : i32 to index
        %get3A_1610 = arith.constant 0 : index
        %get3A_1611 = tpu.vector_load %arg10[%get3A_1609, %get3A_1610] {strides = array<i32>} : memref<128x128xf32, #tpu.memory_space<vmem>>, vector<16xf32>,
        %get3A_1612 = arith.index_cast %squeeze3A_1608 : i32 to index
        %get3A_1613 = arith.constant 0 : index
        %get3A_1614 = tpu.vector_load %arg9[%get3A_1612, %get3A_1613] {strides = array<i32>} : memref<237x128xf32, #tpu.memory_space<vmem>>, vector<16xf32>,
        %mul3A_1615 = arith.mulf %get3A_1611, %get3A_1614 : vector<16xf32>
        %add3A_1616 = arith.constant 64 : i32
        %add3A_1617 = arith.addi %add3A_1616, %add3A_1606 : i32
        %get3A_1618 = arith.index_cast %add3A_1617 : i32 to index
        %get3A_1619 = arith.constant 0 : index
        %get3A_1620 = tpu.vector_load %arg10[%get3A_1618, %get3A_1619] {strides = array<i32>} : memref<128x128xf32, #tpu.memory_space<vmem>>, vector<16xf32>,
        %mul3A_1621 = arith.mulf %mul3A_1615, %get3A_1620 : vector<16xf32>
        %get3A_1622 = arith.index_cast %add3A_1606 : i32 to index
        %get3A_1623 = arith.constant 16 : index
        %get3A_1624 = tpu.vector_load %arg10[%get3A_1622, %get3A_1623] {strides = array<i32>} : memref<128x128xf32, #tpu.memory_space<vmem>>, vector<16xf32>,
        %get3A_1625 = arith.index_cast %squeeze3A_1608 : i32 to index
        %get3A_1626 = arith.constant 16 : index
        %get3A_1627 = tpu.vector_load %arg9[%get3A_1625, %get3A_1626] {strides = array<i32>} : memref<237x128xf32, #tpu.memory_space<vmem>>, vector<16xf32>,
        %mul3A_1628 = arith.mulf %get3A_1624, %get3A_1627 : vector<16xf32>
        %add3A_1629 = arith.constant 64 : i32
        %add3A_1630 = arith.addi %add3A_1629, %add3A_1606 : i32
        %get3A_1631 = arith.index_cast %add3A_1630 : i32 to index
        %get3A_1632 = arith.constant 16 : index
        %get3A_1633 = tpu.vector_load %arg10[%get3A_1631, %get3A_1632] {strides = array<i32>} : memref<128x128xf32, #tpu.memory_space<vmem>>, vector<16xf32>,
        %mul3A_1634 = arith.mulf %mul3A_1628, %get3A_1633 : vector<16xf32>
        %add3A_1635 = arith.addf %mul3A_1621, %mul3A_1634 : vector<16xf32>
        %get3A_1636 = arith.index_cast %add3A_1606 : i32 to index
        %get3A_1637 = arith.constant 32 : index
        %get3A_1638 = tpu.vector_load %arg10[%get3A_1636, %get3A_1637] {strides = array<i32>} : memref<128x128xf32, #tpu.memory_space<vmem>>, vector<16xf32>,
        %get3A_1639 = arith.index_cast %squeeze3A_1608 : i32 to index
        %get3A_1640 = arith.constant 32 : index
        %get3A_1641 = tpu.vector_load %arg9[%get3A_1639, %get3A_1640] {strides = array<i32>} : memref<237x128xf32, #tpu.memory_space<vmem>>, vector<16xf32>,
        %mul3A_1642 = arith.mulf %get3A_1638, %get3A_1641 : vector<16xf32>
        %add3A_1643 = arith.constant 64 : i32
        %add3A_1644 = arith.addi %add3A_1643, %add3A_1606 : i32
        %get3A_1645 = arith.index_cast %add3A_1644 : i32 to index
        %get3A_1646 = arith.constant 32 : index
        %get3A_1647 = tpu.vector_load %arg10[%get3A_1645, %get3A_1646] {strides = array<i32>} : memref<128x128xf32, #tpu.memory_space<vmem>>, vector<16xf32>,
        %mul3A_1648 = arith.mulf %mul3A_1642, %get3A_1647 : vector<16xf32>
        %add3A_1649 = arith.addf %add3A_1635, %mul3A_1648 : vector<16xf32>
        %get3A_1650 = arith.index_cast %add3A_1606 : i32 to index
        %get3A_1651 = arith.constant 48 : index
        %get3A_1652 = tpu.vector_load %arg10[%get3A_1650, %get3A_1651] {strides = array<i32>} : memref<128x128xf32, #tpu.memory_space<vmem>>, vector<16xf32>,
        %get3A_1653 = arith.index_cast %squeeze3A_1608 : i32 to index
        %get3A_1654 = arith.constant 48 : index
        %get3A_1655 = tpu.vector_load %arg9[%get3A_1653, %get3A_1654] {strides = array<i32>} : memref<237x128xf32, #tpu.memory_space<vmem>>, vector<16xf32>,
        %mul3A_1656 = arith.mulf %get3A_1652, %get3A_1655 : vector<16xf32>
        %add3A_1657 = arith.constant 64 : i32
        %add3A_1658 = arith.addi %add3A_1657, %add3A_1606 : i32
        %get3A_1659 = arith.index_cast %add3A_1658 : i32 to index
        %get3A_1660 = arith.constant 48 : index
        %get3A_1661 = tpu.vector_load %arg10[%get3A_1659, %get3A_1660] {strides = array<i32>} : memref<128x128xf32, #tpu.memory_space<vmem>>, vector<16xf32>,
        %mul3A_1662 = arith.mulf %mul3A_1656, %get3A_1661 : vector<16xf32>
        %add3A_1663 = arith.addf %add3A_1649, %mul3A_1662 : vector<16xf32>
        %get3A_1664 = arith.index_cast %add3A_1606 : i32 to index
        %get3A_1665 = arith.constant 64 : index
        %get3A_1666 = tpu.vector_load %arg10[%get3A_1664, %get3A_1665] {strides = array<i32>} : memref<128x128xf32, #tpu.memory_space<vmem>>, vector<16xf32>,
        %get3A_1667 = arith.index_cast %squeeze3A_1608 : i32 to index
        %get3A_1668 = arith.constant 64 : index
        %get3A_1669 = tpu.vector_load %arg9[%get3A_1667, %get3A_1668] {strides = array<i32>} : memref<237x128xf32, #tpu.memory_space<vmem>>, vector<16xf32>,
        %mul3A_1670 = arith.mulf %get3A_1666, %get3A_1669 : vector<16xf32>
        %add3A_1671 = arith.constant 64 : i32
        %add3A_1672 = arith.addi %add3A_1671, %add3A_1606 : i32
        %get3A_1673 = arith.index_cast %add3A_1672 : i32 to index
        %get3A_1674 = arith.constant 64 : index
        %get3A_1675 = tpu.vector_load %arg10[%get3A_1673, %get3A_1674] {strides = array<i32>} : memref<128x128xf32, #tpu.memory_space<vmem>>, vector<16xf32>,
        %mul3A_1676 = arith.mulf %mul3A_1670, %get3A_1675 : vector<16xf32>
        %add3A_1677 = arith.addf %add3A_1663, %mul3A_1676 : vector<16xf32>
        %get3A_1678 = arith.index_cast %add3A_1606 : i32 to index
        %get3A_1679 = arith.constant 80 : index
        %get3A_1680 = tpu.vector_load %arg10[%get3A_1678, %get3A_1679] {strides = array<i32>} : memref<128x128xf32, #tpu.memory_space<vmem>>, vector<16xf32>,
        %get3A_1681 = arith.index_cast %squeeze3A_1608 : i32 to index
        %get3A_1682 = arith.constant 80 : index
        %get3A_1683 = tpu.vector_load %arg9[%get3A_1681, %get3A_1682] {strides = array<i32>} : memref<237x128xf32, #tpu.memory_space<vmem>>, vector<16xf32>,
        %mul3A_1684 = arith.mulf %get3A_1680, %get3A_1683 : vector<16xf32>
        %add3A_1685 = arith.constant 64 : i32
        %add3A_1686 = arith.addi %add3A_1685, %add3A_1606 : i32
        %get3A_1687 = arith.index_cast %add3A_1686 : i32 to index
        %get3A_1688 = arith.constant 80 : index
        %get3A_1689 = tpu.vector_load %arg10[%get3A_1687, %get3A_1688] {strides = array<i32>} : memref<128x128xf32, #tpu.memory_space<vmem>>, vector<16xf32>,
        %mul3A_1690 = arith.mulf %mul3A_1684, %get3A_1689 : vector<16xf32>
        %add3A_1691 = arith.addf %add3A_1677, %mul3A_1690 : vector<16xf32>
        %get3A_1692 = arith.index_cast %add3A_1606 : i32 to index
        %get3A_1693 = arith.constant 96 : index
        %get3A_1694 = tpu.vector_load %arg10[%get3A_1692, %get3A_1693] {strides = array<i32>} : memref<128x128xf32, #tpu.memory_space<vmem>>, vector<16xf32>,
        %get3A_1695 = arith.index_cast %squeeze3A_1608 : i32 to index
        %get3A_1696 = arith.constant 96 : index
        %get3A_1697 = tpu.vector_load %arg9[%get3A_1695, %get3A_1696] {strides = array<i32>} : memref<237x128xf32, #tpu.memory_space<vmem>>, vector<16xf32>,
        %mul3A_1698 = arith.mulf %get3A_1694, %get3A_1697 : vector<16xf32>
        %add3A_1699 = arith.constant 64 : i32
        %add3A_1700 = arith.addi %add3A_1699, %add3A_1606 : i32
        %get3A_1701 = arith.index_cast %add3A_1700 : i32 to index
        %get3A_1702 = arith.constant 96 : index
        %get3A_1703 = tpu.vector_load %arg10[%get3A_1701, %get3A_1702] {strides = array<i32>} : memref<128x128xf32, #tpu.memory_space<vmem>>, vector<16xf32>,
        %mul3A_1704 = arith.mulf %mul3A_1698, %get3A_1703 : vector<16xf32>
        %add3A_1705 = arith.addf %add3A_1691, %mul3A_1704 : vector<16xf32>
        %get3A_1706 = arith.index_cast %add3A_1606 : i32 to index
        %get3A_1707 = arith.constant 112 : index
        %get3A_1708 = tpu.vector_load %arg10[%get3A_1706, %get3A_1707] {strides = array<i32>} : memref<128x128xf32, #tpu.memory_space<vmem>>, vector<16xf32>,
        %get3A_1709 = arith.index_cast %squeeze3A_1608 : i32 to index
        %get3A_1710 = arith.constant 112 : index
        %get3A_1711 = tpu.vector_load %arg9[%get3A_1709, %get3A_1710] {strides = array<i32>} : memref<237x128xf32, #tpu.memory_space<vmem>>, vector<16xf32>,
        %mul3A_1712 = arith.mulf %get3A_1708, %get3A_1711 : vector<16xf32>
        %add3A_1713 = arith.constant 64 : i32
        %add3A_1714 = arith.addi %add3A_1713, %add3A_1606 : i32
        %get3A_1715 = arith.index_cast %add3A_1714 : i32 to index
        %get3A_1716 = arith.constant 112 : index
        %get3A_1717 = tpu.vector_load %arg10[%get3A_1715, %get3A_1716] {strides = array<i32>} : memref<128x128xf32, #tpu.memory_space<vmem>>, vector<16xf32>,
        %mul3A_1718 = arith.mulf %mul3A_1712, %get3A_1717 : vector<16xf32>
        %add3A_1719 = arith.addf %add3A_1705, %mul3A_1718 : vector<16xf32>
        %swap3A_1720 = arith.constant 13 : i32
        %swap3A_1721 = arith.index_cast %swap3A_1720 : i32 to index
        %swap3A_1722 = arith.constant 0 : index
        %swap3A_1723 = tpu.vector_load %arg12[%swap3A_1721, %swap3A_1722] {strides = array<i32>} : memref<16x16xf32, #tpu.memory_space<vmem>>, vector<16xf32>,
        tpu.vector_store %arg12[%swap3A_1721, %swap3A_1722], %add3A_1719 {strides = array<i32>} : memref<16x16xf32, #tpu.memory_space<vmem>>, vector<16xf32>,
        %add3A_1724 = arith.constant 14 : i32
        %add3A_1725 = arith.addi %mul3A_58, %add3A_1724 : i32
        %slice3A_1726 = vector.extract_strided_slice %get3A_60 {offsets = [14], sizes = [1], strides = [1]} : vector<16xi32> to vector<1xi32>
        %squeeze3A_1727 = vector.extract %slice3A_1726[0] : i32 from vector<1xi32>
        %get3A_1728 = arith.index_cast %add3A_1725 : i32 to index
        %get3A_1729 = arith.constant 0 : index
        %get3A_1730 = tpu.vector_load %arg10[%get3A_1728, %get3A_1729] {strides = array<i32>} : memref<128x128xf32, #tpu.memory_space<vmem>>, vector<16xf32>,
        %get3A_1731 = arith.index_cast %squeeze3A_1727 : i32 to index
        %get3A_1732 = arith.constant 0 : index
        %get3A_1733 = tpu.vector_load %arg9[%get3A_1731, %get3A_1732] {strides = array<i32>} : memref<237x128xf32, #tpu.memory_space<vmem>>, vector<16xf32>,
        %mul3A_1734 = arith.mulf %get3A_1730, %get3A_1733 : vector<16xf32>
        %add3A_1735 = arith.constant 64 : i32
        %add3A_1736 = arith.addi %add3A_1735, %add3A_1725 : i32
        %get3A_1737 = arith.index_cast %add3A_1736 : i32 to index
        %get3A_1738 = arith.constant 0 : index
        %get3A_1739 = tpu.vector_load %arg10[%get3A_1737, %get3A_1738] {strides = array<i32>} : memref<128x128xf32, #tpu.memory_space<vmem>>, vector<16xf32>,
        %mul3A_1740 = arith.mulf %mul3A_1734, %get3A_1739 : vector<16xf32>
        %get3A_1741 = arith.index_cast %add3A_1725 : i32 to index
        %get3A_1742 = arith.constant 16 : index
        %get3A_1743 = tpu.vector_load %arg10[%get3A_1741, %get3A_1742] {strides = array<i32>} : memref<128x128xf32, #tpu.memory_space<vmem>>, vector<16xf32>,
        %get3A_1744 = arith.index_cast %squeeze3A_1727 : i32 to index
        %get3A_1745 = arith.constant 16 : index
        %get3A_1746 = tpu.vector_load %arg9[%get3A_1744, %get3A_1745] {strides = array<i32>} : memref<237x128xf32, #tpu.memory_space<vmem>>, vector<16xf32>,
        %mul3A_1747 = arith.mulf %get3A_1743, %get3A_1746 : vector<16xf32>
        %add3A_1748 = arith.constant 64 : i32
        %add3A_1749 = arith.addi %add3A_1748, %add3A_1725 : i32
        %get3A_1750 = arith.index_cast %add3A_1749 : i32 to index
        %get3A_1751 = arith.constant 16 : index
        %get3A_1752 = tpu.vector_load %arg10[%get3A_1750, %get3A_1751] {strides = array<i32>} : memref<128x128xf32, #tpu.memory_space<vmem>>, vector<16xf32>,
        %mul3A_1753 = arith.mulf %mul3A_1747, %get3A_1752 : vector<16xf32>
        %add3A_1754 = arith.addf %mul3A_1740, %mul3A_1753 : vector<16xf32>
        %get3A_1755 = arith.index_cast %add3A_1725 : i32 to index
        %get3A_1756 = arith.constant 32 : index
        %get3A_1757 = tpu.vector_load %arg10[%get3A_1755, %get3A_1756] {strides = array<i32>} : memref<128x128xf32, #tpu.memory_space<vmem>>, vector<16xf32>,
        %get3A_1758 = arith.index_cast %squeeze3A_1727 : i32 to index
        %get3A_1759 = arith.constant 32 : index
        %get3A_1760 = tpu.vector_load %arg9[%get3A_1758, %get3A_1759] {strides = array<i32>} : memref<237x128xf32, #tpu.memory_space<vmem>>, vector<16xf32>,
        %mul3A_1761 = arith.mulf %get3A_1757, %get3A_1760 : vector<16xf32>
        %add3A_1762 = arith.constant 64 : i32
        %add3A_1763 = arith.addi %add3A_1762, %add3A_1725 : i32
        %get3A_1764 = arith.index_cast %add3A_1763 : i32 to index
        %get3A_1765 = arith.constant 32 : index
        %get3A_1766 = tpu.vector_load %arg10[%get3A_1764, %get3A_1765] {strides = array<i32>} : memref<128x128xf32, #tpu.memory_space<vmem>>, vector<16xf32>,
        %mul3A_1767 = arith.mulf %mul3A_1761, %get3A_1766 : vector<16xf32>
        %add3A_1768 = arith.addf %add3A_1754, %mul3A_1767 : vector<16xf32>
        %get3A_1769 = arith.index_cast %add3A_1725 : i32 to index
        %get3A_1770 = arith.constant 48 : index
        %get3A_1771 = tpu.vector_load %arg10[%get3A_1769, %get3A_1770] {strides = array<i32>} : memref<128x128xf32, #tpu.memory_space<vmem>>, vector<16xf32>,
        %get3A_1772 = arith.index_cast %squeeze3A_1727 : i32 to index
        %get3A_1773 = arith.constant 48 : index
        %get3A_1774 = tpu.vector_load %arg9[%get3A_1772, %get3A_1773] {strides = array<i32>} : memref<237x128xf32, #tpu.memory_space<vmem>>, vector<16xf32>,
        %mul3A_1775 = arith.mulf %get3A_1771, %get3A_1774 : vector<16xf32>
        %add3A_1776 = arith.constant 64 : i32
        %add3A_1777 = arith.addi %add3A_1776, %add3A_1725 : i32
        %get3A_1778 = arith.index_cast %add3A_1777 : i32 to index
        %get3A_1779 = arith.constant 48 : index
        %get3A_1780 = tpu.vector_load %arg10[%get3A_1778, %get3A_1779] {strides = array<i32>} : memref<128x128xf32, #tpu.memory_space<vmem>>, vector<16xf32>,
        %mul3A_1781 = arith.mulf %mul3A_1775, %get3A_1780 : vector<16xf32>
        %add3A_1782 = arith.addf %add3A_1768, %mul3A_1781 : vector<16xf32>
        %get3A_1783 = arith.index_cast %add3A_1725 : i32 to index
        %get3A_1784 = arith.constant 64 : index
        %get3A_1785 = tpu.vector_load %arg10[%get3A_1783, %get3A_1784] {strides = array<i32>} : memref<128x128xf32, #tpu.memory_space<vmem>>, vector<16xf32>,
        %get3A_1786 = arith.index_cast %squeeze3A_1727 : i32 to index
        %get3A_1787 = arith.constant 64 : index
        %get3A_1788 = tpu.vector_load %arg9[%get3A_1786, %get3A_1787] {strides = array<i32>} : memref<237x128xf32, #tpu.memory_space<vmem>>, vector<16xf32>,
        %mul3A_1789 = arith.mulf %get3A_1785, %get3A_1788 : vector<16xf32>
        %add3A_1790 = arith.constant 64 : i32
        %add3A_1791 = arith.addi %add3A_1790, %add3A_1725 : i32
        %get3A_1792 = arith.index_cast %add3A_1791 : i32 to index
        %get3A_1793 = arith.constant 64 : index
        %get3A_1794 = tpu.vector_load %arg10[%get3A_1792, %get3A_1793] {strides = array<i32>} : memref<128x128xf32, #tpu.memory_space<vmem>>, vector<16xf32>,
        %mul3A_1795 = arith.mulf %mul3A_1789, %get3A_1794 : vector<16xf32>
        %add3A_1796 = arith.addf %add3A_1782, %mul3A_1795 : vector<16xf32>
        %get3A_1797 = arith.index_cast %add3A_1725 : i32 to index
        %get3A_1798 = arith.constant 80 : index
        %get3A_1799 = tpu.vector_load %arg10[%get3A_1797, %get3A_1798] {strides = array<i32>} : memref<128x128xf32, #tpu.memory_space<vmem>>, vector<16xf32>,
        %get3A_1800 = arith.index_cast %squeeze3A_1727 : i32 to index
        %get3A_1801 = arith.constant 80 : index
        %get3A_1802 = tpu.vector_load %arg9[%get3A_1800, %get3A_1801] {strides = array<i32>} : memref<237x128xf32, #tpu.memory_space<vmem>>, vector<16xf32>,
        %mul3A_1803 = arith.mulf %get3A_1799, %get3A_1802 : vector<16xf32>
        %add3A_1804 = arith.constant 64 : i32
        %add3A_1805 = arith.addi %add3A_1804, %add3A_1725 : i32
        %get3A_1806 = arith.index_cast %add3A_1805 : i32 to index
        %get3A_1807 = arith.constant 80 : index
        %get3A_1808 = tpu.vector_load %arg10[%get3A_1806, %get3A_1807] {strides = array<i32>} : memref<128x128xf32, #tpu.memory_space<vmem>>, vector<16xf32>,
        %mul3A_1809 = arith.mulf %mul3A_1803, %get3A_1808 : vector<16xf32>
        %add3A_1810 = arith.addf %add3A_1796, %mul3A_1809 : vector<16xf32>
        %get3A_1811 = arith.index_cast %add3A_1725 : i32 to index
        %get3A_1812 = arith.constant 96 : index
        %get3A_1813 = tpu.vector_load %arg10[%get3A_1811, %get3A_1812] {strides = array<i32>} : memref<128x128xf32, #tpu.memory_space<vmem>>, vector<16xf32>,
        %get3A_1814 = arith.index_cast %squeeze3A_1727 : i32 to index
        %get3A_1815 = arith.constant 96 : index
        %get3A_1816 = tpu.vector_load %arg9[%get3A_1814, %get3A_1815] {strides = array<i32>} : memref<237x128xf32, #tpu.memory_space<vmem>>, vector<16xf32>,
        %mul3A_1817 = arith.mulf %get3A_1813, %get3A_1816 : vector<16xf32>
        %add3A_1818 = arith.constant 64 : i32
        %add3A_1819 = arith.addi %add3A_1818, %add3A_1725 : i32
        %get3A_1820 = arith.index_cast %add3A_1819 : i32 to index
        %get3A_1821 = arith.constant 96 : index
        %get3A_1822 = tpu.vector_load %arg10[%get3A_1820, %get3A_1821] {strides = array<i32>} : memref<128x128xf32, #tpu.memory_space<vmem>>, vector<16xf32>,
        %mul3A_1823 = arith.mulf %mul3A_1817, %get3A_1822 : vector<16xf32>
        %add3A_1824 = arith.addf %add3A_1810, %mul3A_1823 : vector<16xf32>
        %get3A_1825 = arith.index_cast %add3A_1725 : i32 to index
        %get3A_1826 = arith.constant 112 : index
        %get3A_1827 = tpu.vector_load %arg10[%get3A_1825, %get3A_1826] {strides = array<i32>} : memref<128x128xf32, #tpu.memory_space<vmem>>, vector<16xf32>,
        %get3A_1828 = arith.index_cast %squeeze3A_1727 : i32 to index
        %get3A_1829 = arith.constant 112 : index
        %get3A_1830 = tpu.vector_load %arg9[%get3A_1828, %get3A_1829] {strides = array<i32>} : memref<237x128xf32, #tpu.memory_space<vmem>>, vector<16xf32>,
        %mul3A_1831 = arith.mulf %get3A_1827, %get3A_1830 : vector<16xf32>
        %add3A_1832 = arith.constant 64 : i32
        %add3A_1833 = arith.addi %add3A_1832, %add3A_1725 : i32
        %get3A_1834 = arith.index_cast %add3A_1833 : i32 to index
        %get3A_1835 = arith.constant 112 : index
        %get3A_1836 = tpu.vector_load %arg10[%get3A_1834, %get3A_1835] {strides = array<i32>} : memref<128x128xf32, #tpu.memory_space<vmem>>, vector<16xf32>,
        %mul3A_1837 = arith.mulf %mul3A_1831, %get3A_1836 : vector<16xf32>
        %add3A_1838 = arith.addf %add3A_1824, %mul3A_1837 : vector<16xf32>
        %swap3A_1839 = arith.constant 14 : i32
        %swap3A_1840 = arith.index_cast %swap3A_1839 : i32 to index
        %swap3A_1841 = arith.constant 0 : index
        %swap3A_1842 = tpu.vector_load %arg12[%swap3A_1840, %swap3A_1841] {strides = array<i32>} : memref<16x16xf32, #tpu.memory_space<vmem>>, vector<16xf32>,
        tpu.vector_store %arg12[%swap3A_1840, %swap3A_1841], %add3A_1838 {strides = array<i32>} : memref<16x16xf32, #tpu.memory_space<vmem>>, vector<16xf32>,
        %add3A_1843 = arith.constant 15 : i32
        %add3A_1844 = arith.addi %mul3A_58, %add3A_1843 : i32
        %slice3A_1845 = vector.extract_strided_slice %get3A_60 {offsets = [15], sizes = [1], strides = [1]} : vector<16xi32> to vector<1xi32>
        %squeeze3A_1846 = vector.extract %slice3A_1845[0] : i32 from vector<1xi32>
        %get3A_1847 = arith.index_cast %add3A_1844 : i32 to index
        %get3A_1848 = arith.constant 0 : index
        %get3A_1849 = tpu.vector_load %arg10[%get3A_1847, %get3A_1848] {strides = array<i32>} : memref<128x128xf32, #tpu.memory_space<vmem>>, vector<16xf32>,
        %get3A_1850 = arith.index_cast %squeeze3A_1846 : i32 to index
        %get3A_1851 = arith.constant 0 : index
        %get3A_1852 = tpu.vector_load %arg9[%get3A_1850, %get3A_1851] {strides = array<i32>} : memref<237x128xf32, #tpu.memory_space<vmem>>, vector<16xf32>,
        %mul3A_1853 = arith.mulf %get3A_1849, %get3A_1852 : vector<16xf32>
        %add3A_1854 = arith.constant 64 : i32
        %add3A_1855 = arith.addi %add3A_1854, %add3A_1844 : i32
        %get3A_1856 = arith.index_cast %add3A_1855 : i32 to index
        %get3A_1857 = arith.constant 0 : index
        %get3A_1858 = tpu.vector_load %arg10[%get3A_1856, %get3A_1857] {strides = array<i32>} : memref<128x128xf32, #tpu.memory_space<vmem>>, vector<16xf32>,
        %mul3A_1859 = arith.mulf %mul3A_1853, %get3A_1858 : vector<16xf32>
        %get3A_1860 = arith.index_cast %add3A_1844 : i32 to index
        %get3A_1861 = arith.constant 16 : index
        %get3A_1862 = tpu.vector_load %arg10[%get3A_1860, %get3A_1861] {strides = array<i32>} : memref<128x128xf32, #tpu.memory_space<vmem>>, vector<16xf32>,
        %get3A_1863 = arith.index_cast %squeeze3A_1846 : i32 to index
        %get3A_1864 = arith.constant 16 : index
        %get3A_1865 = tpu.vector_load %arg9[%get3A_1863, %get3A_1864] {strides = array<i32>} : memref<237x128xf32, #tpu.memory_space<vmem>>, vector<16xf32>,
        %mul3A_1866 = arith.mulf %get3A_1862, %get3A_1865 : vector<16xf32>
        %add3A_1867 = arith.constant 64 : i32
        %add3A_1868 = arith.addi %add3A_1867, %add3A_1844 : i32
        %get3A_1869 = arith.index_cast %add3A_1868 : i32 to index
        %get3A_1870 = arith.constant 16 : index
        %get3A_1871 = tpu.vector_load %arg10[%get3A_1869, %get3A_1870] {strides = array<i32>} : memref<128x128xf32, #tpu.memory_space<vmem>>, vector<16xf32>,
        %mul3A_1872 = arith.mulf %mul3A_1866, %get3A_1871 : vector<16xf32>
        %add3A_1873 = arith.addf %mul3A_1859, %mul3A_1872 : vector<16xf32>
        %get3A_1874 = arith.index_cast %add3A_1844 : i32 to index
        %get3A_1875 = arith.constant 32 : index
        %get3A_1876 = tpu.vector_load %arg10[%get3A_1874, %get3A_1875] {strides = array<i32>} : memref<128x128xf32, #tpu.memory_space<vmem>>, vector<16xf32>,
        %get3A_1877 = arith.index_cast %squeeze3A_1846 : i32 to index
        %get3A_1878 = arith.constant 32 : index
        %get3A_1879 = tpu.vector_load %arg9[%get3A_1877, %get3A_1878] {strides = array<i32>} : memref<237x128xf32, #tpu.memory_space<vmem>>, vector<16xf32>,
        %mul3A_1880 = arith.mulf %get3A_1876, %get3A_1879 : vector<16xf32>
        %add3A_1881 = arith.constant 64 : i32
        %add3A_1882 = arith.addi %add3A_1881, %add3A_1844 : i32
        %get3A_1883 = arith.index_cast %add3A_1882 : i32 to index
        %get3A_1884 = arith.constant 32 : index
        %get3A_1885 = tpu.vector_load %arg10[%get3A_1883, %get3A_1884] {strides = array<i32>} : memref<128x128xf32, #tpu.memory_space<vmem>>, vector<16xf32>,
        %mul3A_1886 = arith.mulf %mul3A_1880, %get3A_1885 : vector<16xf32>
        %add3A_1887 = arith.addf %add3A_1873, %mul3A_1886 : vector<16xf32>
        %get3A_1888 = arith.index_cast %add3A_1844 : i32 to index
        %get3A_1889 = arith.constant 48 : index
        %get3A_1890 = tpu.vector_load %arg10[%get3A_1888, %get3A_1889] {strides = array<i32>} : memref<128x128xf32, #tpu.memory_space<vmem>>, vector<16xf32>,
        %get3A_1891 = arith.index_cast %squeeze3A_1846 : i32 to index
        %get3A_1892 = arith.constant 48 : index
        %get3A_1893 = tpu.vector_load %arg9[%get3A_1891, %get3A_1892] {strides = array<i32>} : memref<237x128xf32, #tpu.memory_space<vmem>>, vector<16xf32>,
        %mul3A_1894 = arith.mulf %get3A_1890, %get3A_1893 : vector<16xf32>
        %add3A_1895 = arith.constant 64 : i32
        %add3A_1896 = arith.addi %add3A_1895, %add3A_1844 : i32
        %get3A_1897 = arith.index_cast %add3A_1896 : i32 to index
        %get3A_1898 = arith.constant 48 : index
        %get3A_1899 = tpu.vector_load %arg10[%get3A_1897, %get3A_1898] {strides = array<i32>} : memref<128x128xf32, #tpu.memory_space<vmem>>, vector<16xf32>,
        %mul3A_1900 = arith.mulf %mul3A_1894, %get3A_1899 : vector<16xf32>
        %add3A_1901 = arith.addf %add3A_1887, %mul3A_1900 : vector<16xf32>
        %get3A_1902 = arith.index_cast %add3A_1844 : i32 to index
        %get3A_1903 = arith.constant 64 : index
        %get3A_1904 = tpu.vector_load %arg10[%get3A_1902, %get3A_1903] {strides = array<i32>} : memref<128x128xf32, #tpu.memory_space<vmem>>, vector<16xf32>,
        %get3A_1905 = arith.index_cast %squeeze3A_1846 : i32 to index
        %get3A_1906 = arith.constant 64 : index
        %get3A_1907 = tpu.vector_load %arg9[%get3A_1905, %get3A_1906] {strides = array<i32>} : memref<237x128xf32, #tpu.memory_space<vmem>>, vector<16xf32>,
        %mul3A_1908 = arith.mulf %get3A_1904, %get3A_1907 : vector<16xf32>
        %add3A_1909 = arith.constant 64 : i32
        %add3A_1910 = arith.addi %add3A_1909, %add3A_1844 : i32
        %get3A_1911 = arith.index_cast %add3A_1910 : i32 to index
        %get3A_1912 = arith.constant 64 : index
        %get3A_1913 = tpu.vector_load %arg10[%get3A_1911, %get3A_1912] {strides = array<i32>} : memref<128x128xf32, #tpu.memory_space<vmem>>, vector<16xf32>,
        %mul3A_1914 = arith.mulf %mul3A_1908, %get3A_1913 : vector<16xf32>
        %add3A_1915 = arith.addf %add3A_1901, %mul3A_1914 : vector<16xf32>
        %get3A_1916 = arith.index_cast %add3A_1844 : i32 to index
        %get3A_1917 = arith.constant 80 : index
        %get3A_1918 = tpu.vector_load %arg10[%get3A_1916, %get3A_1917] {strides = array<i32>} : memref<128x128xf32, #tpu.memory_space<vmem>>, vector<16xf32>,
        %get3A_1919 = arith.index_cast %squeeze3A_1846 : i32 to index
        %get3A_1920 = arith.constant 80 : index
        %get3A_1921 = tpu.vector_load %arg9[%get3A_1919, %get3A_1920] {strides = array<i32>} : memref<237x128xf32, #tpu.memory_space<vmem>>, vector<16xf32>,
        %mul3A_1922 = arith.mulf %get3A_1918, %get3A_1921 : vector<16xf32>
        %add3A_1923 = arith.constant 64 : i32
        %add3A_1924 = arith.addi %add3A_1923, %add3A_1844 : i32
        %get3A_1925 = arith.index_cast %add3A_1924 : i32 to index
        %get3A_1926 = arith.constant 80 : index
        %get3A_1927 = tpu.vector_load %arg10[%get3A_1925, %get3A_1926] {strides = array<i32>} : memref<128x128xf32, #tpu.memory_space<vmem>>, vector<16xf32>,
        %mul3A_1928 = arith.mulf %mul3A_1922, %get3A_1927 : vector<16xf32>
        %add3A_1929 = arith.addf %add3A_1915, %mul3A_1928 : vector<16xf32>
        %get3A_1930 = arith.index_cast %add3A_1844 : i32 to index
        %get3A_1931 = arith.constant 96 : index
        %get3A_1932 = tpu.vector_load %arg10[%get3A_1930, %get3A_1931] {strides = array<i32>} : memref<128x128xf32, #tpu.memory_space<vmem>>, vector<16xf32>,
        %get3A_1933 = arith.index_cast %squeeze3A_1846 : i32 to index
        %get3A_1934 = arith.constant 96 : index
        %get3A_1935 = tpu.vector_load %arg9[%get3A_1933, %get3A_1934] {strides = array<i32>} : memref<237x128xf32, #tpu.memory_space<vmem>>, vector<16xf32>,
        %mul3A_1936 = arith.mulf %get3A_1932, %get3A_1935 : vector<16xf32>
        %add3A_1937 = arith.constant 64 : i32
        %add3A_1938 = arith.addi %add3A_1937, %add3A_1844 : i32
        %get3A_1939 = arith.index_cast %add3A_1938 : i32 to index
        %get3A_1940 = arith.constant 96 : index
        %get3A_1941 = tpu.vector_load %arg10[%get3A_1939, %get3A_1940] {strides = array<i32>} : memref<128x128xf32, #tpu.memory_space<vmem>>, vector<16xf32>,
        %mul3A_1942 = arith.mulf %mul3A_1936, %get3A_1941 : vector<16xf32>
        %add3A_1943 = arith.addf %add3A_1929, %mul3A_1942 : vector<16xf32>
        %get3A_1944 = arith.index_cast %add3A_1844 : i32 to index
        %get3A_1945 = arith.constant 112 : index
        %get3A_1946 = tpu.vector_load %arg10[%get3A_1944, %get3A_1945] {strides = array<i32>} : memref<128x128xf32, #tpu.memory_space<vmem>>, vector<16xf32>,
        %get3A_1947 = arith.index_cast %squeeze3A_1846 : i32 to index
        %get3A_1948 = arith.constant 112 : index
        %get3A_1949 = tpu.vector_load %arg9[%get3A_1947, %get3A_1948] {strides = array<i32>} : memref<237x128xf32, #tpu.memory_space<vmem>>, vector<16xf32>,
        %mul3A_1950 = arith.mulf %get3A_1946, %get3A_1949 : vector<16xf32>
        %add3A_1951 = arith.constant 64 : i32
        %add3A_1952 = arith.addi %add3A_1951, %add3A_1844 : i32
        %get3A_1953 = arith.index_cast %add3A_1952 : i32 to index
        %get3A_1954 = arith.constant 112 : index
        %get3A_1955 = tpu.vector_load %arg10[%get3A_1953, %get3A_1954] {strides = array<i32>} : memref<128x128xf32, #tpu.memory_space<vmem>>, vector<16xf32>,
        %mul3A_1956 = arith.mulf %mul3A_1950, %get3A_1955 : vector<16xf32>
        %add3A_1957 = arith.addf %add3A_1943, %mul3A_1956 : vector<16xf32>
        %swap3A_1958 = arith.constant 15 : i32
        %swap3A_1959 = arith.index_cast %swap3A_1958 : i32 to index
        %swap3A_1960 = arith.constant 0 : index
        %swap3A_1961 = tpu.vector_load %arg12[%swap3A_1959, %swap3A_1960] {strides = array<i32>} : memref<16x16xf32, #tpu.memory_space<vmem>>, vector<16xf32>,
        tpu.vector_store %arg12[%swap3A_1959, %swap3A_1960], %add3A_1957 {strides = array<i32>} : memref<16x16xf32, #tpu.memory_space<vmem>>, vector<16xf32>,
        %broadcast_in_dim3A = arith.constant 0 : i32
        %broadcast_in_dim3A_1962 = vector.broadcast %broadcast_in_dim3A : i32 to vector<16xi32>
        %gather3A = tpu.vector_load_idx %arg12[%iota3A, %broadcast_in_dim3A_1962] : memref<16x16xf32, #tpu.memory_space<vmem>>[vector<16xi32>, vector<16xi32>], vector<16xf32>,
        %broadcast_in_dim3A_1963 = arith.constant 1 : i32
        %broadcast_in_dim3A_1964 = vector.broadcast %broadcast_in_dim3A_1963 : i32 to vector<16xi32>
        %gather3A_1965 = tpu.vector_load_idx %arg12[%iota3A, %broadcast_in_dim3A_1964] : memref<16x16xf32, #tpu.memory_space<vmem>>[vector<16xi32>, vector<16xi32>], vector<16xf32>,
        %add3A_1966 = arith.addf %gather3A, %gather3A_1965 : vector<16xf32>
        %broadcast_in_dim3A_1967 = arith.constant 2 : i32
        %broadcast_in_dim3A_1968 = vector.broadcast %broadcast_in_dim3A_1967 : i32 to vector<16xi32>
        %gather3A_1969 = tpu.vector_load_idx %arg12[%iota3A, %broadcast_in_dim3A_1968] : memref<16x16xf32, #tpu.memory_space<vmem>>[vector<16xi32>, vector<16xi32>], vector<16xf32>,
        %add3A_1970 = arith.addf %add3A_1966, %gather3A_1969 : vector<16xf32>
        %broadcast_in_dim3A_1971 = arith.constant 3 : i32
        %broadcast_in_dim3A_1972 = vector.broadcast %broadcast_in_dim3A_1971 : i32 to vector<16xi32>
        %gather3A_1973 = tpu.vector_load_idx %arg12[%iota3A, %broadcast_in_dim3A_1972] : memref<16x16xf32, #tpu.memory_space<vmem>>[vector<16xi32>, vector<16xi32>], vector<16xf32>,
        %add3A_1974 = arith.addf %add3A_1970, %gather3A_1973 : vector<16xf32>
        %broadcast_in_dim3A_1975 = arith.constant 4 : i32
        %broadcast_in_dim3A_1976 = vector.broadcast %broadcast_in_dim3A_1975 : i32 to vector<16xi32>
        %gather3A_1977 = tpu.vector_load_idx %arg12[%iota3A, %broadcast_in_dim3A_1976] : memref<16x16xf32, #tpu.memory_space<vmem>>[vector<16xi32>, vector<16xi32>], vector<16xf32>,
        %add3A_1978 = arith.addf %add3A_1974, %gather3A_1977 : vector<16xf32>
        %broadcast_in_dim3A_1979 = arith.constant 5 : i32
        %broadcast_in_dim3A_1980 = vector.broadcast %broadcast_in_dim3A_1979 : i32 to vector<16xi32>
        %gather3A_1981 = tpu.vector_load_idx %arg12[%iota3A, %broadcast_in_dim3A_1980] : memref<16x16xf32, #tpu.memory_space<vmem>>[vector<16xi32>, vector<16xi32>], vector<16xf32>,
        %add3A_1982 = arith.addf %add3A_1978, %gather3A_1981 : vector<16xf32>
        %broadcast_in_dim3A_1983 = arith.constant 6 : i32
        %broadcast_in_dim3A_1984 = vector.broadcast %broadcast_in_dim3A_1983 : i32 to vector<16xi32>
        %gather3A_1985 = tpu.vector_load_idx %arg12[%iota3A, %broadcast_in_dim3A_1984] : memref<16x16xf32, #tpu.memory_space<vmem>>[vector<16xi32>, vector<16xi32>], vector<16xf32>,
        %add3A_1986 = arith.addf %add3A_1982, %gather3A_1985 : vector<16xf32>
        %broadcast_in_dim3A_1987 = arith.constant 7 : i32
        %broadcast_in_dim3A_1988 = vector.broadcast %broadcast_in_dim3A_1987 : i32 to vector<16xi32>
        %gather3A_1989 = tpu.vector_load_idx %arg12[%iota3A, %broadcast_in_dim3A_1988] : memref<16x16xf32, #tpu.memory_space<vmem>>[vector<16xi32>, vector<16xi32>], vector<16xf32>,
        %add3A_1990 = arith.addf %add3A_1986, %gather3A_1989 : vector<16xf32>
        %broadcast_in_dim3A_1991 = arith.constant 8 : i32
        %broadcast_in_dim3A_1992 = vector.broadcast %broadcast_in_dim3A_1991 : i32 to vector<16xi32>
        %gather3A_1993 = tpu.vector_load_idx %arg12[%iota3A, %broadcast_in_dim3A_1992] : memref<16x16xf32, #tpu.memory_space<vmem>>[vector<16xi32>, vector<16xi32>], vector<16xf32>,
        %add3A_1994 = arith.addf %add3A_1990, %gather3A_1993 : vector<16xf32>
        %broadcast_in_dim3A_1995 = arith.constant 9 : i32
        %broadcast_in_dim3A_1996 = vector.broadcast %broadcast_in_dim3A_1995 : i32 to vector<16xi32>
        %gather3A_1997 = tpu.vector_load_idx %arg12[%iota3A, %broadcast_in_dim3A_1996] : memref<16x16xf32, #tpu.memory_space<vmem>>[vector<16xi32>, vector<16xi32>], vector<16xf32>,
        %add3A_1998 = arith.addf %add3A_1994, %gather3A_1997 : vector<16xf32>
        %broadcast_in_dim3A_1999 = arith.constant 10 : i32
        %broadcast_in_dim3A_2000 = vector.broadcast %broadcast_in_dim3A_1999 : i32 to vector<16xi32>
        %gather3A_2001 = tpu.vector_load_idx %arg12[%iota3A, %broadcast_in_dim3A_2000] : memref<16x16xf32, #tpu.memory_space<vmem>>[vector<16xi32>, vector<16xi32>], vector<16xf32>,
        %add3A_2002 = arith.addf %add3A_1998, %gather3A_2001 : vector<16xf32>
        %broadcast_in_dim3A_2003 = arith.constant 11 : i32
        %broadcast_in_dim3A_2004 = vector.broadcast %broadcast_in_dim3A_2003 : i32 to vector<16xi32>
        %gather3A_2005 = tpu.vector_load_idx %arg12[%iota3A, %broadcast_in_dim3A_2004] : memref<16x16xf32, #tpu.memory_space<vmem>>[vector<16xi32>, vector<16xi32>], vector<16xf32>,
        %add3A_2006 = arith.addf %add3A_2002, %gather3A_2005 : vector<16xf32>
        %broadcast_in_dim3A_2007 = arith.constant 12 : i32
        %broadcast_in_dim3A_2008 = vector.broadcast %broadcast_in_dim3A_2007 : i32 to vector<16xi32>
        %gather3A_2009 = tpu.vector_load_idx %arg12[%iota3A, %broadcast_in_dim3A_2008] : memref<16x16xf32, #tpu.memory_space<vmem>>[vector<16xi32>, vector<16xi32>], vector<16xf32>,
        %add3A_2010 = arith.addf %add3A_2006, %gather3A_2009 : vector<16xf32>
        %broadcast_in_dim3A_2011 = arith.constant 13 : i32
        %broadcast_in_dim3A_2012 = vector.broadcast %broadcast_in_dim3A_2011 : i32 to vector<16xi32>
        %gather3A_2013 = tpu.vector_load_idx %arg12[%iota3A, %broadcast_in_dim3A_2012] : memref<16x16xf32, #tpu.memory_space<vmem>>[vector<16xi32>, vector<16xi32>], vector<16xf32>,
        %add3A_2014 = arith.addf %add3A_2010, %gather3A_2013 : vector<16xf32>
        %broadcast_in_dim3A_2015 = arith.constant 14 : i32
        %broadcast_in_dim3A_2016 = vector.broadcast %broadcast_in_dim3A_2015 : i32 to vector<16xi32>
        %gather3A_2017 = tpu.vector_load_idx %arg12[%iota3A, %broadcast_in_dim3A_2016] : memref<16x16xf32, #tpu.memory_space<vmem>>[vector<16xi32>, vector<16xi32>], vector<16xf32>,
        %add3A_2018 = arith.addf %add3A_2014, %gather3A_2017 : vector<16xf32>
        %broadcast_in_dim3A_2019 = arith.constant 15 : i32
        %broadcast_in_dim3A_2020 = vector.broadcast %broadcast_in_dim3A_2019 : i32 to vector<16xi32>
        %gather3A_2021 = tpu.vector_load_idx %arg12[%iota3A, %broadcast_in_dim3A_2020] : memref<16x16xf32, #tpu.memory_space<vmem>>[vector<16xi32>, vector<16xi32>], vector<16xf32>,
        %add3A_2022 = arith.addf %add3A_2018, %gather3A_2021 : vector<16xf32>
        %swap3A_2023 = arith.index_cast %mul3A_16 : i32 to index
        %swap3A_2024 = arith.index_cast %mul3A_58 : i32 to index
        %swap3A_2025 = tpu.vector_load %arg13[%swap3A_2023, %swap3A_2024] {strides = array<i32>} : memref<158x64xf32, #tpu.memory_space<vmem>>, vector<16xf32>,
        tpu.vector_store %arg13[%swap3A_2023, %swap3A_2024], %add3A_2022 {strides = array<i32>} : memref<158x64xf32, #tpu.memory_space<vmem>>, vector<16xf32>,
        %scan3A_2026 = arith.constant 0 : i32
        scf.yield %scan3A_2026 : i32
      }
      %scan3A_36 = arith.constant 4 : i32
      %add3A_37 = arith.constant 1 : i32
      %add3A_38 = arith.addi %add3A_18, %add3A_37 : i32
      %lt3A = arith.constant 158 : i32
      %lt3A_39 = arith.cmpi slt, %add3A_38, %lt3A : i32
      %convert_element_type3A = arith.extui %lt3A_39 : i1 to i32
      %cond3A = arith.constant 0 : i32
      %cond3A_40 = arith.cmpi ne, %convert_element_type3A, %cond3A : i32
      scf.if %cond3A_40 {
        %add3A_55 = arith.constant 1 : i32
        %add3A_56 = arith.addi %add3A_18, %add3A_55 : i32
        %dma_start3A_57 = arith.constant 0 : i32
        %dma_start3A_58 = tpu.memref_slice %arg7[%add3A_56, %dma_start3A_57] : memref<158x128xi32, #tpu.memory_space<vmem>> -> memref<1x128xi32, #tpu.memory_space<vmem>>
        %dma_start3A_59 = tpu.memref_squeeze %dma_start3A_58 : memref<1x128xi32, #tpu.memory_space<vmem>> -> memref<128xi32, #tpu.memory_space<vmem>>
        %dma_start3A_60 = arith.constant 0 : i32
        %dma_start3A_61 = arith.constant 0 : i32
        %dma_start3A_62 = tpu.memref_slice %arg2[%dma_start3A_60, %dma_start3A_61] : memref<10000x128xf32, #tpu.memory_space<hbm>> -> memref<10000x128xf32, #tpu.memory_space<hbm>>
        tpu.enqueue_indirect_dma source(%dma_start3A_62 : memref<10000x128xf32, #tpu.memory_space<hbm>>) target(%arg10 : memref<128x128xf32, #tpu.memory_space<vmem>>) offsets(%dma_start3A_59 : memref<128xi32, #tpu.memory_space<vmem>>) semaphore(%arg14 : memref<!tpu.dma_semaphore, #tpu.memory_space<semaphore_mem>>)
      } else {
      }
      %dma_wait3A_41 = arith.constant 0 : i32
      %dma_wait3A_42 = tpu.memref_slice %arg7[%add3A_18, %dma_wait3A_41] : memref<158x128xi32, #tpu.memory_space<vmem>> -> memref<1x128xi32, #tpu.memory_space<vmem>>
      %dma_wait3A_43 = tpu.memref_squeeze %dma_wait3A_42 : memref<1x128xi32, #tpu.memory_space<vmem>> -> memref<128xi32, #tpu.memory_space<vmem>>
      %dma_wait3A_44 = arith.constant 0 : i32
      %dma_wait3A_45 = arith.constant 0 : i32
      %dma_wait3A_46 = tpu.memref_slice %arg2[%dma_wait3A_44, %dma_wait3A_45] : memref<10000x128xf32, #tpu.memory_space<hbm>> -> memref<10000x128xf32, #tpu.memory_space<hbm>>
      tpu.wait_indirect_dma semaphore(%arg15 : memref<!tpu.dma_semaphore, #tpu.memory_space<semaphore_mem>>) src(%dma_wait3A_46 : memref<10000x128xf32, #tpu.memory_space<hbm>>) dst(%arg11 : memref<128x128xf32, #tpu.memory_space<vmem>>)
      %scan3A_47 = arith.constant 0 : i32
      %scan3A_48 = arith.constant 0 : i32
      %scan3A_49 = arith.constant 4 : i32
      %scan3A_50 = arith.addi %scan3A_48, %scan3A_49 : i32
      %scan3A_51 = arith.constant 1 : i32
      %scan3A_52 = scf.for %scan3A_55 = %scan3A_48 to %scan3A_50 step %scan3A_51 iter_args(%scan3A_56 = %scan3A_47) -> (i32)  : i32 {
        %mul3A_57 = arith.constant 16 : i32
        %mul3A_58 = arith.muli %scan3A_55, %mul3A_57 : i32
        %get3A = arith.index_cast %add3A_18 : i32 to index
        %get3A_59 = arith.index_cast %mul3A_58 : i32 to index
        %get3A_60 = tpu.vector_load %arg8[%get3A, %get3A_59] {strides = array<i32>} : memref<158x64xi32, #tpu.memory_space<vmem>>, vector<16xi32>,
        %add3A_61 = arith.constant 0 : i32
        %add3A_62 = arith.addi %mul3A_58, %add3A_61 : i32
        %slice3A = vector.extract_strided_slice %get3A_60 {offsets = [0], sizes = [1], strides = [1]} : vector<16xi32> to vector<1xi32>
        %squeeze3A = vector.extract %slice3A[0] : i32 from vector<1xi32>
        %get3A_63 = arith.index_cast %add3A_62 : i32 to index
        %get3A_64 = arith.constant 0 : index
        %get3A_65 = tpu.vector_load %arg11[%get3A_63, %get3A_64] {strides = array<i32>} : memref<128x128xf32, #tpu.memory_space<vmem>>, vector<16xf32>,
        %get3A_66 = arith.index_cast %squeeze3A : i32 to index
        %get3A_67 = arith.constant 0 : index
        %get3A_68 = tpu.vector_load %arg9[%get3A_66, %get3A_67] {strides = array<i32>} : memref<237x128xf32, #tpu.memory_space<vmem>>, vector<16xf32>,
        %mul3A_69 = arith.mulf %get3A_65, %get3A_68 : vector<16xf32>
        %add3A_70 = arith.constant 64 : i32
        %add3A_71 = arith.addi %add3A_70, %add3A_62 : i32
        %get3A_72 = arith.index_cast %add3A_71 : i32 to index
        %get3A_73 = arith.constant 0 : index
        %get3A_74 = tpu.vector_load %arg11[%get3A_72, %get3A_73] {strides = array<i32>} : memref<128x128xf32, #tpu.memory_space<vmem>>, vector<16xf32>,
        %mul3A_75 = arith.mulf %mul3A_69, %get3A_74 : vector<16xf32>
        %get3A_76 = arith.index_cast %add3A_62 : i32 to index
        %get3A_77 = arith.constant 16 : index
        %get3A_78 = tpu.vector_load %arg11[%get3A_76, %get3A_77] {strides = array<i32>} : memref<128x128xf32, #tpu.memory_space<vmem>>, vector<16xf32>,
        %get3A_79 = arith.index_cast %squeeze3A : i32 to index
        %get3A_80 = arith.constant 16 : index
        %get3A_81 = tpu.vector_load %arg9[%get3A_79, %get3A_80] {strides = array<i32>} : memref<237x128xf32, #tpu.memory_space<vmem>>, vector<16xf32>,
        %mul3A_82 = arith.mulf %get3A_78, %get3A_81 : vector<16xf32>
        %add3A_83 = arith.constant 64 : i32
        %add3A_84 = arith.addi %add3A_83, %add3A_62 : i32
        %get3A_85 = arith.index_cast %add3A_84 : i32 to index
        %get3A_86 = arith.constant 16 : index
        %get3A_87 = tpu.vector_load %arg11[%get3A_85, %get3A_86] {strides = array<i32>} : memref<128x128xf32, #tpu.memory_space<vmem>>, vector<16xf32>,
        %mul3A_88 = arith.mulf %mul3A_82, %get3A_87 : vector<16xf32>
        %add3A_89 = arith.addf %mul3A_75, %mul3A_88 : vector<16xf32>
        %get3A_90 = arith.index_cast %add3A_62 : i32 to index
        %get3A_91 = arith.constant 32 : index
        %get3A_92 = tpu.vector_load %arg11[%get3A_90, %get3A_91] {strides = array<i32>} : memref<128x128xf32, #tpu.memory_space<vmem>>, vector<16xf32>,
        %get3A_93 = arith.index_cast %squeeze3A : i32 to index
        %get3A_94 = arith.constant 32 : index
        %get3A_95 = tpu.vector_load %arg9[%get3A_93, %get3A_94] {strides = array<i32>} : memref<237x128xf32, #tpu.memory_space<vmem>>, vector<16xf32>,
        %mul3A_96 = arith.mulf %get3A_92, %get3A_95 : vector<16xf32>
        %add3A_97 = arith.constant 64 : i32
        %add3A_98 = arith.addi %add3A_97, %add3A_62 : i32
        %get3A_99 = arith.index_cast %add3A_98 : i32 to index
        %get3A_100 = arith.constant 32 : index
        %get3A_101 = tpu.vector_load %arg11[%get3A_99, %get3A_100] {strides = array<i32>} : memref<128x128xf32, #tpu.memory_space<vmem>>, vector<16xf32>,
        %mul3A_102 = arith.mulf %mul3A_96, %get3A_101 : vector<16xf32>
        %add3A_103 = arith.addf %add3A_89, %mul3A_102 : vector<16xf32>
        %get3A_104 = arith.index_cast %add3A_62 : i32 to index
        %get3A_105 = arith.constant 48 : index
        %get3A_106 = tpu.vector_load %arg11[%get3A_104, %get3A_105] {strides = array<i32>} : memref<128x128xf32, #tpu.memory_space<vmem>>, vector<16xf32>,
        %get3A_107 = arith.index_cast %squeeze3A : i32 to index
        %get3A_108 = arith.constant 48 : index
        %get3A_109 = tpu.vector_load %arg9[%get3A_107, %get3A_108] {strides = array<i32>} : memref<237x128xf32, #tpu.memory_space<vmem>>, vector<16xf32>,
        %mul3A_110 = arith.mulf %get3A_106, %get3A_109 : vector<16xf32>
        %add3A_111 = arith.constant 64 : i32
        %add3A_112 = arith.addi %add3A_111, %add3A_62 : i32
        %get3A_113 = arith.index_cast %add3A_112 : i32 to index
        %get3A_114 = arith.constant 48 : index
        %get3A_115 = tpu.vector_load %arg11[%get3A_113, %get3A_114] {strides = array<i32>} : memref<128x128xf32, #tpu.memory_space<vmem>>, vector<16xf32>,
        %mul3A_116 = arith.mulf %mul3A_110, %get3A_115 : vector<16xf32>
        %add3A_117 = arith.addf %add3A_103, %mul3A_116 : vector<16xf32>
        %get3A_118 = arith.index_cast %add3A_62 : i32 to index
        %get3A_119 = arith.constant 64 : index
        %get3A_120 = tpu.vector_load %arg11[%get3A_118, %get3A_119] {strides = array<i32>} : memref<128x128xf32, #tpu.memory_space<vmem>>, vector<16xf32>,
        %get3A_121 = arith.index_cast %squeeze3A : i32 to index
        %get3A_122 = arith.constant 64 : index
        %get3A_123 = tpu.vector_load %arg9[%get3A_121, %get3A_122] {strides = array<i32>} : memref<237x128xf32, #tpu.memory_space<vmem>>, vector<16xf32>,
        %mul3A_124 = arith.mulf %get3A_120, %get3A_123 : vector<16xf32>
        %add3A_125 = arith.constant 64 : i32
        %add3A_126 = arith.addi %add3A_125, %add3A_62 : i32
        %get3A_127 = arith.index_cast %add3A_126 : i32 to index
        %get3A_128 = arith.constant 64 : index
        %get3A_129 = tpu.vector_load %arg11[%get3A_127, %get3A_128] {strides = array<i32>} : memref<128x128xf32, #tpu.memory_space<vmem>>, vector<16xf32>,
        %mul3A_130 = arith.mulf %mul3A_124, %get3A_129 : vector<16xf32>
        %add3A_131 = arith.addf %add3A_117, %mul3A_130 : vector<16xf32>
        %get3A_132 = arith.index_cast %add3A_62 : i32 to index
        %get3A_133 = arith.constant 80 : index
        %get3A_134 = tpu.vector_load %arg11[%get3A_132, %get3A_133] {strides = array<i32>} : memref<128x128xf32, #tpu.memory_space<vmem>>, vector<16xf32>,
        %get3A_135 = arith.index_cast %squeeze3A : i32 to index
        %get3A_136 = arith.constant 80 : index
        %get3A_137 = tpu.vector_load %arg9[%get3A_135, %get3A_136] {strides = array<i32>} : memref<237x128xf32, #tpu.memory_space<vmem>>, vector<16xf32>,
        %mul3A_138 = arith.mulf %get3A_134, %get3A_137 : vector<16xf32>
        %add3A_139 = arith.constant 64 : i32
        %add3A_140 = arith.addi %add3A_139, %add3A_62 : i32
        %get3A_141 = arith.index_cast %add3A_140 : i32 to index
        %get3A_142 = arith.constant 80 : index
        %get3A_143 = tpu.vector_load %arg11[%get3A_141, %get3A_142] {strides = array<i32>} : memref<128x128xf32, #tpu.memory_space<vmem>>, vector<16xf32>,
        %mul3A_144 = arith.mulf %mul3A_138, %get3A_143 : vector<16xf32>
        %add3A_145 = arith.addf %add3A_131, %mul3A_144 : vector<16xf32>
        %get3A_146 = arith.index_cast %add3A_62 : i32 to index
        %get3A_147 = arith.constant 96 : index
        %get3A_148 = tpu.vector_load %arg11[%get3A_146, %get3A_147] {strides = array<i32>} : memref<128x128xf32, #tpu.memory_space<vmem>>, vector<16xf32>,
        %get3A_149 = arith.index_cast %squeeze3A : i32 to index
        %get3A_150 = arith.constant 96 : index
        %get3A_151 = tpu.vector_load %arg9[%get3A_149, %get3A_150] {strides = array<i32>} : memref<237x128xf32, #tpu.memory_space<vmem>>, vector<16xf32>,
        %mul3A_152 = arith.mulf %get3A_148, %get3A_151 : vector<16xf32>
        %add3A_153 = arith.constant 64 : i32
        %add3A_154 = arith.addi %add3A_153, %add3A_62 : i32
        %get3A_155 = arith.index_cast %add3A_154 : i32 to index
        %get3A_156 = arith.constant 96 : index
        %get3A_157 = tpu.vector_load %arg11[%get3A_155, %get3A_156] {strides = array<i32>} : memref<128x128xf32, #tpu.memory_space<vmem>>, vector<16xf32>,
        %mul3A_158 = arith.mulf %mul3A_152, %get3A_157 : vector<16xf32>
        %add3A_159 = arith.addf %add3A_145, %mul3A_158 : vector<16xf32>
        %get3A_160 = arith.index_cast %add3A_62 : i32 to index
        %get3A_161 = arith.constant 112 : index
        %get3A_162 = tpu.vector_load %arg11[%get3A_160, %get3A_161] {strides = array<i32>} : memref<128x128xf32, #tpu.memory_space<vmem>>, vector<16xf32>,
        %get3A_163 = arith.index_cast %squeeze3A : i32 to index
        %get3A_164 = arith.constant 112 : index
        %get3A_165 = tpu.vector_load %arg9[%get3A_163, %get3A_164] {strides = array<i32>} : memref<237x128xf32, #tpu.memory_space<vmem>>, vector<16xf32>,
        %mul3A_166 = arith.mulf %get3A_162, %get3A_165 : vector<16xf32>
        %add3A_167 = arith.constant 64 : i32
        %add3A_168 = arith.addi %add3A_167, %add3A_62 : i32
        %get3A_169 = arith.index_cast %add3A_168 : i32 to index
        %get3A_170 = arith.constant 112 : index
        %get3A_171 = tpu.vector_load %arg11[%get3A_169, %get3A_170] {strides = array<i32>} : memref<128x128xf32, #tpu.memory_space<vmem>>, vector<16xf32>,
        %mul3A_172 = arith.mulf %mul3A_166, %get3A_171 : vector<16xf32>
        %add3A_173 = arith.addf %add3A_159, %mul3A_172 : vector<16xf32>
        %swap3A = arith.constant 0 : i32
        %swap3A_174 = arith.index_cast %swap3A : i32 to index
        %swap3A_175 = arith.constant 0 : index
        %swap3A_176 = tpu.vector_load %arg12[%swap3A_174, %swap3A_175] {strides = array<i32>} : memref<16x16xf32, #tpu.memory_space<vmem>>, vector<16xf32>,
        tpu.vector_store %arg12[%swap3A_174, %swap3A_175], %add3A_173 {strides = array<i32>} : memref<16x16xf32, #tpu.memory_space<vmem>>, vector<16xf32>,
        %add3A_177 = arith.constant 1 : i32
        %add3A_178 = arith.addi %mul3A_58, %add3A_177 : i32
        %slice3A_179 = vector.extract_strided_slice %get3A_60 {offsets = [1], sizes = [1], strides = [1]} : vector<16xi32> to vector<1xi32>
        %squeeze3A_180 = vector.extract %slice3A_179[0] : i32 from vector<1xi32>
        %get3A_181 = arith.index_cast %add3A_178 : i32 to index
        %get3A_182 = arith.constant 0 : index
        %get3A_183 = tpu.vector_load %arg11[%get3A_181, %get3A_182] {strides = array<i32>} : memref<128x128xf32, #tpu.memory_space<vmem>>, vector<16xf32>,
        %get3A_184 = arith.index_cast %squeeze3A_180 : i32 to index
        %get3A_185 = arith.constant 0 : index
        %get3A_186 = tpu.vector_load %arg9[%get3A_184, %get3A_185] {strides = array<i32>} : memref<237x128xf32, #tpu.memory_space<vmem>>, vector<16xf32>,
        %mul3A_187 = arith.mulf %get3A_183, %get3A_186 : vector<16xf32>
        %add3A_188 = arith.constant 64 : i32
        %add3A_189 = arith.addi %add3A_188, %add3A_178 : i32
        %get3A_190 = arith.index_cast %add3A_189 : i32 to index
        %get3A_191 = arith.constant 0 : index
        %get3A_192 = tpu.vector_load %arg11[%get3A_190, %get3A_191] {strides = array<i32>} : memref<128x128xf32, #tpu.memory_space<vmem>>, vector<16xf32>,
        %mul3A_193 = arith.mulf %mul3A_187, %get3A_192 : vector<16xf32>
        %get3A_194 = arith.index_cast %add3A_178 : i32 to index
        %get3A_195 = arith.constant 16 : index
        %get3A_196 = tpu.vector_load %arg11[%get3A_194, %get3A_195] {strides = array<i32>} : memref<128x128xf32, #tpu.memory_space<vmem>>, vector<16xf32>,
        %get3A_197 = arith.index_cast %squeeze3A_180 : i32 to index
        %get3A_198 = arith.constant 16 : index
        %get3A_199 = tpu.vector_load %arg9[%get3A_197, %get3A_198] {strides = array<i32>} : memref<237x128xf32, #tpu.memory_space<vmem>>, vector<16xf32>,
        %mul3A_200 = arith.mulf %get3A_196, %get3A_199 : vector<16xf32>
        %add3A_201 = arith.constant 64 : i32
        %add3A_202 = arith.addi %add3A_201, %add3A_178 : i32
        %get3A_203 = arith.index_cast %add3A_202 : i32 to index
        %get3A_204 = arith.constant 16 : index
        %get3A_205 = tpu.vector_load %arg11[%get3A_203, %get3A_204] {strides = array<i32>} : memref<128x128xf32, #tpu.memory_space<vmem>>, vector<16xf32>,
        %mul3A_206 = arith.mulf %mul3A_200, %get3A_205 : vector<16xf32>
        %add3A_207 = arith.addf %mul3A_193, %mul3A_206 : vector<16xf32>
        %get3A_208 = arith.index_cast %add3A_178 : i32 to index
        %get3A_209 = arith.constant 32 : index
        %get3A_210 = tpu.vector_load %arg11[%get3A_208, %get3A_209] {strides = array<i32>} : memref<128x128xf32, #tpu.memory_space<vmem>>, vector<16xf32>,
        %get3A_211 = arith.index_cast %squeeze3A_180 : i32 to index
        %get3A_212 = arith.constant 32 : index
        %get3A_213 = tpu.vector_load %arg9[%get3A_211, %get3A_212] {strides = array<i32>} : memref<237x128xf32, #tpu.memory_space<vmem>>, vector<16xf32>,
        %mul3A_214 = arith.mulf %get3A_210, %get3A_213 : vector<16xf32>
        %add3A_215 = arith.constant 64 : i32
        %add3A_216 = arith.addi %add3A_215, %add3A_178 : i32
        %get3A_217 = arith.index_cast %add3A_216 : i32 to index
        %get3A_218 = arith.constant 32 : index
        %get3A_219 = tpu.vector_load %arg11[%get3A_217, %get3A_218] {strides = array<i32>} : memref<128x128xf32, #tpu.memory_space<vmem>>, vector<16xf32>,
        %mul3A_220 = arith.mulf %mul3A_214, %get3A_219 : vector<16xf32>
        %add3A_221 = arith.addf %add3A_207, %mul3A_220 : vector<16xf32>
        %get3A_222 = arith.index_cast %add3A_178 : i32 to index
        %get3A_223 = arith.constant 48 : index
        %get3A_224 = tpu.vector_load %arg11[%get3A_222, %get3A_223] {strides = array<i32>} : memref<128x128xf32, #tpu.memory_space<vmem>>, vector<16xf32>,
        %get3A_225 = arith.index_cast %squeeze3A_180 : i32 to index
        %get3A_226 = arith.constant 48 : index
        %get3A_227 = tpu.vector_load %arg9[%get3A_225, %get3A_226] {strides = array<i32>} : memref<237x128xf32, #tpu.memory_space<vmem>>, vector<16xf32>,
        %mul3A_228 = arith.mulf %get3A_224, %get3A_227 : vector<16xf32>
        %add3A_229 = arith.constant 64 : i32
        %add3A_230 = arith.addi %add3A_229, %add3A_178 : i32
        %get3A_231 = arith.index_cast %add3A_230 : i32 to index
        %get3A_232 = arith.constant 48 : index
        %get3A_233 = tpu.vector_load %arg11[%get3A_231, %get3A_232] {strides = array<i32>} : memref<128x128xf32, #tpu.memory_space<vmem>>, vector<16xf32>,
        %mul3A_234 = arith.mulf %mul3A_228, %get3A_233 : vector<16xf32>
        %add3A_235 = arith.addf %add3A_221, %mul3A_234 : vector<16xf32>
        %get3A_236 = arith.index_cast %add3A_178 : i32 to index
        %get3A_237 = arith.constant 64 : index
        %get3A_238 = tpu.vector_load %arg11[%get3A_236, %get3A_237] {strides = array<i32>} : memref<128x128xf32, #tpu.memory_space<vmem>>, vector<16xf32>,
        %get3A_239 = arith.index_cast %squeeze3A_180 : i32 to index
        %get3A_240 = arith.constant 64 : index
        %get3A_241 = tpu.vector_load %arg9[%get3A_239, %get3A_240] {strides = array<i32>} : memref<237x128xf32, #tpu.memory_space<vmem>>, vector<16xf32>,
        %mul3A_242 = arith.mulf %get3A_238, %get3A_241 : vector<16xf32>
        %add3A_243 = arith.constant 64 : i32
        %add3A_244 = arith.addi %add3A_243, %add3A_178 : i32
        %get3A_245 = arith.index_cast %add3A_244 : i32 to index
        %get3A_246 = arith.constant 64 : index
        %get3A_247 = tpu.vector_load %arg11[%get3A_245, %get3A_246] {strides = array<i32>} : memref<128x128xf32, #tpu.memory_space<vmem>>, vector<16xf32>,
        %mul3A_248 = arith.mulf %mul3A_242, %get3A_247 : vector<16xf32>
        %add3A_249 = arith.addf %add3A_235, %mul3A_248 : vector<16xf32>
        %get3A_250 = arith.index_cast %add3A_178 : i32 to index
        %get3A_251 = arith.constant 80 : index
        %get3A_252 = tpu.vector_load %arg11[%get3A_250, %get3A_251] {strides = array<i32>} : memref<128x128xf32, #tpu.memory_space<vmem>>, vector<16xf32>,
        %get3A_253 = arith.index_cast %squeeze3A_180 : i32 to index
        %get3A_254 = arith.constant 80 : index
        %get3A_255 = tpu.vector_load %arg9[%get3A_253, %get3A_254] {strides = array<i32>} : memref<237x128xf32, #tpu.memory_space<vmem>>, vector<16xf32>,
        %mul3A_256 = arith.mulf %get3A_252, %get3A_255 : vector<16xf32>
        %add3A_257 = arith.constant 64 : i32
        %add3A_258 = arith.addi %add3A_257, %add3A_178 : i32
        %get3A_259 = arith.index_cast %add3A_258 : i32 to index
        %get3A_260 = arith.constant 80 : index
        %get3A_261 = tpu.vector_load %arg11[%get3A_259, %get3A_260] {strides = array<i32>} : memref<128x128xf32, #tpu.memory_space<vmem>>, vector<16xf32>,
        %mul3A_262 = arith.mulf %mul3A_256, %get3A_261 : vector<16xf32>
        %add3A_263 = arith.addf %add3A_249, %mul3A_262 : vector<16xf32>
        %get3A_264 = arith.index_cast %add3A_178 : i32 to index
        %get3A_265 = arith.constant 96 : index
        %get3A_266 = tpu.vector_load %arg11[%get3A_264, %get3A_265] {strides = array<i32>} : memref<128x128xf32, #tpu.memory_space<vmem>>, vector<16xf32>,
        %get3A_267 = arith.index_cast %squeeze3A_180 : i32 to index
        %get3A_268 = arith.constant 96 : index
        %get3A_269 = tpu.vector_load %arg9[%get3A_267, %get3A_268] {strides = array<i32>} : memref<237x128xf32, #tpu.memory_space<vmem>>, vector<16xf32>,
        %mul3A_270 = arith.mulf %get3A_266, %get3A_269 : vector<16xf32>
        %add3A_271 = arith.constant 64 : i32
        %add3A_272 = arith.addi %add3A_271, %add3A_178 : i32
        %get3A_273 = arith.index_cast %add3A_272 : i32 to index
        %get3A_274 = arith.constant 96 : index
        %get3A_275 = tpu.vector_load %arg11[%get3A_273, %get3A_274] {strides = array<i32>} : memref<128x128xf32, #tpu.memory_space<vmem>>, vector<16xf32>,
        %mul3A_276 = arith.mulf %mul3A_270, %get3A_275 : vector<16xf32>
        %add3A_277 = arith.addf %add3A_263, %mul3A_276 : vector<16xf32>
        %get3A_278 = arith.index_cast %add3A_178 : i32 to index
        %get3A_279 = arith.constant 112 : index
        %get3A_280 = tpu.vector_load %arg11[%get3A_278, %get3A_279] {strides = array<i32>} : memref<128x128xf32, #tpu.memory_space<vmem>>, vector<16xf32>,
        %get3A_281 = arith.index_cast %squeeze3A_180 : i32 to index
        %get3A_282 = arith.constant 112 : index
        %get3A_283 = tpu.vector_load %arg9[%get3A_281, %get3A_282] {strides = array<i32>} : memref<237x128xf32, #tpu.memory_space<vmem>>, vector<16xf32>,
        %mul3A_284 = arith.mulf %get3A_280, %get3A_283 : vector<16xf32>
        %add3A_285 = arith.constant 64 : i32
        %add3A_286 = arith.addi %add3A_285, %add3A_178 : i32
        %get3A_287 = arith.index_cast %add3A_286 : i32 to index
        %get3A_288 = arith.constant 112 : index
        %get3A_289 = tpu.vector_load %arg11[%get3A_287, %get3A_288] {strides = array<i32>} : memref<128x128xf32, #tpu.memory_space<vmem>>, vector<16xf32>,
        %mul3A_290 = arith.mulf %mul3A_284, %get3A_289 : vector<16xf32>
        %add3A_291 = arith.addf %add3A_277, %mul3A_290 : vector<16xf32>
        %swap3A_292 = arith.constant 1 : i32
        %swap3A_293 = arith.index_cast %swap3A_292 : i32 to index
        %swap3A_294 = arith.constant 0 : index
        %swap3A_295 = tpu.vector_load %arg12[%swap3A_293, %swap3A_294] {strides = array<i32>} : memref<16x16xf32, #tpu.memory_space<vmem>>, vector<16xf32>,
        tpu.vector_store %arg12[%swap3A_293, %swap3A_294], %add3A_291 {strides = array<i32>} : memref<16x16xf32, #tpu.memory_space<vmem>>, vector<16xf32>,
        %add3A_296 = arith.constant 2 : i32
        %add3A_297 = arith.addi %mul3A_58, %add3A_296 : i32
        %slice3A_298 = vector.extract_strided_slice %get3A_60 {offsets = [2], sizes = [1], strides = [1]} : vector<16xi32> to vector<1xi32>
        %squeeze3A_299 = vector.extract %slice3A_298[0] : i32 from vector<1xi32>
        %get3A_300 = arith.index_cast %add3A_297 : i32 to index
        %get3A_301 = arith.constant 0 : index
        %get3A_302 = tpu.vector_load %arg11[%get3A_300, %get3A_301] {strides = array<i32>} : memref<128x128xf32, #tpu.memory_space<vmem>>, vector<16xf32>,
        %get3A_303 = arith.index_cast %squeeze3A_299 : i32 to index
        %get3A_304 = arith.constant 0 : index
        %get3A_305 = tpu.vector_load %arg9[%get3A_303, %get3A_304] {strides = array<i32>} : memref<237x128xf32, #tpu.memory_space<vmem>>, vector<16xf32>,
        %mul3A_306 = arith.mulf %get3A_302, %get3A_305 : vector<16xf32>
        %add3A_307 = arith.constant 64 : i32
        %add3A_308 = arith.addi %add3A_307, %add3A_297 : i32
        %get3A_309 = arith.index_cast %add3A_308 : i32 to index
        %get3A_310 = arith.constant 0 : index
        %get3A_311 = tpu.vector_load %arg11[%get3A_309, %get3A_310] {strides = array<i32>} : memref<128x128xf32, #tpu.memory_space<vmem>>, vector<16xf32>,
        %mul3A_312 = arith.mulf %mul3A_306, %get3A_311 : vector<16xf32>
        %get3A_313 = arith.index_cast %add3A_297 : i32 to index
        %get3A_314 = arith.constant 16 : index
        %get3A_315 = tpu.vector_load %arg11[%get3A_313, %get3A_314] {strides = array<i32>} : memref<128x128xf32, #tpu.memory_space<vmem>>, vector<16xf32>,
        %get3A_316 = arith.index_cast %squeeze3A_299 : i32 to index
        %get3A_317 = arith.constant 16 : index
        %get3A_318 = tpu.vector_load %arg9[%get3A_316, %get3A_317] {strides = array<i32>} : memref<237x128xf32, #tpu.memory_space<vmem>>, vector<16xf32>,
        %mul3A_319 = arith.mulf %get3A_315, %get3A_318 : vector<16xf32>
        %add3A_320 = arith.constant 64 : i32
        %add3A_321 = arith.addi %add3A_320, %add3A_297 : i32
        %get3A_322 = arith.index_cast %add3A_321 : i32 to index
        %get3A_323 = arith.constant 16 : index
        %get3A_324 = tpu.vector_load %arg11[%get3A_322, %get3A_323] {strides = array<i32>} : memref<128x128xf32, #tpu.memory_space<vmem>>, vector<16xf32>,
        %mul3A_325 = arith.mulf %mul3A_319, %get3A_324 : vector<16xf32>
        %add3A_326 = arith.addf %mul3A_312, %mul3A_325 : vector<16xf32>
        %get3A_327 = arith.index_cast %add3A_297 : i32 to index
        %get3A_328 = arith.constant 32 : index
        %get3A_329 = tpu.vector_load %arg11[%get3A_327, %get3A_328] {strides = array<i32>} : memref<128x128xf32, #tpu.memory_space<vmem>>, vector<16xf32>,
        %get3A_330 = arith.index_cast %squeeze3A_299 : i32 to index
        %get3A_331 = arith.constant 32 : index
        %get3A_332 = tpu.vector_load %arg9[%get3A_330, %get3A_331] {strides = array<i32>} : memref<237x128xf32, #tpu.memory_space<vmem>>, vector<16xf32>,
        %mul3A_333 = arith.mulf %get3A_329, %get3A_332 : vector<16xf32>
        %add3A_334 = arith.constant 64 : i32
        %add3A_335 = arith.addi %add3A_334, %add3A_297 : i32
        %get3A_336 = arith.index_cast %add3A_335 : i32 to index
        %get3A_337 = arith.constant 32 : index
        %get3A_338 = tpu.vector_load %arg11[%get3A_336, %get3A_337] {strides = array<i32>} : memref<128x128xf32, #tpu.memory_space<vmem>>, vector<16xf32>,
        %mul3A_339 = arith.mulf %mul3A_333, %get3A_338 : vector<16xf32>
        %add3A_340 = arith.addf %add3A_326, %mul3A_339 : vector<16xf32>
        %get3A_341 = arith.index_cast %add3A_297 : i32 to index
        %get3A_342 = arith.constant 48 : index
        %get3A_343 = tpu.vector_load %arg11[%get3A_341, %get3A_342] {strides = array<i32>} : memref<128x128xf32, #tpu.memory_space<vmem>>, vector<16xf32>,
        %get3A_344 = arith.index_cast %squeeze3A_299 : i32 to index
        %get3A_345 = arith.constant 48 : index
        %get3A_346 = tpu.vector_load %arg9[%get3A_344, %get3A_345] {strides = array<i32>} : memref<237x128xf32, #tpu.memory_space<vmem>>, vector<16xf32>,
        %mul3A_347 = arith.mulf %get3A_343, %get3A_346 : vector<16xf32>
        %add3A_348 = arith.constant 64 : i32
        %add3A_349 = arith.addi %add3A_348, %add3A_297 : i32
        %get3A_350 = arith.index_cast %add3A_349 : i32 to index
        %get3A_351 = arith.constant 48 : index
        %get3A_352 = tpu.vector_load %arg11[%get3A_350, %get3A_351] {strides = array<i32>} : memref<128x128xf32, #tpu.memory_space<vmem>>, vector<16xf32>,
        %mul3A_353 = arith.mulf %mul3A_347, %get3A_352 : vector<16xf32>
        %add3A_354 = arith.addf %add3A_340, %mul3A_353 : vector<16xf32>
        %get3A_355 = arith.index_cast %add3A_297 : i32 to index
        %get3A_356 = arith.constant 64 : index
        %get3A_357 = tpu.vector_load %arg11[%get3A_355, %get3A_356] {strides = array<i32>} : memref<128x128xf32, #tpu.memory_space<vmem>>, vector<16xf32>,
        %get3A_358 = arith.index_cast %squeeze3A_299 : i32 to index
        %get3A_359 = arith.constant 64 : index
        %get3A_360 = tpu.vector_load %arg9[%get3A_358, %get3A_359] {strides = array<i32>} : memref<237x128xf32, #tpu.memory_space<vmem>>, vector<16xf32>,
        %mul3A_361 = arith.mulf %get3A_357, %get3A_360 : vector<16xf32>
        %add3A_362 = arith.constant 64 : i32
        %add3A_363 = arith.addi %add3A_362, %add3A_297 : i32
        %get3A_364 = arith.index_cast %add3A_363 : i32 to index
        %get3A_365 = arith.constant 64 : index
        %get3A_366 = tpu.vector_load %arg11[%get3A_364, %get3A_365] {strides = array<i32>} : memref<128x128xf32, #tpu.memory_space<vmem>>, vector<16xf32>,
        %mul3A_367 = arith.mulf %mul3A_361, %get3A_366 : vector<16xf32>
        %add3A_368 = arith.addf %add3A_354, %mul3A_367 : vector<16xf32>
        %get3A_369 = arith.index_cast %add3A_297 : i32 to index
        %get3A_370 = arith.constant 80 : index
        %get3A_371 = tpu.vector_load %arg11[%get3A_369, %get3A_370] {strides = array<i32>} : memref<128x128xf32, #tpu.memory_space<vmem>>, vector<16xf32>,
        %get3A_372 = arith.index_cast %squeeze3A_299 : i32 to index
        %get3A_373 = arith.constant 80 : index
        %get3A_374 = tpu.vector_load %arg9[%get3A_372, %get3A_373] {strides = array<i32>} : memref<237x128xf32, #tpu.memory_space<vmem>>, vector<16xf32>,
        %mul3A_375 = arith.mulf %get3A_371, %get3A_374 : vector<16xf32>
        %add3A_376 = arith.constant 64 : i32
        %add3A_377 = arith.addi %add3A_376, %add3A_297 : i32
        %get3A_378 = arith.index_cast %add3A_377 : i32 to index
        %get3A_379 = arith.constant 80 : index
        %get3A_380 = tpu.vector_load %arg11[%get3A_378, %get3A_379] {strides = array<i32>} : memref<128x128xf32, #tpu.memory_space<vmem>>, vector<16xf32>,
        %mul3A_381 = arith.mulf %mul3A_375, %get3A_380 : vector<16xf32>
        %add3A_382 = arith.addf %add3A_368, %mul3A_381 : vector<16xf32>
        %get3A_383 = arith.index_cast %add3A_297 : i32 to index
        %get3A_384 = arith.constant 96 : index
        %get3A_385 = tpu.vector_load %arg11[%get3A_383, %get3A_384] {strides = array<i32>} : memref<128x128xf32, #tpu.memory_space<vmem>>, vector<16xf32>,
        %get3A_386 = arith.index_cast %squeeze3A_299 : i32 to index
        %get3A_387 = arith.constant 96 : index
        %get3A_388 = tpu.vector_load %arg9[%get3A_386, %get3A_387] {strides = array<i32>} : memref<237x128xf32, #tpu.memory_space<vmem>>, vector<16xf32>,
        %mul3A_389 = arith.mulf %get3A_385, %get3A_388 : vector<16xf32>
        %add3A_390 = arith.constant 64 : i32
        %add3A_391 = arith.addi %add3A_390, %add3A_297 : i32
        %get3A_392 = arith.index_cast %add3A_391 : i32 to index
        %get3A_393 = arith.constant 96 : index
        %get3A_394 = tpu.vector_load %arg11[%get3A_392, %get3A_393] {strides = array<i32>} : memref<128x128xf32, #tpu.memory_space<vmem>>, vector<16xf32>,
        %mul3A_395 = arith.mulf %mul3A_389, %get3A_394 : vector<16xf32>
        %add3A_396 = arith.addf %add3A_382, %mul3A_395 : vector<16xf32>
        %get3A_397 = arith.index_cast %add3A_297 : i32 to index
        %get3A_398 = arith.constant 112 : index
        %get3A_399 = tpu.vector_load %arg11[%get3A_397, %get3A_398] {strides = array<i32>} : memref<128x128xf32, #tpu.memory_space<vmem>>, vector<16xf32>,
        %get3A_400 = arith.index_cast %squeeze3A_299 : i32 to index
        %get3A_401 = arith.constant 112 : index
        %get3A_402 = tpu.vector_load %arg9[%get3A_400, %get3A_401] {strides = array<i32>} : memref<237x128xf32, #tpu.memory_space<vmem>>, vector<16xf32>,
        %mul3A_403 = arith.mulf %get3A_399, %get3A_402 : vector<16xf32>
        %add3A_404 = arith.constant 64 : i32
        %add3A_405 = arith.addi %add3A_404, %add3A_297 : i32
        %get3A_406 = arith.index_cast %add3A_405 : i32 to index
        %get3A_407 = arith.constant 112 : index
        %get3A_408 = tpu.vector_load %arg11[%get3A_406, %get3A_407] {strides = array<i32>} : memref<128x128xf32, #tpu.memory_space<vmem>>, vector<16xf32>,
        %mul3A_409 = arith.mulf %mul3A_403, %get3A_408 : vector<16xf32>
        %add3A_410 = arith.addf %add3A_396, %mul3A_409 : vector<16xf32>
        %swap3A_411 = arith.constant 2 : i32
        %swap3A_412 = arith.index_cast %swap3A_411 : i32 to index
        %swap3A_413 = arith.constant 0 : index
        %swap3A_414 = tpu.vector_load %arg12[%swap3A_412, %swap3A_413] {strides = array<i32>} : memref<16x16xf32, #tpu.memory_space<vmem>>, vector<16xf32>,
        tpu.vector_store %arg12[%swap3A_412, %swap3A_413], %add3A_410 {strides = array<i32>} : memref<16x16xf32, #tpu.memory_space<vmem>>, vector<16xf32>,
        %add3A_415 = arith.constant 3 : i32
        %add3A_416 = arith.addi %mul3A_58, %add3A_415 : i32
        %slice3A_417 = vector.extract_strided_slice %get3A_60 {offsets = [3], sizes = [1], strides = [1]} : vector<16xi32> to vector<1xi32>
        %squeeze3A_418 = vector.extract %slice3A_417[0] : i32 from vector<1xi32>
        %get3A_419 = arith.index_cast %add3A_416 : i32 to index
        %get3A_420 = arith.constant 0 : index
        %get3A_421 = tpu.vector_load %arg11[%get3A_419, %get3A_420] {strides = array<i32>} : memref<128x128xf32, #tpu.memory_space<vmem>>, vector<16xf32>,
        %get3A_422 = arith.index_cast %squeeze3A_418 : i32 to index
        %get3A_423 = arith.constant 0 : index
        %get3A_424 = tpu.vector_load %arg9[%get3A_422, %get3A_423] {strides = array<i32>} : memref<237x128xf32, #tpu.memory_space<vmem>>, vector<16xf32>,
        %mul3A_425 = arith.mulf %get3A_421, %get3A_424 : vector<16xf32>
        %add3A_426 = arith.constant 64 : i32
        %add3A_427 = arith.addi %add3A_426, %add3A_416 : i32
        %get3A_428 = arith.index_cast %add3A_427 : i32 to index
        %get3A_429 = arith.constant 0 : index
        %get3A_430 = tpu.vector_load %arg11[%get3A_428, %get3A_429] {strides = array<i32>} : memref<128x128xf32, #tpu.memory_space<vmem>>, vector<16xf32>,
        %mul3A_431 = arith.mulf %mul3A_425, %get3A_430 : vector<16xf32>
        %get3A_432 = arith.index_cast %add3A_416 : i32 to index
        %get3A_433 = arith.constant 16 : index
        %get3A_434 = tpu.vector_load %arg11[%get3A_432, %get3A_433] {strides = array<i32>} : memref<128x128xf32, #tpu.memory_space<vmem>>, vector<16xf32>,
        %get3A_435 = arith.index_cast %squeeze3A_418 : i32 to index
        %get3A_436 = arith.constant 16 : index
        %get3A_437 = tpu.vector_load %arg9[%get3A_435, %get3A_436] {strides = array<i32>} : memref<237x128xf32, #tpu.memory_space<vmem>>, vector<16xf32>,
        %mul3A_438 = arith.mulf %get3A_434, %get3A_437 : vector<16xf32>
        %add3A_439 = arith.constant 64 : i32
        %add3A_440 = arith.addi %add3A_439, %add3A_416 : i32
        %get3A_441 = arith.index_cast %add3A_440 : i32 to index
        %get3A_442 = arith.constant 16 : index
        %get3A_443 = tpu.vector_load %arg11[%get3A_441, %get3A_442] {strides = array<i32>} : memref<128x128xf32, #tpu.memory_space<vmem>>, vector<16xf32>,
        %mul3A_444 = arith.mulf %mul3A_438, %get3A_443 : vector<16xf32>
        %add3A_445 = arith.addf %mul3A_431, %mul3A_444 : vector<16xf32>
        %get3A_446 = arith.index_cast %add3A_416 : i32 to index
        %get3A_447 = arith.constant 32 : index
        %get3A_448 = tpu.vector_load %arg11[%get3A_446, %get3A_447] {strides = array<i32>} : memref<128x128xf32, #tpu.memory_space<vmem>>, vector<16xf32>,
        %get3A_449 = arith.index_cast %squeeze3A_418 : i32 to index
        %get3A_450 = arith.constant 32 : index
        %get3A_451 = tpu.vector_load %arg9[%get3A_449, %get3A_450] {strides = array<i32>} : memref<237x128xf32, #tpu.memory_space<vmem>>, vector<16xf32>,
        %mul3A_452 = arith.mulf %get3A_448, %get3A_451 : vector<16xf32>
        %add3A_453 = arith.constant 64 : i32
        %add3A_454 = arith.addi %add3A_453, %add3A_416 : i32
        %get3A_455 = arith.index_cast %add3A_454 : i32 to index
        %get3A_456 = arith.constant 32 : index
        %get3A_457 = tpu.vector_load %arg11[%get3A_455, %get3A_456] {strides = array<i32>} : memref<128x128xf32, #tpu.memory_space<vmem>>, vector<16xf32>,
        %mul3A_458 = arith.mulf %mul3A_452, %get3A_457 : vector<16xf32>
        %add3A_459 = arith.addf %add3A_445, %mul3A_458 : vector<16xf32>
        %get3A_460 = arith.index_cast %add3A_416 : i32 to index
        %get3A_461 = arith.constant 48 : index
        %get3A_462 = tpu.vector_load %arg11[%get3A_460, %get3A_461] {strides = array<i32>} : memref<128x128xf32, #tpu.memory_space<vmem>>, vector<16xf32>,
        %get3A_463 = arith.index_cast %squeeze3A_418 : i32 to index
        %get3A_464 = arith.constant 48 : index
        %get3A_465 = tpu.vector_load %arg9[%get3A_463, %get3A_464] {strides = array<i32>} : memref<237x128xf32, #tpu.memory_space<vmem>>, vector<16xf32>,
        %mul3A_466 = arith.mulf %get3A_462, %get3A_465 : vector<16xf32>
        %add3A_467 = arith.constant 64 : i32
        %add3A_468 = arith.addi %add3A_467, %add3A_416 : i32
        %get3A_469 = arith.index_cast %add3A_468 : i32 to index
        %get3A_470 = arith.constant 48 : index
        %get3A_471 = tpu.vector_load %arg11[%get3A_469, %get3A_470] {strides = array<i32>} : memref<128x128xf32, #tpu.memory_space<vmem>>, vector<16xf32>,
        %mul3A_472 = arith.mulf %mul3A_466, %get3A_471 : vector<16xf32>
        %add3A_473 = arith.addf %add3A_459, %mul3A_472 : vector<16xf32>
        %get3A_474 = arith.index_cast %add3A_416 : i32 to index
        %get3A_475 = arith.constant 64 : index
        %get3A_476 = tpu.vector_load %arg11[%get3A_474, %get3A_475] {strides = array<i32>} : memref<128x128xf32, #tpu.memory_space<vmem>>, vector<16xf32>,
        %get3A_477 = arith.index_cast %squeeze3A_418 : i32 to index
        %get3A_478 = arith.constant 64 : index
        %get3A_479 = tpu.vector_load %arg9[%get3A_477, %get3A_478] {strides = array<i32>} : memref<237x128xf32, #tpu.memory_space<vmem>>, vector<16xf32>,
        %mul3A_480 = arith.mulf %get3A_476, %get3A_479 : vector<16xf32>
        %add3A_481 = arith.constant 64 : i32
        %add3A_482 = arith.addi %add3A_481, %add3A_416 : i32
        %get3A_483 = arith.index_cast %add3A_482 : i32 to index
        %get3A_484 = arith.constant 64 : index
        %get3A_485 = tpu.vector_load %arg11[%get3A_483, %get3A_484] {strides = array<i32>} : memref<128x128xf32, #tpu.memory_space<vmem>>, vector<16xf32>,
        %mul3A_486 = arith.mulf %mul3A_480, %get3A_485 : vector<16xf32>
        %add3A_487 = arith.addf %add3A_473, %mul3A_486 : vector<16xf32>
        %get3A_488 = arith.index_cast %add3A_416 : i32 to index
        %get3A_489 = arith.constant 80 : index
        %get3A_490 = tpu.vector_load %arg11[%get3A_488, %get3A_489] {strides = array<i32>} : memref<128x128xf32, #tpu.memory_space<vmem>>, vector<16xf32>,
        %get3A_491 = arith.index_cast %squeeze3A_418 : i32 to index
        %get3A_492 = arith.constant 80 : index
        %get3A_493 = tpu.vector_load %arg9[%get3A_491, %get3A_492] {strides = array<i32>} : memref<237x128xf32, #tpu.memory_space<vmem>>, vector<16xf32>,
        %mul3A_494 = arith.mulf %get3A_490, %get3A_493 : vector<16xf32>
        %add3A_495 = arith.constant 64 : i32
        %add3A_496 = arith.addi %add3A_495, %add3A_416 : i32
        %get3A_497 = arith.index_cast %add3A_496 : i32 to index
        %get3A_498 = arith.constant 80 : index
        %get3A_499 = tpu.vector_load %arg11[%get3A_497, %get3A_498] {strides = array<i32>} : memref<128x128xf32, #tpu.memory_space<vmem>>, vector<16xf32>,
        %mul3A_500 = arith.mulf %mul3A_494, %get3A_499 : vector<16xf32>
        %add3A_501 = arith.addf %add3A_487, %mul3A_500 : vector<16xf32>
        %get3A_502 = arith.index_cast %add3A_416 : i32 to index
        %get3A_503 = arith.constant 96 : index
        %get3A_504 = tpu.vector_load %arg11[%get3A_502, %get3A_503] {strides = array<i32>} : memref<128x128xf32, #tpu.memory_space<vmem>>, vector<16xf32>,
        %get3A_505 = arith.index_cast %squeeze3A_418 : i32 to index
        %get3A_506 = arith.constant 96 : index
        %get3A_507 = tpu.vector_load %arg9[%get3A_505, %get3A_506] {strides = array<i32>} : memref<237x128xf32, #tpu.memory_space<vmem>>, vector<16xf32>,
        %mul3A_508 = arith.mulf %get3A_504, %get3A_507 : vector<16xf32>
        %add3A_509 = arith.constant 64 : i32
        %add3A_510 = arith.addi %add3A_509, %add3A_416 : i32
        %get3A_511 = arith.index_cast %add3A_510 : i32 to index
        %get3A_512 = arith.constant 96 : index
        %get3A_513 = tpu.vector_load %arg11[%get3A_511, %get3A_512] {strides = array<i32>} : memref<128x128xf32, #tpu.memory_space<vmem>>, vector<16xf32>,
        %mul3A_514 = arith.mulf %mul3A_508, %get3A_513 : vector<16xf32>
        %add3A_515 = arith.addf %add3A_501, %mul3A_514 : vector<16xf32>
        %get3A_516 = arith.index_cast %add3A_416 : i32 to index
        %get3A_517 = arith.constant 112 : index
        %get3A_518 = tpu.vector_load %arg11[%get3A_516, %get3A_517] {strides = array<i32>} : memref<128x128xf32, #tpu.memory_space<vmem>>, vector<16xf32>,
        %get3A_519 = arith.index_cast %squeeze3A_418 : i32 to index
        %get3A_520 = arith.constant 112 : index
        %get3A_521 = tpu.vector_load %arg9[%get3A_519, %get3A_520] {strides = array<i32>} : memref<237x128xf32, #tpu.memory_space<vmem>>, vector<16xf32>,
        %mul3A_522 = arith.mulf %get3A_518, %get3A_521 : vector<16xf32>
        %add3A_523 = arith.constant 64 : i32
        %add3A_524 = arith.addi %add3A_523, %add3A_416 : i32
        %get3A_525 = arith.index_cast %add3A_524 : i32 to index
        %get3A_526 = arith.constant 112 : index
        %get3A_527 = tpu.vector_load %arg11[%get3A_525, %get3A_526] {strides = array<i32>} : memref<128x128xf32, #tpu.memory_space<vmem>>, vector<16xf32>,
        %mul3A_528 = arith.mulf %mul3A_522, %get3A_527 : vector<16xf32>
        %add3A_529 = arith.addf %add3A_515, %mul3A_528 : vector<16xf32>
        %swap3A_530 = arith.constant 3 : i32
        %swap3A_531 = arith.index_cast %swap3A_530 : i32 to index
        %swap3A_532 = arith.constant 0 : index
        %swap3A_533 = tpu.vector_load %arg12[%swap3A_531, %swap3A_532] {strides = array<i32>} : memref<16x16xf32, #tpu.memory_space<vmem>>, vector<16xf32>,
        tpu.vector_store %arg12[%swap3A_531, %swap3A_532], %add3A_529 {strides = array<i32>} : memref<16x16xf32, #tpu.memory_space<vmem>>, vector<16xf32>,
        %add3A_534 = arith.constant 4 : i32
        %add3A_535 = arith.addi %mul3A_58, %add3A_534 : i32
        %slice3A_536 = vector.extract_strided_slice %get3A_60 {offsets = [4], sizes = [1], strides = [1]} : vector<16xi32> to vector<1xi32>
        %squeeze3A_537 = vector.extract %slice3A_536[0] : i32 from vector<1xi32>
        %get3A_538 = arith.index_cast %add3A_535 : i32 to index
        %get3A_539 = arith.constant 0 : index
        %get3A_540 = tpu.vector_load %arg11[%get3A_538, %get3A_539] {strides = array<i32>} : memref<128x128xf32, #tpu.memory_space<vmem>>, vector<16xf32>,
        %get3A_541 = arith.index_cast %squeeze3A_537 : i32 to index
        %get3A_542 = arith.constant 0 : index
        %get3A_543 = tpu.vector_load %arg9[%get3A_541, %get3A_542] {strides = array<i32>} : memref<237x128xf32, #tpu.memory_space<vmem>>, vector<16xf32>,
        %mul3A_544 = arith.mulf %get3A_540, %get3A_543 : vector<16xf32>
        %add3A_545 = arith.constant 64 : i32
        %add3A_546 = arith.addi %add3A_545, %add3A_535 : i32
        %get3A_547 = arith.index_cast %add3A_546 : i32 to index
        %get3A_548 = arith.constant 0 : index
        %get3A_549 = tpu.vector_load %arg11[%get3A_547, %get3A_548] {strides = array<i32>} : memref<128x128xf32, #tpu.memory_space<vmem>>, vector<16xf32>,
        %mul3A_550 = arith.mulf %mul3A_544, %get3A_549 : vector<16xf32>
        %get3A_551 = arith.index_cast %add3A_535 : i32 to index
        %get3A_552 = arith.constant 16 : index
        %get3A_553 = tpu.vector_load %arg11[%get3A_551, %get3A_552] {strides = array<i32>} : memref<128x128xf32, #tpu.memory_space<vmem>>, vector<16xf32>,
        %get3A_554 = arith.index_cast %squeeze3A_537 : i32 to index
        %get3A_555 = arith.constant 16 : index
        %get3A_556 = tpu.vector_load %arg9[%get3A_554, %get3A_555] {strides = array<i32>} : memref<237x128xf32, #tpu.memory_space<vmem>>, vector<16xf32>,
        %mul3A_557 = arith.mulf %get3A_553, %get3A_556 : vector<16xf32>
        %add3A_558 = arith.constant 64 : i32
        %add3A_559 = arith.addi %add3A_558, %add3A_535 : i32
        %get3A_560 = arith.index_cast %add3A_559 : i32 to index
        %get3A_561 = arith.constant 16 : index
        %get3A_562 = tpu.vector_load %arg11[%get3A_560, %get3A_561] {strides = array<i32>} : memref<128x128xf32, #tpu.memory_space<vmem>>, vector<16xf32>,
        %mul3A_563 = arith.mulf %mul3A_557, %get3A_562 : vector<16xf32>
        %add3A_564 = arith.addf %mul3A_550, %mul3A_563 : vector<16xf32>
        %get3A_565 = arith.index_cast %add3A_535 : i32 to index
        %get3A_566 = arith.constant 32 : index
        %get3A_567 = tpu.vector_load %arg11[%get3A_565, %get3A_566] {strides = array<i32>} : memref<128x128xf32, #tpu.memory_space<vmem>>, vector<16xf32>,
        %get3A_568 = arith.index_cast %squeeze3A_537 : i32 to index
        %get3A_569 = arith.constant 32 : index
        %get3A_570 = tpu.vector_load %arg9[%get3A_568, %get3A_569] {strides = array<i32>} : memref<237x128xf32, #tpu.memory_space<vmem>>, vector<16xf32>,
        %mul3A_571 = arith.mulf %get3A_567, %get3A_570 : vector<16xf32>
        %add3A_572 = arith.constant 64 : i32
        %add3A_573 = arith.addi %add3A_572, %add3A_535 : i32
        %get3A_574 = arith.index_cast %add3A_573 : i32 to index
        %get3A_575 = arith.constant 32 : index
        %get3A_576 = tpu.vector_load %arg11[%get3A_574, %get3A_575] {strides = array<i32>} : memref<128x128xf32, #tpu.memory_space<vmem>>, vector<16xf32>,
        %mul3A_577 = arith.mulf %mul3A_571, %get3A_576 : vector<16xf32>
        %add3A_578 = arith.addf %add3A_564, %mul3A_577 : vector<16xf32>
        %get3A_579 = arith.index_cast %add3A_535 : i32 to index
        %get3A_580 = arith.constant 48 : index
        %get3A_581 = tpu.vector_load %arg11[%get3A_579, %get3A_580] {strides = array<i32>} : memref<128x128xf32, #tpu.memory_space<vmem>>, vector<16xf32>,
        %get3A_582 = arith.index_cast %squeeze3A_537 : i32 to index
        %get3A_583 = arith.constant 48 : index
        %get3A_584 = tpu.vector_load %arg9[%get3A_582, %get3A_583] {strides = array<i32>} : memref<237x128xf32, #tpu.memory_space<vmem>>, vector<16xf32>,
        %mul3A_585 = arith.mulf %get3A_581, %get3A_584 : vector<16xf32>
        %add3A_586 = arith.constant 64 : i32
        %add3A_587 = arith.addi %add3A_586, %add3A_535 : i32
        %get3A_588 = arith.index_cast %add3A_587 : i32 to index
        %get3A_589 = arith.constant 48 : index
        %get3A_590 = tpu.vector_load %arg11[%get3A_588, %get3A_589] {strides = array<i32>} : memref<128x128xf32, #tpu.memory_space<vmem>>, vector<16xf32>,
        %mul3A_591 = arith.mulf %mul3A_585, %get3A_590 : vector<16xf32>
        %add3A_592 = arith.addf %add3A_578, %mul3A_591 : vector<16xf32>
        %get3A_593 = arith.index_cast %add3A_535 : i32 to index
        %get3A_594 = arith.constant 64 : index
        %get3A_595 = tpu.vector_load %arg11[%get3A_593, %get3A_594] {strides = array<i32>} : memref<128x128xf32, #tpu.memory_space<vmem>>, vector<16xf32>,
        %get3A_596 = arith.index_cast %squeeze3A_537 : i32 to index
        %get3A_597 = arith.constant 64 : index
        %get3A_598 = tpu.vector_load %arg9[%get3A_596, %get3A_597] {strides = array<i32>} : memref<237x128xf32, #tpu.memory_space<vmem>>, vector<16xf32>,
        %mul3A_599 = arith.mulf %get3A_595, %get3A_598 : vector<16xf32>
        %add3A_600 = arith.constant 64 : i32
        %add3A_601 = arith.addi %add3A_600, %add3A_535 : i32
        %get3A_602 = arith.index_cast %add3A_601 : i32 to index
        %get3A_603 = arith.constant 64 : index
        %get3A_604 = tpu.vector_load %arg11[%get3A_602, %get3A_603] {strides = array<i32>} : memref<128x128xf32, #tpu.memory_space<vmem>>, vector<16xf32>,
        %mul3A_605 = arith.mulf %mul3A_599, %get3A_604 : vector<16xf32>
        %add3A_606 = arith.addf %add3A_592, %mul3A_605 : vector<16xf32>
        %get3A_607 = arith.index_cast %add3A_535 : i32 to index
        %get3A_608 = arith.constant 80 : index
        %get3A_609 = tpu.vector_load %arg11[%get3A_607, %get3A_608] {strides = array<i32>} : memref<128x128xf32, #tpu.memory_space<vmem>>, vector<16xf32>,
        %get3A_610 = arith.index_cast %squeeze3A_537 : i32 to index
        %get3A_611 = arith.constant 80 : index
        %get3A_612 = tpu.vector_load %arg9[%get3A_610, %get3A_611] {strides = array<i32>} : memref<237x128xf32, #tpu.memory_space<vmem>>, vector<16xf32>,
        %mul3A_613 = arith.mulf %get3A_609, %get3A_612 : vector<16xf32>
        %add3A_614 = arith.constant 64 : i32
        %add3A_615 = arith.addi %add3A_614, %add3A_535 : i32
        %get3A_616 = arith.index_cast %add3A_615 : i32 to index
        %get3A_617 = arith.constant 80 : index
        %get3A_618 = tpu.vector_load %arg11[%get3A_616, %get3A_617] {strides = array<i32>} : memref<128x128xf32, #tpu.memory_space<vmem>>, vector<16xf32>,
        %mul3A_619 = arith.mulf %mul3A_613, %get3A_618 : vector<16xf32>
        %add3A_620 = arith.addf %add3A_606, %mul3A_619 : vector<16xf32>
        %get3A_621 = arith.index_cast %add3A_535 : i32 to index
        %get3A_622 = arith.constant 96 : index
        %get3A_623 = tpu.vector_load %arg11[%get3A_621, %get3A_622] {strides = array<i32>} : memref<128x128xf32, #tpu.memory_space<vmem>>, vector<16xf32>,
        %get3A_624 = arith.index_cast %squeeze3A_537 : i32 to index
        %get3A_625 = arith.constant 96 : index
        %get3A_626 = tpu.vector_load %arg9[%get3A_624, %get3A_625] {strides = array<i32>} : memref<237x128xf32, #tpu.memory_space<vmem>>, vector<16xf32>,
        %mul3A_627 = arith.mulf %get3A_623, %get3A_626 : vector<16xf32>
        %add3A_628 = arith.constant 64 : i32
        %add3A_629 = arith.addi %add3A_628, %add3A_535 : i32
        %get3A_630 = arith.index_cast %add3A_629 : i32 to index
        %get3A_631 = arith.constant 96 : index
        %get3A_632 = tpu.vector_load %arg11[%get3A_630, %get3A_631] {strides = array<i32>} : memref<128x128xf32, #tpu.memory_space<vmem>>, vector<16xf32>,
        %mul3A_633 = arith.mulf %mul3A_627, %get3A_632 : vector<16xf32>
        %add3A_634 = arith.addf %add3A_620, %mul3A_633 : vector<16xf32>
        %get3A_635 = arith.index_cast %add3A_535 : i32 to index
        %get3A_636 = arith.constant 112 : index
        %get3A_637 = tpu.vector_load %arg11[%get3A_635, %get3A_636] {strides = array<i32>} : memref<128x128xf32, #tpu.memory_space<vmem>>, vector<16xf32>,
        %get3A_638 = arith.index_cast %squeeze3A_537 : i32 to index
        %get3A_639 = arith.constant 112 : index
        %get3A_640 = tpu.vector_load %arg9[%get3A_638, %get3A_639] {strides = array<i32>} : memref<237x128xf32, #tpu.memory_space<vmem>>, vector<16xf32>,
        %mul3A_641 = arith.mulf %get3A_637, %get3A_640 : vector<16xf32>
        %add3A_642 = arith.constant 64 : i32
        %add3A_643 = arith.addi %add3A_642, %add3A_535 : i32
        %get3A_644 = arith.index_cast %add3A_643 : i32 to index
        %get3A_645 = arith.constant 112 : index
        %get3A_646 = tpu.vector_load %arg11[%get3A_644, %get3A_645] {strides = array<i32>} : memref<128x128xf32, #tpu.memory_space<vmem>>, vector<16xf32>,
        %mul3A_647 = arith.mulf %mul3A_641, %get3A_646 : vector<16xf32>
        %add3A_648 = arith.addf %add3A_634, %mul3A_647 : vector<16xf32>
        %swap3A_649 = arith.constant 4 : i32
        %swap3A_650 = arith.index_cast %swap3A_649 : i32 to index
        %swap3A_651 = arith.constant 0 : index
        %swap3A_652 = tpu.vector_load %arg12[%swap3A_650, %swap3A_651] {strides = array<i32>} : memref<16x16xf32, #tpu.memory_space<vmem>>, vector<16xf32>,
        tpu.vector_store %arg12[%swap3A_650, %swap3A_651], %add3A_648 {strides = array<i32>} : memref<16x16xf32, #tpu.memory_space<vmem>>, vector<16xf32>,
        %add3A_653 = arith.constant 5 : i32
        %add3A_654 = arith.addi %mul3A_58, %add3A_653 : i32
        %slice3A_655 = vector.extract_strided_slice %get3A_60 {offsets = [5], sizes = [1], strides = [1]} : vector<16xi32> to vector<1xi32>
        %squeeze3A_656 = vector.extract %slice3A_655[0] : i32 from vector<1xi32>
        %get3A_657 = arith.index_cast %add3A_654 : i32 to index
        %get3A_658 = arith.constant 0 : index
        %get3A_659 = tpu.vector_load %arg11[%get3A_657, %get3A_658] {strides = array<i32>} : memref<128x128xf32, #tpu.memory_space<vmem>>, vector<16xf32>,
        %get3A_660 = arith.index_cast %squeeze3A_656 : i32 to index
        %get3A_661 = arith.constant 0 : index
        %get3A_662 = tpu.vector_load %arg9[%get3A_660, %get3A_661] {strides = array<i32>} : memref<237x128xf32, #tpu.memory_space<vmem>>, vector<16xf32>,
        %mul3A_663 = arith.mulf %get3A_659, %get3A_662 : vector<16xf32>
        %add3A_664 = arith.constant 64 : i32
        %add3A_665 = arith.addi %add3A_664, %add3A_654 : i32
        %get3A_666 = arith.index_cast %add3A_665 : i32 to index
        %get3A_667 = arith.constant 0 : index
        %get3A_668 = tpu.vector_load %arg11[%get3A_666, %get3A_667] {strides = array<i32>} : memref<128x128xf32, #tpu.memory_space<vmem>>, vector<16xf32>,
        %mul3A_669 = arith.mulf %mul3A_663, %get3A_668 : vector<16xf32>
        %get3A_670 = arith.index_cast %add3A_654 : i32 to index
        %get3A_671 = arith.constant 16 : index
        %get3A_672 = tpu.vector_load %arg11[%get3A_670, %get3A_671] {strides = array<i32>} : memref<128x128xf32, #tpu.memory_space<vmem>>, vector<16xf32>,
        %get3A_673 = arith.index_cast %squeeze3A_656 : i32 to index
        %get3A_674 = arith.constant 16 : index
        %get3A_675 = tpu.vector_load %arg9[%get3A_673, %get3A_674] {strides = array<i32>} : memref<237x128xf32, #tpu.memory_space<vmem>>, vector<16xf32>,
        %mul3A_676 = arith.mulf %get3A_672, %get3A_675 : vector<16xf32>
        %add3A_677 = arith.constant 64 : i32
        %add3A_678 = arith.addi %add3A_677, %add3A_654 : i32
        %get3A_679 = arith.index_cast %add3A_678 : i32 to index
        %get3A_680 = arith.constant 16 : index
        %get3A_681 = tpu.vector_load %arg11[%get3A_679, %get3A_680] {strides = array<i32>} : memref<128x128xf32, #tpu.memory_space<vmem>>, vector<16xf32>,
        %mul3A_682 = arith.mulf %mul3A_676, %get3A_681 : vector<16xf32>
        %add3A_683 = arith.addf %mul3A_669, %mul3A_682 : vector<16xf32>
        %get3A_684 = arith.index_cast %add3A_654 : i32 to index
        %get3A_685 = arith.constant 32 : index
        %get3A_686 = tpu.vector_load %arg11[%get3A_684, %get3A_685] {strides = array<i32>} : memref<128x128xf32, #tpu.memory_space<vmem>>, vector<16xf32>,
        %get3A_687 = arith.index_cast %squeeze3A_656 : i32 to index
        %get3A_688 = arith.constant 32 : index
        %get3A_689 = tpu.vector_load %arg9[%get3A_687, %get3A_688] {strides = array<i32>} : memref<237x128xf32, #tpu.memory_space<vmem>>, vector<16xf32>,
        %mul3A_690 = arith.mulf %get3A_686, %get3A_689 : vector<16xf32>
        %add3A_691 = arith.constant 64 : i32
        %add3A_692 = arith.addi %add3A_691, %add3A_654 : i32
        %get3A_693 = arith.index_cast %add3A_692 : i32 to index
        %get3A_694 = arith.constant 32 : index
        %get3A_695 = tpu.vector_load %arg11[%get3A_693, %get3A_694] {strides = array<i32>} : memref<128x128xf32, #tpu.memory_space<vmem>>, vector<16xf32>,
        %mul3A_696 = arith.mulf %mul3A_690, %get3A_695 : vector<16xf32>
        %add3A_697 = arith.addf %add3A_683, %mul3A_696 : vector<16xf32>
        %get3A_698 = arith.index_cast %add3A_654 : i32 to index
        %get3A_699 = arith.constant 48 : index
        %get3A_700 = tpu.vector_load %arg11[%get3A_698, %get3A_699] {strides = array<i32>} : memref<128x128xf32, #tpu.memory_space<vmem>>, vector<16xf32>,
        %get3A_701 = arith.index_cast %squeeze3A_656 : i32 to index
        %get3A_702 = arith.constant 48 : index
        %get3A_703 = tpu.vector_load %arg9[%get3A_701, %get3A_702] {strides = array<i32>} : memref<237x128xf32, #tpu.memory_space<vmem>>, vector<16xf32>,
        %mul3A_704 = arith.mulf %get3A_700, %get3A_703 : vector<16xf32>
        %add3A_705 = arith.constant 64 : i32
        %add3A_706 = arith.addi %add3A_705, %add3A_654 : i32
        %get3A_707 = arith.index_cast %add3A_706 : i32 to index
        %get3A_708 = arith.constant 48 : index
        %get3A_709 = tpu.vector_load %arg11[%get3A_707, %get3A_708] {strides = array<i32>} : memref<128x128xf32, #tpu.memory_space<vmem>>, vector<16xf32>,
        %mul3A_710 = arith.mulf %mul3A_704, %get3A_709 : vector<16xf32>
        %add3A_711 = arith.addf %add3A_697, %mul3A_710 : vector<16xf32>
        %get3A_712 = arith.index_cast %add3A_654 : i32 to index
        %get3A_713 = arith.constant 64 : index
        %get3A_714 = tpu.vector_load %arg11[%get3A_712, %get3A_713] {strides = array<i32>} : memref<128x128xf32, #tpu.memory_space<vmem>>, vector<16xf32>,
        %get3A_715 = arith.index_cast %squeeze3A_656 : i32 to index
        %get3A_716 = arith.constant 64 : index
        %get3A_717 = tpu.vector_load %arg9[%get3A_715, %get3A_716] {strides = array<i32>} : memref<237x128xf32, #tpu.memory_space<vmem>>, vector<16xf32>,
        %mul3A_718 = arith.mulf %get3A_714, %get3A_717 : vector<16xf32>
        %add3A_719 = arith.constant 64 : i32
        %add3A_720 = arith.addi %add3A_719, %add3A_654 : i32
        %get3A_721 = arith.index_cast %add3A_720 : i32 to index
        %get3A_722 = arith.constant 64 : index
        %get3A_723 = tpu.vector_load %arg11[%get3A_721, %get3A_722] {strides = array<i32>} : memref<128x128xf32, #tpu.memory_space<vmem>>, vector<16xf32>,
        %mul3A_724 = arith.mulf %mul3A_718, %get3A_723 : vector<16xf32>
        %add3A_725 = arith.addf %add3A_711, %mul3A_724 : vector<16xf32>
        %get3A_726 = arith.index_cast %add3A_654 : i32 to index
        %get3A_727 = arith.constant 80 : index
        %get3A_728 = tpu.vector_load %arg11[%get3A_726, %get3A_727] {strides = array<i32>} : memref<128x128xf32, #tpu.memory_space<vmem>>, vector<16xf32>,
        %get3A_729 = arith.index_cast %squeeze3A_656 : i32 to index
        %get3A_730 = arith.constant 80 : index
        %get3A_731 = tpu.vector_load %arg9[%get3A_729, %get3A_730] {strides = array<i32>} : memref<237x128xf32, #tpu.memory_space<vmem>>, vector<16xf32>,
        %mul3A_732 = arith.mulf %get3A_728, %get3A_731 : vector<16xf32>
        %add3A_733 = arith.constant 64 : i32
        %add3A_734 = arith.addi %add3A_733, %add3A_654 : i32
        %get3A_735 = arith.index_cast %add3A_734 : i32 to index
        %get3A_736 = arith.constant 80 : index
        %get3A_737 = tpu.vector_load %arg11[%get3A_735, %get3A_736] {strides = array<i32>} : memref<128x128xf32, #tpu.memory_space<vmem>>, vector<16xf32>,
        %mul3A_738 = arith.mulf %mul3A_732, %get3A_737 : vector<16xf32>
        %add3A_739 = arith.addf %add3A_725, %mul3A_738 : vector<16xf32>
        %get3A_740 = arith.index_cast %add3A_654 : i32 to index
        %get3A_741 = arith.constant 96 : index
        %get3A_742 = tpu.vector_load %arg11[%get3A_740, %get3A_741] {strides = array<i32>} : memref<128x128xf32, #tpu.memory_space<vmem>>, vector<16xf32>,
        %get3A_743 = arith.index_cast %squeeze3A_656 : i32 to index
        %get3A_744 = arith.constant 96 : index
        %get3A_745 = tpu.vector_load %arg9[%get3A_743, %get3A_744] {strides = array<i32>} : memref<237x128xf32, #tpu.memory_space<vmem>>, vector<16xf32>,
        %mul3A_746 = arith.mulf %get3A_742, %get3A_745 : vector<16xf32>
        %add3A_747 = arith.constant 64 : i32
        %add3A_748 = arith.addi %add3A_747, %add3A_654 : i32
        %get3A_749 = arith.index_cast %add3A_748 : i32 to index
        %get3A_750 = arith.constant 96 : index
        %get3A_751 = tpu.vector_load %arg11[%get3A_749, %get3A_750] {strides = array<i32>} : memref<128x128xf32, #tpu.memory_space<vmem>>, vector<16xf32>,
        %mul3A_752 = arith.mulf %mul3A_746, %get3A_751 : vector<16xf32>
        %add3A_753 = arith.addf %add3A_739, %mul3A_752 : vector<16xf32>
        %get3A_754 = arith.index_cast %add3A_654 : i32 to index
        %get3A_755 = arith.constant 112 : index
        %get3A_756 = tpu.vector_load %arg11[%get3A_754, %get3A_755] {strides = array<i32>} : memref<128x128xf32, #tpu.memory_space<vmem>>, vector<16xf32>,
        %get3A_757 = arith.index_cast %squeeze3A_656 : i32 to index
        %get3A_758 = arith.constant 112 : index
        %get3A_759 = tpu.vector_load %arg9[%get3A_757, %get3A_758] {strides = array<i32>} : memref<237x128xf32, #tpu.memory_space<vmem>>, vector<16xf32>,
        %mul3A_760 = arith.mulf %get3A_756, %get3A_759 : vector<16xf32>
        %add3A_761 = arith.constant 64 : i32
        %add3A_762 = arith.addi %add3A_761, %add3A_654 : i32
        %get3A_763 = arith.index_cast %add3A_762 : i32 to index
        %get3A_764 = arith.constant 112 : index
        %get3A_765 = tpu.vector_load %arg11[%get3A_763, %get3A_764] {strides = array<i32>} : memref<128x128xf32, #tpu.memory_space<vmem>>, vector<16xf32>,
        %mul3A_766 = arith.mulf %mul3A_760, %get3A_765 : vector<16xf32>
        %add3A_767 = arith.addf %add3A_753, %mul3A_766 : vector<16xf32>
        %swap3A_768 = arith.constant 5 : i32
        %swap3A_769 = arith.index_cast %swap3A_768 : i32 to index
        %swap3A_770 = arith.constant 0 : index
        %swap3A_771 = tpu.vector_load %arg12[%swap3A_769, %swap3A_770] {strides = array<i32>} : memref<16x16xf32, #tpu.memory_space<vmem>>, vector<16xf32>,
        tpu.vector_store %arg12[%swap3A_769, %swap3A_770], %add3A_767 {strides = array<i32>} : memref<16x16xf32, #tpu.memory_space<vmem>>, vector<16xf32>,
        %add3A_772 = arith.constant 6 : i32
        %add3A_773 = arith.addi %mul3A_58, %add3A_772 : i32
        %slice3A_774 = vector.extract_strided_slice %get3A_60 {offsets = [6], sizes = [1], strides = [1]} : vector<16xi32> to vector<1xi32>
        %squeeze3A_775 = vector.extract %slice3A_774[0] : i32 from vector<1xi32>
        %get3A_776 = arith.index_cast %add3A_773 : i32 to index
        %get3A_777 = arith.constant 0 : index
        %get3A_778 = tpu.vector_load %arg11[%get3A_776, %get3A_777] {strides = array<i32>} : memref<128x128xf32, #tpu.memory_space<vmem>>, vector<16xf32>,
        %get3A_779 = arith.index_cast %squeeze3A_775 : i32 to index
        %get3A_780 = arith.constant 0 : index
        %get3A_781 = tpu.vector_load %arg9[%get3A_779, %get3A_780] {strides = array<i32>} : memref<237x128xf32, #tpu.memory_space<vmem>>, vector<16xf32>,
        %mul3A_782 = arith.mulf %get3A_778, %get3A_781 : vector<16xf32>
        %add3A_783 = arith.constant 64 : i32
        %add3A_784 = arith.addi %add3A_783, %add3A_773 : i32
        %get3A_785 = arith.index_cast %add3A_784 : i32 to index
        %get3A_786 = arith.constant 0 : index
        %get3A_787 = tpu.vector_load %arg11[%get3A_785, %get3A_786] {strides = array<i32>} : memref<128x128xf32, #tpu.memory_space<vmem>>, vector<16xf32>,
        %mul3A_788 = arith.mulf %mul3A_782, %get3A_787 : vector<16xf32>
        %get3A_789 = arith.index_cast %add3A_773 : i32 to index
        %get3A_790 = arith.constant 16 : index
        %get3A_791 = tpu.vector_load %arg11[%get3A_789, %get3A_790] {strides = array<i32>} : memref<128x128xf32, #tpu.memory_space<vmem>>, vector<16xf32>,
        %get3A_792 = arith.index_cast %squeeze3A_775 : i32 to index
        %get3A_793 = arith.constant 16 : index
        %get3A_794 = tpu.vector_load %arg9[%get3A_792, %get3A_793] {strides = array<i32>} : memref<237x128xf32, #tpu.memory_space<vmem>>, vector<16xf32>,
        %mul3A_795 = arith.mulf %get3A_791, %get3A_794 : vector<16xf32>
        %add3A_796 = arith.constant 64 : i32
        %add3A_797 = arith.addi %add3A_796, %add3A_773 : i32
        %get3A_798 = arith.index_cast %add3A_797 : i32 to index
        %get3A_799 = arith.constant 16 : index
        %get3A_800 = tpu.vector_load %arg11[%get3A_798, %get3A_799] {strides = array<i32>} : memref<128x128xf32, #tpu.memory_space<vmem>>, vector<16xf32>,
        %mul3A_801 = arith.mulf %mul3A_795, %get3A_800 : vector<16xf32>
        %add3A_802 = arith.addf %mul3A_788, %mul3A_801 : vector<16xf32>
        %get3A_803 = arith.index_cast %add3A_773 : i32 to index
        %get3A_804 = arith.constant 32 : index
        %get3A_805 = tpu.vector_load %arg11[%get3A_803, %get3A_804] {strides = array<i32>} : memref<128x128xf32, #tpu.memory_space<vmem>>, vector<16xf32>,
        %get3A_806 = arith.index_cast %squeeze3A_775 : i32 to index
        %get3A_807 = arith.constant 32 : index
        %get3A_808 = tpu.vector_load %arg9[%get3A_806, %get3A_807] {strides = array<i32>} : memref<237x128xf32, #tpu.memory_space<vmem>>, vector<16xf32>,
        %mul3A_809 = arith.mulf %get3A_805, %get3A_808 : vector<16xf32>
        %add3A_810 = arith.constant 64 : i32
        %add3A_811 = arith.addi %add3A_810, %add3A_773 : i32
        %get3A_812 = arith.index_cast %add3A_811 : i32 to index
        %get3A_813 = arith.constant 32 : index
        %get3A_814 = tpu.vector_load %arg11[%get3A_812, %get3A_813] {strides = array<i32>} : memref<128x128xf32, #tpu.memory_space<vmem>>, vector<16xf32>,
        %mul3A_815 = arith.mulf %mul3A_809, %get3A_814 : vector<16xf32>
        %add3A_816 = arith.addf %add3A_802, %mul3A_815 : vector<16xf32>
        %get3A_817 = arith.index_cast %add3A_773 : i32 to index
        %get3A_818 = arith.constant 48 : index
        %get3A_819 = tpu.vector_load %arg11[%get3A_817, %get3A_818] {strides = array<i32>} : memref<128x128xf32, #tpu.memory_space<vmem>>, vector<16xf32>,
        %get3A_820 = arith.index_cast %squeeze3A_775 : i32 to index
        %get3A_821 = arith.constant 48 : index
        %get3A_822 = tpu.vector_load %arg9[%get3A_820, %get3A_821] {strides = array<i32>} : memref<237x128xf32, #tpu.memory_space<vmem>>, vector<16xf32>,
        %mul3A_823 = arith.mulf %get3A_819, %get3A_822 : vector<16xf32>
        %add3A_824 = arith.constant 64 : i32
        %add3A_825 = arith.addi %add3A_824, %add3A_773 : i32
        %get3A_826 = arith.index_cast %add3A_825 : i32 to index
        %get3A_827 = arith.constant 48 : index
        %get3A_828 = tpu.vector_load %arg11[%get3A_826, %get3A_827] {strides = array<i32>} : memref<128x128xf32, #tpu.memory_space<vmem>>, vector<16xf32>,
        %mul3A_829 = arith.mulf %mul3A_823, %get3A_828 : vector<16xf32>
        %add3A_830 = arith.addf %add3A_816, %mul3A_829 : vector<16xf32>
        %get3A_831 = arith.index_cast %add3A_773 : i32 to index
        %get3A_832 = arith.constant 64 : index
        %get3A_833 = tpu.vector_load %arg11[%get3A_831, %get3A_832] {strides = array<i32>} : memref<128x128xf32, #tpu.memory_space<vmem>>, vector<16xf32>,
        %get3A_834 = arith.index_cast %squeeze3A_775 : i32 to index
        %get3A_835 = arith.constant 64 : index
        %get3A_836 = tpu.vector_load %arg9[%get3A_834, %get3A_835] {strides = array<i32>} : memref<237x128xf32, #tpu.memory_space<vmem>>, vector<16xf32>,
        %mul3A_837 = arith.mulf %get3A_833, %get3A_836 : vector<16xf32>
        %add3A_838 = arith.constant 64 : i32
        %add3A_839 = arith.addi %add3A_838, %add3A_773 : i32
        %get3A_840 = arith.index_cast %add3A_839 : i32 to index
        %get3A_841 = arith.constant 64 : index
        %get3A_842 = tpu.vector_load %arg11[%get3A_840, %get3A_841] {strides = array<i32>} : memref<128x128xf32, #tpu.memory_space<vmem>>, vector<16xf32>,
        %mul3A_843 = arith.mulf %mul3A_837, %get3A_842 : vector<16xf32>
        %add3A_844 = arith.addf %add3A_830, %mul3A_843 : vector<16xf32>
        %get3A_845 = arith.index_cast %add3A_773 : i32 to index
        %get3A_846 = arith.constant 80 : index
        %get3A_847 = tpu.vector_load %arg11[%get3A_845, %get3A_846] {strides = array<i32>} : memref<128x128xf32, #tpu.memory_space<vmem>>, vector<16xf32>,
        %get3A_848 = arith.index_cast %squeeze3A_775 : i32 to index
        %get3A_849 = arith.constant 80 : index
        %get3A_850 = tpu.vector_load %arg9[%get3A_848, %get3A_849] {strides = array<i32>} : memref<237x128xf32, #tpu.memory_space<vmem>>, vector<16xf32>,
        %mul3A_851 = arith.mulf %get3A_847, %get3A_850 : vector<16xf32>
        %add3A_852 = arith.constant 64 : i32
        %add3A_853 = arith.addi %add3A_852, %add3A_773 : i32
        %get3A_854 = arith.index_cast %add3A_853 : i32 to index
        %get3A_855 = arith.constant 80 : index
        %get3A_856 = tpu.vector_load %arg11[%get3A_854, %get3A_855] {strides = array<i32>} : memref<128x128xf32, #tpu.memory_space<vmem>>, vector<16xf32>,
        %mul3A_857 = arith.mulf %mul3A_851, %get3A_856 : vector<16xf32>
        %add3A_858 = arith.addf %add3A_844, %mul3A_857 : vector<16xf32>
        %get3A_859 = arith.index_cast %add3A_773 : i32 to index
        %get3A_860 = arith.constant 96 : index
        %get3A_861 = tpu.vector_load %arg11[%get3A_859, %get3A_860] {strides = array<i32>} : memref<128x128xf32, #tpu.memory_space<vmem>>, vector<16xf32>,
        %get3A_862 = arith.index_cast %squeeze3A_775 : i32 to index
        %get3A_863 = arith.constant 96 : index
        %get3A_864 = tpu.vector_load %arg9[%get3A_862, %get3A_863] {strides = array<i32>} : memref<237x128xf32, #tpu.memory_space<vmem>>, vector<16xf32>,
        %mul3A_865 = arith.mulf %get3A_861, %get3A_864 : vector<16xf32>
        %add3A_866 = arith.constant 64 : i32
        %add3A_867 = arith.addi %add3A_866, %add3A_773 : i32
        %get3A_868 = arith.index_cast %add3A_867 : i32 to index
        %get3A_869 = arith.constant 96 : index
        %get3A_870 = tpu.vector_load %arg11[%get3A_868, %get3A_869] {strides = array<i32>} : memref<128x128xf32, #tpu.memory_space<vmem>>, vector<16xf32>,
        %mul3A_871 = arith.mulf %mul3A_865, %get3A_870 : vector<16xf32>
        %add3A_872 = arith.addf %add3A_858, %mul3A_871 : vector<16xf32>
        %get3A_873 = arith.index_cast %add3A_773 : i32 to index
        %get3A_874 = arith.constant 112 : index
        %get3A_875 = tpu.vector_load %arg11[%get3A_873, %get3A_874] {strides = array<i32>} : memref<128x128xf32, #tpu.memory_space<vmem>>, vector<16xf32>,
        %get3A_876 = arith.index_cast %squeeze3A_775 : i32 to index
        %get3A_877 = arith.constant 112 : index
        %get3A_878 = tpu.vector_load %arg9[%get3A_876, %get3A_877] {strides = array<i32>} : memref<237x128xf32, #tpu.memory_space<vmem>>, vector<16xf32>,
        %mul3A_879 = arith.mulf %get3A_875, %get3A_878 : vector<16xf32>
        %add3A_880 = arith.constant 64 : i32
        %add3A_881 = arith.addi %add3A_880, %add3A_773 : i32
        %get3A_882 = arith.index_cast %add3A_881 : i32 to index
        %get3A_883 = arith.constant 112 : index
        %get3A_884 = tpu.vector_load %arg11[%get3A_882, %get3A_883] {strides = array<i32>} : memref<128x128xf32, #tpu.memory_space<vmem>>, vector<16xf32>,
        %mul3A_885 = arith.mulf %mul3A_879, %get3A_884 : vector<16xf32>
        %add3A_886 = arith.addf %add3A_872, %mul3A_885 : vector<16xf32>
        %swap3A_887 = arith.constant 6 : i32
        %swap3A_888 = arith.index_cast %swap3A_887 : i32 to index
        %swap3A_889 = arith.constant 0 : index
        %swap3A_890 = tpu.vector_load %arg12[%swap3A_888, %swap3A_889] {strides = array<i32>} : memref<16x16xf32, #tpu.memory_space<vmem>>, vector<16xf32>,
        tpu.vector_store %arg12[%swap3A_888, %swap3A_889], %add3A_886 {strides = array<i32>} : memref<16x16xf32, #tpu.memory_space<vmem>>, vector<16xf32>,
        %add3A_891 = arith.constant 7 : i32
        %add3A_892 = arith.addi %mul3A_58, %add3A_891 : i32
        %slice3A_893 = vector.extract_strided_slice %get3A_60 {offsets = [7], sizes = [1], strides = [1]} : vector<16xi32> to vector<1xi32>
        %squeeze3A_894 = vector.extract %slice3A_893[0] : i32 from vector<1xi32>
        %get3A_895 = arith.index_cast %add3A_892 : i32 to index
        %get3A_896 = arith.constant 0 : index
        %get3A_897 = tpu.vector_load %arg11[%get3A_895, %get3A_896] {strides = array<i32>} : memref<128x128xf32, #tpu.memory_space<vmem>>, vector<16xf32>,
        %get3A_898 = arith.index_cast %squeeze3A_894 : i32 to index
        %get3A_899 = arith.constant 0 : index
        %get3A_900 = tpu.vector_load %arg9[%get3A_898, %get3A_899] {strides = array<i32>} : memref<237x128xf32, #tpu.memory_space<vmem>>, vector<16xf32>,
        %mul3A_901 = arith.mulf %get3A_897, %get3A_900 : vector<16xf32>
        %add3A_902 = arith.constant 64 : i32
        %add3A_903 = arith.addi %add3A_902, %add3A_892 : i32
        %get3A_904 = arith.index_cast %add3A_903 : i32 to index
        %get3A_905 = arith.constant 0 : index
        %get3A_906 = tpu.vector_load %arg11[%get3A_904, %get3A_905] {strides = array<i32>} : memref<128x128xf32, #tpu.memory_space<vmem>>, vector<16xf32>,
        %mul3A_907 = arith.mulf %mul3A_901, %get3A_906 : vector<16xf32>
        %get3A_908 = arith.index_cast %add3A_892 : i32 to index
        %get3A_909 = arith.constant 16 : index
        %get3A_910 = tpu.vector_load %arg11[%get3A_908, %get3A_909] {strides = array<i32>} : memref<128x128xf32, #tpu.memory_space<vmem>>, vector<16xf32>,
        %get3A_911 = arith.index_cast %squeeze3A_894 : i32 to index
        %get3A_912 = arith.constant 16 : index
        %get3A_913 = tpu.vector_load %arg9[%get3A_911, %get3A_912] {strides = array<i32>} : memref<237x128xf32, #tpu.memory_space<vmem>>, vector<16xf32>,
        %mul3A_914 = arith.mulf %get3A_910, %get3A_913 : vector<16xf32>
        %add3A_915 = arith.constant 64 : i32
        %add3A_916 = arith.addi %add3A_915, %add3A_892 : i32
        %get3A_917 = arith.index_cast %add3A_916 : i32 to index
        %get3A_918 = arith.constant 16 : index
        %get3A_919 = tpu.vector_load %arg11[%get3A_917, %get3A_918] {strides = array<i32>} : memref<128x128xf32, #tpu.memory_space<vmem>>, vector<16xf32>,
        %mul3A_920 = arith.mulf %mul3A_914, %get3A_919 : vector<16xf32>
        %add3A_921 = arith.addf %mul3A_907, %mul3A_920 : vector<16xf32>
        %get3A_922 = arith.index_cast %add3A_892 : i32 to index
        %get3A_923 = arith.constant 32 : index
        %get3A_924 = tpu.vector_load %arg11[%get3A_922, %get3A_923] {strides = array<i32>} : memref<128x128xf32, #tpu.memory_space<vmem>>, vector<16xf32>,
        %get3A_925 = arith.index_cast %squeeze3A_894 : i32 to index
        %get3A_926 = arith.constant 32 : index
        %get3A_927 = tpu.vector_load %arg9[%get3A_925, %get3A_926] {strides = array<i32>} : memref<237x128xf32, #tpu.memory_space<vmem>>, vector<16xf32>,
        %mul3A_928 = arith.mulf %get3A_924, %get3A_927 : vector<16xf32>
        %add3A_929 = arith.constant 64 : i32
        %add3A_930 = arith.addi %add3A_929, %add3A_892 : i32
        %get3A_931 = arith.index_cast %add3A_930 : i32 to index
        %get3A_932 = arith.constant 32 : index
        %get3A_933 = tpu.vector_load %arg11[%get3A_931, %get3A_932] {strides = array<i32>} : memref<128x128xf32, #tpu.memory_space<vmem>>, vector<16xf32>,
        %mul3A_934 = arith.mulf %mul3A_928, %get3A_933 : vector<16xf32>
        %add3A_935 = arith.addf %add3A_921, %mul3A_934 : vector<16xf32>
        %get3A_936 = arith.index_cast %add3A_892 : i32 to index
        %get3A_937 = arith.constant 48 : index
        %get3A_938 = tpu.vector_load %arg11[%get3A_936, %get3A_937] {strides = array<i32>} : memref<128x128xf32, #tpu.memory_space<vmem>>, vector<16xf32>,
        %get3A_939 = arith.index_cast %squeeze3A_894 : i32 to index
        %get3A_940 = arith.constant 48 : index
        %get3A_941 = tpu.vector_load %arg9[%get3A_939, %get3A_940] {strides = array<i32>} : memref<237x128xf32, #tpu.memory_space<vmem>>, vector<16xf32>,
        %mul3A_942 = arith.mulf %get3A_938, %get3A_941 : vector<16xf32>
        %add3A_943 = arith.constant 64 : i32
        %add3A_944 = arith.addi %add3A_943, %add3A_892 : i32
        %get3A_945 = arith.index_cast %add3A_944 : i32 to index
        %get3A_946 = arith.constant 48 : index
        %get3A_947 = tpu.vector_load %arg11[%get3A_945, %get3A_946] {strides = array<i32>} : memref<128x128xf32, #tpu.memory_space<vmem>>, vector<16xf32>,
        %mul3A_948 = arith.mulf %mul3A_942, %get3A_947 : vector<16xf32>
        %add3A_949 = arith.addf %add3A_935, %mul3A_948 : vector<16xf32>
        %get3A_950 = arith.index_cast %add3A_892 : i32 to index
        %get3A_951 = arith.constant 64 : index
        %get3A_952 = tpu.vector_load %arg11[%get3A_950, %get3A_951] {strides = array<i32>} : memref<128x128xf32, #tpu.memory_space<vmem>>, vector<16xf32>,
        %get3A_953 = arith.index_cast %squeeze3A_894 : i32 to index
        %get3A_954 = arith.constant 64 : index
        %get3A_955 = tpu.vector_load %arg9[%get3A_953, %get3A_954] {strides = array<i32>} : memref<237x128xf32, #tpu.memory_space<vmem>>, vector<16xf32>,
        %mul3A_956 = arith.mulf %get3A_952, %get3A_955 : vector<16xf32>
        %add3A_957 = arith.constant 64 : i32
        %add3A_958 = arith.addi %add3A_957, %add3A_892 : i32
        %get3A_959 = arith.index_cast %add3A_958 : i32 to index
        %get3A_960 = arith.constant 64 : index
        %get3A_961 = tpu.vector_load %arg11[%get3A_959, %get3A_960] {strides = array<i32>} : memref<128x128xf32, #tpu.memory_space<vmem>>, vector<16xf32>,
        %mul3A_962 = arith.mulf %mul3A_956, %get3A_961 : vector<16xf32>
        %add3A_963 = arith.addf %add3A_949, %mul3A_962 : vector<16xf32>
        %get3A_964 = arith.index_cast %add3A_892 : i32 to index
        %get3A_965 = arith.constant 80 : index
        %get3A_966 = tpu.vector_load %arg11[%get3A_964, %get3A_965] {strides = array<i32>} : memref<128x128xf32, #tpu.memory_space<vmem>>, vector<16xf32>,
        %get3A_967 = arith.index_cast %squeeze3A_894 : i32 to index
        %get3A_968 = arith.constant 80 : index
        %get3A_969 = tpu.vector_load %arg9[%get3A_967, %get3A_968] {strides = array<i32>} : memref<237x128xf32, #tpu.memory_space<vmem>>, vector<16xf32>,
        %mul3A_970 = arith.mulf %get3A_966, %get3A_969 : vector<16xf32>
        %add3A_971 = arith.constant 64 : i32
        %add3A_972 = arith.addi %add3A_971, %add3A_892 : i32
        %get3A_973 = arith.index_cast %add3A_972 : i32 to index
        %get3A_974 = arith.constant 80 : index
        %get3A_975 = tpu.vector_load %arg11[%get3A_973, %get3A_974] {strides = array<i32>} : memref<128x128xf32, #tpu.memory_space<vmem>>, vector<16xf32>,
        %mul3A_976 = arith.mulf %mul3A_970, %get3A_975 : vector<16xf32>
        %add3A_977 = arith.addf %add3A_963, %mul3A_976 : vector<16xf32>
        %get3A_978 = arith.index_cast %add3A_892 : i32 to index
        %get3A_979 = arith.constant 96 : index
        %get3A_980 = tpu.vector_load %arg11[%get3A_978, %get3A_979] {strides = array<i32>} : memref<128x128xf32, #tpu.memory_space<vmem>>, vector<16xf32>,
        %get3A_981 = arith.index_cast %squeeze3A_894 : i32 to index
        %get3A_982 = arith.constant 96 : index
        %get3A_983 = tpu.vector_load %arg9[%get3A_981, %get3A_982] {strides = array<i32>} : memref<237x128xf32, #tpu.memory_space<vmem>>, vector<16xf32>,
        %mul3A_984 = arith.mulf %get3A_980, %get3A_983 : vector<16xf32>
        %add3A_985 = arith.constant 64 : i32
        %add3A_986 = arith.addi %add3A_985, %add3A_892 : i32
        %get3A_987 = arith.index_cast %add3A_986 : i32 to index
        %get3A_988 = arith.constant 96 : index
        %get3A_989 = tpu.vector_load %arg11[%get3A_987, %get3A_988] {strides = array<i32>} : memref<128x128xf32, #tpu.memory_space<vmem>>, vector<16xf32>,
        %mul3A_990 = arith.mulf %mul3A_984, %get3A_989 : vector<16xf32>
        %add3A_991 = arith.addf %add3A_977, %mul3A_990 : vector<16xf32>
        %get3A_992 = arith.index_cast %add3A_892 : i32 to index
        %get3A_993 = arith.constant 112 : index
        %get3A_994 = tpu.vector_load %arg11[%get3A_992, %get3A_993] {strides = array<i32>} : memref<128x128xf32, #tpu.memory_space<vmem>>, vector<16xf32>,
        %get3A_995 = arith.index_cast %squeeze3A_894 : i32 to index
        %get3A_996 = arith.constant 112 : index
        %get3A_997 = tpu.vector_load %arg9[%get3A_995, %get3A_996] {strides = array<i32>} : memref<237x128xf32, #tpu.memory_space<vmem>>, vector<16xf32>,
        %mul3A_998 = arith.mulf %get3A_994, %get3A_997 : vector<16xf32>
        %add3A_999 = arith.constant 64 : i32
        %add3A_1000 = arith.addi %add3A_999, %add3A_892 : i32
        %get3A_1001 = arith.index_cast %add3A_1000 : i32 to index
        %get3A_1002 = arith.constant 112 : index
        %get3A_1003 = tpu.vector_load %arg11[%get3A_1001, %get3A_1002] {strides = array<i32>} : memref<128x128xf32, #tpu.memory_space<vmem>>, vector<16xf32>,
        %mul3A_1004 = arith.mulf %mul3A_998, %get3A_1003 : vector<16xf32>
        %add3A_1005 = arith.addf %add3A_991, %mul3A_1004 : vector<16xf32>
        %swap3A_1006 = arith.constant 7 : i32
        %swap3A_1007 = arith.index_cast %swap3A_1006 : i32 to index
        %swap3A_1008 = arith.constant 0 : index
        %swap3A_1009 = tpu.vector_load %arg12[%swap3A_1007, %swap3A_1008] {strides = array<i32>} : memref<16x16xf32, #tpu.memory_space<vmem>>, vector<16xf32>,
        tpu.vector_store %arg12[%swap3A_1007, %swap3A_1008], %add3A_1005 {strides = array<i32>} : memref<16x16xf32, #tpu.memory_space<vmem>>, vector<16xf32>,
        %add3A_1010 = arith.constant 8 : i32
        %add3A_1011 = arith.addi %mul3A_58, %add3A_1010 : i32
        %slice3A_1012 = vector.extract_strided_slice %get3A_60 {offsets = [8], sizes = [1], strides = [1]} : vector<16xi32> to vector<1xi32>
        %squeeze3A_1013 = vector.extract %slice3A_1012[0] : i32 from vector<1xi32>
        %get3A_1014 = arith.index_cast %add3A_1011 : i32 to index
        %get3A_1015 = arith.constant 0 : index
        %get3A_1016 = tpu.vector_load %arg11[%get3A_1014, %get3A_1015] {strides = array<i32>} : memref<128x128xf32, #tpu.memory_space<vmem>>, vector<16xf32>,
        %get3A_1017 = arith.index_cast %squeeze3A_1013 : i32 to index
        %get3A_1018 = arith.constant 0 : index
        %get3A_1019 = tpu.vector_load %arg9[%get3A_1017, %get3A_1018] {strides = array<i32>} : memref<237x128xf32, #tpu.memory_space<vmem>>, vector<16xf32>,
        %mul3A_1020 = arith.mulf %get3A_1016, %get3A_1019 : vector<16xf32>
        %add3A_1021 = arith.constant 64 : i32
        %add3A_1022 = arith.addi %add3A_1021, %add3A_1011 : i32
        %get3A_1023 = arith.index_cast %add3A_1022 : i32 to index
        %get3A_1024 = arith.constant 0 : index
        %get3A_1025 = tpu.vector_load %arg11[%get3A_1023, %get3A_1024] {strides = array<i32>} : memref<128x128xf32, #tpu.memory_space<vmem>>, vector<16xf32>,
        %mul3A_1026 = arith.mulf %mul3A_1020, %get3A_1025 : vector<16xf32>
        %get3A_1027 = arith.index_cast %add3A_1011 : i32 to index
        %get3A_1028 = arith.constant 16 : index
        %get3A_1029 = tpu.vector_load %arg11[%get3A_1027, %get3A_1028] {strides = array<i32>} : memref<128x128xf32, #tpu.memory_space<vmem>>, vector<16xf32>,
        %get3A_1030 = arith.index_cast %squeeze3A_1013 : i32 to index
        %get3A_1031 = arith.constant 16 : index
        %get3A_1032 = tpu.vector_load %arg9[%get3A_1030, %get3A_1031] {strides = array<i32>} : memref<237x128xf32, #tpu.memory_space<vmem>>, vector<16xf32>,
        %mul3A_1033 = arith.mulf %get3A_1029, %get3A_1032 : vector<16xf32>
        %add3A_1034 = arith.constant 64 : i32
        %add3A_1035 = arith.addi %add3A_1034, %add3A_1011 : i32
        %get3A_1036 = arith.index_cast %add3A_1035 : i32 to index
        %get3A_1037 = arith.constant 16 : index
        %get3A_1038 = tpu.vector_load %arg11[%get3A_1036, %get3A_1037] {strides = array<i32>} : memref<128x128xf32, #tpu.memory_space<vmem>>, vector<16xf32>,
        %mul3A_1039 = arith.mulf %mul3A_1033, %get3A_1038 : vector<16xf32>
        %add3A_1040 = arith.addf %mul3A_1026, %mul3A_1039 : vector<16xf32>
        %get3A_1041 = arith.index_cast %add3A_1011 : i32 to index
        %get3A_1042 = arith.constant 32 : index
        %get3A_1043 = tpu.vector_load %arg11[%get3A_1041, %get3A_1042] {strides = array<i32>} : memref<128x128xf32, #tpu.memory_space<vmem>>, vector<16xf32>,
        %get3A_1044 = arith.index_cast %squeeze3A_1013 : i32 to index
        %get3A_1045 = arith.constant 32 : index
        %get3A_1046 = tpu.vector_load %arg9[%get3A_1044, %get3A_1045] {strides = array<i32>} : memref<237x128xf32, #tpu.memory_space<vmem>>, vector<16xf32>,
        %mul3A_1047 = arith.mulf %get3A_1043, %get3A_1046 : vector<16xf32>
        %add3A_1048 = arith.constant 64 : i32
        %add3A_1049 = arith.addi %add3A_1048, %add3A_1011 : i32
        %get3A_1050 = arith.index_cast %add3A_1049 : i32 to index
        %get3A_1051 = arith.constant 32 : index
        %get3A_1052 = tpu.vector_load %arg11[%get3A_1050, %get3A_1051] {strides = array<i32>} : memref<128x128xf32, #tpu.memory_space<vmem>>, vector<16xf32>,
        %mul3A_1053 = arith.mulf %mul3A_1047, %get3A_1052 : vector<16xf32>
        %add3A_1054 = arith.addf %add3A_1040, %mul3A_1053 : vector<16xf32>
        %get3A_1055 = arith.index_cast %add3A_1011 : i32 to index
        %get3A_1056 = arith.constant 48 : index
        %get3A_1057 = tpu.vector_load %arg11[%get3A_1055, %get3A_1056] {strides = array<i32>} : memref<128x128xf32, #tpu.memory_space<vmem>>, vector<16xf32>,
        %get3A_1058 = arith.index_cast %squeeze3A_1013 : i32 to index
        %get3A_1059 = arith.constant 48 : index
        %get3A_1060 = tpu.vector_load %arg9[%get3A_1058, %get3A_1059] {strides = array<i32>} : memref<237x128xf32, #tpu.memory_space<vmem>>, vector<16xf32>,
        %mul3A_1061 = arith.mulf %get3A_1057, %get3A_1060 : vector<16xf32>
        %add3A_1062 = arith.constant 64 : i32
        %add3A_1063 = arith.addi %add3A_1062, %add3A_1011 : i32
        %get3A_1064 = arith.index_cast %add3A_1063 : i32 to index
        %get3A_1065 = arith.constant 48 : index
        %get3A_1066 = tpu.vector_load %arg11[%get3A_1064, %get3A_1065] {strides = array<i32>} : memref<128x128xf32, #tpu.memory_space<vmem>>, vector<16xf32>,
        %mul3A_1067 = arith.mulf %mul3A_1061, %get3A_1066 : vector<16xf32>
        %add3A_1068 = arith.addf %add3A_1054, %mul3A_1067 : vector<16xf32>
        %get3A_1069 = arith.index_cast %add3A_1011 : i32 to index
        %get3A_1070 = arith.constant 64 : index
        %get3A_1071 = tpu.vector_load %arg11[%get3A_1069, %get3A_1070] {strides = array<i32>} : memref<128x128xf32, #tpu.memory_space<vmem>>, vector<16xf32>,
        %get3A_1072 = arith.index_cast %squeeze3A_1013 : i32 to index
        %get3A_1073 = arith.constant 64 : index
        %get3A_1074 = tpu.vector_load %arg9[%get3A_1072, %get3A_1073] {strides = array<i32>} : memref<237x128xf32, #tpu.memory_space<vmem>>, vector<16xf32>,
        %mul3A_1075 = arith.mulf %get3A_1071, %get3A_1074 : vector<16xf32>
        %add3A_1076 = arith.constant 64 : i32
        %add3A_1077 = arith.addi %add3A_1076, %add3A_1011 : i32
        %get3A_1078 = arith.index_cast %add3A_1077 : i32 to index
        %get3A_1079 = arith.constant 64 : index
        %get3A_1080 = tpu.vector_load %arg11[%get3A_1078, %get3A_1079] {strides = array<i32>} : memref<128x128xf32, #tpu.memory_space<vmem>>, vector<16xf32>,
        %mul3A_1081 = arith.mulf %mul3A_1075, %get3A_1080 : vector<16xf32>
        %add3A_1082 = arith.addf %add3A_1068, %mul3A_1081 : vector<16xf32>
        %get3A_1083 = arith.index_cast %add3A_1011 : i32 to index
        %get3A_1084 = arith.constant 80 : index
        %get3A_1085 = tpu.vector_load %arg11[%get3A_1083, %get3A_1084] {strides = array<i32>} : memref<128x128xf32, #tpu.memory_space<vmem>>, vector<16xf32>,
        %get3A_1086 = arith.index_cast %squeeze3A_1013 : i32 to index
        %get3A_1087 = arith.constant 80 : index
        %get3A_1088 = tpu.vector_load %arg9[%get3A_1086, %get3A_1087] {strides = array<i32>} : memref<237x128xf32, #tpu.memory_space<vmem>>, vector<16xf32>,
        %mul3A_1089 = arith.mulf %get3A_1085, %get3A_1088 : vector<16xf32>
        %add3A_1090 = arith.constant 64 : i32
        %add3A_1091 = arith.addi %add3A_1090, %add3A_1011 : i32
        %get3A_1092 = arith.index_cast %add3A_1091 : i32 to index
        %get3A_1093 = arith.constant 80 : index
        %get3A_1094 = tpu.vector_load %arg11[%get3A_1092, %get3A_1093] {strides = array<i32>} : memref<128x128xf32, #tpu.memory_space<vmem>>, vector<16xf32>,
        %mul3A_1095 = arith.mulf %mul3A_1089, %get3A_1094 : vector<16xf32>
        %add3A_1096 = arith.addf %add3A_1082, %mul3A_1095 : vector<16xf32>
        %get3A_1097 = arith.index_cast %add3A_1011 : i32 to index
        %get3A_1098 = arith.constant 96 : index
        %get3A_1099 = tpu.vector_load %arg11[%get3A_1097, %get3A_1098] {strides = array<i32>} : memref<128x128xf32, #tpu.memory_space<vmem>>, vector<16xf32>,
        %get3A_1100 = arith.index_cast %squeeze3A_1013 : i32 to index
        %get3A_1101 = arith.constant 96 : index
        %get3A_1102 = tpu.vector_load %arg9[%get3A_1100, %get3A_1101] {strides = array<i32>} : memref<237x128xf32, #tpu.memory_space<vmem>>, vector<16xf32>,
        %mul3A_1103 = arith.mulf %get3A_1099, %get3A_1102 : vector<16xf32>
        %add3A_1104 = arith.constant 64 : i32
        %add3A_1105 = arith.addi %add3A_1104, %add3A_1011 : i32
        %get3A_1106 = arith.index_cast %add3A_1105 : i32 to index
        %get3A_1107 = arith.constant 96 : index
        %get3A_1108 = tpu.vector_load %arg11[%get3A_1106, %get3A_1107] {strides = array<i32>} : memref<128x128xf32, #tpu.memory_space<vmem>>, vector<16xf32>,
        %mul3A_1109 = arith.mulf %mul3A_1103, %get3A_1108 : vector<16xf32>
        %add3A_1110 = arith.addf %add3A_1096, %mul3A_1109 : vector<16xf32>
        %get3A_1111 = arith.index_cast %add3A_1011 : i32 to index
        %get3A_1112 = arith.constant 112 : index
        %get3A_1113 = tpu.vector_load %arg11[%get3A_1111, %get3A_1112] {strides = array<i32>} : memref<128x128xf32, #tpu.memory_space<vmem>>, vector<16xf32>,
        %get3A_1114 = arith.index_cast %squeeze3A_1013 : i32 to index
        %get3A_1115 = arith.constant 112 : index
        %get3A_1116 = tpu.vector_load %arg9[%get3A_1114, %get3A_1115] {strides = array<i32>} : memref<237x128xf32, #tpu.memory_space<vmem>>, vector<16xf32>,
        %mul3A_1117 = arith.mulf %get3A_1113, %get3A_1116 : vector<16xf32>
        %add3A_1118 = arith.constant 64 : i32
        %add3A_1119 = arith.addi %add3A_1118, %add3A_1011 : i32
        %get3A_1120 = arith.index_cast %add3A_1119 : i32 to index
        %get3A_1121 = arith.constant 112 : index
        %get3A_1122 = tpu.vector_load %arg11[%get3A_1120, %get3A_1121] {strides = array<i32>} : memref<128x128xf32, #tpu.memory_space<vmem>>, vector<16xf32>,
        %mul3A_1123 = arith.mulf %mul3A_1117, %get3A_1122 : vector<16xf32>
        %add3A_1124 = arith.addf %add3A_1110, %mul3A_1123 : vector<16xf32>
        %swap3A_1125 = arith.constant 8 : i32
        %swap3A_1126 = arith.index_cast %swap3A_1125 : i32 to index
        %swap3A_1127 = arith.constant 0 : index
        %swap3A_1128 = tpu.vector_load %arg12[%swap3A_1126, %swap3A_1127] {strides = array<i32>} : memref<16x16xf32, #tpu.memory_space<vmem>>, vector<16xf32>,
        tpu.vector_store %arg12[%swap3A_1126, %swap3A_1127], %add3A_1124 {strides = array<i32>} : memref<16x16xf32, #tpu.memory_space<vmem>>, vector<16xf32>,
        %add3A_1129 = arith.constant 9 : i32
        %add3A_1130 = arith.addi %mul3A_58, %add3A_1129 : i32
        %slice3A_1131 = vector.extract_strided_slice %get3A_60 {offsets = [9], sizes = [1], strides = [1]} : vector<16xi32> to vector<1xi32>
        %squeeze3A_1132 = vector.extract %slice3A_1131[0] : i32 from vector<1xi32>
        %get3A_1133 = arith.index_cast %add3A_1130 : i32 to index
        %get3A_1134 = arith.constant 0 : index
        %get3A_1135 = tpu.vector_load %arg11[%get3A_1133, %get3A_1134] {strides = array<i32>} : memref<128x128xf32, #tpu.memory_space<vmem>>, vector<16xf32>,
        %get3A_1136 = arith.index_cast %squeeze3A_1132 : i32 to index
        %get3A_1137 = arith.constant 0 : index
        %get3A_1138 = tpu.vector_load %arg9[%get3A_1136, %get3A_1137] {strides = array<i32>} : memref<237x128xf32, #tpu.memory_space<vmem>>, vector<16xf32>,
        %mul3A_1139 = arith.mulf %get3A_1135, %get3A_1138 : vector<16xf32>
        %add3A_1140 = arith.constant 64 : i32
        %add3A_1141 = arith.addi %add3A_1140, %add3A_1130 : i32
        %get3A_1142 = arith.index_cast %add3A_1141 : i32 to index
        %get3A_1143 = arith.constant 0 : index
        %get3A_1144 = tpu.vector_load %arg11[%get3A_1142, %get3A_1143] {strides = array<i32>} : memref<128x128xf32, #tpu.memory_space<vmem>>, vector<16xf32>,
        %mul3A_1145 = arith.mulf %mul3A_1139, %get3A_1144 : vector<16xf32>
        %get3A_1146 = arith.index_cast %add3A_1130 : i32 to index
        %get3A_1147 = arith.constant 16 : index
        %get3A_1148 = tpu.vector_load %arg11[%get3A_1146, %get3A_1147] {strides = array<i32>} : memref<128x128xf32, #tpu.memory_space<vmem>>, vector<16xf32>,
        %get3A_1149 = arith.index_cast %squeeze3A_1132 : i32 to index
        %get3A_1150 = arith.constant 16 : index
        %get3A_1151 = tpu.vector_load %arg9[%get3A_1149, %get3A_1150] {strides = array<i32>} : memref<237x128xf32, #tpu.memory_space<vmem>>, vector<16xf32>,
        %mul3A_1152 = arith.mulf %get3A_1148, %get3A_1151 : vector<16xf32>
        %add3A_1153 = arith.constant 64 : i32
        %add3A_1154 = arith.addi %add3A_1153, %add3A_1130 : i32
        %get3A_1155 = arith.index_cast %add3A_1154 : i32 to index
        %get3A_1156 = arith.constant 16 : index
        %get3A_1157 = tpu.vector_load %arg11[%get3A_1155, %get3A_1156] {strides = array<i32>} : memref<128x128xf32, #tpu.memory_space<vmem>>, vector<16xf32>,
        %mul3A_1158 = arith.mulf %mul3A_1152, %get3A_1157 : vector<16xf32>
        %add3A_1159 = arith.addf %mul3A_1145, %mul3A_1158 : vector<16xf32>
        %get3A_1160 = arith.index_cast %add3A_1130 : i32 to index
        %get3A_1161 = arith.constant 32 : index
        %get3A_1162 = tpu.vector_load %arg11[%get3A_1160, %get3A_1161] {strides = array<i32>} : memref<128x128xf32, #tpu.memory_space<vmem>>, vector<16xf32>,
        %get3A_1163 = arith.index_cast %squeeze3A_1132 : i32 to index
        %get3A_1164 = arith.constant 32 : index
        %get3A_1165 = tpu.vector_load %arg9[%get3A_1163, %get3A_1164] {strides = array<i32>} : memref<237x128xf32, #tpu.memory_space<vmem>>, vector<16xf32>,
        %mul3A_1166 = arith.mulf %get3A_1162, %get3A_1165 : vector<16xf32>
        %add3A_1167 = arith.constant 64 : i32
        %add3A_1168 = arith.addi %add3A_1167, %add3A_1130 : i32
        %get3A_1169 = arith.index_cast %add3A_1168 : i32 to index
        %get3A_1170 = arith.constant 32 : index
        %get3A_1171 = tpu.vector_load %arg11[%get3A_1169, %get3A_1170] {strides = array<i32>} : memref<128x128xf32, #tpu.memory_space<vmem>>, vector<16xf32>,
        %mul3A_1172 = arith.mulf %mul3A_1166, %get3A_1171 : vector<16xf32>
        %add3A_1173 = arith.addf %add3A_1159, %mul3A_1172 : vector<16xf32>
        %get3A_1174 = arith.index_cast %add3A_1130 : i32 to index
        %get3A_1175 = arith.constant 48 : index
        %get3A_1176 = tpu.vector_load %arg11[%get3A_1174, %get3A_1175] {strides = array<i32>} : memref<128x128xf32, #tpu.memory_space<vmem>>, vector<16xf32>,
        %get3A_1177 = arith.index_cast %squeeze3A_1132 : i32 to index
        %get3A_1178 = arith.constant 48 : index
        %get3A_1179 = tpu.vector_load %arg9[%get3A_1177, %get3A_1178] {strides = array<i32>} : memref<237x128xf32, #tpu.memory_space<vmem>>, vector<16xf32>,
        %mul3A_1180 = arith.mulf %get3A_1176, %get3A_1179 : vector<16xf32>
        %add3A_1181 = arith.constant 64 : i32
        %add3A_1182 = arith.addi %add3A_1181, %add3A_1130 : i32
        %get3A_1183 = arith.index_cast %add3A_1182 : i32 to index
        %get3A_1184 = arith.constant 48 : index
        %get3A_1185 = tpu.vector_load %arg11[%get3A_1183, %get3A_1184] {strides = array<i32>} : memref<128x128xf32, #tpu.memory_space<vmem>>, vector<16xf32>,
        %mul3A_1186 = arith.mulf %mul3A_1180, %get3A_1185 : vector<16xf32>
        %add3A_1187 = arith.addf %add3A_1173, %mul3A_1186 : vector<16xf32>
        %get3A_1188 = arith.index_cast %add3A_1130 : i32 to index
        %get3A_1189 = arith.constant 64 : index
        %get3A_1190 = tpu.vector_load %arg11[%get3A_1188, %get3A_1189] {strides = array<i32>} : memref<128x128xf32, #tpu.memory_space<vmem>>, vector<16xf32>,
        %get3A_1191 = arith.index_cast %squeeze3A_1132 : i32 to index
        %get3A_1192 = arith.constant 64 : index
        %get3A_1193 = tpu.vector_load %arg9[%get3A_1191, %get3A_1192] {strides = array<i32>} : memref<237x128xf32, #tpu.memory_space<vmem>>, vector<16xf32>,
        %mul3A_1194 = arith.mulf %get3A_1190, %get3A_1193 : vector<16xf32>
        %add3A_1195 = arith.constant 64 : i32
        %add3A_1196 = arith.addi %add3A_1195, %add3A_1130 : i32
        %get3A_1197 = arith.index_cast %add3A_1196 : i32 to index
        %get3A_1198 = arith.constant 64 : index
        %get3A_1199 = tpu.vector_load %arg11[%get3A_1197, %get3A_1198] {strides = array<i32>} : memref<128x128xf32, #tpu.memory_space<vmem>>, vector<16xf32>,
        %mul3A_1200 = arith.mulf %mul3A_1194, %get3A_1199 : vector<16xf32>
        %add3A_1201 = arith.addf %add3A_1187, %mul3A_1200 : vector<16xf32>
        %get3A_1202 = arith.index_cast %add3A_1130 : i32 to index
        %get3A_1203 = arith.constant 80 : index
        %get3A_1204 = tpu.vector_load %arg11[%get3A_1202, %get3A_1203] {strides = array<i32>} : memref<128x128xf32, #tpu.memory_space<vmem>>, vector<16xf32>,
        %get3A_1205 = arith.index_cast %squeeze3A_1132 : i32 to index
        %get3A_1206 = arith.constant 80 : index
        %get3A_1207 = tpu.vector_load %arg9[%get3A_1205, %get3A_1206] {strides = array<i32>} : memref<237x128xf32, #tpu.memory_space<vmem>>, vector<16xf32>,
        %mul3A_1208 = arith.mulf %get3A_1204, %get3A_1207 : vector<16xf32>
        %add3A_1209 = arith.constant 64 : i32
        %add3A_1210 = arith.addi %add3A_1209, %add3A_1130 : i32
        %get3A_1211 = arith.index_cast %add3A_1210 : i32 to index
        %get3A_1212 = arith.constant 80 : index
        %get3A_1213 = tpu.vector_load %arg11[%get3A_1211, %get3A_1212] {strides = array<i32>} : memref<128x128xf32, #tpu.memory_space<vmem>>, vector<16xf32>,
        %mul3A_1214 = arith.mulf %mul3A_1208, %get3A_1213 : vector<16xf32>
        %add3A_1215 = arith.addf %add3A_1201, %mul3A_1214 : vector<16xf32>
        %get3A_1216 = arith.index_cast %add3A_1130 : i32 to index
        %get3A_1217 = arith.constant 96 : index
        %get3A_1218 = tpu.vector_load %arg11[%get3A_1216, %get3A_1217] {strides = array<i32>} : memref<128x128xf32, #tpu.memory_space<vmem>>, vector<16xf32>,
        %get3A_1219 = arith.index_cast %squeeze3A_1132 : i32 to index
        %get3A_1220 = arith.constant 96 : index
        %get3A_1221 = tpu.vector_load %arg9[%get3A_1219, %get3A_1220] {strides = array<i32>} : memref<237x128xf32, #tpu.memory_space<vmem>>, vector<16xf32>,
        %mul3A_1222 = arith.mulf %get3A_1218, %get3A_1221 : vector<16xf32>
        %add3A_1223 = arith.constant 64 : i32
        %add3A_1224 = arith.addi %add3A_1223, %add3A_1130 : i32
        %get3A_1225 = arith.index_cast %add3A_1224 : i32 to index
        %get3A_1226 = arith.constant 96 : index
        %get3A_1227 = tpu.vector_load %arg11[%get3A_1225, %get3A_1226] {strides = array<i32>} : memref<128x128xf32, #tpu.memory_space<vmem>>, vector<16xf32>,
        %mul3A_1228 = arith.mulf %mul3A_1222, %get3A_1227 : vector<16xf32>
        %add3A_1229 = arith.addf %add3A_1215, %mul3A_1228 : vector<16xf32>
        %get3A_1230 = arith.index_cast %add3A_1130 : i32 to index
        %get3A_1231 = arith.constant 112 : index
        %get3A_1232 = tpu.vector_load %arg11[%get3A_1230, %get3A_1231] {strides = array<i32>} : memref<128x128xf32, #tpu.memory_space<vmem>>, vector<16xf32>,
        %get3A_1233 = arith.index_cast %squeeze3A_1132 : i32 to index
        %get3A_1234 = arith.constant 112 : index
        %get3A_1235 = tpu.vector_load %arg9[%get3A_1233, %get3A_1234] {strides = array<i32>} : memref<237x128xf32, #tpu.memory_space<vmem>>, vector<16xf32>,
        %mul3A_1236 = arith.mulf %get3A_1232, %get3A_1235 : vector<16xf32>
        %add3A_1237 = arith.constant 64 : i32
        %add3A_1238 = arith.addi %add3A_1237, %add3A_1130 : i32
        %get3A_1239 = arith.index_cast %add3A_1238 : i32 to index
        %get3A_1240 = arith.constant 112 : index
        %get3A_1241 = tpu.vector_load %arg11[%get3A_1239, %get3A_1240] {strides = array<i32>} : memref<128x128xf32, #tpu.memory_space<vmem>>, vector<16xf32>,
        %mul3A_1242 = arith.mulf %mul3A_1236, %get3A_1241 : vector<16xf32>
        %add3A_1243 = arith.addf %add3A_1229, %mul3A_1242 : vector<16xf32>
        %swap3A_1244 = arith.constant 9 : i32
        %swap3A_1245 = arith.index_cast %swap3A_1244 : i32 to index
        %swap3A_1246 = arith.constant 0 : index
        %swap3A_1247 = tpu.vector_load %arg12[%swap3A_1245, %swap3A_1246] {strides = array<i32>} : memref<16x16xf32, #tpu.memory_space<vmem>>, vector<16xf32>,
        tpu.vector_store %arg12[%swap3A_1245, %swap3A_1246], %add3A_1243 {strides = array<i32>} : memref<16x16xf32, #tpu.memory_space<vmem>>, vector<16xf32>,
        %add3A_1248 = arith.constant 10 : i32
        %add3A_1249 = arith.addi %mul3A_58, %add3A_1248 : i32
        %slice3A_1250 = vector.extract_strided_slice %get3A_60 {offsets = [10], sizes = [1], strides = [1]} : vector<16xi32> to vector<1xi32>
        %squeeze3A_1251 = vector.extract %slice3A_1250[0] : i32 from vector<1xi32>
        %get3A_1252 = arith.index_cast %add3A_1249 : i32 to index
        %get3A_1253 = arith.constant 0 : index
        %get3A_1254 = tpu.vector_load %arg11[%get3A_1252, %get3A_1253] {strides = array<i32>} : memref<128x128xf32, #tpu.memory_space<vmem>>, vector<16xf32>,
        %get3A_1255 = arith.index_cast %squeeze3A_1251 : i32 to index
        %get3A_1256 = arith.constant 0 : index
        %get3A_1257 = tpu.vector_load %arg9[%get3A_1255, %get3A_1256] {strides = array<i32>} : memref<237x128xf32, #tpu.memory_space<vmem>>, vector<16xf32>,
        %mul3A_1258 = arith.mulf %get3A_1254, %get3A_1257 : vector<16xf32>
        %add3A_1259 = arith.constant 64 : i32
        %add3A_1260 = arith.addi %add3A_1259, %add3A_1249 : i32
        %get3A_1261 = arith.index_cast %add3A_1260 : i32 to index
        %get3A_1262 = arith.constant 0 : index
        %get3A_1263 = tpu.vector_load %arg11[%get3A_1261, %get3A_1262] {strides = array<i32>} : memref<128x128xf32, #tpu.memory_space<vmem>>, vector<16xf32>,
        %mul3A_1264 = arith.mulf %mul3A_1258, %get3A_1263 : vector<16xf32>
        %get3A_1265 = arith.index_cast %add3A_1249 : i32 to index
        %get3A_1266 = arith.constant 16 : index
        %get3A_1267 = tpu.vector_load %arg11[%get3A_1265, %get3A_1266] {strides = array<i32>} : memref<128x128xf32, #tpu.memory_space<vmem>>, vector<16xf32>,
        %get3A_1268 = arith.index_cast %squeeze3A_1251 : i32 to index
        %get3A_1269 = arith.constant 16 : index
        %get3A_1270 = tpu.vector_load %arg9[%get3A_1268, %get3A_1269] {strides = array<i32>} : memref<237x128xf32, #tpu.memory_space<vmem>>, vector<16xf32>,
        %mul3A_1271 = arith.mulf %get3A_1267, %get3A_1270 : vector<16xf32>
        %add3A_1272 = arith.constant 64 : i32
        %add3A_1273 = arith.addi %add3A_1272, %add3A_1249 : i32
        %get3A_1274 = arith.index_cast %add3A_1273 : i32 to index
        %get3A_1275 = arith.constant 16 : index
        %get3A_1276 = tpu.vector_load %arg11[%get3A_1274, %get3A_1275] {strides = array<i32>} : memref<128x128xf32, #tpu.memory_space<vmem>>, vector<16xf32>,
        %mul3A_1277 = arith.mulf %mul3A_1271, %get3A_1276 : vector<16xf32>
        %add3A_1278 = arith.addf %mul3A_1264, %mul3A_1277 : vector<16xf32>
        %get3A_1279 = arith.index_cast %add3A_1249 : i32 to index
        %get3A_1280 = arith.constant 32 : index
        %get3A_1281 = tpu.vector_load %arg11[%get3A_1279, %get3A_1280] {strides = array<i32>} : memref<128x128xf32, #tpu.memory_space<vmem>>, vector<16xf32>,
        %get3A_1282 = arith.index_cast %squeeze3A_1251 : i32 to index
        %get3A_1283 = arith.constant 32 : index
        %get3A_1284 = tpu.vector_load %arg9[%get3A_1282, %get3A_1283] {strides = array<i32>} : memref<237x128xf32, #tpu.memory_space<vmem>>, vector<16xf32>,
        %mul3A_1285 = arith.mulf %get3A_1281, %get3A_1284 : vector<16xf32>
        %add3A_1286 = arith.constant 64 : i32
        %add3A_1287 = arith.addi %add3A_1286, %add3A_1249 : i32
        %get3A_1288 = arith.index_cast %add3A_1287 : i32 to index
        %get3A_1289 = arith.constant 32 : index
        %get3A_1290 = tpu.vector_load %arg11[%get3A_1288, %get3A_1289] {strides = array<i32>} : memref<128x128xf32, #tpu.memory_space<vmem>>, vector<16xf32>,
        %mul3A_1291 = arith.mulf %mul3A_1285, %get3A_1290 : vector<16xf32>
        %add3A_1292 = arith.addf %add3A_1278, %mul3A_1291 : vector<16xf32>
        %get3A_1293 = arith.index_cast %add3A_1249 : i32 to index
        %get3A_1294 = arith.constant 48 : index
        %get3A_1295 = tpu.vector_load %arg11[%get3A_1293, %get3A_1294] {strides = array<i32>} : memref<128x128xf32, #tpu.memory_space<vmem>>, vector<16xf32>,
        %get3A_1296 = arith.index_cast %squeeze3A_1251 : i32 to index
        %get3A_1297 = arith.constant 48 : index
        %get3A_1298 = tpu.vector_load %arg9[%get3A_1296, %get3A_1297] {strides = array<i32>} : memref<237x128xf32, #tpu.memory_space<vmem>>, vector<16xf32>,
        %mul3A_1299 = arith.mulf %get3A_1295, %get3A_1298 : vector<16xf32>
        %add3A_1300 = arith.constant 64 : i32
        %add3A_1301 = arith.addi %add3A_1300, %add3A_1249 : i32
        %get3A_1302 = arith.index_cast %add3A_1301 : i32 to index
        %get3A_1303 = arith.constant 48 : index
        %get3A_1304 = tpu.vector_load %arg11[%get3A_1302, %get3A_1303] {strides = array<i32>} : memref<128x128xf32, #tpu.memory_space<vmem>>, vector<16xf32>,
        %mul3A_1305 = arith.mulf %mul3A_1299, %get3A_1304 : vector<16xf32>
        %add3A_1306 = arith.addf %add3A_1292, %mul3A_1305 : vector<16xf32>
        %get3A_1307 = arith.index_cast %add3A_1249 : i32 to index
        %get3A_1308 = arith.constant 64 : index
        %get3A_1309 = tpu.vector_load %arg11[%get3A_1307, %get3A_1308] {strides = array<i32>} : memref<128x128xf32, #tpu.memory_space<vmem>>, vector<16xf32>,
        %get3A_1310 = arith.index_cast %squeeze3A_1251 : i32 to index
        %get3A_1311 = arith.constant 64 : index
        %get3A_1312 = tpu.vector_load %arg9[%get3A_1310, %get3A_1311] {strides = array<i32>} : memref<237x128xf32, #tpu.memory_space<vmem>>, vector<16xf32>,
        %mul3A_1313 = arith.mulf %get3A_1309, %get3A_1312 : vector<16xf32>
        %add3A_1314 = arith.constant 64 : i32
        %add3A_1315 = arith.addi %add3A_1314, %add3A_1249 : i32
        %get3A_1316 = arith.index_cast %add3A_1315 : i32 to index
        %get3A_1317 = arith.constant 64 : index
        %get3A_1318 = tpu.vector_load %arg11[%get3A_1316, %get3A_1317] {strides = array<i32>} : memref<128x128xf32, #tpu.memory_space<vmem>>, vector<16xf32>,
        %mul3A_1319 = arith.mulf %mul3A_1313, %get3A_1318 : vector<16xf32>
        %add3A_1320 = arith.addf %add3A_1306, %mul3A_1319 : vector<16xf32>
        %get3A_1321 = arith.index_cast %add3A_1249 : i32 to index
        %get3A_1322 = arith.constant 80 : index
        %get3A_1323 = tpu.vector_load %arg11[%get3A_1321, %get3A_1322] {strides = array<i32>} : memref<128x128xf32, #tpu.memory_space<vmem>>, vector<16xf32>,
        %get3A_1324 = arith.index_cast %squeeze3A_1251 : i32 to index
        %get3A_1325 = arith.constant 80 : index
        %get3A_1326 = tpu.vector_load %arg9[%get3A_1324, %get3A_1325] {strides = array<i32>} : memref<237x128xf32, #tpu.memory_space<vmem>>, vector<16xf32>,
        %mul3A_1327 = arith.mulf %get3A_1323, %get3A_1326 : vector<16xf32>
        %add3A_1328 = arith.constant 64 : i32
        %add3A_1329 = arith.addi %add3A_1328, %add3A_1249 : i32
        %get3A_1330 = arith.index_cast %add3A_1329 : i32 to index
        %get3A_1331 = arith.constant 80 : index
        %get3A_1332 = tpu.vector_load %arg11[%get3A_1330, %get3A_1331] {strides = array<i32>} : memref<128x128xf32, #tpu.memory_space<vmem>>, vector<16xf32>,
        %mul3A_1333 = arith.mulf %mul3A_1327, %get3A_1332 : vector<16xf32>
        %add3A_1334 = arith.addf %add3A_1320, %mul3A_1333 : vector<16xf32>
        %get3A_1335 = arith.index_cast %add3A_1249 : i32 to index
        %get3A_1336 = arith.constant 96 : index
        %get3A_1337 = tpu.vector_load %arg11[%get3A_1335, %get3A_1336] {strides = array<i32>} : memref<128x128xf32, #tpu.memory_space<vmem>>, vector<16xf32>,
        %get3A_1338 = arith.index_cast %squeeze3A_1251 : i32 to index
        %get3A_1339 = arith.constant 96 : index
        %get3A_1340 = tpu.vector_load %arg9[%get3A_1338, %get3A_1339] {strides = array<i32>} : memref<237x128xf32, #tpu.memory_space<vmem>>, vector<16xf32>,
        %mul3A_1341 = arith.mulf %get3A_1337, %get3A_1340 : vector<16xf32>
        %add3A_1342 = arith.constant 64 : i32
        %add3A_1343 = arith.addi %add3A_1342, %add3A_1249 : i32
        %get3A_1344 = arith.index_cast %add3A_1343 : i32 to index
        %get3A_1345 = arith.constant 96 : index
        %get3A_1346 = tpu.vector_load %arg11[%get3A_1344, %get3A_1345] {strides = array<i32>} : memref<128x128xf32, #tpu.memory_space<vmem>>, vector<16xf32>,
        %mul3A_1347 = arith.mulf %mul3A_1341, %get3A_1346 : vector<16xf32>
        %add3A_1348 = arith.addf %add3A_1334, %mul3A_1347 : vector<16xf32>
        %get3A_1349 = arith.index_cast %add3A_1249 : i32 to index
        %get3A_1350 = arith.constant 112 : index
        %get3A_1351 = tpu.vector_load %arg11[%get3A_1349, %get3A_1350] {strides = array<i32>} : memref<128x128xf32, #tpu.memory_space<vmem>>, vector<16xf32>,
        %get3A_1352 = arith.index_cast %squeeze3A_1251 : i32 to index
        %get3A_1353 = arith.constant 112 : index
        %get3A_1354 = tpu.vector_load %arg9[%get3A_1352, %get3A_1353] {strides = array<i32>} : memref<237x128xf32, #tpu.memory_space<vmem>>, vector<16xf32>,
        %mul3A_1355 = arith.mulf %get3A_1351, %get3A_1354 : vector<16xf32>
        %add3A_1356 = arith.constant 64 : i32
        %add3A_1357 = arith.addi %add3A_1356, %add3A_1249 : i32
        %get3A_1358 = arith.index_cast %add3A_1357 : i32 to index
        %get3A_1359 = arith.constant 112 : index
        %get3A_1360 = tpu.vector_load %arg11[%get3A_1358, %get3A_1359] {strides = array<i32>} : memref<128x128xf32, #tpu.memory_space<vmem>>, vector<16xf32>,
        %mul3A_1361 = arith.mulf %mul3A_1355, %get3A_1360 : vector<16xf32>
        %add3A_1362 = arith.addf %add3A_1348, %mul3A_1361 : vector<16xf32>
        %swap3A_1363 = arith.constant 10 : i32
        %swap3A_1364 = arith.index_cast %swap3A_1363 : i32 to index
        %swap3A_1365 = arith.constant 0 : index
        %swap3A_1366 = tpu.vector_load %arg12[%swap3A_1364, %swap3A_1365] {strides = array<i32>} : memref<16x16xf32, #tpu.memory_space<vmem>>, vector<16xf32>,
        tpu.vector_store %arg12[%swap3A_1364, %swap3A_1365], %add3A_1362 {strides = array<i32>} : memref<16x16xf32, #tpu.memory_space<vmem>>, vector<16xf32>,
        %add3A_1367 = arith.constant 11 : i32
        %add3A_1368 = arith.addi %mul3A_58, %add3A_1367 : i32
        %slice3A_1369 = vector.extract_strided_slice %get3A_60 {offsets = [11], sizes = [1], strides = [1]} : vector<16xi32> to vector<1xi32>
        %squeeze3A_1370 = vector.extract %slice3A_1369[0] : i32 from vector<1xi32>
        %get3A_1371 = arith.index_cast %add3A_1368 : i32 to index
        %get3A_1372 = arith.constant 0 : index
        %get3A_1373 = tpu.vector_load %arg11[%get3A_1371, %get3A_1372] {strides = array<i32>} : memref<128x128xf32, #tpu.memory_space<vmem>>, vector<16xf32>,
        %get3A_1374 = arith.index_cast %squeeze3A_1370 : i32 to index
        %get3A_1375 = arith.constant 0 : index
        %get3A_1376 = tpu.vector_load %arg9[%get3A_1374, %get3A_1375] {strides = array<i32>} : memref<237x128xf32, #tpu.memory_space<vmem>>, vector<16xf32>,
        %mul3A_1377 = arith.mulf %get3A_1373, %get3A_1376 : vector<16xf32>
        %add3A_1378 = arith.constant 64 : i32
        %add3A_1379 = arith.addi %add3A_1378, %add3A_1368 : i32
        %get3A_1380 = arith.index_cast %add3A_1379 : i32 to index
        %get3A_1381 = arith.constant 0 : index
        %get3A_1382 = tpu.vector_load %arg11[%get3A_1380, %get3A_1381] {strides = array<i32>} : memref<128x128xf32, #tpu.memory_space<vmem>>, vector<16xf32>,
        %mul3A_1383 = arith.mulf %mul3A_1377, %get3A_1382 : vector<16xf32>
        %get3A_1384 = arith.index_cast %add3A_1368 : i32 to index
        %get3A_1385 = arith.constant 16 : index
        %get3A_1386 = tpu.vector_load %arg11[%get3A_1384, %get3A_1385] {strides = array<i32>} : memref<128x128xf32, #tpu.memory_space<vmem>>, vector<16xf32>,
        %get3A_1387 = arith.index_cast %squeeze3A_1370 : i32 to index
        %get3A_1388 = arith.constant 16 : index
        %get3A_1389 = tpu.vector_load %arg9[%get3A_1387, %get3A_1388] {strides = array<i32>} : memref<237x128xf32, #tpu.memory_space<vmem>>, vector<16xf32>,
        %mul3A_1390 = arith.mulf %get3A_1386, %get3A_1389 : vector<16xf32>
        %add3A_1391 = arith.constant 64 : i32
        %add3A_1392 = arith.addi %add3A_1391, %add3A_1368 : i32
        %get3A_1393 = arith.index_cast %add3A_1392 : i32 to index
        %get3A_1394 = arith.constant 16 : index
        %get3A_1395 = tpu.vector_load %arg11[%get3A_1393, %get3A_1394] {strides = array<i32>} : memref<128x128xf32, #tpu.memory_space<vmem>>, vector<16xf32>,
        %mul3A_1396 = arith.mulf %mul3A_1390, %get3A_1395 : vector<16xf32>
        %add3A_1397 = arith.addf %mul3A_1383, %mul3A_1396 : vector<16xf32>
        %get3A_1398 = arith.index_cast %add3A_1368 : i32 to index
        %get3A_1399 = arith.constant 32 : index
        %get3A_1400 = tpu.vector_load %arg11[%get3A_1398, %get3A_1399] {strides = array<i32>} : memref<128x128xf32, #tpu.memory_space<vmem>>, vector<16xf32>,
        %get3A_1401 = arith.index_cast %squeeze3A_1370 : i32 to index
        %get3A_1402 = arith.constant 32 : index
        %get3A_1403 = tpu.vector_load %arg9[%get3A_1401, %get3A_1402] {strides = array<i32>} : memref<237x128xf32, #tpu.memory_space<vmem>>, vector<16xf32>,
        %mul3A_1404 = arith.mulf %get3A_1400, %get3A_1403 : vector<16xf32>
        %add3A_1405 = arith.constant 64 : i32
        %add3A_1406 = arith.addi %add3A_1405, %add3A_1368 : i32
        %get3A_1407 = arith.index_cast %add3A_1406 : i32 to index
        %get3A_1408 = arith.constant 32 : index
        %get3A_1409 = tpu.vector_load %arg11[%get3A_1407, %get3A_1408] {strides = array<i32>} : memref<128x128xf32, #tpu.memory_space<vmem>>, vector<16xf32>,
        %mul3A_1410 = arith.mulf %mul3A_1404, %get3A_1409 : vector<16xf32>
        %add3A_1411 = arith.addf %add3A_1397, %mul3A_1410 : vector<16xf32>
        %get3A_1412 = arith.index_cast %add3A_1368 : i32 to index
        %get3A_1413 = arith.constant 48 : index
        %get3A_1414 = tpu.vector_load %arg11[%get3A_1412, %get3A_1413] {strides = array<i32>} : memref<128x128xf32, #tpu.memory_space<vmem>>, vector<16xf32>,
        %get3A_1415 = arith.index_cast %squeeze3A_1370 : i32 to index
        %get3A_1416 = arith.constant 48 : index
        %get3A_1417 = tpu.vector_load %arg9[%get3A_1415, %get3A_1416] {strides = array<i32>} : memref<237x128xf32, #tpu.memory_space<vmem>>, vector<16xf32>,
        %mul3A_1418 = arith.mulf %get3A_1414, %get3A_1417 : vector<16xf32>
        %add3A_1419 = arith.constant 64 : i32
        %add3A_1420 = arith.addi %add3A_1419, %add3A_1368 : i32
        %get3A_1421 = arith.index_cast %add3A_1420 : i32 to index
        %get3A_1422 = arith.constant 48 : index
        %get3A_1423 = tpu.vector_load %arg11[%get3A_1421, %get3A_1422] {strides = array<i32>} : memref<128x128xf32, #tpu.memory_space<vmem>>, vector<16xf32>,
        %mul3A_1424 = arith.mulf %mul3A_1418, %get3A_1423 : vector<16xf32>
        %add3A_1425 = arith.addf %add3A_1411, %mul3A_1424 : vector<16xf32>
        %get3A_1426 = arith.index_cast %add3A_1368 : i32 to index
        %get3A_1427 = arith.constant 64 : index
        %get3A_1428 = tpu.vector_load %arg11[%get3A_1426, %get3A_1427] {strides = array<i32>} : memref<128x128xf32, #tpu.memory_space<vmem>>, vector<16xf32>,
        %get3A_1429 = arith.index_cast %squeeze3A_1370 : i32 to index
        %get3A_1430 = arith.constant 64 : index
        %get3A_1431 = tpu.vector_load %arg9[%get3A_1429, %get3A_1430] {strides = array<i32>} : memref<237x128xf32, #tpu.memory_space<vmem>>, vector<16xf32>,
        %mul3A_1432 = arith.mulf %get3A_1428, %get3A_1431 : vector<16xf32>
        %add3A_1433 = arith.constant 64 : i32
        %add3A_1434 = arith.addi %add3A_1433, %add3A_1368 : i32
        %get3A_1435 = arith.index_cast %add3A_1434 : i32 to index
        %get3A_1436 = arith.constant 64 : index
        %get3A_1437 = tpu.vector_load %arg11[%get3A_1435, %get3A_1436] {strides = array<i32>} : memref<128x128xf32, #tpu.memory_space<vmem>>, vector<16xf32>,
        %mul3A_1438 = arith.mulf %mul3A_1432, %get3A_1437 : vector<16xf32>
        %add3A_1439 = arith.addf %add3A_1425, %mul3A_1438 : vector<16xf32>
        %get3A_1440 = arith.index_cast %add3A_1368 : i32 to index
        %get3A_1441 = arith.constant 80 : index
        %get3A_1442 = tpu.vector_load %arg11[%get3A_1440, %get3A_1441] {strides = array<i32>} : memref<128x128xf32, #tpu.memory_space<vmem>>, vector<16xf32>,
        %get3A_1443 = arith.index_cast %squeeze3A_1370 : i32 to index
        %get3A_1444 = arith.constant 80 : index
        %get3A_1445 = tpu.vector_load %arg9[%get3A_1443, %get3A_1444] {strides = array<i32>} : memref<237x128xf32, #tpu.memory_space<vmem>>, vector<16xf32>,
        %mul3A_1446 = arith.mulf %get3A_1442, %get3A_1445 : vector<16xf32>
        %add3A_1447 = arith.constant 64 : i32
        %add3A_1448 = arith.addi %add3A_1447, %add3A_1368 : i32
        %get3A_1449 = arith.index_cast %add3A_1448 : i32 to index
        %get3A_1450 = arith.constant 80 : index
        %get3A_1451 = tpu.vector_load %arg11[%get3A_1449, %get3A_1450] {strides = array<i32>} : memref<128x128xf32, #tpu.memory_space<vmem>>, vector<16xf32>,
        %mul3A_1452 = arith.mulf %mul3A_1446, %get3A_1451 : vector<16xf32>
        %add3A_1453 = arith.addf %add3A_1439, %mul3A_1452 : vector<16xf32>
        %get3A_1454 = arith.index_cast %add3A_1368 : i32 to index
        %get3A_1455 = arith.constant 96 : index
        %get3A_1456 = tpu.vector_load %arg11[%get3A_1454, %get3A_1455] {strides = array<i32>} : memref<128x128xf32, #tpu.memory_space<vmem>>, vector<16xf32>,
        %get3A_1457 = arith.index_cast %squeeze3A_1370 : i32 to index
        %get3A_1458 = arith.constant 96 : index
        %get3A_1459 = tpu.vector_load %arg9[%get3A_1457, %get3A_1458] {strides = array<i32>} : memref<237x128xf32, #tpu.memory_space<vmem>>, vector<16xf32>,
        %mul3A_1460 = arith.mulf %get3A_1456, %get3A_1459 : vector<16xf32>
        %add3A_1461 = arith.constant 64 : i32
        %add3A_1462 = arith.addi %add3A_1461, %add3A_1368 : i32
        %get3A_1463 = arith.index_cast %add3A_1462 : i32 to index
        %get3A_1464 = arith.constant 96 : index
        %get3A_1465 = tpu.vector_load %arg11[%get3A_1463, %get3A_1464] {strides = array<i32>} : memref<128x128xf32, #tpu.memory_space<vmem>>, vector<16xf32>,
        %mul3A_1466 = arith.mulf %mul3A_1460, %get3A_1465 : vector<16xf32>
        %add3A_1467 = arith.addf %add3A_1453, %mul3A_1466 : vector<16xf32>
        %get3A_1468 = arith.index_cast %add3A_1368 : i32 to index
        %get3A_1469 = arith.constant 112 : index
        %get3A_1470 = tpu.vector_load %arg11[%get3A_1468, %get3A_1469] {strides = array<i32>} : memref<128x128xf32, #tpu.memory_space<vmem>>, vector<16xf32>,
        %get3A_1471 = arith.index_cast %squeeze3A_1370 : i32 to index
        %get3A_1472 = arith.constant 112 : index
        %get3A_1473 = tpu.vector_load %arg9[%get3A_1471, %get3A_1472] {strides = array<i32>} : memref<237x128xf32, #tpu.memory_space<vmem>>, vector<16xf32>,
        %mul3A_1474 = arith.mulf %get3A_1470, %get3A_1473 : vector<16xf32>
        %add3A_1475 = arith.constant 64 : i32
        %add3A_1476 = arith.addi %add3A_1475, %add3A_1368 : i32
        %get3A_1477 = arith.index_cast %add3A_1476 : i32 to index
        %get3A_1478 = arith.constant 112 : index
        %get3A_1479 = tpu.vector_load %arg11[%get3A_1477, %get3A_1478] {strides = array<i32>} : memref<128x128xf32, #tpu.memory_space<vmem>>, vector<16xf32>,
        %mul3A_1480 = arith.mulf %mul3A_1474, %get3A_1479 : vector<16xf32>
        %add3A_1481 = arith.addf %add3A_1467, %mul3A_1480 : vector<16xf32>
        %swap3A_1482 = arith.constant 11 : i32
        %swap3A_1483 = arith.index_cast %swap3A_1482 : i32 to index
        %swap3A_1484 = arith.constant 0 : index
        %swap3A_1485 = tpu.vector_load %arg12[%swap3A_1483, %swap3A_1484] {strides = array<i32>} : memref<16x16xf32, #tpu.memory_space<vmem>>, vector<16xf32>,
        tpu.vector_store %arg12[%swap3A_1483, %swap3A_1484], %add3A_1481 {strides = array<i32>} : memref<16x16xf32, #tpu.memory_space<vmem>>, vector<16xf32>,
        %add3A_1486 = arith.constant 12 : i32
        %add3A_1487 = arith.addi %mul3A_58, %add3A_1486 : i32
        %slice3A_1488 = vector.extract_strided_slice %get3A_60 {offsets = [12], sizes = [1], strides = [1]} : vector<16xi32> to vector<1xi32>
        %squeeze3A_1489 = vector.extract %slice3A_1488[0] : i32 from vector<1xi32>
        %get3A_1490 = arith.index_cast %add3A_1487 : i32 to index
        %get3A_1491 = arith.constant 0 : index
        %get3A_1492 = tpu.vector_load %arg11[%get3A_1490, %get3A_1491] {strides = array<i32>} : memref<128x128xf32, #tpu.memory_space<vmem>>, vector<16xf32>,
        %get3A_1493 = arith.index_cast %squeeze3A_1489 : i32 to index
        %get3A_1494 = arith.constant 0 : index
        %get3A_1495 = tpu.vector_load %arg9[%get3A_1493, %get3A_1494] {strides = array<i32>} : memref<237x128xf32, #tpu.memory_space<vmem>>, vector<16xf32>,
        %mul3A_1496 = arith.mulf %get3A_1492, %get3A_1495 : vector<16xf32>
        %add3A_1497 = arith.constant 64 : i32
        %add3A_1498 = arith.addi %add3A_1497, %add3A_1487 : i32
        %get3A_1499 = arith.index_cast %add3A_1498 : i32 to index
        %get3A_1500 = arith.constant 0 : index
        %get3A_1501 = tpu.vector_load %arg11[%get3A_1499, %get3A_1500] {strides = array<i32>} : memref<128x128xf32, #tpu.memory_space<vmem>>, vector<16xf32>,
        %mul3A_1502 = arith.mulf %mul3A_1496, %get3A_1501 : vector<16xf32>
        %get3A_1503 = arith.index_cast %add3A_1487 : i32 to index
        %get3A_1504 = arith.constant 16 : index
        %get3A_1505 = tpu.vector_load %arg11[%get3A_1503, %get3A_1504] {strides = array<i32>} : memref<128x128xf32, #tpu.memory_space<vmem>>, vector<16xf32>,
        %get3A_1506 = arith.index_cast %squeeze3A_1489 : i32 to index
        %get3A_1507 = arith.constant 16 : index
        %get3A_1508 = tpu.vector_load %arg9[%get3A_1506, %get3A_1507] {strides = array<i32>} : memref<237x128xf32, #tpu.memory_space<vmem>>, vector<16xf32>,
        %mul3A_1509 = arith.mulf %get3A_1505, %get3A_1508 : vector<16xf32>
        %add3A_1510 = arith.constant 64 : i32
        %add3A_1511 = arith.addi %add3A_1510, %add3A_1487 : i32
        %get3A_1512 = arith.index_cast %add3A_1511 : i32 to index
        %get3A_1513 = arith.constant 16 : index
        %get3A_1514 = tpu.vector_load %arg11[%get3A_1512, %get3A_1513] {strides = array<i32>} : memref<128x128xf32, #tpu.memory_space<vmem>>, vector<16xf32>,
        %mul3A_1515 = arith.mulf %mul3A_1509, %get3A_1514 : vector<16xf32>
        %add3A_1516 = arith.addf %mul3A_1502, %mul3A_1515 : vector<16xf32>
        %get3A_1517 = arith.index_cast %add3A_1487 : i32 to index
        %get3A_1518 = arith.constant 32 : index
        %get3A_1519 = tpu.vector_load %arg11[%get3A_1517, %get3A_1518] {strides = array<i32>} : memref<128x128xf32, #tpu.memory_space<vmem>>, vector<16xf32>,
        %get3A_1520 = arith.index_cast %squeeze3A_1489 : i32 to index
        %get3A_1521 = arith.constant 32 : index
        %get3A_1522 = tpu.vector_load %arg9[%get3A_1520, %get3A_1521] {strides = array<i32>} : memref<237x128xf32, #tpu.memory_space<vmem>>, vector<16xf32>,
        %mul3A_1523 = arith.mulf %get3A_1519, %get3A_1522 : vector<16xf32>
        %add3A_1524 = arith.constant 64 : i32
        %add3A_1525 = arith.addi %add3A_1524, %add3A_1487 : i32
        %get3A_1526 = arith.index_cast %add3A_1525 : i32 to index
        %get3A_1527 = arith.constant 32 : index
        %get3A_1528 = tpu.vector_load %arg11[%get3A_1526, %get3A_1527] {strides = array<i32>} : memref<128x128xf32, #tpu.memory_space<vmem>>, vector<16xf32>,
        %mul3A_1529 = arith.mulf %mul3A_1523, %get3A_1528 : vector<16xf32>
        %add3A_1530 = arith.addf %add3A_1516, %mul3A_1529 : vector<16xf32>
        %get3A_1531 = arith.index_cast %add3A_1487 : i32 to index
        %get3A_1532 = arith.constant 48 : index
        %get3A_1533 = tpu.vector_load %arg11[%get3A_1531, %get3A_1532] {strides = array<i32>} : memref<128x128xf32, #tpu.memory_space<vmem>>, vector<16xf32>,
        %get3A_1534 = arith.index_cast %squeeze3A_1489 : i32 to index
        %get3A_1535 = arith.constant 48 : index
        %get3A_1536 = tpu.vector_load %arg9[%get3A_1534, %get3A_1535] {strides = array<i32>} : memref<237x128xf32, #tpu.memory_space<vmem>>, vector<16xf32>,
        %mul3A_1537 = arith.mulf %get3A_1533, %get3A_1536 : vector<16xf32>
        %add3A_1538 = arith.constant 64 : i32
        %add3A_1539 = arith.addi %add3A_1538, %add3A_1487 : i32
        %get3A_1540 = arith.index_cast %add3A_1539 : i32 to index
        %get3A_1541 = arith.constant 48 : index
        %get3A_1542 = tpu.vector_load %arg11[%get3A_1540, %get3A_1541] {strides = array<i32>} : memref<128x128xf32, #tpu.memory_space<vmem>>, vector<16xf32>,
        %mul3A_1543 = arith.mulf %mul3A_1537, %get3A_1542 : vector<16xf32>
        %add3A_1544 = arith.addf %add3A_1530, %mul3A_1543 : vector<16xf32>
        %get3A_1545 = arith.index_cast %add3A_1487 : i32 to index
        %get3A_1546 = arith.constant 64 : index
        %get3A_1547 = tpu.vector_load %arg11[%get3A_1545, %get3A_1546] {strides = array<i32>} : memref<128x128xf32, #tpu.memory_space<vmem>>, vector<16xf32>,
        %get3A_1548 = arith.index_cast %squeeze3A_1489 : i32 to index
        %get3A_1549 = arith.constant 64 : index
        %get3A_1550 = tpu.vector_load %arg9[%get3A_1548, %get3A_1549] {strides = array<i32>} : memref<237x128xf32, #tpu.memory_space<vmem>>, vector<16xf32>,
        %mul3A_1551 = arith.mulf %get3A_1547, %get3A_1550 : vector<16xf32>
        %add3A_1552 = arith.constant 64 : i32
        %add3A_1553 = arith.addi %add3A_1552, %add3A_1487 : i32
        %get3A_1554 = arith.index_cast %add3A_1553 : i32 to index
        %get3A_1555 = arith.constant 64 : index
        %get3A_1556 = tpu.vector_load %arg11[%get3A_1554, %get3A_1555] {strides = array<i32>} : memref<128x128xf32, #tpu.memory_space<vmem>>, vector<16xf32>,
        %mul3A_1557 = arith.mulf %mul3A_1551, %get3A_1556 : vector<16xf32>
        %add3A_1558 = arith.addf %add3A_1544, %mul3A_1557 : vector<16xf32>
        %get3A_1559 = arith.index_cast %add3A_1487 : i32 to index
        %get3A_1560 = arith.constant 80 : index
        %get3A_1561 = tpu.vector_load %arg11[%get3A_1559, %get3A_1560] {strides = array<i32>} : memref<128x128xf32, #tpu.memory_space<vmem>>, vector<16xf32>,
        %get3A_1562 = arith.index_cast %squeeze3A_1489 : i32 to index
        %get3A_1563 = arith.constant 80 : index
        %get3A_1564 = tpu.vector_load %arg9[%get3A_1562, %get3A_1563] {strides = array<i32>} : memref<237x128xf32, #tpu.memory_space<vmem>>, vector<16xf32>,
        %mul3A_1565 = arith.mulf %get3A_1561, %get3A_1564 : vector<16xf32>
        %add3A_1566 = arith.constant 64 : i32
        %add3A_1567 = arith.addi %add3A_1566, %add3A_1487 : i32
        %get3A_1568 = arith.index_cast %add3A_1567 : i32 to index
        %get3A_1569 = arith.constant 80 : index
        %get3A_1570 = tpu.vector_load %arg11[%get3A_1568, %get3A_1569] {strides = array<i32>} : memref<128x128xf32, #tpu.memory_space<vmem>>, vector<16xf32>,
        %mul3A_1571 = arith.mulf %mul3A_1565, %get3A_1570 : vector<16xf32>
        %add3A_1572 = arith.addf %add3A_1558, %mul3A_1571 : vector<16xf32>
        %get3A_1573 = arith.index_cast %add3A_1487 : i32 to index
        %get3A_1574 = arith.constant 96 : index
        %get3A_1575 = tpu.vector_load %arg11[%get3A_1573, %get3A_1574] {strides = array<i32>} : memref<128x128xf32, #tpu.memory_space<vmem>>, vector<16xf32>,
        %get3A_1576 = arith.index_cast %squeeze3A_1489 : i32 to index
        %get3A_1577 = arith.constant 96 : index
        %get3A_1578 = tpu.vector_load %arg9[%get3A_1576, %get3A_1577] {strides = array<i32>} : memref<237x128xf32, #tpu.memory_space<vmem>>, vector<16xf32>,
        %mul3A_1579 = arith.mulf %get3A_1575, %get3A_1578 : vector<16xf32>
        %add3A_1580 = arith.constant 64 : i32
        %add3A_1581 = arith.addi %add3A_1580, %add3A_1487 : i32
        %get3A_1582 = arith.index_cast %add3A_1581 : i32 to index
        %get3A_1583 = arith.constant 96 : index
        %get3A_1584 = tpu.vector_load %arg11[%get3A_1582, %get3A_1583] {strides = array<i32>} : memref<128x128xf32, #tpu.memory_space<vmem>>, vector<16xf32>,
        %mul3A_1585 = arith.mulf %mul3A_1579, %get3A_1584 : vector<16xf32>
        %add3A_1586 = arith.addf %add3A_1572, %mul3A_1585 : vector<16xf32>
        %get3A_1587 = arith.index_cast %add3A_1487 : i32 to index
        %get3A_1588 = arith.constant 112 : index
        %get3A_1589 = tpu.vector_load %arg11[%get3A_1587, %get3A_1588] {strides = array<i32>} : memref<128x128xf32, #tpu.memory_space<vmem>>, vector<16xf32>,
        %get3A_1590 = arith.index_cast %squeeze3A_1489 : i32 to index
        %get3A_1591 = arith.constant 112 : index
        %get3A_1592 = tpu.vector_load %arg9[%get3A_1590, %get3A_1591] {strides = array<i32>} : memref<237x128xf32, #tpu.memory_space<vmem>>, vector<16xf32>,
        %mul3A_1593 = arith.mulf %get3A_1589, %get3A_1592 : vector<16xf32>
        %add3A_1594 = arith.constant 64 : i32
        %add3A_1595 = arith.addi %add3A_1594, %add3A_1487 : i32
        %get3A_1596 = arith.index_cast %add3A_1595 : i32 to index
        %get3A_1597 = arith.constant 112 : index
        %get3A_1598 = tpu.vector_load %arg11[%get3A_1596, %get3A_1597] {strides = array<i32>} : memref<128x128xf32, #tpu.memory_space<vmem>>, vector<16xf32>,
        %mul3A_1599 = arith.mulf %mul3A_1593, %get3A_1598 : vector<16xf32>
        %add3A_1600 = arith.addf %add3A_1586, %mul3A_1599 : vector<16xf32>
        %swap3A_1601 = arith.constant 12 : i32
        %swap3A_1602 = arith.index_cast %swap3A_1601 : i32 to index
        %swap3A_1603 = arith.constant 0 : index
        %swap3A_1604 = tpu.vector_load %arg12[%swap3A_1602, %swap3A_1603] {strides = array<i32>} : memref<16x16xf32, #tpu.memory_space<vmem>>, vector<16xf32>,
        tpu.vector_store %arg12[%swap3A_1602, %swap3A_1603], %add3A_1600 {strides = array<i32>} : memref<16x16xf32, #tpu.memory_space<vmem>>, vector<16xf32>,
        %add3A_1605 = arith.constant 13 : i32
        %add3A_1606 = arith.addi %mul3A_58, %add3A_1605 : i32
        %slice3A_1607 = vector.extract_strided_slice %get3A_60 {offsets = [13], sizes = [1], strides = [1]} : vector<16xi32> to vector<1xi32>
        %squeeze3A_1608 = vector.extract %slice3A_1607[0] : i32 from vector<1xi32>
        %get3A_1609 = arith.index_cast %add3A_1606 : i32 to index
        %get3A_1610 = arith.constant 0 : index
        %get3A_1611 = tpu.vector_load %arg11[%get3A_1609, %get3A_1610] {strides = array<i32>} : memref<128x128xf32, #tpu.memory_space<vmem>>, vector<16xf32>,
        %get3A_1612 = arith.index_cast %squeeze3A_1608 : i32 to index
        %get3A_1613 = arith.constant 0 : index
        %get3A_1614 = tpu.vector_load %arg9[%get3A_1612, %get3A_1613] {strides = array<i32>} : memref<237x128xf32, #tpu.memory_space<vmem>>, vector<16xf32>,
        %mul3A_1615 = arith.mulf %get3A_1611, %get3A_1614 : vector<16xf32>
        %add3A_1616 = arith.constant 64 : i32
        %add3A_1617 = arith.addi %add3A_1616, %add3A_1606 : i32
        %get3A_1618 = arith.index_cast %add3A_1617 : i32 to index
        %get3A_1619 = arith.constant 0 : index
        %get3A_1620 = tpu.vector_load %arg11[%get3A_1618, %get3A_1619] {strides = array<i32>} : memref<128x128xf32, #tpu.memory_space<vmem>>, vector<16xf32>,
        %mul3A_1621 = arith.mulf %mul3A_1615, %get3A_1620 : vector<16xf32>
        %get3A_1622 = arith.index_cast %add3A_1606 : i32 to index
        %get3A_1623 = arith.constant 16 : index
        %get3A_1624 = tpu.vector_load %arg11[%get3A_1622, %get3A_1623] {strides = array<i32>} : memref<128x128xf32, #tpu.memory_space<vmem>>, vector<16xf32>,
        %get3A_1625 = arith.index_cast %squeeze3A_1608 : i32 to index
        %get3A_1626 = arith.constant 16 : index
        %get3A_1627 = tpu.vector_load %arg9[%get3A_1625, %get3A_1626] {strides = array<i32>} : memref<237x128xf32, #tpu.memory_space<vmem>>, vector<16xf32>,
        %mul3A_1628 = arith.mulf %get3A_1624, %get3A_1627 : vector<16xf32>
        %add3A_1629 = arith.constant 64 : i32
        %add3A_1630 = arith.addi %add3A_1629, %add3A_1606 : i32
        %get3A_1631 = arith.index_cast %add3A_1630 : i32 to index
        %get3A_1632 = arith.constant 16 : index
        %get3A_1633 = tpu.vector_load %arg11[%get3A_1631, %get3A_1632] {strides = array<i32>} : memref<128x128xf32, #tpu.memory_space<vmem>>, vector<16xf32>,
        %mul3A_1634 = arith.mulf %mul3A_1628, %get3A_1633 : vector<16xf32>
        %add3A_1635 = arith.addf %mul3A_1621, %mul3A_1634 : vector<16xf32>
        %get3A_1636 = arith.index_cast %add3A_1606 : i32 to index
        %get3A_1637 = arith.constant 32 : index
        %get3A_1638 = tpu.vector_load %arg11[%get3A_1636, %get3A_1637] {strides = array<i32>} : memref<128x128xf32, #tpu.memory_space<vmem>>, vector<16xf32>,
        %get3A_1639 = arith.index_cast %squeeze3A_1608 : i32 to index
        %get3A_1640 = arith.constant 32 : index
        %get3A_1641 = tpu.vector_load %arg9[%get3A_1639, %get3A_1640] {strides = array<i32>} : memref<237x128xf32, #tpu.memory_space<vmem>>, vector<16xf32>,
        %mul3A_1642 = arith.mulf %get3A_1638, %get3A_1641 : vector<16xf32>
        %add3A_1643 = arith.constant 64 : i32
        %add3A_1644 = arith.addi %add3A_1643, %add3A_1606 : i32
        %get3A_1645 = arith.index_cast %add3A_1644 : i32 to index
        %get3A_1646 = arith.constant 32 : index
        %get3A_1647 = tpu.vector_load %arg11[%get3A_1645, %get3A_1646] {strides = array<i32>} : memref<128x128xf32, #tpu.memory_space<vmem>>, vector<16xf32>,
        %mul3A_1648 = arith.mulf %mul3A_1642, %get3A_1647 : vector<16xf32>
        %add3A_1649 = arith.addf %add3A_1635, %mul3A_1648 : vector<16xf32>
        %get3A_1650 = arith.index_cast %add3A_1606 : i32 to index
        %get3A_1651 = arith.constant 48 : index
        %get3A_1652 = tpu.vector_load %arg11[%get3A_1650, %get3A_1651] {strides = array<i32>} : memref<128x128xf32, #tpu.memory_space<vmem>>, vector<16xf32>,
        %get3A_1653 = arith.index_cast %squeeze3A_1608 : i32 to index
        %get3A_1654 = arith.constant 48 : index
        %get3A_1655 = tpu.vector_load %arg9[%get3A_1653, %get3A_1654] {strides = array<i32>} : memref<237x128xf32, #tpu.memory_space<vmem>>, vector<16xf32>,
        %mul3A_1656 = arith.mulf %get3A_1652, %get3A_1655 : vector<16xf32>
        %add3A_1657 = arith.constant 64 : i32
        %add3A_1658 = arith.addi %add3A_1657, %add3A_1606 : i32
        %get3A_1659 = arith.index_cast %add3A_1658 : i32 to index
        %get3A_1660 = arith.constant 48 : index
        %get3A_1661 = tpu.vector_load %arg11[%get3A_1659, %get3A_1660] {strides = array<i32>} : memref<128x128xf32, #tpu.memory_space<vmem>>, vector<16xf32>,
        %mul3A_1662 = arith.mulf %mul3A_1656, %get3A_1661 : vector<16xf32>
        %add3A_1663 = arith.addf %add3A_1649, %mul3A_1662 : vector<16xf32>
        %get3A_1664 = arith.index_cast %add3A_1606 : i32 to index
        %get3A_1665 = arith.constant 64 : index
        %get3A_1666 = tpu.vector_load %arg11[%get3A_1664, %get3A_1665] {strides = array<i32>} : memref<128x128xf32, #tpu.memory_space<vmem>>, vector<16xf32>,
        %get3A_1667 = arith.index_cast %squeeze3A_1608 : i32 to index
        %get3A_1668 = arith.constant 64 : index
        %get3A_1669 = tpu.vector_load %arg9[%get3A_1667, %get3A_1668] {strides = array<i32>} : memref<237x128xf32, #tpu.memory_space<vmem>>, vector<16xf32>,
        %mul3A_1670 = arith.mulf %get3A_1666, %get3A_1669 : vector<16xf32>
        %add3A_1671 = arith.constant 64 : i32
        %add3A_1672 = arith.addi %add3A_1671, %add3A_1606 : i32
        %get3A_1673 = arith.index_cast %add3A_1672 : i32 to index
        %get3A_1674 = arith.constant 64 : index
        %get3A_1675 = tpu.vector_load %arg11[%get3A_1673, %get3A_1674] {strides = array<i32>} : memref<128x128xf32, #tpu.memory_space<vmem>>, vector<16xf32>,
        %mul3A_1676 = arith.mulf %mul3A_1670, %get3A_1675 : vector<16xf32>
        %add3A_1677 = arith.addf %add3A_1663, %mul3A_1676 : vector<16xf32>
        %get3A_1678 = arith.index_cast %add3A_1606 : i32 to index
        %get3A_1679 = arith.constant 80 : index
        %get3A_1680 = tpu.vector_load %arg11[%get3A_1678, %get3A_1679] {strides = array<i32>} : memref<128x128xf32, #tpu.memory_space<vmem>>, vector<16xf32>,
        %get3A_1681 = arith.index_cast %squeeze3A_1608 : i32 to index
        %get3A_1682 = arith.constant 80 : index
        %get3A_1683 = tpu.vector_load %arg9[%get3A_1681, %get3A_1682] {strides = array<i32>} : memref<237x128xf32, #tpu.memory_space<vmem>>, vector<16xf32>,
        %mul3A_1684 = arith.mulf %get3A_1680, %get3A_1683 : vector<16xf32>
        %add3A_1685 = arith.constant 64 : i32
        %add3A_1686 = arith.addi %add3A_1685, %add3A_1606 : i32
        %get3A_1687 = arith.index_cast %add3A_1686 : i32 to index
        %get3A_1688 = arith.constant 80 : index
        %get3A_1689 = tpu.vector_load %arg11[%get3A_1687, %get3A_1688] {strides = array<i32>} : memref<128x128xf32, #tpu.memory_space<vmem>>, vector<16xf32>,
        %mul3A_1690 = arith.mulf %mul3A_1684, %get3A_1689 : vector<16xf32>
        %add3A_1691 = arith.addf %add3A_1677, %mul3A_1690 : vector<16xf32>
        %get3A_1692 = arith.index_cast %add3A_1606 : i32 to index
        %get3A_1693 = arith.constant 96 : index
        %get3A_1694 = tpu.vector_load %arg11[%get3A_1692, %get3A_1693] {strides = array<i32>} : memref<128x128xf32, #tpu.memory_space<vmem>>, vector<16xf32>,
        %get3A_1695 = arith.index_cast %squeeze3A_1608 : i32 to index
        %get3A_1696 = arith.constant 96 : index
        %get3A_1697 = tpu.vector_load %arg9[%get3A_1695, %get3A_1696] {strides = array<i32>} : memref<237x128xf32, #tpu.memory_space<vmem>>, vector<16xf32>,
        %mul3A_1698 = arith.mulf %get3A_1694, %get3A_1697 : vector<16xf32>
        %add3A_1699 = arith.constant 64 : i32
        %add3A_1700 = arith.addi %add3A_1699, %add3A_1606 : i32
        %get3A_1701 = arith.index_cast %add3A_1700 : i32 to index
        %get3A_1702 = arith.constant 96 : index
        %get3A_1703 = tpu.vector_load %arg11[%get3A_1701, %get3A_1702] {strides = array<i32>} : memref<128x128xf32, #tpu.memory_space<vmem>>, vector<16xf32>,
        %mul3A_1704 = arith.mulf %mul3A_1698, %get3A_1703 : vector<16xf32>
        %add3A_1705 = arith.addf %add3A_1691, %mul3A_1704 : vector<16xf32>
        %get3A_1706 = arith.index_cast %add3A_1606 : i32 to index
        %get3A_1707 = arith.constant 112 : index
        %get3A_1708 = tpu.vector_load %arg11[%get3A_1706, %get3A_1707] {strides = array<i32>} : memref<128x128xf32, #tpu.memory_space<vmem>>, vector<16xf32>,
        %get3A_1709 = arith.index_cast %squeeze3A_1608 : i32 to index
        %get3A_1710 = arith.constant 112 : index
        %get3A_1711 = tpu.vector_load %arg9[%get3A_1709, %get3A_1710] {strides = array<i32>} : memref<237x128xf32, #tpu.memory_space<vmem>>, vector<16xf32>,
        %mul3A_1712 = arith.mulf %get3A_1708, %get3A_1711 : vector<16xf32>
        %add3A_1713 = arith.constant 64 : i32
        %add3A_1714 = arith.addi %add3A_1713, %add3A_1606 : i32
        %get3A_1715 = arith.index_cast %add3A_1714 : i32 to index
        %get3A_1716 = arith.constant 112 : index
        %get3A_1717 = tpu.vector_load %arg11[%get3A_1715, %get3A_1716] {strides = array<i32>} : memref<128x128xf32, #tpu.memory_space<vmem>>, vector<16xf32>,
        %mul3A_1718 = arith.mulf %mul3A_1712, %get3A_1717 : vector<16xf32>
        %add3A_1719 = arith.addf %add3A_1705, %mul3A_1718 : vector<16xf32>
        %swap3A_1720 = arith.constant 13 : i32
        %swap3A_1721 = arith.index_cast %swap3A_1720 : i32 to index
        %swap3A_1722 = arith.constant 0 : index
        %swap3A_1723 = tpu.vector_load %arg12[%swap3A_1721, %swap3A_1722] {strides = array<i32>} : memref<16x16xf32, #tpu.memory_space<vmem>>, vector<16xf32>,
        tpu.vector_store %arg12[%swap3A_1721, %swap3A_1722], %add3A_1719 {strides = array<i32>} : memref<16x16xf32, #tpu.memory_space<vmem>>, vector<16xf32>,
        %add3A_1724 = arith.constant 14 : i32
        %add3A_1725 = arith.addi %mul3A_58, %add3A_1724 : i32
        %slice3A_1726 = vector.extract_strided_slice %get3A_60 {offsets = [14], sizes = [1], strides = [1]} : vector<16xi32> to vector<1xi32>
        %squeeze3A_1727 = vector.extract %slice3A_1726[0] : i32 from vector<1xi32>
        %get3A_1728 = arith.index_cast %add3A_1725 : i32 to index
        %get3A_1729 = arith.constant 0 : index
        %get3A_1730 = tpu.vector_load %arg11[%get3A_1728, %get3A_1729] {strides = array<i32>} : memref<128x128xf32, #tpu.memory_space<vmem>>, vector<16xf32>,
        %get3A_1731 = arith.index_cast %squeeze3A_1727 : i32 to index
        %get3A_1732 = arith.constant 0 : index
        %get3A_1733 = tpu.vector_load %arg9[%get3A_1731, %get3A_1732] {strides = array<i32>} : memref<237x128xf32, #tpu.memory_space<vmem>>, vector<16xf32>,
        %mul3A_1734 = arith.mulf %get3A_1730, %get3A_1733 : vector<16xf32>
        %add3A_1735 = arith.constant 64 : i32
        %add3A_1736 = arith.addi %add3A_1735, %add3A_1725 : i32
        %get3A_1737 = arith.index_cast %add3A_1736 : i32 to index
        %get3A_1738 = arith.constant 0 : index
        %get3A_1739 = tpu.vector_load %arg11[%get3A_1737, %get3A_1738] {strides = array<i32>} : memref<128x128xf32, #tpu.memory_space<vmem>>, vector<16xf32>,
        %mul3A_1740 = arith.mulf %mul3A_1734, %get3A_1739 : vector<16xf32>
        %get3A_1741 = arith.index_cast %add3A_1725 : i32 to index
        %get3A_1742 = arith.constant 16 : index
        %get3A_1743 = tpu.vector_load %arg11[%get3A_1741, %get3A_1742] {strides = array<i32>} : memref<128x128xf32, #tpu.memory_space<vmem>>, vector<16xf32>,
        %get3A_1744 = arith.index_cast %squeeze3A_1727 : i32 to index
        %get3A_1745 = arith.constant 16 : index
        %get3A_1746 = tpu.vector_load %arg9[%get3A_1744, %get3A_1745] {strides = array<i32>} : memref<237x128xf32, #tpu.memory_space<vmem>>, vector<16xf32>,
        %mul3A_1747 = arith.mulf %get3A_1743, %get3A_1746 : vector<16xf32>
        %add3A_1748 = arith.constant 64 : i32
        %add3A_1749 = arith.addi %add3A_1748, %add3A_1725 : i32
        %get3A_1750 = arith.index_cast %add3A_1749 : i32 to index
        %get3A_1751 = arith.constant 16 : index
        %get3A_1752 = tpu.vector_load %arg11[%get3A_1750, %get3A_1751] {strides = array<i32>} : memref<128x128xf32, #tpu.memory_space<vmem>>, vector<16xf32>,
        %mul3A_1753 = arith.mulf %mul3A_1747, %get3A_1752 : vector<16xf32>
        %add3A_1754 = arith.addf %mul3A_1740, %mul3A_1753 : vector<16xf32>
        %get3A_1755 = arith.index_cast %add3A_1725 : i32 to index
        %get3A_1756 = arith.constant 32 : index
        %get3A_1757 = tpu.vector_load %arg11[%get3A_1755, %get3A_1756] {strides = array<i32>} : memref<128x128xf32, #tpu.memory_space<vmem>>, vector<16xf32>,
        %get3A_1758 = arith.index_cast %squeeze3A_1727 : i32 to index
        %get3A_1759 = arith.constant 32 : index
        %get3A_1760 = tpu.vector_load %arg9[%get3A_1758, %get3A_1759] {strides = array<i32>} : memref<237x128xf32, #tpu.memory_space<vmem>>, vector<16xf32>,
        %mul3A_1761 = arith.mulf %get3A_1757, %get3A_1760 : vector<16xf32>
        %add3A_1762 = arith.constant 64 : i32
        %add3A_1763 = arith.addi %add3A_1762, %add3A_1725 : i32
        %get3A_1764 = arith.index_cast %add3A_1763 : i32 to index
        %get3A_1765 = arith.constant 32 : index
        %get3A_1766 = tpu.vector_load %arg11[%get3A_1764, %get3A_1765] {strides = array<i32>} : memref<128x128xf32, #tpu.memory_space<vmem>>, vector<16xf32>,
        %mul3A_1767 = arith.mulf %mul3A_1761, %get3A_1766 : vector<16xf32>
        %add3A_1768 = arith.addf %add3A_1754, %mul3A_1767 : vector<16xf32>
        %get3A_1769 = arith.index_cast %add3A_1725 : i32 to index
        %get3A_1770 = arith.constant 48 : index
        %get3A_1771 = tpu.vector_load %arg11[%get3A_1769, %get3A_1770] {strides = array<i32>} : memref<128x128xf32, #tpu.memory_space<vmem>>, vector<16xf32>,
        %get3A_1772 = arith.index_cast %squeeze3A_1727 : i32 to index
        %get3A_1773 = arith.constant 48 : index
        %get3A_1774 = tpu.vector_load %arg9[%get3A_1772, %get3A_1773] {strides = array<i32>} : memref<237x128xf32, #tpu.memory_space<vmem>>, vector<16xf32>,
        %mul3A_1775 = arith.mulf %get3A_1771, %get3A_1774 : vector<16xf32>
        %add3A_1776 = arith.constant 64 : i32
        %add3A_1777 = arith.addi %add3A_1776, %add3A_1725 : i32
        %get3A_1778 = arith.index_cast %add3A_1777 : i32 to index
        %get3A_1779 = arith.constant 48 : index
        %get3A_1780 = tpu.vector_load %arg11[%get3A_1778, %get3A_1779] {strides = array<i32>} : memref<128x128xf32, #tpu.memory_space<vmem>>, vector<16xf32>,
        %mul3A_1781 = arith.mulf %mul3A_1775, %get3A_1780 : vector<16xf32>
        %add3A_1782 = arith.addf %add3A_1768, %mul3A_1781 : vector<16xf32>
        %get3A_1783 = arith.index_cast %add3A_1725 : i32 to index
        %get3A_1784 = arith.constant 64 : index
        %get3A_1785 = tpu.vector_load %arg11[%get3A_1783, %get3A_1784] {strides = array<i32>} : memref<128x128xf32, #tpu.memory_space<vmem>>, vector<16xf32>,
        %get3A_1786 = arith.index_cast %squeeze3A_1727 : i32 to index
        %get3A_1787 = arith.constant 64 : index
        %get3A_1788 = tpu.vector_load %arg9[%get3A_1786, %get3A_1787] {strides = array<i32>} : memref<237x128xf32, #tpu.memory_space<vmem>>, vector<16xf32>,
        %mul3A_1789 = arith.mulf %get3A_1785, %get3A_1788 : vector<16xf32>
        %add3A_1790 = arith.constant 64 : i32
        %add3A_1791 = arith.addi %add3A_1790, %add3A_1725 : i32
        %get3A_1792 = arith.index_cast %add3A_1791 : i32 to index
        %get3A_1793 = arith.constant 64 : index
        %get3A_1794 = tpu.vector_load %arg11[%get3A_1792, %get3A_1793] {strides = array<i32>} : memref<128x128xf32, #tpu.memory_space<vmem>>, vector<16xf32>,
        %mul3A_1795 = arith.mulf %mul3A_1789, %get3A_1794 : vector<16xf32>
        %add3A_1796 = arith.addf %add3A_1782, %mul3A_1795 : vector<16xf32>
        %get3A_1797 = arith.index_cast %add3A_1725 : i32 to index
        %get3A_1798 = arith.constant 80 : index
        %get3A_1799 = tpu.vector_load %arg11[%get3A_1797, %get3A_1798] {strides = array<i32>} : memref<128x128xf32, #tpu.memory_space<vmem>>, vector<16xf32>,
        %get3A_1800 = arith.index_cast %squeeze3A_1727 : i32 to index
        %get3A_1801 = arith.constant 80 : index
        %get3A_1802 = tpu.vector_load %arg9[%get3A_1800, %get3A_1801] {strides = array<i32>} : memref<237x128xf32, #tpu.memory_space<vmem>>, vector<16xf32>,
        %mul3A_1803 = arith.mulf %get3A_1799, %get3A_1802 : vector<16xf32>
        %add3A_1804 = arith.constant 64 : i32
        %add3A_1805 = arith.addi %add3A_1804, %add3A_1725 : i32
        %get3A_1806 = arith.index_cast %add3A_1805 : i32 to index
        %get3A_1807 = arith.constant 80 : index
        %get3A_1808 = tpu.vector_load %arg11[%get3A_1806, %get3A_1807] {strides = array<i32>} : memref<128x128xf32, #tpu.memory_space<vmem>>, vector<16xf32>,
        %mul3A_1809 = arith.mulf %mul3A_1803, %get3A_1808 : vector<16xf32>
        %add3A_1810 = arith.addf %add3A_1796, %mul3A_1809 : vector<16xf32>
        %get3A_1811 = arith.index_cast %add3A_1725 : i32 to index
        %get3A_1812 = arith.constant 96 : index
        %get3A_1813 = tpu.vector_load %arg11[%get3A_1811, %get3A_1812] {strides = array<i32>} : memref<128x128xf32, #tpu.memory_space<vmem>>, vector<16xf32>,
        %get3A_1814 = arith.index_cast %squeeze3A_1727 : i32 to index
        %get3A_1815 = arith.constant 96 : index
        %get3A_1816 = tpu.vector_load %arg9[%get3A_1814, %get3A_1815] {strides = array<i32>} : memref<237x128xf32, #tpu.memory_space<vmem>>, vector<16xf32>,
        %mul3A_1817 = arith.mulf %get3A_1813, %get3A_1816 : vector<16xf32>
        %add3A_1818 = arith.constant 64 : i32
        %add3A_1819 = arith.addi %add3A_1818, %add3A_1725 : i32
        %get3A_1820 = arith.index_cast %add3A_1819 : i32 to index
        %get3A_1821 = arith.constant 96 : index
        %get3A_1822 = tpu.vector_load %arg11[%get3A_1820, %get3A_1821] {strides = array<i32>} : memref<128x128xf32, #tpu.memory_space<vmem>>, vector<16xf32>,
        %mul3A_1823 = arith.mulf %mul3A_1817, %get3A_1822 : vector<16xf32>
        %add3A_1824 = arith.addf %add3A_1810, %mul3A_1823 : vector<16xf32>
        %get3A_1825 = arith.index_cast %add3A_1725 : i32 to index
        %get3A_1826 = arith.constant 112 : index
        %get3A_1827 = tpu.vector_load %arg11[%get3A_1825, %get3A_1826] {strides = array<i32>} : memref<128x128xf32, #tpu.memory_space<vmem>>, vector<16xf32>,
        %get3A_1828 = arith.index_cast %squeeze3A_1727 : i32 to index
        %get3A_1829 = arith.constant 112 : index
        %get3A_1830 = tpu.vector_load %arg9[%get3A_1828, %get3A_1829] {strides = array<i32>} : memref<237x128xf32, #tpu.memory_space<vmem>>, vector<16xf32>,
        %mul3A_1831 = arith.mulf %get3A_1827, %get3A_1830 : vector<16xf32>
        %add3A_1832 = arith.constant 64 : i32
        %add3A_1833 = arith.addi %add3A_1832, %add3A_1725 : i32
        %get3A_1834 = arith.index_cast %add3A_1833 : i32 to index
        %get3A_1835 = arith.constant 112 : index
        %get3A_1836 = tpu.vector_load %arg11[%get3A_1834, %get3A_1835] {strides = array<i32>} : memref<128x128xf32, #tpu.memory_space<vmem>>, vector<16xf32>,
        %mul3A_1837 = arith.mulf %mul3A_1831, %get3A_1836 : vector<16xf32>
        %add3A_1838 = arith.addf %add3A_1824, %mul3A_1837 : vector<16xf32>
        %swap3A_1839 = arith.constant 14 : i32
        %swap3A_1840 = arith.index_cast %swap3A_1839 : i32 to index
        %swap3A_1841 = arith.constant 0 : index
        %swap3A_1842 = tpu.vector_load %arg12[%swap3A_1840, %swap3A_1841] {strides = array<i32>} : memref<16x16xf32, #tpu.memory_space<vmem>>, vector<16xf32>,
        tpu.vector_store %arg12[%swap3A_1840, %swap3A_1841], %add3A_1838 {strides = array<i32>} : memref<16x16xf32, #tpu.memory_space<vmem>>, vector<16xf32>,
        %add3A_1843 = arith.constant 15 : i32
        %add3A_1844 = arith.addi %mul3A_58, %add3A_1843 : i32
        %slice3A_1845 = vector.extract_strided_slice %get3A_60 {offsets = [15], sizes = [1], strides = [1]} : vector<16xi32> to vector<1xi32>
        %squeeze3A_1846 = vector.extract %slice3A_1845[0] : i32 from vector<1xi32>
        %get3A_1847 = arith.index_cast %add3A_1844 : i32 to index
        %get3A_1848 = arith.constant 0 : index
        %get3A_1849 = tpu.vector_load %arg11[%get3A_1847, %get3A_1848] {strides = array<i32>} : memref<128x128xf32, #tpu.memory_space<vmem>>, vector<16xf32>,
        %get3A_1850 = arith.index_cast %squeeze3A_1846 : i32 to index
        %get3A_1851 = arith.constant 0 : index
        %get3A_1852 = tpu.vector_load %arg9[%get3A_1850, %get3A_1851] {strides = array<i32>} : memref<237x128xf32, #tpu.memory_space<vmem>>, vector<16xf32>,
        %mul3A_1853 = arith.mulf %get3A_1849, %get3A_1852 : vector<16xf32>
        %add3A_1854 = arith.constant 64 : i32
        %add3A_1855 = arith.addi %add3A_1854, %add3A_1844 : i32
        %get3A_1856 = arith.index_cast %add3A_1855 : i32 to index
        %get3A_1857 = arith.constant 0 : index
        %get3A_1858 = tpu.vector_load %arg11[%get3A_1856, %get3A_1857] {strides = array<i32>} : memref<128x128xf32, #tpu.memory_space<vmem>>, vector<16xf32>,
        %mul3A_1859 = arith.mulf %mul3A_1853, %get3A_1858 : vector<16xf32>
        %get3A_1860 = arith.index_cast %add3A_1844 : i32 to index
        %get3A_1861 = arith.constant 16 : index
        %get3A_1862 = tpu.vector_load %arg11[%get3A_1860, %get3A_1861] {strides = array<i32>} : memref<128x128xf32, #tpu.memory_space<vmem>>, vector<16xf32>,
        %get3A_1863 = arith.index_cast %squeeze3A_1846 : i32 to index
        %get3A_1864 = arith.constant 16 : index
        %get3A_1865 = tpu.vector_load %arg9[%get3A_1863, %get3A_1864] {strides = array<i32>} : memref<237x128xf32, #tpu.memory_space<vmem>>, vector<16xf32>,
        %mul3A_1866 = arith.mulf %get3A_1862, %get3A_1865 : vector<16xf32>
        %add3A_1867 = arith.constant 64 : i32
        %add3A_1868 = arith.addi %add3A_1867, %add3A_1844 : i32
        %get3A_1869 = arith.index_cast %add3A_1868 : i32 to index
        %get3A_1870 = arith.constant 16 : index
        %get3A_1871 = tpu.vector_load %arg11[%get3A_1869, %get3A_1870] {strides = array<i32>} : memref<128x128xf32, #tpu.memory_space<vmem>>, vector<16xf32>,
        %mul3A_1872 = arith.mulf %mul3A_1866, %get3A_1871 : vector<16xf32>
        %add3A_1873 = arith.addf %mul3A_1859, %mul3A_1872 : vector<16xf32>
        %get3A_1874 = arith.index_cast %add3A_1844 : i32 to index
        %get3A_1875 = arith.constant 32 : index
        %get3A_1876 = tpu.vector_load %arg11[%get3A_1874, %get3A_1875] {strides = array<i32>} : memref<128x128xf32, #tpu.memory_space<vmem>>, vector<16xf32>,
        %get3A_1877 = arith.index_cast %squeeze3A_1846 : i32 to index
        %get3A_1878 = arith.constant 32 : index
        %get3A_1879 = tpu.vector_load %arg9[%get3A_1877, %get3A_1878] {strides = array<i32>} : memref<237x128xf32, #tpu.memory_space<vmem>>, vector<16xf32>,
        %mul3A_1880 = arith.mulf %get3A_1876, %get3A_1879 : vector<16xf32>
        %add3A_1881 = arith.constant 64 : i32
        %add3A_1882 = arith.addi %add3A_1881, %add3A_1844 : i32
        %get3A_1883 = arith.index_cast %add3A_1882 : i32 to index
        %get3A_1884 = arith.constant 32 : index
        %get3A_1885 = tpu.vector_load %arg11[%get3A_1883, %get3A_1884] {strides = array<i32>} : memref<128x128xf32, #tpu.memory_space<vmem>>, vector<16xf32>,
        %mul3A_1886 = arith.mulf %mul3A_1880, %get3A_1885 : vector<16xf32>
        %add3A_1887 = arith.addf %add3A_1873, %mul3A_1886 : vector<16xf32>
        %get3A_1888 = arith.index_cast %add3A_1844 : i32 to index
        %get3A_1889 = arith.constant 48 : index
        %get3A_1890 = tpu.vector_load %arg11[%get3A_1888, %get3A_1889] {strides = array<i32>} : memref<128x128xf32, #tpu.memory_space<vmem>>, vector<16xf32>,
        %get3A_1891 = arith.index_cast %squeeze3A_1846 : i32 to index
        %get3A_1892 = arith.constant 48 : index
        %get3A_1893 = tpu.vector_load %arg9[%get3A_1891, %get3A_1892] {strides = array<i32>} : memref<237x128xf32, #tpu.memory_space<vmem>>, vector<16xf32>,
        %mul3A_1894 = arith.mulf %get3A_1890, %get3A_1893 : vector<16xf32>
        %add3A_1895 = arith.constant 64 : i32
        %add3A_1896 = arith.addi %add3A_1895, %add3A_1844 : i32
        %get3A_1897 = arith.index_cast %add3A_1896 : i32 to index
        %get3A_1898 = arith.constant 48 : index
        %get3A_1899 = tpu.vector_load %arg11[%get3A_1897, %get3A_1898] {strides = array<i32>} : memref<128x128xf32, #tpu.memory_space<vmem>>, vector<16xf32>,
        %mul3A_1900 = arith.mulf %mul3A_1894, %get3A_1899 : vector<16xf32>
        %add3A_1901 = arith.addf %add3A_1887, %mul3A_1900 : vector<16xf32>
        %get3A_1902 = arith.index_cast %add3A_1844 : i32 to index
        %get3A_1903 = arith.constant 64 : index
        %get3A_1904 = tpu.vector_load %arg11[%get3A_1902, %get3A_1903] {strides = array<i32>} : memref<128x128xf32, #tpu.memory_space<vmem>>, vector<16xf32>,
        %get3A_1905 = arith.index_cast %squeeze3A_1846 : i32 to index
        %get3A_1906 = arith.constant 64 : index
        %get3A_1907 = tpu.vector_load %arg9[%get3A_1905, %get3A_1906] {strides = array<i32>} : memref<237x128xf32, #tpu.memory_space<vmem>>, vector<16xf32>,
        %mul3A_1908 = arith.mulf %get3A_1904, %get3A_1907 : vector<16xf32>
        %add3A_1909 = arith.constant 64 : i32
        %add3A_1910 = arith.addi %add3A_1909, %add3A_1844 : i32
        %get3A_1911 = arith.index_cast %add3A_1910 : i32 to index
        %get3A_1912 = arith.constant 64 : index
        %get3A_1913 = tpu.vector_load %arg11[%get3A_1911, %get3A_1912] {strides = array<i32>} : memref<128x128xf32, #tpu.memory_space<vmem>>, vector<16xf32>,
        %mul3A_1914 = arith.mulf %mul3A_1908, %get3A_1913 : vector<16xf32>
        %add3A_1915 = arith.addf %add3A_1901, %mul3A_1914 : vector<16xf32>
        %get3A_1916 = arith.index_cast %add3A_1844 : i32 to index
        %get3A_1917 = arith.constant 80 : index
        %get3A_1918 = tpu.vector_load %arg11[%get3A_1916, %get3A_1917] {strides = array<i32>} : memref<128x128xf32, #tpu.memory_space<vmem>>, vector<16xf32>,
        %get3A_1919 = arith.index_cast %squeeze3A_1846 : i32 to index
        %get3A_1920 = arith.constant 80 : index
        %get3A_1921 = tpu.vector_load %arg9[%get3A_1919, %get3A_1920] {strides = array<i32>} : memref<237x128xf32, #tpu.memory_space<vmem>>, vector<16xf32>,
        %mul3A_1922 = arith.mulf %get3A_1918, %get3A_1921 : vector<16xf32>
        %add3A_1923 = arith.constant 64 : i32
        %add3A_1924 = arith.addi %add3A_1923, %add3A_1844 : i32
        %get3A_1925 = arith.index_cast %add3A_1924 : i32 to index
        %get3A_1926 = arith.constant 80 : index
        %get3A_1927 = tpu.vector_load %arg11[%get3A_1925, %get3A_1926] {strides = array<i32>} : memref<128x128xf32, #tpu.memory_space<vmem>>, vector<16xf32>,
        %mul3A_1928 = arith.mulf %mul3A_1922, %get3A_1927 : vector<16xf32>
        %add3A_1929 = arith.addf %add3A_1915, %mul3A_1928 : vector<16xf32>
        %get3A_1930 = arith.index_cast %add3A_1844 : i32 to index
        %get3A_1931 = arith.constant 96 : index
        %get3A_1932 = tpu.vector_load %arg11[%get3A_1930, %get3A_1931] {strides = array<i32>} : memref<128x128xf32, #tpu.memory_space<vmem>>, vector<16xf32>,
        %get3A_1933 = arith.index_cast %squeeze3A_1846 : i32 to index
        %get3A_1934 = arith.constant 96 : index
        %get3A_1935 = tpu.vector_load %arg9[%get3A_1933, %get3A_1934] {strides = array<i32>} : memref<237x128xf32, #tpu.memory_space<vmem>>, vector<16xf32>,
        %mul3A_1936 = arith.mulf %get3A_1932, %get3A_1935 : vector<16xf32>
        %add3A_1937 = arith.constant 64 : i32
        %add3A_1938 = arith.addi %add3A_1937, %add3A_1844 : i32
        %get3A_1939 = arith.index_cast %add3A_1938 : i32 to index
        %get3A_1940 = arith.constant 96 : index
        %get3A_1941 = tpu.vector_load %arg11[%get3A_1939, %get3A_1940] {strides = array<i32>} : memref<128x128xf32, #tpu.memory_space<vmem>>, vector<16xf32>,
        %mul3A_1942 = arith.mulf %mul3A_1936, %get3A_1941 : vector<16xf32>
        %add3A_1943 = arith.addf %add3A_1929, %mul3A_1942 : vector<16xf32>
        %get3A_1944 = arith.index_cast %add3A_1844 : i32 to index
        %get3A_1945 = arith.constant 112 : index
        %get3A_1946 = tpu.vector_load %arg11[%get3A_1944, %get3A_1945] {strides = array<i32>} : memref<128x128xf32, #tpu.memory_space<vmem>>, vector<16xf32>,
        %get3A_1947 = arith.index_cast %squeeze3A_1846 : i32 to index
        %get3A_1948 = arith.constant 112 : index
        %get3A_1949 = tpu.vector_load %arg9[%get3A_1947, %get3A_1948] {strides = array<i32>} : memref<237x128xf32, #tpu.memory_space<vmem>>, vector<16xf32>,
        %mul3A_1950 = arith.mulf %get3A_1946, %get3A_1949 : vector<16xf32>
        %add3A_1951 = arith.constant 64 : i32
        %add3A_1952 = arith.addi %add3A_1951, %add3A_1844 : i32
        %get3A_1953 = arith.index_cast %add3A_1952 : i32 to index
        %get3A_1954 = arith.constant 112 : index
        %get3A_1955 = tpu.vector_load %arg11[%get3A_1953, %get3A_1954] {strides = array<i32>} : memref<128x128xf32, #tpu.memory_space<vmem>>, vector<16xf32>,
        %mul3A_1956 = arith.mulf %mul3A_1950, %get3A_1955 : vector<16xf32>
        %add3A_1957 = arith.addf %add3A_1943, %mul3A_1956 : vector<16xf32>
        %swap3A_1958 = arith.constant 15 : i32
        %swap3A_1959 = arith.index_cast %swap3A_1958 : i32 to index
        %swap3A_1960 = arith.constant 0 : index
        %swap3A_1961 = tpu.vector_load %arg12[%swap3A_1959, %swap3A_1960] {strides = array<i32>} : memref<16x16xf32, #tpu.memory_space<vmem>>, vector<16xf32>,
        tpu.vector_store %arg12[%swap3A_1959, %swap3A_1960], %add3A_1957 {strides = array<i32>} : memref<16x16xf32, #tpu.memory_space<vmem>>, vector<16xf32>,
        %broadcast_in_dim3A = arith.constant 0 : i32
        %broadcast_in_dim3A_1962 = vector.broadcast %broadcast_in_dim3A : i32 to vector<16xi32>
        %gather3A = tpu.vector_load_idx %arg12[%iota3A, %broadcast_in_dim3A_1962] : memref<16x16xf32, #tpu.memory_space<vmem>>[vector<16xi32>, vector<16xi32>], vector<16xf32>,
        %broadcast_in_dim3A_1963 = arith.constant 1 : i32
        %broadcast_in_dim3A_1964 = vector.broadcast %broadcast_in_dim3A_1963 : i32 to vector<16xi32>
        %gather3A_1965 = tpu.vector_load_idx %arg12[%iota3A, %broadcast_in_dim3A_1964] : memref<16x16xf32, #tpu.memory_space<vmem>>[vector<16xi32>, vector<16xi32>], vector<16xf32>,
        %add3A_1966 = arith.addf %gather3A, %gather3A_1965 : vector<16xf32>
        %broadcast_in_dim3A_1967 = arith.constant 2 : i32
        %broadcast_in_dim3A_1968 = vector.broadcast %broadcast_in_dim3A_1967 : i32 to vector<16xi32>
        %gather3A_1969 = tpu.vector_load_idx %arg12[%iota3A, %broadcast_in_dim3A_1968] : memref<16x16xf32, #tpu.memory_space<vmem>>[vector<16xi32>, vector<16xi32>], vector<16xf32>,
        %add3A_1970 = arith.addf %add3A_1966, %gather3A_1969 : vector<16xf32>
        %broadcast_in_dim3A_1971 = arith.constant 3 : i32
        %broadcast_in_dim3A_1972 = vector.broadcast %broadcast_in_dim3A_1971 : i32 to vector<16xi32>
        %gather3A_1973 = tpu.vector_load_idx %arg12[%iota3A, %broadcast_in_dim3A_1972] : memref<16x16xf32, #tpu.memory_space<vmem>>[vector<16xi32>, vector<16xi32>], vector<16xf32>,
        %add3A_1974 = arith.addf %add3A_1970, %gather3A_1973 : vector<16xf32>
        %broadcast_in_dim3A_1975 = arith.constant 4 : i32
        %broadcast_in_dim3A_1976 = vector.broadcast %broadcast_in_dim3A_1975 : i32 to vector<16xi32>
        %gather3A_1977 = tpu.vector_load_idx %arg12[%iota3A, %broadcast_in_dim3A_1976] : memref<16x16xf32, #tpu.memory_space<vmem>>[vector<16xi32>, vector<16xi32>], vector<16xf32>,
        %add3A_1978 = arith.addf %add3A_1974, %gather3A_1977 : vector<16xf32>
        %broadcast_in_dim3A_1979 = arith.constant 5 : i32
        %broadcast_in_dim3A_1980 = vector.broadcast %broadcast_in_dim3A_1979 : i32 to vector<16xi32>
        %gather3A_1981 = tpu.vector_load_idx %arg12[%iota3A, %broadcast_in_dim3A_1980] : memref<16x16xf32, #tpu.memory_space<vmem>>[vector<16xi32>, vector<16xi32>], vector<16xf32>,
        %add3A_1982 = arith.addf %add3A_1978, %gather3A_1981 : vector<16xf32>
        %broadcast_in_dim3A_1983 = arith.constant 6 : i32
        %broadcast_in_dim3A_1984 = vector.broadcast %broadcast_in_dim3A_1983 : i32 to vector<16xi32>
        %gather3A_1985 = tpu.vector_load_idx %arg12[%iota3A, %broadcast_in_dim3A_1984] : memref<16x16xf32, #tpu.memory_space<vmem>>[vector<16xi32>, vector<16xi32>], vector<16xf32>,
        %add3A_1986 = arith.addf %add3A_1982, %gather3A_1985 : vector<16xf32>
        %broadcast_in_dim3A_1987 = arith.constant 7 : i32
        %broadcast_in_dim3A_1988 = vector.broadcast %broadcast_in_dim3A_1987 : i32 to vector<16xi32>
        %gather3A_1989 = tpu.vector_load_idx %arg12[%iota3A, %broadcast_in_dim3A_1988] : memref<16x16xf32, #tpu.memory_space<vmem>>[vector<16xi32>, vector<16xi32>], vector<16xf32>,
        %add3A_1990 = arith.addf %add3A_1986, %gather3A_1989 : vector<16xf32>
        %broadcast_in_dim3A_1991 = arith.constant 8 : i32
        %broadcast_in_dim3A_1992 = vector.broadcast %broadcast_in_dim3A_1991 : i32 to vector<16xi32>
        %gather3A_1993 = tpu.vector_load_idx %arg12[%iota3A, %broadcast_in_dim3A_1992] : memref<16x16xf32, #tpu.memory_space<vmem>>[vector<16xi32>, vector<16xi32>], vector<16xf32>,
        %add3A_1994 = arith.addf %add3A_1990, %gather3A_1993 : vector<16xf32>
        %broadcast_in_dim3A_1995 = arith.constant 9 : i32
        %broadcast_in_dim3A_1996 = vector.broadcast %broadcast_in_dim3A_1995 : i32 to vector<16xi32>
        %gather3A_1997 = tpu.vector_load_idx %arg12[%iota3A, %broadcast_in_dim3A_1996] : memref<16x16xf32, #tpu.memory_space<vmem>>[vector<16xi32>, vector<16xi32>], vector<16xf32>,
        %add3A_1998 = arith.addf %add3A_1994, %gather3A_1997 : vector<16xf32>
        %broadcast_in_dim3A_1999 = arith.constant 10 : i32
        %broadcast_in_dim3A_2000 = vector.broadcast %broadcast_in_dim3A_1999 : i32 to vector<16xi32>
        %gather3A_2001 = tpu.vector_load_idx %arg12[%iota3A, %broadcast_in_dim3A_2000] : memref<16x16xf32, #tpu.memory_space<vmem>>[vector<16xi32>, vector<16xi32>], vector<16xf32>,
        %add3A_2002 = arith.addf %add3A_1998, %gather3A_2001 : vector<16xf32>
        %broadcast_in_dim3A_2003 = arith.constant 11 : i32
        %broadcast_in_dim3A_2004 = vector.broadcast %broadcast_in_dim3A_2003 : i32 to vector<16xi32>
        %gather3A_2005 = tpu.vector_load_idx %arg12[%iota3A, %broadcast_in_dim3A_2004] : memref<16x16xf32, #tpu.memory_space<vmem>>[vector<16xi32>, vector<16xi32>], vector<16xf32>,
        %add3A_2006 = arith.addf %add3A_2002, %gather3A_2005 : vector<16xf32>
        %broadcast_in_dim3A_2007 = arith.constant 12 : i32
        %broadcast_in_dim3A_2008 = vector.broadcast %broadcast_in_dim3A_2007 : i32 to vector<16xi32>
        %gather3A_2009 = tpu.vector_load_idx %arg12[%iota3A, %broadcast_in_dim3A_2008] : memref<16x16xf32, #tpu.memory_space<vmem>>[vector<16xi32>, vector<16xi32>], vector<16xf32>,
        %add3A_2010 = arith.addf %add3A_2006, %gather3A_2009 : vector<16xf32>
        %broadcast_in_dim3A_2011 = arith.constant 13 : i32
        %broadcast_in_dim3A_2012 = vector.broadcast %broadcast_in_dim3A_2011 : i32 to vector<16xi32>
        %gather3A_2013 = tpu.vector_load_idx %arg12[%iota3A, %broadcast_in_dim3A_2012] : memref<16x16xf32, #tpu.memory_space<vmem>>[vector<16xi32>, vector<16xi32>], vector<16xf32>,
        %add3A_2014 = arith.addf %add3A_2010, %gather3A_2013 : vector<16xf32>
        %broadcast_in_dim3A_2015 = arith.constant 14 : i32
        %broadcast_in_dim3A_2016 = vector.broadcast %broadcast_in_dim3A_2015 : i32 to vector<16xi32>
        %gather3A_2017 = tpu.vector_load_idx %arg12[%iota3A, %broadcast_in_dim3A_2016] : memref<16x16xf32, #tpu.memory_space<vmem>>[vector<16xi32>, vector<16xi32>], vector<16xf32>,
        %add3A_2018 = arith.addf %add3A_2014, %gather3A_2017 : vector<16xf32>
        %broadcast_in_dim3A_2019 = arith.constant 15 : i32
        %broadcast_in_dim3A_2020 = vector.broadcast %broadcast_in_dim3A_2019 : i32 to vector<16xi32>
        %gather3A_2021 = tpu.vector_load_idx %arg12[%iota3A, %broadcast_in_dim3A_2020] : memref<16x16xf32, #tpu.memory_space<vmem>>[vector<16xi32>, vector<16xi32>], vector<16xf32>,
        %add3A_2022 = arith.addf %add3A_2018, %gather3A_2021 : vector<16xf32>
        %swap3A_2023 = arith.index_cast %add3A_18 : i32 to index
        %swap3A_2024 = arith.index_cast %mul3A_58 : i32 to index
        %swap3A_2025 = tpu.vector_load %arg13[%swap3A_2023, %swap3A_2024] {strides = array<i32>} : memref<158x64xf32, #tpu.memory_space<vmem>>, vector<16xf32>,
        tpu.vector_store %arg13[%swap3A_2023, %swap3A_2024], %add3A_2022 {strides = array<i32>} : memref<158x64xf32, #tpu.memory_space<vmem>>, vector<16xf32>,
        %scan3A_2026 = arith.constant 0 : i32
        scf.yield %scan3A_2026 : i32
      }
      %scan3A_53 = arith.constant 4 : i32
      %scan3A_54 = arith.constant 0 : i32
      scf.yield %scan3A_54 : i32
    }
    %scan3A_12 = arith.constant 79 : i32
    "tpu.region"() ({
      %run_scoped3A = tpu.sem_alloc : memref<!tpu.dma_semaphore, #tpu.memory_space<semaphore_mem>>
      %dma_start3A_13 = arith.constant 0 : i32
      %dma_start3A_14 = arith.constant 0 : i32
      %dma_start3A_15 = tpu.memref_slice %arg6[%add3A, %dma_start3A_13, %dma_start3A_14] : memref<32x158x64xf32, #tpu.memory_space<hbm>> -> memref<1x158x64xf32, #tpu.memory_space<hbm>>
      %dma_start3A_16 = tpu.memref_squeeze %dma_start3A_15 : memref<1x158x64xf32, #tpu.memory_space<hbm>> -> memref<158x64xf32, #tpu.memory_space<hbm>>
      %dma_start3A_17 = arith.constant 0 : i32
      %dma_start3A_18 = arith.constant 0 : i32
      %dma_start3A_19 = tpu.memref_slice %arg6[%add3A, %dma_start3A_17, %dma_start3A_18] : memref<32x158x64xf32, #tpu.memory_space<hbm>> -> memref<1x158x64xf32, #tpu.memory_space<hbm>>
      %dma_start3A_20 = tpu.memref_squeeze %dma_start3A_19 : memref<1x158x64xf32, #tpu.memory_space<hbm>> -> memref<158x64xf32, #tpu.memory_space<hbm>>
      tpu.enqueue_dma source(%arg13 : memref<158x64xf32, #tpu.memory_space<vmem>>) target(%dma_start3A_20 : memref<158x64xf32, #tpu.memory_space<hbm>>) target_semaphore(%run_scoped3A : memref<!tpu.dma_semaphore, #tpu.memory_space<semaphore_mem>>)
      %dma_wait3A = arith.constant 0 : i32
      %dma_wait3A_21 = arith.constant 0 : i32
      %dma_wait3A_22 = tpu.memref_slice %arg6[%add3A, %dma_wait3A, %dma_wait3A_21] : memref<32x158x64xf32, #tpu.memory_space<hbm>> -> memref<1x158x64xf32, #tpu.memory_space<hbm>>
      %dma_wait3A_23 = tpu.memref_squeeze %dma_wait3A_22 : memref<1x158x64xf32, #tpu.memory_space<hbm>> -> memref<158x64xf32, #tpu.memory_space<hbm>>
      %dma_wait3A_24 = arith.constant 0 : i32
      %dma_wait3A_25 = arith.constant 0 : i32
      %dma_wait3A_26 = tpu.memref_slice %arg6[%add3A, %dma_wait3A_24, %dma_wait3A_25] : memref<32x158x64xf32, #tpu.memory_space<hbm>> -> memref<1x158x64xf32, #tpu.memory_space<hbm>>
      %dma_wait3A_27 = tpu.memref_squeeze %dma_wait3A_26 : memref<1x158x64xf32, #tpu.memory_space<hbm>> -> memref<158x64xf32, #tpu.memory_space<hbm>>
      tpu.wait_dma2 semaphore(%run_scoped3A : memref<!tpu.dma_semaphore, #tpu.memory_space<semaphore_mem>>) src(%arg13 : memref<158x64xf32, #tpu.memory_space<vmem>>) dst(%dma_wait3A_27 : memref<158x64xf32, #tpu.memory_space<hbm>>)
      tpu.yield
    }) : () -> ()
    return
  }
}

</mosaic_0001>

<sc_bundles>
// kernel: _dist_mult_sc.3.cloned.1.call-start
scs
__scs_entry_jumppad:
0x0: {  	(pc) =	sbr.rel $0x88, $3  }
0x1: {  	(tag) =	ssettag $0x0;
	lr =	simm.s32 $0x1  }
0x2: {  	[smem:$0x3F9D] =	sst lr;
	_ =	strace $0xD0000000  }
0x3: {  	_ = 	snop  }
0x4: {  	_ = 	snop  }
0x5: {  	_ = 	snop  }
0x6: {  	_ = 	snop  }
0x7: {  	_ = 	snop  }
__scs_overlays_trampoline_lowered:
0x8: {  	[smem:$0x3FAC] =	sst s0  }
0x9: {  	[smem:$0x3FAD] =	sst s1  }
0xa: {  	[smem:$0x3FAE] =	sst s2  }
0xb: {  	[smem:$0x3FAF] =	sst s3  }
0xc: {  	[smem:$0x3FB0] =	sst s4  }
0xd: {  	[smem:$0x3FB1] =	sst s5  }
0xe: {  	[smem:$0x3FB2] =	sst s6  }
0xf: {  	[smem:$0x3FB3] =	sst s7  }
0x10: {  	[smem:$0x3FB4] =	sst s8  }
0x11: {  	[smem:$0x3FB5] =	sst s9;
	s0 =	simm.s32 @!p0 $0x0  }
0x12: {  	s1 =	sld [smem:$0x3F9B];
	s0 =	simm.s32 @p0 $0x1  }
0x13: {  	[smem:$0x3FB6] =	sst s0;
	s0 =	simm.s32 @!p1 $0x0  }
0x14: {  	s2 =	sld [smem:$0x3F9A];
	s0 =	simm.s32 @p1 $0x1  }
0x15: {  	[smem:$0x3FB7] =	sst s0;
	s0 =	simm.s32 @!p2 $0x0  }
0x16: {  	s3 =	sld [smem:$0x3FDB];
	s0 =	simm.s32 @p2 $0x1  }
0x17: {  	s4 =	simm.s32 $0x1BF5;
	[smem:$0x3FB9] =	sst s0  }
0x18: {  	s0 =	sld [smem:$0x3F9C];
	_ =	swait.ge [sflag:s4], $0x0  }
0x19: {  	s7 =	sld [smem:$0x3F9D]  }
0x1a: {  	s8 =	sadd.s32 $0xFFFFE003, lr  }
0x1b: {  	s9 =	sadd.s32 $0xFFFFFEF7, lr;
	s5 =	simm.s32 $0xFFFFFFFF;
	p2 =	slt.u32 s8, $0xFFFFF086  }
0x1c: {  	p1 =	slt.u32 s9, $0xF7A;
	s5 =	simm.s32 @!p2 $0x0  }
0x1d: {  	s5 =	simm.s32 @p1 $0x1;
	p0 =	seq.s32 s7, s2  }
0x1e: {  	s7 =	smul.u32 @!p0 $0xF7A, s2;
	p2 =	seq.s32 @!p0 s5, $0x0  }
0x1f: {  	s9 =	smul.u32 $0xF7A, s1;
	s8 =	simm.s32 @!p0 $0x1BF5;
	p2 =	por !p2, p0  }
0x20: {  	[sflag:s8] =	ssyncset.s32 @!p0 $0xFFFFF086;
	s6 =	sadd.s32 @!p0 s3, s7;
	s7 =	simm.s32 @!p0 $0x108  }
0x21: {  	s3 =	sadd.s32 s3, s9;
	s6 =	sadd.s32 @!p0 $0x88, s6;
	s7 =	simm.s32 @p2 $0x1082  }
0x22: {  	[simem:s7], [sflag:s8] =	dma.local @!p0 [hbm:s6], $0xF7A  }
0x23: {  	s9 =	sor.u32 $0xD0000000, s2;
	s6 =	simm.s32 $0x108;
	_ =	swait.ge @!p0 [sflag:s8], $0x0  }
0x24: {  	s3 =	sadd.s32 $0x88, s3;
	s6 =	simm.s32 @!p1 $0x1082;
	[sflag:s4] =	ssyncset.s32 $0xFFFFF086  }
0x25: {  	[simem:s6], [sflag:s4] =	dma.local [hbm:s3], $0xF7A  }
0x26: {  	[smem:$0x3F9D] =	sst s1;
	(tag) =	ssettag s2;
	_ =	strace s9  }
0x27: {  	s1 =	sld [smem:$0x3FAD]  }
0x28: {  	s2 =	sld [smem:$0x3FAE]  }
0x29: {  	s4 =	sld [smem:$0x3FB0]  }
0x2a: {  	p0 =	seq.s32 s5, $0x0;
	s5 =	sld [smem:$0x3FB1]  }
0x2b: {  	s6 =	sld [smem:$0x3FB2]  }
0x2c: {  	s7 =	sld [smem:$0x3FB3]  }
0x2d: {  	s3 =	simm.s32 $0x108;
	s8 =	sld [smem:$0x3FB4]  }
0x2e: {  	s3 =	simm.s32 @!p0 $0x1082;
	s9 =	sld [smem:$0x3FB5]  }
0x2f: {  	lr =	sadd.s32 s0, s3;
	s0 =	sld [smem:$0x3FAC]  }
0x30: {  	s3 =	sld [smem:$0x3FAF]  }
0x31: {  	[smem:$0x3FB8] =	sst s10  }
0x32: {  	s10 =	sld [smem:$0x3FB6];
	_ =	sdelay $0x3  }
0x33: {  	p0 =	seq.s32 s10, $0x1;
	s10 =	sld [smem:$0x3FB8];
	_ =	sdelay $0x3  }
0x34: {  	[smem:$0x3FB8] =	sst s10  }
0x35: {  	s10 =	sld [smem:$0x3FB7];
	_ =	sdelay $0x3  }
0x36: {  	p1 =	seq.s32 s10, $0x1;
	s10 =	sld [smem:$0x3FB8];
	_ =	sdelay $0x3  }
0x37: {  	[smem:$0x3FB8] =	sst s10  }
0x38: {  	s10 =	sld [smem:$0x3FB9]  }
0x39: {  	_ = 	snop;
	(pc) =	sbr.ind lr, $3  }
0x3a: {  	_ = 	snop  }
0x3b: {  	_ = 	snop  }
0x3c: {  	p2 =	seq.s32 s10, $0x1;
	s10 =	sld [smem:$0x3FB8]  }
0x3d: {  	_ =	shalt  }
0x3e: {  	_ =	shalt  }
0x3f: {  	_ =	shalt  }
0x40: {  	_ =	shalt  }
0x41: {  	_ =	shalt  }
0x42: {  	_ =	shalt  }
0x43: {  	_ =	shalt  }
0x44: {  	_ =	shalt  }
0x45: {  	_ =	shalt  }
0x46: {  	_ =	shalt  }
0x47: {  	_ =	shalt  }
0x48: {  	_ =	shalt  }
0x49: {  	_ =	shalt  }
0x4a: {  	_ =	shalt  }
0x4b: {  	_ =	shalt  }
0x4c: {  	_ =	shalt  }
0x4d: {  	_ =	shalt  }
0x4e: {  	_ =	shalt  }
0x4f: {  	_ =	shalt  }
0x50: {  	_ =	shalt  }
0x51: {  	_ =	shalt  }
0x52: {  	_ =	shalt  }
0x53: {  	_ =	shalt  }
0x54: {  	_ =	shalt  }
0x55: {  	_ =	shalt  }
0x56: {  	_ =	shalt  }
0x57: {  	_ =	shalt  }
0x58: {  	_ =	shalt  }
0x59: {  	_ =	shalt  }
0x5a: {  	_ =	shalt  }
0x5b: {  	_ =	shalt  }
0x5c: {  	_ =	shalt  }
0x5d: {  	_ =	shalt  }
0x5e: {  	_ =	shalt  }
0x5f: {  	_ =	shalt  }
0x60: {  	_ =	shalt  }
0x61: {  	_ =	shalt  }
0x62: {  	_ =	shalt  }
0x63: {  	_ =	shalt  }
0x64: {  	_ =	shalt  }
0x65: {  	_ =	shalt  }
0x66: {  	_ =	shalt  }
0x67: {  	_ =	shalt  }
0x68: {  	_ =	shalt  }
0x69: {  	_ =	shalt  }
0x6a: {  	_ =	shalt  }
0x6b: {  	_ =	shalt  }
0x6c: {  	_ =	shalt  }
0x6d: {  	_ =	shalt  }
0x6e: {  	_ =	shalt  }
0x6f: {  	_ =	shalt  }
0x70: {  	_ =	shalt  }
0x71: {  	_ =	shalt  }
0x72: {  	_ =	shalt  }
0x73: {  	_ =	shalt  }
0x74: {  	_ =	shalt  }
0x75: {  	_ =	shalt  }
0x76: {  	_ =	shalt  }
0x77: {  	_ =	shalt  }
0x78: {  	_ =	shalt  }
0x79: {  	_ =	shalt  }
0x7a: {  	_ =	shalt  }
0x7b: {  	_ =	shalt  }
0x7c: {  	_ =	shalt  }
0x7d: {  	_ =	shalt  }
0x7e: {  	_ =	shalt  }
0x7f: {  	_ =	shalt  }
0x80: {  	_ =	shalt  }
0x81: {  	_ =	shalt  }
0x82: {  	_ =	shalt  }
0x83: {  	_ =	shalt  }
0x84: {  	_ =	shalt  }
0x85: {  	_ =	shalt  }
0x86: {  	_ =	shalt  }
0x87: {  	_ =	shalt  }
.Lfunc_end0:
.L_simem_size_0:
called_computation_lowered:
.L_overlay_start_0:
0x88: {  	s2 =	sld [smem:$0x3FD9]  }
0x89: {  	s3 =	sld [smem:$0x3FFE];
	_ =	sdelay $0x1  }
0x8a: {  	s1 =	srdreg.scid  }
0x8b: {  	s0 =	sand.u32 $0x1, s1  }
0x8c: {  	s17 =	sshll.u32 s0, $0xA;
	s2 =	sadd.s32 s3, s2  }
0x8d: {  	s2 =	sadd.s32 s2, s17  }
0x8e: {  	[smem:$0x3FC4] =	sst s2  }
0x8f: {  	_ = 	snop  }
0x90: {  	s2 =	sld [smem:$0x3FC9]  }
0x91: {  	s18 =	sld [smem:$0x3FC8];
	(tm) =	ssettm $0x1  }
0x92: {  	s4 =	sld [smem:$0x3FFB];
	_ =	sdelay $0x3  }
0x93: {  	_ =	strace s4  }
0x94: {  	s4 =	sld [smem:$0x3FFC];
	_ =	sdelay $0x3  }
0x95: {  	_ =	strace s4  }
0x96: {  	s4 =	sld [smem:$0x3FFD];
	_ =	sdelay $0x3  }
0x97: {  	_ =	strace s4  }
0x98: {  	_ =	strace $0x8FFFFFFF  }
0x99: {  	s19 =	sld [smem:$0x3FDB];
	_ =	sdelay $0x1  }
0x9a: {  	s5 =	simm.s32 $_scs_section_size  }
0x9b: {  	s6 =	simm.s32 $_size__tile_overlayer_lowered;
	s7 =	simm.s32 $_tile_overlayer_lowered  }
0x9c: {  	s22 =	simm.s32 $0x1BFF;
	s21 =	sshll.u32 s7, $0x1;
	s4 =	sadd.s32 s5, s19  }
0x9d: {  	s8 =	simm.s32 $0x0;
	s20 =	sshll.u32 s6, $0x1;
	s6 =	sadd.s32 s21, s4  }
0x9e: {  	[timem:s8], [sflag:s22] =	dma.local [hbm:s6], s20  }
0x9f: {  	_ =	swait.ge [sflag:s22], s20  }
0xa0: {  	s5 =	ssub.s32 $0x0, s20;
	[sflag:s22] =	ssyncset.done $0x0  }
0xa1: {  	[sflag:s22] =	ssyncadd.s32 s5;
	_ =	sdelay $0x1  }
0xa2: {  	s23 =	simm.s32 $0x1B8B  }
0xa3: {  	_ =	swait.ge [sflag:s23], $0x1  }
0xa4: {  	[sflag:s23] =	ssyncset.done $0x0  }
0xa5: {  	s25 =	simm.s32 $0x1B8E;
	s24 =	sld [smem:$0x3FFE];
	[sflag:s23] =	ssyncadd.s32 $0xFFFFFFFF  }
0xa6: {  	s26 =	simm.s32 $execute0_lowered;
	[smem:$0x3FD2] =	sst s25  }
0xa7: {  	s6 =	sshll.u32 s26, $0x1;
	_ =	strace $0x80000046;
	[dreg:$0x1] =	wrdreg $0xFFFFFFFF  }
0xa8: {  	s28 =	simm.s32 $_size_execute0_lowered;
	s4 =	sadd.s32 s4, s6;
	[dreg:$0x0] =	wrdreg $0x0  }
0xa9: {  	s6 =	sshll.u32 s28, $0x1;
	[dreg:$0x2] =	wrdreg s4  }
0xaa: {  	[dreg:$0x3] =	wrdreg s6  }
0xab: {  	[dreg:$0x4] =	wrdreg $0xC0  }
0xac: {  	_ =	task [dreg:s8], $0x5FFFF  }
0xad: {  	[dreg:$0x1] =	wrdreg $0xFFFFFFFF  }
0xae: {  	[dreg:$0x0] =	wrdreg $0x60  }
0xaf: {  	[dreg:$0x2] =	wrdreg s2  }
0xb0: {  	[dreg:$0x3] =	wrdreg s18  }
0xb1: {  	[dreg:$0x4] =	wrdreg s24  }
0xb2: {  	[dreg:$0x5] =	wrdreg $0x9  }
0xb3: {  	_ =	task.clear_ibuf [dreg:s8], $0x6FFFF;
	_ =	strace $0x90000046  }
0xb4: {  	s29 =	simm.s32 $0x9;
	_ =	strace $0x80000048  }
0xb5: {  	_ =	swait.ge [sflag:s29], $0x1  }
0xb6: {  	[sflag:s29] =	ssyncadd.s32 $0xFFFFFFFF  }
0xb7: {  	_ =	strace $0x90000048  }
0xb8: {  	_ =	sfence  }
0xb9: {  	s30 =	sld [smem:$0x0];
	_ =	sdelay $0x2  }
0xba: {  	s31 =	sshll.u32 s1, $0xD;
	s1 =	sshrl.u32 s1, $0x2  }
0xbb: {  	s3 =	sand.u32 $0x4000, s31;
	s1 =	sadd.s32 s1, s30  }
0xbc: {  	s0 =	sor.u32 s3, s0;
	s1 =	sshll.u32 s1, $0x11  }
0xbd: {  	s0 =	sor.u32 s1, s0  }
0xbe: {  	s0 =	sadd.s32 $0x8F2B, s0  }
0xbf: {  	[sflag:s0] =	ssyncadd.remote.s32 $0x1  }
0xc0: {  	_ =	sfence.sel $0xFFFF  }
0xc1: {  	[dreg:$0x0] =	wrdreg $0xFFFFFFFF;
	(pc) =	sbr.abs _section_cstart, $3  }
0xc2: {  	[dreg:$0x1] =	wrdreg $0xFFFFFFFF  }
0xc3: {  	_ =	task.clear_ibuf [dreg:s8], $0x2FFFF;
	_ =	strace $0x9FFFFFFF  }
0xc4: {  	(tm) =	ssettm $0x7FFFFFFF  }
0xc5: {  	_ =	shalt  }
tec
execute0_lowered:
.L_overlay_start_1:
0x0: {  	(tag) =	ssettag $0x1  }
0x1: {  	s1 =	rddreg [dreg:$0x0]  }
0x2: {  	s3 =	rddreg [dreg:$0x1];
	s2 =	srdreg.scid  }
0x3: {  	s0 =	stileid.u32;
	s5 =	rddreg [dreg:$0x2]  }
0x4: {  	s9 =	simm.s32 $0x3;
	s10 =	simm.s32 $0x5000;
	s11 =	simm.s32 $0xA000  }
0x5: {  	v0 =	vlaneseq.u32;
	s12 =	simm.s32 $0x80;
	s13 =	simm.s32 $0x11800;
	s14 =	simm.s32 $0x15800  }
0x6: {  	s15 =	simm.s32 $0x1;
	s16 =	simm.s32 $0x19800;
	s17 =	simm.s32 $0x2;
	v0 =	vmul.u32 $0x80, v0  }
0x7: {  	s18 =	simm.s32 $0x1A000;
	s6 =	sand.u32 $0x1, s2;
	s4 =	sshll.u32 s0, $0x1  }
0x8: {  	s2 =	rddreg [dreg:$0x3];
	s7 =	sor.u32 s6, s4;
	s6 =	ssub.s32 $0x2, s6;
	v1 =	vor.u32 $0x1, v0;
	v2 =	vor.u32 $0x2, v0;
	v3 =	vor.u32 $0x3, v0  }
0x9: {  	s4 =	simm.s32 $0x0;
	s7 =	smul.u32 $0xA00, s7;
	s8 =	sshrl.u32 s6, $0x1;
	v4 =	vor.u32 $0x4, v0;
	v5 =	vor.u32 $0x5, v0;
	v6 =	vor.u32 $0x6, v0  }
0xa: {  	s19 =	simm.s32 $0x0;
	[smem:$0x7FF] =	sst s4;
	v7 =	vor.u32 $0x7, v0;
	v8 =	vor.u32 $0x8, v0;
	v9 =	vor.u32 $0x9, v0;
	s8 =	ssub.s32 s6, s8  }
0xb: {  	v10 =	vor.u32 $0xA, v0;
	v11 =	vor.u32 $0xB, v0;
	v12 =	vor.u32 $0xC, v0;
	_ =	strace $0x80000047;
	s7 =	sadd.s32 s7, s5;
	s8 =	smax.u32 s8, $0x1  }
0xc: {  	v13 =	vor.u32 $0xD, v0;
	v14 =	vor.u32 $0xE, v0;
	v15 =	vor.u32 $0xF, v0;
	s5 =	sadd.s32 $0x600, s7;
	s6 =	sadd.s32 $0x14600, s7;
	s7 =	sadd.s32 $0x28600, s7  }
.LBB2_1:
0xd: {  	[tilespmem:s4], [sflag:$0x3] =	stream.linear.gather [hbm4b:s5+s4], $0x4F00, $0x38;
	[tilespmem:$0x1F000] =	vst v63  }
0xe: {  	_ =	swait.ge [sflag:s9], $0x4F00  }
0xf: {  	[sflag:s9] =	ssyncset.done $0x0  }
0x10: {  	[sflag:s9] =	ssyncadd.s32 $0xFFFFB100  }
0x11: {  	[tilespmem:s10], [sflag:$0x3] =	stream.linear.gather [hbm4b:s6+s4], $0x4F00, $0x38;
	[tilespmem:$0x1F000] =	vst v63  }
0x12: {  	_ =	swait.ge [sflag:s9], $0x4F00  }
0x13: {  	[sflag:s9] =	ssyncset.done $0x0  }
0x14: {  	[sflag:s9] =	ssyncadd.s32 $0xFFFFB100  }
0x15: {  	[tilespmem:s11], [sflag:$0x3] =	stream.linear.gather [hbm4b:s3+s4], $0x7680, $0x38;
	[tilespmem:$0x1F000] =	vst v63  }
0x16: {  	_ =	swait.ge [sflag:s9], $0x7680  }
0x17: {  	[sflag:s9] =	ssyncset.done $0x0  }
0x18: {  	s20 =	simm.s32 $0x0;
	[sflag:s9] =	ssyncadd.s32 $0xFFFF8980  }
0x19: {  	[tilespmem:s13], [sflag:$0x1] =	stream.indirect.gather [hbm4b:s1+s12], $0x80, s4, s12, $0xb8;
	[tilespmem:$0x1F000] =	vst v63  }
.LBB2_2:
0x1a: {  	s23 =	sshll.u32 s20, $0x8  }
0x1b: {  	s21 =	sor.u32 $0x80, s23  }
0x1c: {  	v16 =	vmov s23;
	[tilespmem:s14], [sflag:$0x2] =	stream.indirect.gather [hbm4b:s1+s12], $0x80, s21, s12, $0xb8;
	[tilespmem:$0x1F000] =	vst v63  }
0x1d: {  	_ =	swait.ge [sflag:s15], $0x4000  }
0x1e: {  	[sflag:s15] =	ssyncset.done $0x0  }
0x1f: {  	s22 =	simm.s32 $0x0;
	[sflag:s15] =	ssyncadd.s32 $0xFFFFC000  }
.LBB2_3:
0x20: {  	s23 =	sshll.u32 s22, $0x4  }
0x21: {  	v17 =	vld.idx.msk [tilespmem:v16+s23+$0x5000 ss:$0x1], $0xffff;
	_ =	sdelay $0x4  }
0x22: {  	v17 =	vshll.u32 v17, $0x9  }
0x23: {  	v17 =	vshra.s32 v17, $0x2  }
0x24: {  	(v2sf) =	vpush v17, $0x0;
	_ =	sdelay $0x4  }
0x25: {  	s24 =	sshll.u32 s22, $0xB  }
0x26: {  	s24 =	sand.u32 $0x3FFFF800, s24  }
0x27: {  	v18 =	vld [tilespmem:s24+$0x11800]  }
0x28: {  	v20 =	vld [tilespmem:s24+$0x13800]  }
0x29: {  	v21 =	vld [tilespmem:s24+$0x11810]  }
0x2a: {  	v23 =	vld [tilespmem:s24+$0x13810]  }
0x2b: {  	v24 =	vld [tilespmem:s24+$0x11820]  }
0x2c: {  	v26 =	vld [tilespmem:s24+$0x13820]  }
0x2d: {  	v27 =	vld [tilespmem:s24+$0x11830]  }
0x2e: {  	v29 =	vld [tilespmem:s24+$0x13830]  }
0x2f: {  	v30 =	vld [tilespmem:s24+$0x11840];
	s25 =	spop (v2sf)  }
0x30: {  	v19 =	vld [tilespmem:s25+$0xA000]  }
0x31: {  	v22 =	vld [tilespmem:s25+$0xA010]  }
0x32: {  	v25 =	vld [tilespmem:s25+$0xA020]  }
0x33: {  	v39 =	vld [tilespmem:s24+$0x13840]  }
0x34: {  	v40 =	vld [tilespmem:s24+$0x11850]  }
0x35: {  	v28 =	vld [tilespmem:s25+$0xA030]  }
0x36: {  	v43 =	vld [tilespmem:s24+$0x13850];
	v18 =	vmul.f32 v19, v18;
	v19 =	vmul.f32 v22, v21  }
0x37: {  	v31 =	vld [tilespmem:s25+$0xA040];
	v42 =	vmul.f32 v25, v24  }
0x38: {  	v46 =	vld [tilespmem:s24+$0x13860];
	v18 =	vmul.f32 v20, v18;
	v19 =	vmul.f32 v23, v19  }
0x39: {  	(v2sf) =	vpush v17, $0x1;
	v41 =	vld [tilespmem:s25+$0xA050]  }
0x3a: {  	v45 =	vld [tilespmem:s25+$0xA060];
	v44 =	vmul.f32 v28, v27;
	v23 =	vmul.f32 v26, v42;
	v18 =	vadd.f32 v19, v18  }
0x3b: {  	v19 =	vld [tilespmem:s24+$0x11860]  }
0x3c: {  	v49 =	vld [tilespmem:s24+$0x11870];
	v48 =	vmul.f32 v31, v30;
	v47 =	vmul.f32 v29, v44;
	v18 =	vadd.f32 v23, v18  }
0x3d: {  	v50 =	vld [tilespmem:s25+$0xA070]  }
0x3e: {  	v21 =	vmul.f32 v39, v48;
	v20 =	vmul.f32 v41, v40;
	v18 =	vadd.f32 v47, v18  }
0x3f: {  	v51 =	vld [tilespmem:s24+$0x13870]  }
0x40: {  	v20 =	vmul.f32 v43, v20;
	v19 =	vmul.f32 v45, v19;
	v18 =	vadd.f32 v21, v18;
	_ =	sdelay $0x1  }
0x41: {  	v52 =	vmul.f32 v50, v49;
	v19 =	vmul.f32 v46, v19;
	v18 =	vadd.f32 v20, v18;
	_ =	sdelay $0x1  }
0x42: {  	v18 =	vadd.f32 v19, v18;
	v19 =	vmul.f32 v51, v52;
	_ =	sdelay $0x1  }
0x43: {  	v18 =	vadd.f32 v19, v18;
	_ =	sdelay $0x1  }
0x44: {  	[tilespmem:$0x19800] =	vst v18  }
0x45: {  	s26 =	spop (v2sf);
	v18 =	vld [tilespmem:s24+$0x11880]  }
0x46: {  	v19 =	vld [tilespmem:s26+$0xA000]  }
0x47: {  	v53 =	vld [tilespmem:s24+$0x13880]  }
0x48: {  	v54 =	vld [tilespmem:s24+$0x11890]  }
0x49: {  	v55 =	vld [tilespmem:s26+$0xA010]  }
0x4a: {  	v56 =	vld [tilespmem:s24+$0x13890]  }
0x4b: {  	v57 =	vld [tilespmem:s24+$0x118A0]  }
0x4c: {  	v58 =	vld [tilespmem:s26+$0xA020]  }
0x4d: {  	v59 =	vld [tilespmem:s24+$0x138A0]  }
0x4e: {  	v60 =	vld [tilespmem:s24+$0x118B0]  }
0x4f: {  	v61 =	vld [tilespmem:s26+$0xA030]  }
0x50: {  	v62 =	vld [tilespmem:s24+$0x138B0]  }
0x51: {  	v63 =	vld [tilespmem:s24+$0x118C0]  }
0x52: {  	v33 =	vld [tilespmem:s26+$0xA040]  }
0x53: {  	v34 =	vld [tilespmem:s24+$0x138C0]  }
0x54: {  	v35 =	vld [tilespmem:s24+$0x118D0];
	v18 =	vmul.f32 v19, v18;
	v19 =	vmul.f32 v55, v54  }
0x55: {  	v36 =	vld [tilespmem:s26+$0xA050];
	v37 =	vmul.f32 v58, v57  }
0x56: {  	v38 =	vld [tilespmem:s24+$0x138D0];
	v18 =	vmul.f32 v53, v18;
	v19 =	vmul.f32 v56, v19  }
0x57: {  	(v2sf) =	vpush v17, $0x2;
	v40 =	vld [tilespmem:s26+$0xA060]  }
0x58: {  	v41 =	vld [tilespmem:s24+$0x138E0];
	v39 =	vmul.f32 v61, v60;
	v23 =	vmul.f32 v59, v37;
	v18 =	vadd.f32 v19, v18  }
0x59: {  	v19 =	vld [tilespmem:s24+$0x118E0]  }
0x5a: {  	v44 =	vld [tilespmem:s24+$0x118F0];
	v43 =	vmul.f32 v33, v63;
	v42 =	vmul.f32 v62, v39;
	v18 =	vadd.f32 v23, v18  }
0x5b: {  	v45 =	vld [tilespmem:s26+$0xA070]  }
0x5c: {  	v20 =	vmul.f32 v36, v35;
	v21 =	vmul.f32 v34, v43;
	v18 =	vadd.f32 v42, v18  }
0x5d: {  	v46 =	vld [tilespmem:s24+$0x138F0]  }
0x5e: {  	v20 =	vmul.f32 v38, v20;
	v19 =	vmul.f32 v40, v19;
	v18 =	vadd.f32 v21, v18;
	_ =	sdelay $0x1  }
0x5f: {  	v47 =	vmul.f32 v45, v44;
	v19 =	vmul.f32 v41, v19;
	v18 =	vadd.f32 v20, v18;
	_ =	sdelay $0x1  }
0x60: {  	v18 =	vadd.f32 v19, v18;
	v19 =	vmul.f32 v46, v47;
	_ =	sdelay $0x1  }
0x61: {  	v18 =	vadd.f32 v19, v18;
	_ =	sdelay $0x1  }
0x62: {  	[tilespmem:$0x19880] =	vst v18  }
0x63: {  	s28 =	spop (v2sf);
	v18 =	vld [tilespmem:s24+$0x11900]  }
0x64: {  	v19 =	vld [tilespmem:s28+$0xA000]  }
0x65: {  	v48 =	vld [tilespmem:s24+$0x13900]  }
0x66: {  	v49 =	vld [tilespmem:s24+$0x11910]  }
0x67: {  	v50 =	vld [tilespmem:s28+$0xA010]  }
0x68: {  	v51 =	vld [tilespmem:s24+$0x13910]  }
0x69: {  	v52 =	vld [tilespmem:s24+$0x11920]  }
0x6a: {  	v53 =	vld [tilespmem:s28+$0xA020]  }
0x6b: {  	v54 =	vld [tilespmem:s24+$0x13920]  }
0x6c: {  	v55 =	vld [tilespmem:s24+$0x11930]  }
0x6d: {  	v56 =	vld [tilespmem:s28+$0xA030]  }
0x6e: {  	v57 =	vld [tilespmem:s24+$0x13930]  }
0x6f: {  	v58 =	vld [tilespmem:s24+$0x11940]  }
0x70: {  	v59 =	vld [tilespmem:s28+$0xA040]  }
0x71: {  	v60 =	vld [tilespmem:s24+$0x13940]  }
0x72: {  	v61 =	vld [tilespmem:s24+$0x11950];
	v18 =	vmul.f32 v19, v18;
	v19 =	vmul.f32 v50, v49  }
0x73: {  	v62 =	vld [tilespmem:s28+$0xA050];
	v63 =	vmul.f32 v53, v52  }
0x74: {  	v32 =	vld [tilespmem:s24+$0x13950];
	v18 =	vmul.f32 v48, v18;
	v19 =	vmul.f32 v51, v19  }
0x75: {  	(v2sf) =	vpush v17, $0x3;
	v34 =	vld [tilespmem:s28+$0xA060]  }
0x76: {  	v35 =	vld [tilespmem:s24+$0x13960];
	v33 =	vmul.f32 v56, v55;
	v23 =	vmul.f32 v54, v63;
	v18 =	vadd.f32 v19, v18  }
0x77: {  	v19 =	vld [tilespmem:s24+$0x11960]  }
0x78: {  	v38 =	vld [tilespmem:s24+$0x11970];
	v37 =	vmul.f32 v59, v58;
	v36 =	vmul.f32 v57, v33;
	v18 =	vadd.f32 v23, v18  }
0x79: {  	v39 =	vld [tilespmem:s28+$0xA070]  }
0x7a: {  	v20 =	vmul.f32 v62, v61;
	v21 =	vmul.f32 v60, v37;
	v18 =	vadd.f32 v36, v18  }
0x7b: {  	v40 =	vld [tilespmem:s24+$0x13970]  }
0x7c: {  	v20 =	vmul.f32 v32, v20;
	v19 =	vmul.f32 v34, v19;
	v18 =	vadd.f32 v21, v18;
	_ =	sdelay $0x1  }
0x7d: {  	v41 =	vmul.f32 v39, v38;
	v19 =	vmul.f32 v35, v19;
	v18 =	vadd.f32 v20, v18;
	_ =	sdelay $0x1  }
0x7e: {  	v18 =	vadd.f32 v19, v18;
	v19 =	vmul.f32 v40, v41;
	_ =	sdelay $0x1  }
0x7f: {  	v18 =	vadd.f32 v19, v18;
	_ =	sdelay $0x1  }
0x80: {  	[tilespmem:$0x19900] =	vst v18  }
0x81: {  	s29 =	spop (v2sf);
	v18 =	vld [tilespmem:s24+$0x11980]  }
0x82: {  	v19 =	vld [tilespmem:s29+$0xA000]  }
0x83: {  	v42 =	vld [tilespmem:s24+$0x13980]  }
0x84: {  	v43 =	vld [tilespmem:s24+$0x11990]  }
0x85: {  	v44 =	vld [tilespmem:s29+$0xA010]  }
0x86: {  	v45 =	vld [tilespmem:s24+$0x13990]  }
0x87: {  	v46 =	vld [tilespmem:s24+$0x119A0]  }
0x88: {  	v47 =	vld [tilespmem:s29+$0xA020]  }
0x89: {  	v48 =	vld [tilespmem:s24+$0x139A0]  }
0x8a: {  	v49 =	vld [tilespmem:s24+$0x119B0]  }
0x8b: {  	v50 =	vld [tilespmem:s29+$0xA030]  }
0x8c: {  	v51 =	vld [tilespmem:s24+$0x139B0]  }
0x8d: {  	v52 =	vld [tilespmem:s24+$0x119C0]  }
0x8e: {  	v53 =	vld [tilespmem:s29+$0xA040]  }
0x8f: {  	v54 =	vld [tilespmem:s24+$0x139C0]  }
0x90: {  	v55 =	vld [tilespmem:s24+$0x119D0];
	v18 =	vmul.f32 v19, v18;
	v19 =	vmul.f32 v44, v43  }
0x91: {  	v56 =	vld [tilespmem:s29+$0xA050];
	v57 =	vmul.f32 v47, v46  }
0x92: {  	v58 =	vld [tilespmem:s24+$0x139D0];
	v18 =	vmul.f32 v42, v18;
	v19 =	vmul.f32 v45, v19  }
0x93: {  	(v2sf) =	vpush v17, $0x4;
	v60 =	vld [tilespmem:s29+$0xA060]  }
0x94: {  	v61 =	vld [tilespmem:s24+$0x139E0];
	v59 =	vmul.f32 v50, v49;
	v23 =	vmul.f32 v48, v57;
	v18 =	vadd.f32 v19, v18  }
0x95: {  	v19 =	vld [tilespmem:s24+$0x119E0]  }
0x96: {  	v32 =	vld [tilespmem:s24+$0x119F0];
	v63 =	vmul.f32 v53, v52;
	v62 =	vmul.f32 v51, v59;
	v18 =	vadd.f32 v23, v18  }
0x97: {  	v33 =	vld [tilespmem:s29+$0xA070]  }
0x98: {  	v20 =	vmul.f32 v56, v55;
	v21 =	vmul.f32 v54, v63;
	v18 =	vadd.f32 v62, v18  }
0x99: {  	v34 =	vld [tilespmem:s24+$0x139F0]  }
0x9a: {  	v20 =	vmul.f32 v58, v20;
	v19 =	vmul.f32 v60, v19;
	v18 =	vadd.f32 v21, v18;
	_ =	sdelay $0x1  }
0x9b: {  	v35 =	vmul.f32 v33, v32;
	v19 =	vmul.f32 v61, v19;
	v18 =	vadd.f32 v20, v18;
	_ =	sdelay $0x1  }
0x9c: {  	v18 =	vadd.f32 v19, v18;
	v19 =	vmul.f32 v34, v35;
	_ =	sdelay $0x1  }
0x9d: {  	v18 =	vadd.f32 v19, v18;
	_ =	sdelay $0x1  }
0x9e: {  	[tilespmem:$0x19980] =	vst v18  }
0x9f: {  	s30 =	spop (v2sf);
	v18 =	vld [tilespmem:s24+$0x11A00]  }
0xa0: {  	v19 =	vld [tilespmem:s30+$0xA000]  }
0xa1: {  	v36 =	vld [tilespmem:s24+$0x13A00]  }
0xa2: {  	v37 =	vld [tilespmem:s24+$0x11A10]  }
0xa3: {  	v38 =	vld [tilespmem:s30+$0xA010]  }
0xa4: {  	v39 =	vld [tilespmem:s24+$0x13A10]  }
0xa5: {  	v40 =	vld [tilespmem:s24+$0x11A20]  }
0xa6: {  	v41 =	vld [tilespmem:s30+$0xA020]  }
0xa7: {  	v42 =	vld [tilespmem:s24+$0x13A20]  }
0xa8: {  	v43 =	vld [tilespmem:s24+$0x11A30]  }
0xa9: {  	v44 =	vld [tilespmem:s30+$0xA030]  }
0xaa: {  	v45 =	vld [tilespmem:s24+$0x13A30]  }
0xab: {  	v46 =	vld [tilespmem:s24+$0x11A40]  }
0xac: {  	v47 =	vld [tilespmem:s30+$0xA040]  }
0xad: {  	v48 =	vld [tilespmem:s24+$0x13A40]  }
0xae: {  	v49 =	vld [tilespmem:s24+$0x11A50];
	v18 =	vmul.f32 v19, v18;
	v19 =	vmul.f32 v38, v37  }
0xaf: {  	v50 =	vld [tilespmem:s30+$0xA050];
	v51 =	vmul.f32 v41, v40  }
0xb0: {  	v52 =	vld [tilespmem:s24+$0x13A50];
	v18 =	vmul.f32 v36, v18;
	v19 =	vmul.f32 v39, v19  }
0xb1: {  	(v2sf) =	vpush v17, $0x5;
	v54 =	vld [tilespmem:s30+$0xA060]  }
0xb2: {  	v55 =	vld [tilespmem:s24+$0x13A60];
	v53 =	vmul.f32 v44, v43;
	v23 =	vmul.f32 v42, v51;
	v18 =	vadd.f32 v19, v18  }
0xb3: {  	v19 =	vld [tilespmem:s24+$0x11A60]  }
0xb4: {  	v58 =	vld [tilespmem:s24+$0x11A70];
	v57 =	vmul.f32 v47, v46;
	v56 =	vmul.f32 v45, v53;
	v18 =	vadd.f32 v23, v18  }
0xb5: {  	v59 =	vld [tilespmem:s30+$0xA070]  }
0xb6: {  	v20 =	vmul.f32 v50, v49;
	v21 =	vmul.f32 v48, v57;
	v18 =	vadd.f32 v56, v18  }
0xb7: {  	v60 =	vld [tilespmem:s24+$0x13A70]  }
0xb8: {  	v20 =	vmul.f32 v52, v20;
	v19 =	vmul.f32 v54, v19;
	v18 =	vadd.f32 v21, v18;
	_ =	sdelay $0x1  }
0xb9: {  	v61 =	vmul.f32 v59, v58;
	v19 =	vmul.f32 v55, v19;
	v18 =	vadd.f32 v20, v18;
	_ =	sdelay $0x1  }
0xba: {  	v18 =	vadd.f32 v19, v18;
	v19 =	vmul.f32 v60, v61;
	_ =	sdelay $0x1  }
0xbb: {  	v18 =	vadd.f32 v19, v18;
	_ =	sdelay $0x1  }
0xbc: {  	[tilespmem:$0x19A00] =	vst v18  }
0xbd: {  	s31 =	spop (v2sf);
	v18 =	vld [tilespmem:s24+$0x11A80]  }
0xbe: {  	v19 =	vld [tilespmem:s31+$0xA000]  }
0xbf: {  	v62 =	vld [tilespmem:s24+$0x13A80]  }
0xc0: {  	v63 =	vld [tilespmem:s24+$0x11A90]  }
0xc1: {  	v33 =	vld [tilespmem:s31+$0xA010]  }
0xc2: {  	v34 =	vld [tilespmem:s24+$0x13A90]  }
0xc3: {  	v35 =	vld [tilespmem:s24+$0x11AA0]  }
0xc4: {  	v36 =	vld [tilespmem:s31+$0xA020]  }
0xc5: {  	v37 =	vld [tilespmem:s24+$0x13AA0]  }
0xc6: {  	v38 =	vld [tilespmem:s24+$0x11AB0]  }
0xc7: {  	v39 =	vld [tilespmem:s31+$0xA030]  }
0xc8: {  	v40 =	vld [tilespmem:s24+$0x13AB0]  }
0xc9: {  	v41 =	vld [tilespmem:s24+$0x11AC0]  }
0xca: {  	v42 =	vld [tilespmem:s31+$0xA040]  }
0xcb: {  	v43 =	vld [tilespmem:s24+$0x13AC0]  }
0xcc: {  	v44 =	vld [tilespmem:s24+$0x11AD0];
	v18 =	vmul.f32 v19, v18;
	v19 =	vmul.f32 v33, v63  }
0xcd: {  	v45 =	vld [tilespmem:s31+$0xA050];
	v46 =	vmul.f32 v36, v35  }
0xce: {  	v47 =	vld [tilespmem:s24+$0x13AD0];
	v18 =	vmul.f32 v62, v18;
	v19 =	vmul.f32 v34, v19  }
0xcf: {  	(v2sf) =	vpush v17, $0x6;
	v49 =	vld [tilespmem:s31+$0xA060]  }
0xd0: {  	v50 =	vld [tilespmem:s24+$0x13AE0];
	v48 =	vmul.f32 v39, v38;
	v23 =	vmul.f32 v37, v46;
	v18 =	vadd.f32 v19, v18  }
0xd1: {  	v19 =	vld [tilespmem:s24+$0x11AE0]  }
0xd2: {  	v53 =	vld [tilespmem:s24+$0x11AF0];
	v52 =	vmul.f32 v42, v41;
	v51 =	vmul.f32 v40, v48;
	v18 =	vadd.f32 v23, v18  }
0xd3: {  	v54 =	vld [tilespmem:s31+$0xA070]  }
0xd4: {  	v20 =	vmul.f32 v45, v44;
	v21 =	vmul.f32 v43, v52;
	v18 =	vadd.f32 v51, v18  }
0xd5: {  	v55 =	vld [tilespmem:s24+$0x13AF0]  }
0xd6: {  	v20 =	vmul.f32 v47, v20;
	v19 =	vmul.f32 v49, v19;
	v18 =	vadd.f32 v21, v18;
	_ =	sdelay $0x1  }
0xd7: {  	v56 =	vmul.f32 v54, v53;
	v19 =	vmul.f32 v50, v19;
	v18 =	vadd.f32 v20, v18;
	_ =	sdelay $0x1  }
0xd8: {  	v18 =	vadd.f32 v19, v18;
	v19 =	vmul.f32 v55, v56;
	_ =	sdelay $0x1  }
0xd9: {  	v18 =	vadd.f32 v19, v18;
	_ =	sdelay $0x1  }
0xda: {  	[tilespmem:$0x19A80] =	vst v18  }
0xdb: {  	s26 =	spop (v2sf);
	v18 =	vld [tilespmem:s24+$0x11B00]  }
0xdc: {  	v19 =	vld [tilespmem:s26+$0xA000]  }
0xdd: {  	v57 =	vld [tilespmem:s24+$0x13B00]  }
0xde: {  	v58 =	vld [tilespmem:s24+$0x11B10]  }
0xdf: {  	v59 =	vld [tilespmem:s26+$0xA010]  }
0xe0: {  	v60 =	vld [tilespmem:s24+$0x13B10]  }
0xe1: {  	v61 =	vld [tilespmem:s24+$0x11B20]  }
0xe2: {  	v62 =	vld [tilespmem:s26+$0xA020]  }
0xe3: {  	v63 =	vld [tilespmem:s24+$0x13B20]  }
0xe4: {  	v33 =	vld [tilespmem:s24+$0x11B30]  }
0xe5: {  	v34 =	vld [tilespmem:s26+$0xA030]  }
0xe6: {  	v35 =	vld [tilespmem:s24+$0x13B30]  }
0xe7: {  	v36 =	vld [tilespmem:s24+$0x11B40]  }
0xe8: {  	v37 =	vld [tilespmem:s26+$0xA040]  }
0xe9: {  	v38 =	vld [tilespmem:s24+$0x13B40]  }
0xea: {  	v39 =	vld [tilespmem:s24+$0x11B50];
	v18 =	vmul.f32 v19, v18;
	v19 =	vmul.f32 v59, v58  }
0xeb: {  	v40 =	vld [tilespmem:s26+$0xA050];
	v41 =	vmul.f32 v62, v61  }
0xec: {  	v42 =	vld [tilespmem:s24+$0x13B50];
	v18 =	vmul.f32 v57, v18;
	v19 =	vmul.f32 v60, v19  }
0xed: {  	(v2sf) =	vpush v17, $0x7;
	v44 =	vld [tilespmem:s26+$0xA060]  }
0xee: {  	v45 =	vld [tilespmem:s24+$0x13B60];
	v43 =	vmul.f32 v34, v33;
	v23 =	vmul.f32 v63, v41;
	v18 =	vadd.f32 v19, v18  }
0xef: {  	v19 =	vld [tilespmem:s24+$0x11B60]  }
0xf0: {  	v48 =	vld [tilespmem:s24+$0x11B70];
	v47 =	vmul.f32 v37, v36;
	v46 =	vmul.f32 v35, v43;
	v18 =	vadd.f32 v23, v18  }
0xf1: {  	v49 =	vld [tilespmem:s26+$0xA070]  }
0xf2: {  	v20 =	vmul.f32 v40, v39;
	v21 =	vmul.f32 v38, v47;
	v18 =	vadd.f32 v46, v18  }
0xf3: {  	v50 =	vld [tilespmem:s24+$0x13B70]  }
0xf4: {  	v20 =	vmul.f32 v42, v20;
	v19 =	vmul.f32 v44, v19;
	v18 =	vadd.f32 v21, v18;
	_ =	sdelay $0x1  }
0xf5: {  	v51 =	vmul.f32 v49, v48;
	v19 =	vmul.f32 v45, v19;
	v18 =	vadd.f32 v20, v18;
	_ =	sdelay $0x1  }
0xf6: {  	v18 =	vadd.f32 v19, v18;
	v19 =	vmul.f32 v50, v51;
	_ =	sdelay $0x1  }
0xf7: {  	v18 =	vadd.f32 v19, v18;
	_ =	sdelay $0x1  }
0xf8: {  	[tilespmem:$0x19B00] =	vst v18  }
0xf9: {  	s28 =	spop (v2sf);
	v18 =	vld [tilespmem:s24+$0x11B80]  }
0xfa: {  	v19 =	vld [tilespmem:s28+$0xA000]  }
0xfb: {  	v52 =	vld [tilespmem:s24+$0x13B80]  }
0xfc: {  	v53 =	vld [tilespmem:s24+$0x11B90]  }
0xfd: {  	v54 =	vld [tilespmem:s28+$0xA010]  }
0xfe: {  	v55 =	vld [tilespmem:s24+$0x13B90]  }
0xff: {  	v56 =	vld [tilespmem:s24+$0x11BA0]  }
0x100: {  	v57 =	vld [tilespmem:s28+$0xA020]  }
0x101: {  	v58 =	vld [tilespmem:s24+$0x13BA0]  }
0x102: {  	v59 =	vld [tilespmem:s24+$0x11BB0]  }
0x103: {  	v60 =	vld [tilespmem:s28+$0xA030]  }
0x104: {  	v61 =	vld [tilespmem:s24+$0x13BB0]  }
0x105: {  	v62 =	vld [tilespmem:s24+$0x11BC0]  }
0x106: {  	v63 =	vld [tilespmem:s28+$0xA040]  }
0x107: {  	v32 =	vld [tilespmem:s24+$0x13BC0]  }
0x108: {  	v33 =	vld [tilespmem:s24+$0x11BD0];
	v18 =	vmul.f32 v19, v18;
	v19 =	vmul.f32 v54, v53  }
0x109: {  	v34 =	vld [tilespmem:s28+$0xA050];
	v35 =	vmul.f32 v57, v56  }
0x10a: {  	v36 =	vld [tilespmem:s24+$0x13BD0];
	v18 =	vmul.f32 v52, v18;
	v19 =	vmul.f32 v55, v19  }
0x10b: {  	(v2sf) =	vpush v17, $0x8;
	v38 =	vld [tilespmem:s28+$0xA060]  }
0x10c: {  	v39 =	vld [tilespmem:s24+$0x13BE0];
	v37 =	vmul.f32 v60, v59;
	v23 =	vmul.f32 v58, v35;
	v18 =	vadd.f32 v19, v18  }
0x10d: {  	v19 =	vld [tilespmem:s24+$0x11BE0]  }
0x10e: {  	v42 =	vld [tilespmem:s24+$0x11BF0];
	v41 =	vmul.f32 v63, v62;
	v40 =	vmul.f32 v61, v37;
	v18 =	vadd.f32 v23, v18  }
0x10f: {  	v43 =	vld [tilespmem:s28+$0xA070]  }
0x110: {  	v20 =	vmul.f32 v34, v33;
	v21 =	vmul.f32 v32, v41;
	v18 =	vadd.f32 v40, v18  }
0x111: {  	v44 =	vld [tilespmem:s24+$0x13BF0]  }
0x112: {  	v20 =	vmul.f32 v36, v20;
	v19 =	vmul.f32 v38, v19;
	v18 =	vadd.f32 v21, v18;
	_ =	sdelay $0x1  }
0x113: {  	v45 =	vmul.f32 v43, v42;
	v19 =	vmul.f32 v39, v19;
	v18 =	vadd.f32 v20, v18;
	_ =	sdelay $0x1  }
0x114: {  	v18 =	vadd.f32 v19, v18;
	v19 =	vmul.f32 v44, v45;
	_ =	sdelay $0x1  }
0x115: {  	v18 =	vadd.f32 v19, v18;
	_ =	sdelay $0x1  }
0x116: {  	[tilespmem:$0x19B80] =	vst v18  }
0x117: {  	s29 =	spop (v2sf);
	v18 =	vld [tilespmem:s24+$0x11C00]  }
0x118: {  	v19 =	vld [tilespmem:s29+$0xA000]  }
0x119: {  	v46 =	vld [tilespmem:s24+$0x13C00]  }
0x11a: {  	v47 =	vld [tilespmem:s24+$0x11C10]  }
0x11b: {  	v48 =	vld [tilespmem:s29+$0xA010]  }
0x11c: {  	v49 =	vld [tilespmem:s24+$0x13C10]  }
0x11d: {  	v50 =	vld [tilespmem:s24+$0x11C20]  }
0x11e: {  	v51 =	vld [tilespmem:s29+$0xA020]  }
0x11f: {  	v52 =	vld [tilespmem:s24+$0x13C20]  }
0x120: {  	v53 =	vld [tilespmem:s24+$0x11C30]  }
0x121: {  	v54 =	vld [tilespmem:s29+$0xA030]  }
0x122: {  	v55 =	vld [tilespmem:s24+$0x13C30]  }
0x123: {  	v56 =	vld [tilespmem:s24+$0x11C40]  }
0x124: {  	v57 =	vld [tilespmem:s29+$0xA040]  }
0x125: {  	v58 =	vld [tilespmem:s24+$0x13C40]  }
0x126: {  	v59 =	vld [tilespmem:s24+$0x11C50];
	v18 =	vmul.f32 v19, v18;
	v19 =	vmul.f32 v48, v47  }
0x127: {  	v60 =	vld [tilespmem:s29+$0xA050];
	v61 =	vmul.f32 v51, v50  }
0x128: {  	v62 =	vld [tilespmem:s24+$0x13C50];
	v18 =	vmul.f32 v46, v18;
	v19 =	vmul.f32 v49, v19  }
0x129: {  	(v2sf) =	vpush v17, $0x9;
	v32 =	vld [tilespmem:s29+$0xA060]  }
0x12a: {  	v33 =	vld [tilespmem:s24+$0x13C60];
	v63 =	vmul.f32 v54, v53;
	v23 =	vmul.f32 v52, v61;
	v18 =	vadd.f32 v19, v18  }
0x12b: {  	v19 =	vld [tilespmem:s24+$0x11C60]  }
0x12c: {  	v36 =	vld [tilespmem:s24+$0x11C70];
	v35 =	vmul.f32 v57, v56;
	v34 =	vmul.f32 v55, v63;
	v18 =	vadd.f32 v23, v18  }
0x12d: {  	v37 =	vld [tilespmem:s29+$0xA070]  }
0x12e: {  	v20 =	vmul.f32 v60, v59;
	v21 =	vmul.f32 v58, v35;
	v18 =	vadd.f32 v34, v18  }
0x12f: {  	v38 =	vld [tilespmem:s24+$0x13C70]  }
0x130: {  	v20 =	vmul.f32 v62, v20;
	v19 =	vmul.f32 v32, v19;
	v18 =	vadd.f32 v21, v18;
	_ =	sdelay $0x1  }
0x131: {  	v39 =	vmul.f32 v37, v36;
	v19 =	vmul.f32 v33, v19;
	v18 =	vadd.f32 v20, v18;
	_ =	sdelay $0x1  }
0x132: {  	v18 =	vadd.f32 v19, v18;
	v19 =	vmul.f32 v38, v39;
	_ =	sdelay $0x1  }
0x133: {  	v18 =	vadd.f32 v19, v18;
	_ =	sdelay $0x1  }
0x134: {  	[tilespmem:$0x19C00] =	vst v18  }
0x135: {  	s30 =	spop (v2sf);
	v18 =	vld [tilespmem:s24+$0x11C80]  }
0x136: {  	v19 =	vld [tilespmem:s30+$0xA000]  }
0x137: {  	v40 =	vld [tilespmem:s24+$0x13C80]  }
0x138: {  	v41 =	vld [tilespmem:s24+$0x11C90]  }
0x139: {  	v42 =	vld [tilespmem:s30+$0xA010]  }
0x13a: {  	v43 =	vld [tilespmem:s24+$0x13C90]  }
0x13b: {  	v44 =	vld [tilespmem:s24+$0x11CA0]  }
0x13c: {  	v45 =	vld [tilespmem:s30+$0xA020]  }
0x13d: {  	v46 =	vld [tilespmem:s24+$0x13CA0]  }
0x13e: {  	v47 =	vld [tilespmem:s24+$0x11CB0]  }
0x13f: {  	v48 =	vld [tilespmem:s30+$0xA030]  }
0x140: {  	v49 =	vld [tilespmem:s24+$0x13CB0]  }
0x141: {  	v50 =	vld [tilespmem:s24+$0x11CC0]  }
0x142: {  	v51 =	vld [tilespmem:s30+$0xA040]  }
0x143: {  	v52 =	vld [tilespmem:s24+$0x13CC0]  }
0x144: {  	v53 =	vld [tilespmem:s24+$0x11CD0];
	v18 =	vmul.f32 v19, v18;
	v19 =	vmul.f32 v42, v41  }
0x145: {  	v54 =	vld [tilespmem:s30+$0xA050];
	v55 =	vmul.f32 v45, v44  }
0x146: {  	v56 =	vld [tilespmem:s24+$0x13CD0];
	v18 =	vmul.f32 v40, v18;
	v19 =	vmul.f32 v43, v19  }
0x147: {  	(v2sf) =	vpush v17, $0xA;
	v58 =	vld [tilespmem:s30+$0xA060]  }
0x148: {  	v59 =	vld [tilespmem:s24+$0x13CE0];
	v57 =	vmul.f32 v48, v47;
	v23 =	vmul.f32 v46, v55;
	v18 =	vadd.f32 v19, v18  }
0x149: {  	v19 =	vld [tilespmem:s24+$0x11CE0]  }
0x14a: {  	v62 =	vld [tilespmem:s24+$0x11CF0];
	v61 =	vmul.f32 v51, v50;
	v60 =	vmul.f32 v49, v57;
	v18 =	vadd.f32 v23, v18  }
0x14b: {  	v63 =	vld [tilespmem:s30+$0xA070]  }
0x14c: {  	v20 =	vmul.f32 v54, v53;
	v21 =	vmul.f32 v52, v61;
	v18 =	vadd.f32 v60, v18  }
0x14d: {  	v31 =	vld [tilespmem:s24+$0x13CF0]  }
0x14e: {  	v20 =	vmul.f32 v56, v20;
	v19 =	vmul.f32 v58, v19;
	v18 =	vadd.f32 v21, v18;
	_ =	sdelay $0x1  }
0x14f: {  	v32 =	vmul.f32 v63, v62;
	v19 =	vmul.f32 v59, v19;
	v18 =	vadd.f32 v20, v18;
	_ =	sdelay $0x1  }
0x150: {  	v18 =	vadd.f32 v19, v18;
	v19 =	vmul.f32 v31, v32;
	_ =	sdelay $0x1  }
0x151: {  	v18 =	vadd.f32 v19, v18;
	_ =	sdelay $0x1  }
0x152: {  	[tilespmem:$0x19C80] =	vst v18  }
0x153: {  	s31 =	spop (v2sf);
	v18 =	vld [tilespmem:s24+$0x11D00]  }
0x154: {  	v19 =	vld [tilespmem:s31+$0xA000]  }
0x155: {  	v33 =	vld [tilespmem:s24+$0x13D00]  }
0x156: {  	v34 =	vld [tilespmem:s24+$0x11D10]  }
0x157: {  	v35 =	vld [tilespmem:s31+$0xA010]  }
0x158: {  	v36 =	vld [tilespmem:s24+$0x13D10]  }
0x159: {  	v37 =	vld [tilespmem:s24+$0x11D20]  }
0x15a: {  	v38 =	vld [tilespmem:s31+$0xA020]  }
0x15b: {  	v39 =	vld [tilespmem:s24+$0x13D20]  }
0x15c: {  	v40 =	vld [tilespmem:s24+$0x11D30]  }
0x15d: {  	v41 =	vld [tilespmem:s31+$0xA030]  }
0x15e: {  	v42 =	vld [tilespmem:s24+$0x13D30]  }
0x15f: {  	v43 =	vld [tilespmem:s24+$0x11D40]  }
0x160: {  	v44 =	vld [tilespmem:s31+$0xA040]  }
0x161: {  	v45 =	vld [tilespmem:s24+$0x13D40]  }
0x162: {  	v46 =	vld [tilespmem:s24+$0x11D50];
	v18 =	vmul.f32 v19, v18;
	v19 =	vmul.f32 v35, v34  }
0x163: {  	v47 =	vld [tilespmem:s31+$0xA050];
	v48 =	vmul.f32 v38, v37  }
0x164: {  	v49 =	vld [tilespmem:s24+$0x13D50];
	v18 =	vmul.f32 v33, v18;
	v19 =	vmul.f32 v36, v19  }
0x165: {  	(v2sf) =	vpush v17, $0xB;
	v51 =	vld [tilespmem:s31+$0xA060]  }
0x166: {  	v52 =	vld [tilespmem:s24+$0x13D60];
	v50 =	vmul.f32 v41, v40;
	v23 =	vmul.f32 v39, v48;
	v18 =	vadd.f32 v19, v18  }
0x167: {  	v19 =	vld [tilespmem:s24+$0x11D60]  }
0x168: {  	v55 =	vld [tilespmem:s24+$0x11D70];
	v54 =	vmul.f32 v44, v43;
	v53 =	vmul.f32 v42, v50;
	v18 =	vadd.f32 v23, v18  }
0x169: {  	v56 =	vld [tilespmem:s31+$0xA070]  }
0x16a: {  	v20 =	vmul.f32 v47, v46;
	v21 =	vmul.f32 v45, v54;
	v18 =	vadd.f32 v53, v18  }
0x16b: {  	v57 =	vld [tilespmem:s24+$0x13D70]  }
0x16c: {  	v20 =	vmul.f32 v49, v20;
	v19 =	vmul.f32 v51, v19;
	v18 =	vadd.f32 v21, v18;
	_ =	sdelay $0x1  }
0x16d: {  	v58 =	vmul.f32 v56, v55;
	v19 =	vmul.f32 v52, v19;
	v18 =	vadd.f32 v20, v18;
	_ =	sdelay $0x1  }
0x16e: {  	v18 =	vadd.f32 v19, v18;
	v19 =	vmul.f32 v57, v58;
	_ =	sdelay $0x1  }
0x16f: {  	v18 =	vadd.f32 v19, v18;
	_ =	sdelay $0x1  }
0x170: {  	[tilespmem:$0x19D00] =	vst v18  }
0x171: {  	s26 =	spop (v2sf);
	v18 =	vld [tilespmem:s24+$0x11D80]  }
0x172: {  	v19 =	vld [tilespmem:s26+$0xA000]  }
0x173: {  	v59 =	vld [tilespmem:s24+$0x13D80]  }
0x174: {  	v60 =	vld [tilespmem:s24+$0x11D90]  }
0x175: {  	v61 =	vld [tilespmem:s26+$0xA010]  }
0x176: {  	v62 =	vld [tilespmem:s24+$0x13D90]  }
0x177: {  	v63 =	vld [tilespmem:s24+$0x11DA0]  }
0x178: {  	v33 =	vld [tilespmem:s26+$0xA020]  }
0x179: {  	v34 =	vld [tilespmem:s24+$0x13DA0]  }
0x17a: {  	v35 =	vld [tilespmem:s24+$0x11DB0]  }
0x17b: {  	v36 =	vld [tilespmem:s26+$0xA030]  }
0x17c: {  	v37 =	vld [tilespmem:s24+$0x13DB0]  }
0x17d: {  	v38 =	vld [tilespmem:s24+$0x11DC0]  }
0x17e: {  	v39 =	vld [tilespmem:s26+$0xA040]  }
0x17f: {  	v40 =	vld [tilespmem:s24+$0x13DC0]  }
0x180: {  	v41 =	vld [tilespmem:s24+$0x11DD0];
	v18 =	vmul.f32 v19, v18;
	v19 =	vmul.f32 v61, v60  }
0x181: {  	v42 =	vld [tilespmem:s26+$0xA050];
	v43 =	vmul.f32 v33, v63  }
0x182: {  	v44 =	vld [tilespmem:s24+$0x13DD0];
	v18 =	vmul.f32 v59, v18;
	v19 =	vmul.f32 v62, v19  }
0x183: {  	(v2sf) =	vpush v17, $0xC;
	v46 =	vld [tilespmem:s26+$0xA060]  }
0x184: {  	v47 =	vld [tilespmem:s24+$0x13DE0];
	v45 =	vmul.f32 v36, v35;
	v23 =	vmul.f32 v34, v43;
	v18 =	vadd.f32 v19, v18  }
0x185: {  	v19 =	vld [tilespmem:s24+$0x11DE0]  }
0x186: {  	v50 =	vld [tilespmem:s24+$0x11DF0];
	v49 =	vmul.f32 v39, v38;
	v48 =	vmul.f32 v37, v45;
	v18 =	vadd.f32 v23, v18  }
0x187: {  	v51 =	vld [tilespmem:s26+$0xA070]  }
0x188: {  	v20 =	vmul.f32 v42, v41;
	v21 =	vmul.f32 v40, v49;
	v18 =	vadd.f32 v48, v18  }
0x189: {  	v52 =	vld [tilespmem:s24+$0x13DF0]  }
0x18a: {  	v20 =	vmul.f32 v44, v20;
	v19 =	vmul.f32 v46, v19;
	v18 =	vadd.f32 v21, v18;
	_ =	sdelay $0x1  }
0x18b: {  	v53 =	vmul.f32 v51, v50;
	v19 =	vmul.f32 v47, v19;
	v18 =	vadd.f32 v20, v18;
	_ =	sdelay $0x1  }
0x18c: {  	v18 =	vadd.f32 v19, v18;
	v19 =	vmul.f32 v52, v53;
	_ =	sdelay $0x1  }
0x18d: {  	v18 =	vadd.f32 v19, v18;
	_ =	sdelay $0x1  }
0x18e: {  	[tilespmem:$0x19D80] =	vst v18  }
0x18f: {  	s28 =	spop (v2sf);
	v18 =	vld [tilespmem:s24+$0x11E00]  }
0x190: {  	v19 =	vld [tilespmem:s28+$0xA000]  }
0x191: {  	v54 =	vld [tilespmem:s24+$0x13E00]  }
0x192: {  	v55 =	vld [tilespmem:s24+$0x11E10]  }
0x193: {  	v56 =	vld [tilespmem:s28+$0xA010]  }
0x194: {  	v57 =	vld [tilespmem:s24+$0x13E10]  }
0x195: {  	v58 =	vld [tilespmem:s24+$0x11E20]  }
0x196: {  	v59 =	vld [tilespmem:s28+$0xA020]  }
0x197: {  	v60 =	vld [tilespmem:s24+$0x13E20]  }
0x198: {  	v61 =	vld [tilespmem:s24+$0x11E30]  }
0x199: {  	v62 =	vld [tilespmem:s28+$0xA030]  }
0x19a: {  	v63 =	vld [tilespmem:s24+$0x13E30]  }
0x19b: {  	v33 =	vld [tilespmem:s24+$0x11E40]  }
0x19c: {  	v34 =	vld [tilespmem:s28+$0xA040]  }
0x19d: {  	v35 =	vld [tilespmem:s24+$0x13E40]  }
0x19e: {  	v36 =	vld [tilespmem:s24+$0x11E50];
	v18 =	vmul.f32 v19, v18;
	v19 =	vmul.f32 v56, v55  }
0x19f: {  	v37 =	vld [tilespmem:s28+$0xA050];
	v38 =	vmul.f32 v59, v58  }
0x1a0: {  	v39 =	vld [tilespmem:s24+$0x13E50];
	v18 =	vmul.f32 v54, v18;
	v19 =	vmul.f32 v57, v19  }
0x1a1: {  	(v2sf) =	vpush v17, $0xD;
	v41 =	vld [tilespmem:s28+$0xA060]  }
0x1a2: {  	v42 =	vld [tilespmem:s24+$0x13E60];
	v40 =	vmul.f32 v62, v61;
	v23 =	vmul.f32 v60, v38;
	v18 =	vadd.f32 v19, v18  }
0x1a3: {  	v19 =	vld [tilespmem:s24+$0x11E60]  }
0x1a4: {  	v45 =	vld [tilespmem:s24+$0x11E70];
	v44 =	vmul.f32 v34, v33;
	v43 =	vmul.f32 v63, v40;
	v18 =	vadd.f32 v23, v18  }
0x1a5: {  	v46 =	vld [tilespmem:s28+$0xA070]  }
0x1a6: {  	v20 =	vmul.f32 v37, v36;
	v21 =	vmul.f32 v35, v44;
	v18 =	vadd.f32 v43, v18  }
0x1a7: {  	v47 =	vld [tilespmem:s24+$0x13E70]  }
0x1a8: {  	v20 =	vmul.f32 v39, v20;
	v19 =	vmul.f32 v41, v19;
	v18 =	vadd.f32 v21, v18;
	_ =	sdelay $0x1  }
0x1a9: {  	v48 =	vmul.f32 v46, v45;
	v19 =	vmul.f32 v42, v19;
	v18 =	vadd.f32 v20, v18;
	_ =	sdelay $0x1  }
0x1aa: {  	v18 =	vadd.f32 v19, v18;
	v19 =	vmul.f32 v47, v48;
	_ =	sdelay $0x1  }
0x1ab: {  	v18 =	vadd.f32 v19, v18;
	_ =	sdelay $0x1  }
0x1ac: {  	[tilespmem:$0x19E00] =	vst v18  }
0x1ad: {  	s29 =	spop (v2sf);
	v18 =	vld [tilespmem:s24+$0x11E80]  }
0x1ae: {  	v19 =	vld [tilespmem:s29+$0xA000]  }
0x1af: {  	v49 =	vld [tilespmem:s24+$0x13E80]  }
0x1b0: {  	v50 =	vld [tilespmem:s24+$0x11E90]  }
0x1b1: {  	v51 =	vld [tilespmem:s29+$0xA010]  }
0x1b2: {  	v52 =	vld [tilespmem:s24+$0x13E90]  }
0x1b3: {  	v53 =	vld [tilespmem:s24+$0x11EA0]  }
0x1b4: {  	v54 =	vld [tilespmem:s29+$0xA020]  }
0x1b5: {  	v55 =	vld [tilespmem:s24+$0x13EA0]  }
0x1b6: {  	v56 =	vld [tilespmem:s24+$0x11EB0]  }
0x1b7: {  	v57 =	vld [tilespmem:s29+$0xA030]  }
0x1b8: {  	v58 =	vld [tilespmem:s24+$0x13EB0]  }
0x1b9: {  	v59 =	vld [tilespmem:s24+$0x11EC0]  }
0x1ba: {  	v60 =	vld [tilespmem:s29+$0xA040]  }
0x1bb: {  	v61 =	vld [tilespmem:s24+$0x13EC0]  }
0x1bc: {  	v62 =	vld [tilespmem:s24+$0x11ED0];
	v18 =	vmul.f32 v19, v18;
	v19 =	vmul.f32 v51, v50  }
0x1bd: {  	v63 =	vld [tilespmem:s29+$0xA050];
	v32 =	vmul.f32 v54, v53  }
0x1be: {  	v33 =	vld [tilespmem:s24+$0x13ED0];
	v18 =	vmul.f32 v49, v18;
	v19 =	vmul.f32 v52, v19  }
0x1bf: {  	(v2sf) =	vpush v17, $0xE;
	v35 =	vld [tilespmem:s29+$0xA060]  }
0x1c0: {  	v36 =	vld [tilespmem:s24+$0x13EE0];
	v34 =	vmul.f32 v57, v56;
	v23 =	vmul.f32 v55, v32;
	v18 =	vadd.f32 v19, v18  }
0x1c1: {  	v19 =	vld [tilespmem:s24+$0x11EE0]  }
0x1c2: {  	v39 =	vld [tilespmem:s24+$0x11EF0];
	v38 =	vmul.f32 v60, v59;
	v37 =	vmul.f32 v58, v34;
	v18 =	vadd.f32 v23, v18  }
0x1c3: {  	v40 =	vld [tilespmem:s29+$0xA070]  }
0x1c4: {  	v20 =	vmul.f32 v63, v62;
	v21 =	vmul.f32 v61, v38;
	v18 =	vadd.f32 v37, v18  }
0x1c5: {  	v41 =	vld [tilespmem:s24+$0x13EF0]  }
0x1c6: {  	v20 =	vmul.f32 v33, v20;
	v19 =	vmul.f32 v35, v19;
	v18 =	vadd.f32 v21, v18;
	_ =	sdelay $0x1  }
0x1c7: {  	v42 =	vmul.f32 v40, v39;
	v19 =	vmul.f32 v36, v19;
	v18 =	vadd.f32 v20, v18;
	_ =	sdelay $0x1  }
0x1c8: {  	v18 =	vadd.f32 v19, v18;
	v19 =	vmul.f32 v41, v42;
	_ =	sdelay $0x1  }
0x1c9: {  	v18 =	vadd.f32 v19, v18;
	_ =	sdelay $0x1  }
0x1ca: {  	[tilespmem:$0x19E80] =	vst v18  }
0x1cb: {  	s30 =	spop (v2sf);
	v18 =	vld [tilespmem:s24+$0x11F00]  }
0x1cc: {  	v19 =	vld [tilespmem:s30+$0xA000]  }
0x1cd: {  	v43 =	vld [tilespmem:s24+$0x13F00]  }
0x1ce: {  	v44 =	vld [tilespmem:s24+$0x11F10]  }
0x1cf: {  	v45 =	vld [tilespmem:s30+$0xA010]  }
0x1d0: {  	v46 =	vld [tilespmem:s24+$0x13F10]  }
0x1d1: {  	v47 =	vld [tilespmem:s24+$0x11F20]  }
0x1d2: {  	v48 =	vld [tilespmem:s30+$0xA020]  }
0x1d3: {  	v49 =	vld [tilespmem:s24+$0x13F20]  }
0x1d4: {  	v50 =	vld [tilespmem:s24+$0x11F30]  }
0x1d5: {  	v51 =	vld [tilespmem:s30+$0xA030]  }
0x1d6: {  	v52 =	vld [tilespmem:s24+$0x13F30]  }
0x1d7: {  	v53 =	vld [tilespmem:s24+$0x11F40]  }
0x1d8: {  	v54 =	vld [tilespmem:s30+$0xA040]  }
0x1d9: {  	v55 =	vld [tilespmem:s24+$0x13F40]  }
0x1da: {  	v56 =	vld [tilespmem:s24+$0x11F50];
	v18 =	vmul.f32 v19, v18;
	v19 =	vmul.f32 v45, v44  }
0x1db: {  	v57 =	vld [tilespmem:s30+$0xA050];
	v58 =	vmul.f32 v48, v47  }
0x1dc: {  	v59 =	vld [tilespmem:s24+$0x13F50];
	v18 =	vmul.f32 v43, v18;
	v19 =	vmul.f32 v46, v19  }
0x1dd: {  	(v2sf) =	vpush v17, $0xF;
	v61 =	vld [tilespmem:s30+$0xA060]  }
0x1de: {  	v17 =	vld [tilespmem:s24+$0x13F60];
	v60 =	vmul.f32 v51, v50;
	v23 =	vmul.f32 v49, v58;
	v18 =	vadd.f32 v19, v18  }
0x1df: {  	v19 =	vld [tilespmem:s24+$0x11F60]  }
0x1e0: {  	v32 =	vld [tilespmem:s24+$0x11F70];
	v63 =	vmul.f32 v54, v53;
	v62 =	vmul.f32 v52, v60;
	v18 =	vadd.f32 v23, v18  }
0x1e1: {  	v33 =	vld [tilespmem:s30+$0xA070]  }
0x1e2: {  	v20 =	vmul.f32 v57, v56;
	v21 =	vmul.f32 v55, v63;
	v18 =	vadd.f32 v62, v18  }
0x1e3: {  	v34 =	vld [tilespmem:s24+$0x13F70]  }
0x1e4: {  	v20 =	vmul.f32 v59, v20;
	v19 =	vmul.f32 v61, v19;
	v18 =	vadd.f32 v21, v18;
	_ =	sdelay $0x1  }
0x1e5: {  	v17 =	vmul.f32 v17, v19;
	v19 =	vmul.f32 v33, v32;
	v18 =	vadd.f32 v20, v18;
	_ =	sdelay $0x1  }
0x1e6: {  	v17 =	vadd.f32 v17, v18;
	v18 =	vmul.f32 v34, v19;
	_ =	sdelay $0x1  }
0x1e7: {  	v17 =	vadd.f32 v18, v17;
	_ =	sdelay $0x1  }
0x1e8: {  	[tilespmem:$0x19F00] =	vst v17  }
0x1e9: {  	s31 =	spop (v2sf);
	v17 =	vld [tilespmem:s24+$0x11F80]  }
0x1ea: {  	v18 =	vld [tilespmem:s31+$0xA000]  }
0x1eb: {  	v19 =	vld [tilespmem:s24+$0x13F80]  }
0x1ec: {  	v35 =	vld [tilespmem:s24+$0x11F90]  }
0x1ed: {  	v36 =	vld [tilespmem:s31+$0xA010]  }
0x1ee: {  	v37 =	vld [tilespmem:s24+$0x13F90]  }
0x1ef: {  	v38 =	vld [tilespmem:s24+$0x11FA0]  }
0x1f0: {  	v39 =	vld [tilespmem:s31+$0xA020]  }
0x1f1: {  	v40 =	vld [tilespmem:s24+$0x13FA0]  }
0x1f2: {  	v41 =	vld [tilespmem:s24+$0x11FB0]  }
0x1f3: {  	v42 =	vld [tilespmem:s31+$0xA030]  }
0x1f4: {  	v43 =	vld [tilespmem:s24+$0x13FB0]  }
0x1f5: {  	v44 =	vld [tilespmem:s24+$0x11FC0]  }
0x1f6: {  	v45 =	vld [tilespmem:s31+$0xA040]  }
0x1f7: {  	v46 =	vld [tilespmem:s24+$0x11FD0]  }
0x1f8: {  	v48 =	vld [tilespmem:s24+$0x13FD0];
	v17 =	vmul.f32 v18, v17;
	v20 =	vmul.f32 v36, v35  }
0x1f9: {  	v49 =	vld [tilespmem:s24+$0x11FE0];
	v47 =	vmul.f32 v39, v38  }
0x1fa: {  	v18 =	vld [tilespmem:s24+$0x13FC0];
	v17 =	vmul.f32 v19, v17;
	v20 =	vmul.f32 v37, v20  }
0x1fb: {  	v19 =	vld [tilespmem:s31+$0xA050]  }
0x1fc: {  	v52 =	vld [tilespmem:s31+$0xA060];
	v51 =	vmul.f32 v42, v41;
	v50 =	vmul.f32 v40, v47;
	v17 =	vadd.f32 v20, v17  }
0x1fd: {  	v53 =	vld [tilespmem:s24+$0x13FE0]  }
0x1fe: {  	v56 =	vld [tilespmem:s24+$0x11FF0];
	v55 =	vmul.f32 v45, v44;
	v54 =	vmul.f32 v43, v51;
	v17 =	vadd.f32 v50, v17  }
0x1ff: {  	v57 =	vld [tilespmem:s31+$0xA070]  }
0x200: {  	v18 =	vmul.f32 v18, v55;
	v19 =	vmul.f32 v19, v46;
	v17 =	vadd.f32 v54, v17  }
0x201: {  	v58 =	vld [tilespmem:s24+$0x13FF0]  }
0x202: {  	v17 =	vadd.f32 v18, v17;
	v18 =	vmul.f32 v48, v19;
	v19 =	vmul.f32 v52, v49;
	_ =	sdelay $0x1  }
0x203: {  	v17 =	vadd.f32 v18, v17;
	v18 =	vmul.f32 v53, v19;
	v19 =	vmul.f32 v57, v56;
	_ =	sdelay $0x1  }
0x204: {  	v17 =	vadd.f32 v18, v17;
	v18 =	vmul.f32 v58, v19;
	_ =	sdelay $0x1  }
0x205: {  	v17 =	vadd.f32 v18, v17;
	_ =	sdelay $0x1  }
0x206: {  	[tilespmem:$0x19F80] =	vst v17  }
0x207: {  	v17 =	vld.idx.msk [tilespmem:v0+s16+$0x0], $0xffff  }
0x208: {  	v18 =	vld.idx.msk [tilespmem:v1+s16+$0x0], $0xffff;
	_ =	sdelay $0x1  }
0x209: {  	v19 =	vld.idx.msk [tilespmem:v2+s16+$0x0], $0xffff;
	_ =	sdelay $0x1  }
0x20a: {  	v59 =	vld.idx.msk [tilespmem:v3+s16+$0x0], $0xffff  }
0x20b: {  	v17 =	vadd.f32 v18, v17  }
0x20c: {  	v18 =	vld.idx.msk [tilespmem:v4+s16+$0x0], $0xffff  }
0x20d: {  	v17 =	vadd.f32 v19, v17  }
0x20e: {  	v19 =	vld.idx.msk [tilespmem:v5+s16+$0x0], $0xffff  }
0x20f: {  	v17 =	vadd.f32 v59, v17  }
0x210: {  	v60 =	vld.idx.msk [tilespmem:v6+s16+$0x0], $0xffff  }
0x211: {  	v17 =	vadd.f32 v18, v17  }
0x212: {  	v18 =	vld.idx.msk [tilespmem:v7+s16+$0x0], $0xffff  }
0x213: {  	v17 =	vadd.f32 v19, v17  }
0x214: {  	v19 =	vld.idx.msk [tilespmem:v8+s16+$0x0], $0xffff  }
0x215: {  	v17 =	vadd.f32 v60, v17  }
0x216: {  	v61 =	vld.idx.msk [tilespmem:v9+s16+$0x0], $0xffff  }
0x217: {  	v17 =	vadd.f32 v18, v17  }
0x218: {  	v18 =	vld.idx.msk [tilespmem:v10+s16+$0x0], $0xffff  }
0x219: {  	v17 =	vadd.f32 v19, v17  }
0x21a: {  	v19 =	vld.idx.msk [tilespmem:v11+s16+$0x0], $0xffff  }
0x21b: {  	v17 =	vadd.f32 v61, v17  }
0x21c: {  	v62 =	vld.idx.msk [tilespmem:v12+s16+$0x0], $0xffff  }
0x21d: {  	v17 =	vadd.f32 v18, v17  }
0x21e: {  	v18 =	vld.idx.msk [tilespmem:v13+s16+$0x0], $0xffff  }
0x21f: {  	v17 =	vadd.f32 v19, v17  }
0x220: {  	v19 =	vld.idx.msk [tilespmem:v14+s16+$0x0], $0xffff  }
0x221: {  	v17 =	vadd.f32 v62, v17  }
0x222: {  	v63 =	vld.idx.msk [tilespmem:v15+s16+$0x0], $0xffff  }
0x223: {  	v17 =	vadd.f32 v18, v17  }
0x224: {  	p0 =	sne.s32 s22, $0x3  }
.Ltmp0:
0x225: {  	v17 =	vadd.f32 v19, v17;
	(pc) =	sbr.rel @p0 .LBB2_3-.Ltmp0, $3  }
0x226: {  	_ = 	snop  }
0x227: {  	v17 =	vadd.f32 v63, v17;
	_ =	sdelay $0x1  }
0x228: {  	s22 =	sadd.s32 $0x1, s22;
	[tilespmem:v16+s23+$0x1A000 ss:$0x1] =	vst.idx.msk $0xffff, v17  }
0x229: {  	p0 =	seq.s32 s20, $0x4E  }
0x22a: {  	s22 =	sshll.u32 @!p0 s20, $0x8  }
0x22b: {  	s22 =	sand.u32 @!p0 $0x3FFFFF00, s22  }
0x22c: {  	s23 =	simm.s32 @!p0 $0x80;
	s24 =	simm.s32 @!p0 $0x11800;
	s22 =	sadd.s32 @!p0 $0x100, s22  }
0x22d: {  	v16 =	vmov s21;
	[tilespmem:s24], [sflag:$0x1] =	stream.indirect.gather @!p0 [hbm4b:s1+s23], $0x80, s22, s23, $0xb8;
	[tilespmem:$0x1F000] =	vst v63  }
0x22e: {  	_ =	swait.ge [sflag:s17], $0x4000  }
0x22f: {  	[sflag:s17] =	ssyncset.done $0x0  }
0x230: {  	s22 =	simm.s32 $0x0;
	[sflag:s17] =	ssyncadd.s32 $0xFFFFC000  }
.LBB2_5:
0x231: {  	s21 =	sshll.u32 s22, $0x4  }
0x232: {  	v17 =	vld.idx.msk [tilespmem:v16+s21+$0x5000 ss:$0x1], $0xffff;
	_ =	sdelay $0x4  }
0x233: {  	v17 =	vshll.u32 v17, $0x9  }
0x234: {  	v17 =	vshra.s32 v17, $0x2  }
0x235: {  	(v2sf) =	vpush v17, $0x0;
	_ =	sdelay $0x4  }
0x236: {  	s23 =	sshll.u32 s22, $0xB  }
0x237: {  	s23 =	sand.u32 $0x3FFFF800, s23  }
0x238: {  	v18 =	vld [tilespmem:s23+$0x15800]  }
0x239: {  	v20 =	vld [tilespmem:s23+$0x17800]  }
0x23a: {  	v21 =	vld [tilespmem:s23+$0x15810]  }
0x23b: {  	v23 =	vld [tilespmem:s23+$0x17810]  }
0x23c: {  	v24 =	vld [tilespmem:s23+$0x15820]  }
0x23d: {  	v26 =	vld [tilespmem:s23+$0x17820]  }
0x23e: {  	v27 =	vld [tilespmem:s23+$0x15830]  }
0x23f: {  	v29 =	vld [tilespmem:s23+$0x17830]  }
0x240: {  	v30 =	vld [tilespmem:s23+$0x15840];
	s24 =	spop (v2sf)  }
0x241: {  	v19 =	vld [tilespmem:s24+$0xA000]  }
0x242: {  	v22 =	vld [tilespmem:s24+$0xA010]  }
0x243: {  	v25 =	vld [tilespmem:s24+$0xA020]  }
0x244: {  	v39 =	vld [tilespmem:s23+$0x17840]  }
0x245: {  	v40 =	vld [tilespmem:s23+$0x15850]  }
0x246: {  	v28 =	vld [tilespmem:s24+$0xA030]  }
0x247: {  	v43 =	vld [tilespmem:s23+$0x17850];
	v18 =	vmul.f32 v19, v18;
	v19 =	vmul.f32 v22, v21  }
0x248: {  	v31 =	vld [tilespmem:s24+$0xA040];
	v42 =	vmul.f32 v25, v24  }
0x249: {  	v46 =	vld [tilespmem:s23+$0x17860];
	v18 =	vmul.f32 v20, v18;
	v19 =	vmul.f32 v23, v19  }
0x24a: {  	(v2sf) =	vpush v17, $0x1;
	v41 =	vld [tilespmem:s24+$0xA050]  }
0x24b: {  	v45 =	vld [tilespmem:s24+$0xA060];
	v44 =	vmul.f32 v28, v27;
	v23 =	vmul.f32 v26, v42;
	v18 =	vadd.f32 v19, v18  }
0x24c: {  	v19 =	vld [tilespmem:s23+$0x15860]  }
0x24d: {  	v49 =	vld [tilespmem:s23+$0x15870];
	v48 =	vmul.f32 v31, v30;
	v47 =	vmul.f32 v29, v44;
	v18 =	vadd.f32 v23, v18  }
0x24e: {  	v50 =	vld [tilespmem:s24+$0xA070]  }
0x24f: {  	v21 =	vmul.f32 v39, v48;
	v20 =	vmul.f32 v41, v40;
	v18 =	vadd.f32 v47, v18  }
0x250: {  	v51 =	vld [tilespmem:s23+$0x17870]  }
0x251: {  	v20 =	vmul.f32 v43, v20;
	v19 =	vmul.f32 v45, v19;
	v18 =	vadd.f32 v21, v18;
	_ =	sdelay $0x1  }
0x252: {  	v52 =	vmul.f32 v50, v49;
	v19 =	vmul.f32 v46, v19;
	v18 =	vadd.f32 v20, v18;
	_ =	sdelay $0x1  }
0x253: {  	v18 =	vadd.f32 v19, v18;
	v19 =	vmul.f32 v51, v52;
	_ =	sdelay $0x1  }
0x254: {  	v18 =	vadd.f32 v19, v18;
	_ =	sdelay $0x1  }
0x255: {  	[tilespmem:$0x19800] =	vst v18  }
0x256: {  	s29 =	spop (v2sf);
	v18 =	vld [tilespmem:s23+$0x15880]  }
0x257: {  	v19 =	vld [tilespmem:s29+$0xA000]  }
0x258: {  	v53 =	vld [tilespmem:s23+$0x17880]  }
0x259: {  	v54 =	vld [tilespmem:s23+$0x15890]  }
0x25a: {  	v55 =	vld [tilespmem:s29+$0xA010]  }
0x25b: {  	v56 =	vld [tilespmem:s23+$0x17890]  }
0x25c: {  	v57 =	vld [tilespmem:s23+$0x158A0]  }
0x25d: {  	v58 =	vld [tilespmem:s29+$0xA020]  }
0x25e: {  	v59 =	vld [tilespmem:s23+$0x178A0]  }
0x25f: {  	v60 =	vld [tilespmem:s23+$0x158B0]  }
0x260: {  	v61 =	vld [tilespmem:s29+$0xA030]  }
0x261: {  	v62 =	vld [tilespmem:s23+$0x178B0]  }
0x262: {  	v63 =	vld [tilespmem:s23+$0x158C0]  }
0x263: {  	v33 =	vld [tilespmem:s29+$0xA040]  }
0x264: {  	v34 =	vld [tilespmem:s23+$0x178C0]  }
0x265: {  	v35 =	vld [tilespmem:s23+$0x158D0];
	v18 =	vmul.f32 v19, v18;
	v19 =	vmul.f32 v55, v54  }
0x266: {  	v36 =	vld [tilespmem:s29+$0xA050];
	v37 =	vmul.f32 v58, v57  }
0x267: {  	v38 =	vld [tilespmem:s23+$0x178D0];
	v18 =	vmul.f32 v53, v18;
	v19 =	vmul.f32 v56, v19  }
0x268: {  	(v2sf) =	vpush v17, $0x2;
	v40 =	vld [tilespmem:s29+$0xA060]  }
0x269: {  	v41 =	vld [tilespmem:s23+$0x178E0];
	v39 =	vmul.f32 v61, v60;
	v23 =	vmul.f32 v59, v37;
	v18 =	vadd.f32 v19, v18  }
0x26a: {  	v19 =	vld [tilespmem:s23+$0x158E0]  }
0x26b: {  	v44 =	vld [tilespmem:s23+$0x158F0];
	v43 =	vmul.f32 v33, v63;
	v42 =	vmul.f32 v62, v39;
	v18 =	vadd.f32 v23, v18  }
0x26c: {  	v45 =	vld [tilespmem:s29+$0xA070]  }
0x26d: {  	v20 =	vmul.f32 v36, v35;
	v21 =	vmul.f32 v34, v43;
	v18 =	vadd.f32 v42, v18  }
0x26e: {  	v46 =	vld [tilespmem:s23+$0x178F0]  }
0x26f: {  	v20 =	vmul.f32 v38, v20;
	v19 =	vmul.f32 v40, v19;
	v18 =	vadd.f32 v21, v18;
	_ =	sdelay $0x1  }
0x270: {  	v47 =	vmul.f32 v45, v44;
	v19 =	vmul.f32 v41, v19;
	v18 =	vadd.f32 v20, v18;
	_ =	sdelay $0x1  }
0x271: {  	v18 =	vadd.f32 v19, v18;
	v19 =	vmul.f32 v46, v47;
	_ =	sdelay $0x1  }
0x272: {  	v18 =	vadd.f32 v19, v18;
	_ =	sdelay $0x1  }
0x273: {  	[tilespmem:$0x19880] =	vst v18  }
0x274: {  	s30 =	spop (v2sf);
	v18 =	vld [tilespmem:s23+$0x15900]  }
0x275: {  	v19 =	vld [tilespmem:s30+$0xA000]  }
0x276: {  	v48 =	vld [tilespmem:s23+$0x17900]  }
0x277: {  	v49 =	vld [tilespmem:s23+$0x15910]  }
0x278: {  	v50 =	vld [tilespmem:s30+$0xA010]  }
0x279: {  	v51 =	vld [tilespmem:s23+$0x17910]  }
0x27a: {  	v52 =	vld [tilespmem:s23+$0x15920]  }
0x27b: {  	v53 =	vld [tilespmem:s30+$0xA020]  }
0x27c: {  	v54 =	vld [tilespmem:s23+$0x17920]  }
0x27d: {  	v55 =	vld [tilespmem:s23+$0x15930]  }
0x27e: {  	v56 =	vld [tilespmem:s30+$0xA030]  }
0x27f: {  	v57 =	vld [tilespmem:s23+$0x17930]  }
0x280: {  	v58 =	vld [tilespmem:s23+$0x15940]  }
0x281: {  	v59 =	vld [tilespmem:s30+$0xA040]  }
0x282: {  	v60 =	vld [tilespmem:s23+$0x17940]  }
0x283: {  	v61 =	vld [tilespmem:s23+$0x15950];
	v18 =	vmul.f32 v19, v18;
	v19 =	vmul.f32 v50, v49  }
0x284: {  	v62 =	vld [tilespmem:s30+$0xA050];
	v63 =	vmul.f32 v53, v52  }
0x285: {  	v32 =	vld [tilespmem:s23+$0x17950];
	v18 =	vmul.f32 v48, v18;
	v19 =	vmul.f32 v51, v19  }
0x286: {  	(v2sf) =	vpush v17, $0x3;
	v34 =	vld [tilespmem:s30+$0xA060]  }
0x287: {  	v35 =	vld [tilespmem:s23+$0x17960];
	v33 =	vmul.f32 v56, v55;
	v23 =	vmul.f32 v54, v63;
	v18 =	vadd.f32 v19, v18  }
0x288: {  	v19 =	vld [tilespmem:s23+$0x15960]  }
0x289: {  	v38 =	vld [tilespmem:s23+$0x15970];
	v37 =	vmul.f32 v59, v58;
	v36 =	vmul.f32 v57, v33;
	v18 =	vadd.f32 v23, v18  }
0x28a: {  	v39 =	vld [tilespmem:s30+$0xA070]  }
0x28b: {  	v20 =	vmul.f32 v62, v61;
	v21 =	vmul.f32 v60, v37;
	v18 =	vadd.f32 v36, v18  }
0x28c: {  	v40 =	vld [tilespmem:s23+$0x17970]  }
0x28d: {  	v20 =	vmul.f32 v32, v20;
	v19 =	vmul.f32 v34, v19;
	v18 =	vadd.f32 v21, v18;
	_ =	sdelay $0x1  }
0x28e: {  	v41 =	vmul.f32 v39, v38;
	v19 =	vmul.f32 v35, v19;
	v18 =	vadd.f32 v20, v18;
	_ =	sdelay $0x1  }
0x28f: {  	v18 =	vadd.f32 v19, v18;
	v19 =	vmul.f32 v40, v41;
	_ =	sdelay $0x1  }
0x290: {  	v18 =	vadd.f32 v19, v18;
	_ =	sdelay $0x1  }
0x291: {  	[tilespmem:$0x19900] =	vst v18  }
0x292: {  	s31 =	spop (v2sf);
	v18 =	vld [tilespmem:s23+$0x15980]  }
0x293: {  	v19 =	vld [tilespmem:s31+$0xA000]  }
0x294: {  	v42 =	vld [tilespmem:s23+$0x17980]  }
0x295: {  	v43 =	vld [tilespmem:s23+$0x15990]  }
0x296: {  	v44 =	vld [tilespmem:s31+$0xA010]  }
0x297: {  	v45 =	vld [tilespmem:s23+$0x17990]  }
0x298: {  	v46 =	vld [tilespmem:s23+$0x159A0]  }
0x299: {  	v47 =	vld [tilespmem:s31+$0xA020]  }
0x29a: {  	v48 =	vld [tilespmem:s23+$0x179A0]  }
0x29b: {  	v49 =	vld [tilespmem:s23+$0x159B0]  }
0x29c: {  	v50 =	vld [tilespmem:s31+$0xA030]  }
0x29d: {  	v51 =	vld [tilespmem:s23+$0x179B0]  }
0x29e: {  	v52 =	vld [tilespmem:s23+$0x159C0]  }
0x29f: {  	v53 =	vld [tilespmem:s31+$0xA040]  }
0x2a0: {  	v54 =	vld [tilespmem:s23+$0x179C0]  }
0x2a1: {  	v55 =	vld [tilespmem:s23+$0x159D0];
	v18 =	vmul.f32 v19, v18;
	v19 =	vmul.f32 v44, v43  }
0x2a2: {  	v56 =	vld [tilespmem:s31+$0xA050];
	v57 =	vmul.f32 v47, v46  }
0x2a3: {  	v58 =	vld [tilespmem:s23+$0x179D0];
	v18 =	vmul.f32 v42, v18;
	v19 =	vmul.f32 v45, v19  }
0x2a4: {  	(v2sf) =	vpush v17, $0x4;
	v60 =	vld [tilespmem:s31+$0xA060]  }
0x2a5: {  	v61 =	vld [tilespmem:s23+$0x179E0];
	v59 =	vmul.f32 v50, v49;
	v23 =	vmul.f32 v48, v57;
	v18 =	vadd.f32 v19, v18  }
0x2a6: {  	v19 =	vld [tilespmem:s23+$0x159E0]  }
0x2a7: {  	v32 =	vld [tilespmem:s23+$0x159F0];
	v63 =	vmul.f32 v53, v52;
	v62 =	vmul.f32 v51, v59;
	v18 =	vadd.f32 v23, v18  }
0x2a8: {  	v33 =	vld [tilespmem:s31+$0xA070]  }
0x2a9: {  	v20 =	vmul.f32 v56, v55;
	v21 =	vmul.f32 v54, v63;
	v18 =	vadd.f32 v62, v18  }
0x2aa: {  	v34 =	vld [tilespmem:s23+$0x179F0]  }
0x2ab: {  	v20 =	vmul.f32 v58, v20;
	v19 =	vmul.f32 v60, v19;
	v18 =	vadd.f32 v21, v18;
	_ =	sdelay $0x1  }
0x2ac: {  	v35 =	vmul.f32 v33, v32;
	v19 =	vmul.f32 v61, v19;
	v18 =	vadd.f32 v20, v18;
	_ =	sdelay $0x1  }
0x2ad: {  	v18 =	vadd.f32 v19, v18;
	v19 =	vmul.f32 v34, v35;
	_ =	sdelay $0x1  }
0x2ae: {  	v18 =	vadd.f32 v19, v18;
	_ =	sdelay $0x1  }
0x2af: {  	[tilespmem:$0x19980] =	vst v18  }
0x2b0: {  	s25 =	spop (v2sf);
	v18 =	vld [tilespmem:s23+$0x15A00]  }
0x2b1: {  	v19 =	vld [tilespmem:s25+$0xA000]  }
0x2b2: {  	v36 =	vld [tilespmem:s23+$0x17A00]  }
0x2b3: {  	v37 =	vld [tilespmem:s23+$0x15A10]  }
0x2b4: {  	v38 =	vld [tilespmem:s25+$0xA010]  }
0x2b5: {  	v39 =	vld [tilespmem:s23+$0x17A10]  }
0x2b6: {  	v40 =	vld [tilespmem:s23+$0x15A20]  }
0x2b7: {  	v41 =	vld [tilespmem:s25+$0xA020]  }
0x2b8: {  	v42 =	vld [tilespmem:s23+$0x17A20]  }
0x2b9: {  	v43 =	vld [tilespmem:s23+$0x15A30]  }
0x2ba: {  	v44 =	vld [tilespmem:s25+$0xA030]  }
0x2bb: {  	v45 =	vld [tilespmem:s23+$0x17A30]  }
0x2bc: {  	v46 =	vld [tilespmem:s23+$0x15A40]  }
0x2bd: {  	v47 =	vld [tilespmem:s25+$0xA040]  }
0x2be: {  	v48 =	vld [tilespmem:s23+$0x17A40]  }
0x2bf: {  	v49 =	vld [tilespmem:s23+$0x15A50];
	v18 =	vmul.f32 v19, v18;
	v19 =	vmul.f32 v38, v37  }
0x2c0: {  	v50 =	vld [tilespmem:s25+$0xA050];
	v51 =	vmul.f32 v41, v40  }
0x2c1: {  	v52 =	vld [tilespmem:s23+$0x17A50];
	v18 =	vmul.f32 v36, v18;
	v19 =	vmul.f32 v39, v19  }
0x2c2: {  	(v2sf) =	vpush v17, $0x5;
	v54 =	vld [tilespmem:s25+$0xA060]  }
0x2c3: {  	v55 =	vld [tilespmem:s23+$0x17A60];
	v53 =	vmul.f32 v44, v43;
	v23 =	vmul.f32 v42, v51;
	v18 =	vadd.f32 v19, v18  }
0x2c4: {  	v19 =	vld [tilespmem:s23+$0x15A60]  }
0x2c5: {  	v58 =	vld [tilespmem:s23+$0x15A70];
	v57 =	vmul.f32 v47, v46;
	v56 =	vmul.f32 v45, v53;
	v18 =	vadd.f32 v23, v18  }
0x2c6: {  	v59 =	vld [tilespmem:s25+$0xA070]  }
0x2c7: {  	v20 =	vmul.f32 v50, v49;
	v21 =	vmul.f32 v48, v57;
	v18 =	vadd.f32 v56, v18  }
0x2c8: {  	v60 =	vld [tilespmem:s23+$0x17A70]  }
0x2c9: {  	v20 =	vmul.f32 v52, v20;
	v19 =	vmul.f32 v54, v19;
	v18 =	vadd.f32 v21, v18;
	_ =	sdelay $0x1  }
0x2ca: {  	v61 =	vmul.f32 v59, v58;
	v19 =	vmul.f32 v55, v19;
	v18 =	vadd.f32 v20, v18;
	_ =	sdelay $0x1  }
0x2cb: {  	v18 =	vadd.f32 v19, v18;
	v19 =	vmul.f32 v60, v61;
	_ =	sdelay $0x1  }
0x2cc: {  	v18 =	vadd.f32 v19, v18;
	_ =	sdelay $0x1  }
0x2cd: {  	[tilespmem:$0x19A00] =	vst v18  }
0x2ce: {  	s26 =	spop (v2sf);
	v18 =	vld [tilespmem:s23+$0x15A80]  }
0x2cf: {  	v19 =	vld [tilespmem:s26+$0xA000]  }
0x2d0: {  	v62 =	vld [tilespmem:s23+$0x17A80]  }
0x2d1: {  	v63 =	vld [tilespmem:s23+$0x15A90]  }
0x2d2: {  	v33 =	vld [tilespmem:s26+$0xA010]  }
0x2d3: {  	v34 =	vld [tilespmem:s23+$0x17A90]  }
0x2d4: {  	v35 =	vld [tilespmem:s23+$0x15AA0]  }
0x2d5: {  	v36 =	vld [tilespmem:s26+$0xA020]  }
0x2d6: {  	v37 =	vld [tilespmem:s23+$0x17AA0]  }
0x2d7: {  	v38 =	vld [tilespmem:s23+$0x15AB0]  }
0x2d8: {  	v39 =	vld [tilespmem:s26+$0xA030]  }
0x2d9: {  	v40 =	vld [tilespmem:s23+$0x17AB0]  }
0x2da: {  	v41 =	vld [tilespmem:s23+$0x15AC0]  }
0x2db: {  	v42 =	vld [tilespmem:s26+$0xA040]  }
0x2dc: {  	v43 =	vld [tilespmem:s23+$0x17AC0]  }
0x2dd: {  	v44 =	vld [tilespmem:s23+$0x15AD0];
	v18 =	vmul.f32 v19, v18;
	v19 =	vmul.f32 v33, v63  }
0x2de: {  	v45 =	vld [tilespmem:s26+$0xA050];
	v46 =	vmul.f32 v36, v35  }
0x2df: {  	v47 =	vld [tilespmem:s23+$0x17AD0];
	v18 =	vmul.f32 v62, v18;
	v19 =	vmul.f32 v34, v19  }
0x2e0: {  	(v2sf) =	vpush v17, $0x6;
	v49 =	vld [tilespmem:s26+$0xA060]  }
0x2e1: {  	v50 =	vld [tilespmem:s23+$0x17AE0];
	v48 =	vmul.f32 v39, v38;
	v23 =	vmul.f32 v37, v46;
	v18 =	vadd.f32 v19, v18  }
0x2e2: {  	v19 =	vld [tilespmem:s23+$0x15AE0]  }
0x2e3: {  	v53 =	vld [tilespmem:s23+$0x15AF0];
	v52 =	vmul.f32 v42, v41;
	v51 =	vmul.f32 v40, v48;
	v18 =	vadd.f32 v23, v18  }
0x2e4: {  	v54 =	vld [tilespmem:s26+$0xA070]  }
0x2e5: {  	v20 =	vmul.f32 v45, v44;
	v21 =	vmul.f32 v43, v52;
	v18 =	vadd.f32 v51, v18  }
0x2e6: {  	v55 =	vld [tilespmem:s23+$0x17AF0]  }
0x2e7: {  	v20 =	vmul.f32 v47, v20;
	v19 =	vmul.f32 v49, v19;
	v18 =	vadd.f32 v21, v18;
	_ =	sdelay $0x1  }
0x2e8: {  	v56 =	vmul.f32 v54, v53;
	v19 =	vmul.f32 v50, v19;
	v18 =	vadd.f32 v20, v18;
	_ =	sdelay $0x1  }
0x2e9: {  	v18 =	vadd.f32 v19, v18;
	v19 =	vmul.f32 v55, v56;
	_ =	sdelay $0x1  }
0x2ea: {  	v18 =	vadd.f32 v19, v18;
	_ =	sdelay $0x1  }
0x2eb: {  	[tilespmem:$0x19A80] =	vst v18  }
0x2ec: {  	s28 =	spop (v2sf);
	v18 =	vld [tilespmem:s23+$0x15B00]  }
0x2ed: {  	v19 =	vld [tilespmem:s28+$0xA000]  }
0x2ee: {  	v57 =	vld [tilespmem:s23+$0x17B00]  }
0x2ef: {  	v58 =	vld [tilespmem:s23+$0x15B10]  }
0x2f0: {  	v59 =	vld [tilespmem:s28+$0xA010]  }
0x2f1: {  	v60 =	vld [tilespmem:s23+$0x17B10]  }
0x2f2: {  	v61 =	vld [tilespmem:s23+$0x15B20]  }
0x2f3: {  	v62 =	vld [tilespmem:s28+$0xA020]  }
0x2f4: {  	v63 =	vld [tilespmem:s23+$0x17B20]  }
0x2f5: {  	v33 =	vld [tilespmem:s23+$0x15B30]  }
0x2f6: {  	v34 =	vld [tilespmem:s28+$0xA030]  }
0x2f7: {  	v35 =	vld [tilespmem:s23+$0x17B30]  }
0x2f8: {  	v36 =	vld [tilespmem:s23+$0x15B40]  }
0x2f9: {  	v37 =	vld [tilespmem:s28+$0xA040]  }
0x2fa: {  	v38 =	vld [tilespmem:s23+$0x17B40]  }
0x2fb: {  	v39 =	vld [tilespmem:s23+$0x15B50];
	v18 =	vmul.f32 v19, v18;
	v19 =	vmul.f32 v59, v58  }
0x2fc: {  	v40 =	vld [tilespmem:s28+$0xA050];
	v41 =	vmul.f32 v62, v61  }
0x2fd: {  	v42 =	vld [tilespmem:s23+$0x17B50];
	v18 =	vmul.f32 v57, v18;
	v19 =	vmul.f32 v60, v19  }
0x2fe: {  	(v2sf) =	vpush v17, $0x7;
	v44 =	vld [tilespmem:s28+$0xA060]  }
0x2ff: {  	v45 =	vld [tilespmem:s23+$0x17B60];
	v43 =	vmul.f32 v34, v33;
	v23 =	vmul.f32 v63, v41;
	v18 =	vadd.f32 v19, v18  }
0x300: {  	v19 =	vld [tilespmem:s23+$0x15B60]  }
0x301: {  	v48 =	vld [tilespmem:s23+$0x15B70];
	v47 =	vmul.f32 v37, v36;
	v46 =	vmul.f32 v35, v43;
	v18 =	vadd.f32 v23, v18  }
0x302: {  	v49 =	vld [tilespmem:s28+$0xA070]  }
0x303: {  	v20 =	vmul.f32 v40, v39;
	v21 =	vmul.f32 v38, v47;
	v18 =	vadd.f32 v46, v18  }
0x304: {  	v50 =	vld [tilespmem:s23+$0x17B70]  }
0x305: {  	v20 =	vmul.f32 v42, v20;
	v19 =	vmul.f32 v44, v19;
	v18 =	vadd.f32 v21, v18;
	_ =	sdelay $0x1  }
0x306: {  	v51 =	vmul.f32 v49, v48;
	v19 =	vmul.f32 v45, v19;
	v18 =	vadd.f32 v20, v18;
	_ =	sdelay $0x1  }
0x307: {  	v18 =	vadd.f32 v19, v18;
	v19 =	vmul.f32 v50, v51;
	_ =	sdelay $0x1  }
0x308: {  	v18 =	vadd.f32 v19, v18;
	_ =	sdelay $0x1  }
0x309: {  	[tilespmem:$0x19B00] =	vst v18  }
0x30a: {  	s29 =	spop (v2sf);
	v18 =	vld [tilespmem:s23+$0x15B80]  }
0x30b: {  	v19 =	vld [tilespmem:s29+$0xA000]  }
0x30c: {  	v52 =	vld [tilespmem:s23+$0x17B80]  }
0x30d: {  	v53 =	vld [tilespmem:s23+$0x15B90]  }
0x30e: {  	v54 =	vld [tilespmem:s29+$0xA010]  }
0x30f: {  	v55 =	vld [tilespmem:s23+$0x17B90]  }
0x310: {  	v56 =	vld [tilespmem:s23+$0x15BA0]  }
0x311: {  	v57 =	vld [tilespmem:s29+$0xA020]  }
0x312: {  	v58 =	vld [tilespmem:s23+$0x17BA0]  }
0x313: {  	v59 =	vld [tilespmem:s23+$0x15BB0]  }
0x314: {  	v60 =	vld [tilespmem:s29+$0xA030]  }
0x315: {  	v61 =	vld [tilespmem:s23+$0x17BB0]  }
0x316: {  	v62 =	vld [tilespmem:s23+$0x15BC0]  }
0x317: {  	v63 =	vld [tilespmem:s29+$0xA040]  }
0x318: {  	v32 =	vld [tilespmem:s23+$0x17BC0]  }
0x319: {  	v33 =	vld [tilespmem:s23+$0x15BD0];
	v18 =	vmul.f32 v19, v18;
	v19 =	vmul.f32 v54, v53  }
0x31a: {  	v34 =	vld [tilespmem:s29+$0xA050];
	v35 =	vmul.f32 v57, v56  }
0x31b: {  	v36 =	vld [tilespmem:s23+$0x17BD0];
	v18 =	vmul.f32 v52, v18;
	v19 =	vmul.f32 v55, v19  }
0x31c: {  	(v2sf) =	vpush v17, $0x8;
	v38 =	vld [tilespmem:s29+$0xA060]  }
0x31d: {  	v39 =	vld [tilespmem:s23+$0x17BE0];
	v37 =	vmul.f32 v60, v59;
	v23 =	vmul.f32 v58, v35;
	v18 =	vadd.f32 v19, v18  }
0x31e: {  	v19 =	vld [tilespmem:s23+$0x15BE0]  }
0x31f: {  	v42 =	vld [tilespmem:s23+$0x15BF0];
	v41 =	vmul.f32 v63, v62;
	v40 =	vmul.f32 v61, v37;
	v18 =	vadd.f32 v23, v18  }
0x320: {  	v43 =	vld [tilespmem:s29+$0xA070]  }
0x321: {  	v20 =	vmul.f32 v34, v33;
	v21 =	vmul.f32 v32, v41;
	v18 =	vadd.f32 v40, v18  }
0x322: {  	v44 =	vld [tilespmem:s23+$0x17BF0]  }
0x323: {  	v20 =	vmul.f32 v36, v20;
	v19 =	vmul.f32 v38, v19;
	v18 =	vadd.f32 v21, v18;
	_ =	sdelay $0x1  }
0x324: {  	v45 =	vmul.f32 v43, v42;
	v19 =	vmul.f32 v39, v19;
	v18 =	vadd.f32 v20, v18;
	_ =	sdelay $0x1  }
0x325: {  	v18 =	vadd.f32 v19, v18;
	v19 =	vmul.f32 v44, v45;
	_ =	sdelay $0x1  }
0x326: {  	v18 =	vadd.f32 v19, v18;
	_ =	sdelay $0x1  }
0x327: {  	[tilespmem:$0x19B80] =	vst v18  }
0x328: {  	s30 =	spop (v2sf);
	v18 =	vld [tilespmem:s23+$0x15C00]  }
0x329: {  	v19 =	vld [tilespmem:s30+$0xA000]  }
0x32a: {  	v46 =	vld [tilespmem:s23+$0x17C00]  }
0x32b: {  	v47 =	vld [tilespmem:s23+$0x15C10]  }
0x32c: {  	v48 =	vld [tilespmem:s30+$0xA010]  }
0x32d: {  	v49 =	vld [tilespmem:s23+$0x17C10]  }
0x32e: {  	v50 =	vld [tilespmem:s23+$0x15C20]  }
0x32f: {  	v51 =	vld [tilespmem:s30+$0xA020]  }
0x330: {  	v52 =	vld [tilespmem:s23+$0x17C20]  }
0x331: {  	v53 =	vld [tilespmem:s23+$0x15C30]  }
0x332: {  	v54 =	vld [tilespmem:s30+$0xA030]  }
0x333: {  	v55 =	vld [tilespmem:s23+$0x17C30]  }
0x334: {  	v56 =	vld [tilespmem:s23+$0x15C40]  }
0x335: {  	v57 =	vld [tilespmem:s30+$0xA040]  }
0x336: {  	v58 =	vld [tilespmem:s23+$0x17C40]  }
0x337: {  	v59 =	vld [tilespmem:s23+$0x15C50];
	v18 =	vmul.f32 v19, v18;
	v19 =	vmul.f32 v48, v47  }
0x338: {  	v60 =	vld [tilespmem:s30+$0xA050];
	v61 =	vmul.f32 v51, v50  }
0x339: {  	v62 =	vld [tilespmem:s23+$0x17C50];
	v18 =	vmul.f32 v46, v18;
	v19 =	vmul.f32 v49, v19  }
0x33a: {  	(v2sf) =	vpush v17, $0x9;
	v32 =	vld [tilespmem:s30+$0xA060]  }
0x33b: {  	v33 =	vld [tilespmem:s23+$0x17C60];
	v63 =	vmul.f32 v54, v53;
	v23 =	vmul.f32 v52, v61;
	v18 =	vadd.f32 v19, v18  }
0x33c: {  	v19 =	vld [tilespmem:s23+$0x15C60]  }
0x33d: {  	v36 =	vld [tilespmem:s23+$0x15C70];
	v35 =	vmul.f32 v57, v56;
	v34 =	vmul.f32 v55, v63;
	v18 =	vadd.f32 v23, v18  }
0x33e: {  	v37 =	vld [tilespmem:s30+$0xA070]  }
0x33f: {  	v20 =	vmul.f32 v60, v59;
	v21 =	vmul.f32 v58, v35;
	v18 =	vadd.f32 v34, v18  }
0x340: {  	v38 =	vld [tilespmem:s23+$0x17C70]  }
0x341: {  	v20 =	vmul.f32 v62, v20;
	v19 =	vmul.f32 v32, v19;
	v18 =	vadd.f32 v21, v18;
	_ =	sdelay $0x1  }
0x342: {  	v39 =	vmul.f32 v37, v36;
	v19 =	vmul.f32 v33, v19;
	v18 =	vadd.f32 v20, v18;
	_ =	sdelay $0x1  }
0x343: {  	v18 =	vadd.f32 v19, v18;
	v19 =	vmul.f32 v38, v39;
	_ =	sdelay $0x1  }
0x344: {  	v18 =	vadd.f32 v19, v18;
	_ =	sdelay $0x1  }
0x345: {  	[tilespmem:$0x19C00] =	vst v18  }
0x346: {  	s31 =	spop (v2sf);
	v18 =	vld [tilespmem:s23+$0x15C80]  }
0x347: {  	v19 =	vld [tilespmem:s31+$0xA000]  }
0x348: {  	v40 =	vld [tilespmem:s23+$0x17C80]  }
0x349: {  	v41 =	vld [tilespmem:s23+$0x15C90]  }
0x34a: {  	v42 =	vld [tilespmem:s31+$0xA010]  }
0x34b: {  	v43 =	vld [tilespmem:s23+$0x17C90]  }
0x34c: {  	v44 =	vld [tilespmem:s23+$0x15CA0]  }
0x34d: {  	v45 =	vld [tilespmem:s31+$0xA020]  }
0x34e: {  	v46 =	vld [tilespmem:s23+$0x17CA0]  }
0x34f: {  	v47 =	vld [tilespmem:s23+$0x15CB0]  }
0x350: {  	v48 =	vld [tilespmem:s31+$0xA030]  }
0x351: {  	v49 =	vld [tilespmem:s23+$0x17CB0]  }
0x352: {  	v50 =	vld [tilespmem:s23+$0x15CC0]  }
0x353: {  	v51 =	vld [tilespmem:s31+$0xA040]  }
0x354: {  	v52 =	vld [tilespmem:s23+$0x17CC0]  }
0x355: {  	v53 =	vld [tilespmem:s23+$0x15CD0];
	v18 =	vmul.f32 v19, v18;
	v19 =	vmul.f32 v42, v41  }
0x356: {  	v54 =	vld [tilespmem:s31+$0xA050];
	v55 =	vmul.f32 v45, v44  }
0x357: {  	v56 =	vld [tilespmem:s23+$0x17CD0];
	v18 =	vmul.f32 v40, v18;
	v19 =	vmul.f32 v43, v19  }
0x358: {  	(v2sf) =	vpush v17, $0xA;
	v58 =	vld [tilespmem:s31+$0xA060]  }
0x359: {  	v59 =	vld [tilespmem:s23+$0x17CE0];
	v57 =	vmul.f32 v48, v47;
	v23 =	vmul.f32 v46, v55;
	v18 =	vadd.f32 v19, v18  }
0x35a: {  	v19 =	vld [tilespmem:s23+$0x15CE0]  }
0x35b: {  	v62 =	vld [tilespmem:s23+$0x15CF0];
	v61 =	vmul.f32 v51, v50;
	v60 =	vmul.f32 v49, v57;
	v18 =	vadd.f32 v23, v18  }
0x35c: {  	v63 =	vld [tilespmem:s31+$0xA070]  }
0x35d: {  	v20 =	vmul.f32 v54, v53;
	v21 =	vmul.f32 v52, v61;
	v18 =	vadd.f32 v60, v18  }
0x35e: {  	v31 =	vld [tilespmem:s23+$0x17CF0]  }
0x35f: {  	v20 =	vmul.f32 v56, v20;
	v19 =	vmul.f32 v58, v19;
	v18 =	vadd.f32 v21, v18;
	_ =	sdelay $0x1  }
0x360: {  	v32 =	vmul.f32 v63, v62;
	v19 =	vmul.f32 v59, v19;
	v18 =	vadd.f32 v20, v18;
	_ =	sdelay $0x1  }
0x361: {  	v18 =	vadd.f32 v19, v18;
	v19 =	vmul.f32 v31, v32;
	_ =	sdelay $0x1  }
0x362: {  	v18 =	vadd.f32 v19, v18;
	_ =	sdelay $0x1  }
0x363: {  	[tilespmem:$0x19C80] =	vst v18  }
0x364: {  	s25 =	spop (v2sf);
	v18 =	vld [tilespmem:s23+$0x15D00]  }
0x365: {  	v19 =	vld [tilespmem:s25+$0xA000]  }
0x366: {  	v33 =	vld [tilespmem:s23+$0x17D00]  }
0x367: {  	v34 =	vld [tilespmem:s23+$0x15D10]  }
0x368: {  	v35 =	vld [tilespmem:s25+$0xA010]  }
0x369: {  	v36 =	vld [tilespmem:s23+$0x17D10]  }
0x36a: {  	v37 =	vld [tilespmem:s23+$0x15D20]  }
0x36b: {  	v38 =	vld [tilespmem:s25+$0xA020]  }
0x36c: {  	v39 =	vld [tilespmem:s23+$0x17D20]  }
0x36d: {  	v40 =	vld [tilespmem:s23+$0x15D30]  }
0x36e: {  	v41 =	vld [tilespmem:s25+$0xA030]  }
0x36f: {  	v42 =	vld [tilespmem:s23+$0x17D30]  }
0x370: {  	v43 =	vld [tilespmem:s23+$0x15D40]  }
0x371: {  	v44 =	vld [tilespmem:s25+$0xA040]  }
0x372: {  	v45 =	vld [tilespmem:s23+$0x17D40]  }
0x373: {  	v46 =	vld [tilespmem:s23+$0x15D50];
	v18 =	vmul.f32 v19, v18;
	v19 =	vmul.f32 v35, v34  }
0x374: {  	v47 =	vld [tilespmem:s25+$0xA050];
	v48 =	vmul.f32 v38, v37  }
0x375: {  	v49 =	vld [tilespmem:s23+$0x17D50];
	v18 =	vmul.f32 v33, v18;
	v19 =	vmul.f32 v36, v19  }
0x376: {  	(v2sf) =	vpush v17, $0xB;
	v51 =	vld [tilespmem:s25+$0xA060]  }
0x377: {  	v52 =	vld [tilespmem:s23+$0x17D60];
	v50 =	vmul.f32 v41, v40;
	v23 =	vmul.f32 v39, v48;
	v18 =	vadd.f32 v19, v18  }
0x378: {  	v19 =	vld [tilespmem:s23+$0x15D60]  }
0x379: {  	v55 =	vld [tilespmem:s23+$0x15D70];
	v54 =	vmul.f32 v44, v43;
	v53 =	vmul.f32 v42, v50;
	v18 =	vadd.f32 v23, v18  }
0x37a: {  	v56 =	vld [tilespmem:s25+$0xA070]  }
0x37b: {  	v20 =	vmul.f32 v47, v46;
	v21 =	vmul.f32 v45, v54;
	v18 =	vadd.f32 v53, v18  }
0x37c: {  	v57 =	vld [tilespmem:s23+$0x17D70]  }
0x37d: {  	v20 =	vmul.f32 v49, v20;
	v19 =	vmul.f32 v51, v19;
	v18 =	vadd.f32 v21, v18;
	_ =	sdelay $0x1  }
0x37e: {  	v58 =	vmul.f32 v56, v55;
	v19 =	vmul.f32 v52, v19;
	v18 =	vadd.f32 v20, v18;
	_ =	sdelay $0x1  }
0x37f: {  	v18 =	vadd.f32 v19, v18;
	v19 =	vmul.f32 v57, v58;
	_ =	sdelay $0x1  }
0x380: {  	v18 =	vadd.f32 v19, v18;
	_ =	sdelay $0x1  }
0x381: {  	[tilespmem:$0x19D00] =	vst v18  }
0x382: {  	s26 =	spop (v2sf);
	v18 =	vld [tilespmem:s23+$0x15D80]  }
0x383: {  	v19 =	vld [tilespmem:s26+$0xA000]  }
0x384: {  	v59 =	vld [tilespmem:s23+$0x17D80]  }
0x385: {  	v60 =	vld [tilespmem:s23+$0x15D90]  }
0x386: {  	v61 =	vld [tilespmem:s26+$0xA010]  }
0x387: {  	v62 =	vld [tilespmem:s23+$0x17D90]  }
0x388: {  	v63 =	vld [tilespmem:s23+$0x15DA0]  }
0x389: {  	v33 =	vld [tilespmem:s26+$0xA020]  }
0x38a: {  	v34 =	vld [tilespmem:s23+$0x17DA0]  }
0x38b: {  	v35 =	vld [tilespmem:s23+$0x15DB0]  }
0x38c: {  	v36 =	vld [tilespmem:s26+$0xA030]  }
0x38d: {  	v37 =	vld [tilespmem:s23+$0x17DB0]  }
0x38e: {  	v38 =	vld [tilespmem:s23+$0x15DC0]  }
0x38f: {  	v39 =	vld [tilespmem:s26+$0xA040]  }
0x390: {  	v40 =	vld [tilespmem:s23+$0x17DC0]  }
0x391: {  	v41 =	vld [tilespmem:s23+$0x15DD0];
	v18 =	vmul.f32 v19, v18;
	v19 =	vmul.f32 v61, v60  }
0x392: {  	v42 =	vld [tilespmem:s26+$0xA050];
	v43 =	vmul.f32 v33, v63  }
0x393: {  	v44 =	vld [tilespmem:s23+$0x17DD0];
	v18 =	vmul.f32 v59, v18;
	v19 =	vmul.f32 v62, v19  }
0x394: {  	(v2sf) =	vpush v17, $0xC;
	v46 =	vld [tilespmem:s26+$0xA060]  }
0x395: {  	v47 =	vld [tilespmem:s23+$0x17DE0];
	v45 =	vmul.f32 v36, v35;
	v23 =	vmul.f32 v34, v43;
	v18 =	vadd.f32 v19, v18  }
0x396: {  	v19 =	vld [tilespmem:s23+$0x15DE0]  }
0x397: {  	v50 =	vld [tilespmem:s23+$0x15DF0];
	v49 =	vmul.f32 v39, v38;
	v48 =	vmul.f32 v37, v45;
	v18 =	vadd.f32 v23, v18  }
0x398: {  	v51 =	vld [tilespmem:s26+$0xA070]  }
0x399: {  	v20 =	vmul.f32 v42, v41;
	v21 =	vmul.f32 v40, v49;
	v18 =	vadd.f32 v48, v18  }
0x39a: {  	v52 =	vld [tilespmem:s23+$0x17DF0]  }
0x39b: {  	v20 =	vmul.f32 v44, v20;
	v19 =	vmul.f32 v46, v19;
	v18 =	vadd.f32 v21, v18;
	_ =	sdelay $0x1  }
0x39c: {  	v53 =	vmul.f32 v51, v50;
	v19 =	vmul.f32 v47, v19;
	v18 =	vadd.f32 v20, v18;
	_ =	sdelay $0x1  }
0x39d: {  	v18 =	vadd.f32 v19, v18;
	v19 =	vmul.f32 v52, v53;
	_ =	sdelay $0x1  }
0x39e: {  	v18 =	vadd.f32 v19, v18;
	_ =	sdelay $0x1  }
0x39f: {  	[tilespmem:$0x19D80] =	vst v18  }
0x3a0: {  	s28 =	spop (v2sf);
	v18 =	vld [tilespmem:s23+$0x15E00]  }
0x3a1: {  	v19 =	vld [tilespmem:s28+$0xA000]  }
0x3a2: {  	v54 =	vld [tilespmem:s23+$0x17E00]  }
0x3a3: {  	v55 =	vld [tilespmem:s23+$0x15E10]  }
0x3a4: {  	v56 =	vld [tilespmem:s28+$0xA010]  }
0x3a5: {  	v57 =	vld [tilespmem:s23+$0x17E10]  }
0x3a6: {  	v58 =	vld [tilespmem:s23+$0x15E20]  }
0x3a7: {  	v59 =	vld [tilespmem:s28+$0xA020]  }
0x3a8: {  	v60 =	vld [tilespmem:s23+$0x17E20]  }
0x3a9: {  	v61 =	vld [tilespmem:s23+$0x15E30]  }
0x3aa: {  	v62 =	vld [tilespmem:s28+$0xA030]  }
0x3ab: {  	v63 =	vld [tilespmem:s23+$0x17E30]  }
0x3ac: {  	v33 =	vld [tilespmem:s23+$0x15E40]  }
0x3ad: {  	v34 =	vld [tilespmem:s28+$0xA040]  }
0x3ae: {  	v35 =	vld [tilespmem:s23+$0x17E40]  }
0x3af: {  	v36 =	vld [tilespmem:s23+$0x15E50];
	v18 =	vmul.f32 v19, v18;
	v19 =	vmul.f32 v56, v55  }
0x3b0: {  	v37 =	vld [tilespmem:s28+$0xA050];
	v38 =	vmul.f32 v59, v58  }
0x3b1: {  	v39 =	vld [tilespmem:s23+$0x17E50];
	v18 =	vmul.f32 v54, v18;
	v19 =	vmul.f32 v57, v19  }
0x3b2: {  	(v2sf) =	vpush v17, $0xD;
	v41 =	vld [tilespmem:s28+$0xA060]  }
0x3b3: {  	v42 =	vld [tilespmem:s23+$0x17E60];
	v40 =	vmul.f32 v62, v61;
	v23 =	vmul.f32 v60, v38;
	v18 =	vadd.f32 v19, v18  }
0x3b4: {  	v19 =	vld [tilespmem:s23+$0x15E60]  }
0x3b5: {  	v45 =	vld [tilespmem:s23+$0x15E70];
	v44 =	vmul.f32 v34, v33;
	v43 =	vmul.f32 v63, v40;
	v18 =	vadd.f32 v23, v18  }
0x3b6: {  	v46 =	vld [tilespmem:s28+$0xA070]  }
0x3b7: {  	v20 =	vmul.f32 v37, v36;
	v21 =	vmul.f32 v35, v44;
	v18 =	vadd.f32 v43, v18  }
0x3b8: {  	v47 =	vld [tilespmem:s23+$0x17E70]  }
0x3b9: {  	v20 =	vmul.f32 v39, v20;
	v19 =	vmul.f32 v41, v19;
	v18 =	vadd.f32 v21, v18;
	_ =	sdelay $0x1  }
0x3ba: {  	v48 =	vmul.f32 v46, v45;
	v19 =	vmul.f32 v42, v19;
	v18 =	vadd.f32 v20, v18;
	_ =	sdelay $0x1  }
0x3bb: {  	v18 =	vadd.f32 v19, v18;
	v19 =	vmul.f32 v47, v48;
	_ =	sdelay $0x1  }
0x3bc: {  	v18 =	vadd.f32 v19, v18;
	_ =	sdelay $0x1  }
0x3bd: {  	[tilespmem:$0x19E00] =	vst v18  }
0x3be: {  	s29 =	spop (v2sf);
	v18 =	vld [tilespmem:s23+$0x15E80]  }
0x3bf: {  	v19 =	vld [tilespmem:s29+$0xA000]  }
0x3c0: {  	v49 =	vld [tilespmem:s23+$0x17E80]  }
0x3c1: {  	v50 =	vld [tilespmem:s23+$0x15E90]  }
0x3c2: {  	v51 =	vld [tilespmem:s29+$0xA010]  }
0x3c3: {  	v52 =	vld [tilespmem:s23+$0x17E90]  }
0x3c4: {  	v53 =	vld [tilespmem:s23+$0x15EA0]  }
0x3c5: {  	v54 =	vld [tilespmem:s29+$0xA020]  }
0x3c6: {  	v55 =	vld [tilespmem:s23+$0x17EA0]  }
0x3c7: {  	v56 =	vld [tilespmem:s23+$0x15EB0]  }
0x3c8: {  	v57 =	vld [tilespmem:s29+$0xA030]  }
0x3c9: {  	v58 =	vld [tilespmem:s23+$0x17EB0]  }
0x3ca: {  	v59 =	vld [tilespmem:s23+$0x15EC0]  }
0x3cb: {  	v60 =	vld [tilespmem:s29+$0xA040]  }
0x3cc: {  	v61 =	vld [tilespmem:s23+$0x17EC0]  }
0x3cd: {  	v62 =	vld [tilespmem:s23+$0x15ED0];
	v18 =	vmul.f32 v19, v18;
	v19 =	vmul.f32 v51, v50  }
0x3ce: {  	v63 =	vld [tilespmem:s29+$0xA050];
	v32 =	vmul.f32 v54, v53  }
0x3cf: {  	v33 =	vld [tilespmem:s23+$0x17ED0];
	v18 =	vmul.f32 v49, v18;
	v19 =	vmul.f32 v52, v19  }
0x3d0: {  	(v2sf) =	vpush v17, $0xE;
	v35 =	vld [tilespmem:s29+$0xA060]  }
0x3d1: {  	v36 =	vld [tilespmem:s23+$0x17EE0];
	v34 =	vmul.f32 v57, v56;
	v23 =	vmul.f32 v55, v32;
	v18 =	vadd.f32 v19, v18  }
0x3d2: {  	v19 =	vld [tilespmem:s23+$0x15EE0]  }
0x3d3: {  	v39 =	vld [tilespmem:s23+$0x15EF0];
	v38 =	vmul.f32 v60, v59;
	v37 =	vmul.f32 v58, v34;
	v18 =	vadd.f32 v23, v18  }
0x3d4: {  	v40 =	vld [tilespmem:s29+$0xA070]  }
0x3d5: {  	v20 =	vmul.f32 v63, v62;
	v21 =	vmul.f32 v61, v38;
	v18 =	vadd.f32 v37, v18  }
0x3d6: {  	v41 =	vld [tilespmem:s23+$0x17EF0]  }
0x3d7: {  	v20 =	vmul.f32 v33, v20;
	v19 =	vmul.f32 v35, v19;
	v18 =	vadd.f32 v21, v18;
	_ =	sdelay $0x1  }
0x3d8: {  	v42 =	vmul.f32 v40, v39;
	v19 =	vmul.f32 v36, v19;
	v18 =	vadd.f32 v20, v18;
	_ =	sdelay $0x1  }
0x3d9: {  	v18 =	vadd.f32 v19, v18;
	v19 =	vmul.f32 v41, v42;
	_ =	sdelay $0x1  }
0x3da: {  	v18 =	vadd.f32 v19, v18;
	_ =	sdelay $0x1  }
0x3db: {  	[tilespmem:$0x19E80] =	vst v18  }
0x3dc: {  	s30 =	spop (v2sf);
	v18 =	vld [tilespmem:s23+$0x15F00]  }
0x3dd: {  	v19 =	vld [tilespmem:s30+$0xA000]  }
0x3de: {  	v43 =	vld [tilespmem:s23+$0x17F00]  }
0x3df: {  	v44 =	vld [tilespmem:s23+$0x15F10]  }
0x3e0: {  	v45 =	vld [tilespmem:s30+$0xA010]  }
0x3e1: {  	v46 =	vld [tilespmem:s23+$0x17F10]  }
0x3e2: {  	v47 =	vld [tilespmem:s23+$0x15F20]  }
0x3e3: {  	v48 =	vld [tilespmem:s30+$0xA020]  }
0x3e4: {  	v49 =	vld [tilespmem:s23+$0x17F20]  }
0x3e5: {  	v50 =	vld [tilespmem:s23+$0x15F30]  }
0x3e6: {  	v51 =	vld [tilespmem:s30+$0xA030]  }
0x3e7: {  	v52 =	vld [tilespmem:s23+$0x17F30]  }
0x3e8: {  	v53 =	vld [tilespmem:s23+$0x15F40]  }
0x3e9: {  	v54 =	vld [tilespmem:s30+$0xA040]  }
0x3ea: {  	v55 =	vld [tilespmem:s23+$0x17F40]  }
0x3eb: {  	v56 =	vld [tilespmem:s23+$0x15F50];
	v18 =	vmul.f32 v19, v18;
	v19 =	vmul.f32 v45, v44  }
0x3ec: {  	v57 =	vld [tilespmem:s30+$0xA050];
	v58 =	vmul.f32 v48, v47  }
0x3ed: {  	v59 =	vld [tilespmem:s23+$0x17F50];
	v18 =	vmul.f32 v43, v18;
	v19 =	vmul.f32 v46, v19  }
0x3ee: {  	(v2sf) =	vpush v17, $0xF;
	v61 =	vld [tilespmem:s30+$0xA060]  }
0x3ef: {  	v17 =	vld [tilespmem:s23+$0x17F60];
	v60 =	vmul.f32 v51, v50;
	v23 =	vmul.f32 v49, v58;
	v18 =	vadd.f32 v19, v18  }
0x3f0: {  	v19 =	vld [tilespmem:s23+$0x15F60]  }
0x3f1: {  	v32 =	vld [tilespmem:s23+$0x15F70];
	v63 =	vmul.f32 v54, v53;
	v62 =	vmul.f32 v52, v60;
	v18 =	vadd.f32 v23, v18  }
0x3f2: {  	v33 =	vld [tilespmem:s30+$0xA070]  }
0x3f3: {  	v20 =	vmul.f32 v57, v56;
	v21 =	vmul.f32 v55, v63;
	v18 =	vadd.f32 v62, v18  }
0x3f4: {  	v34 =	vld [tilespmem:s23+$0x17F70]  }
0x3f5: {  	v20 =	vmul.f32 v59, v20;
	v19 =	vmul.f32 v61, v19;
	v18 =	vadd.f32 v21, v18;
	_ =	sdelay $0x1  }
0x3f6: {  	v17 =	vmul.f32 v17, v19;
	v19 =	vmul.f32 v33, v32;
	v18 =	vadd.f32 v20, v18;
	_ =	sdelay $0x1  }
0x3f7: {  	v17 =	vadd.f32 v17, v18;
	v18 =	vmul.f32 v34, v19;
	_ =	sdelay $0x1  }
0x3f8: {  	v17 =	vadd.f32 v18, v17;
	_ =	sdelay $0x1  }
0x3f9: {  	[tilespmem:$0x19F00] =	vst v17  }
0x3fa: {  	s31 =	spop (v2sf);
	v17 =	vld [tilespmem:s23+$0x15F80]  }
0x3fb: {  	v18 =	vld [tilespmem:s31+$0xA000]  }
0x3fc: {  	v19 =	vld [tilespmem:s23+$0x17F80]  }
0x3fd: {  	v35 =	vld [tilespmem:s23+$0x15F90]  }
0x3fe: {  	v36 =	vld [tilespmem:s31+$0xA010]  }
0x3ff: {  	v37 =	vld [tilespmem:s23+$0x17F90]  }
0x400: {  	v38 =	vld [tilespmem:s23+$0x15FA0]  }
0x401: {  	v39 =	vld [tilespmem:s31+$0xA020]  }
0x402: {  	v40 =	vld [tilespmem:s23+$0x17FA0]  }
0x403: {  	v41 =	vld [tilespmem:s23+$0x15FB0]  }
0x404: {  	v42 =	vld [tilespmem:s31+$0xA030]  }
0x405: {  	v43 =	vld [tilespmem:s23+$0x17FB0]  }
0x406: {  	v44 =	vld [tilespmem:s23+$0x15FC0]  }
0x407: {  	v45 =	vld [tilespmem:s31+$0xA040]  }
0x408: {  	v46 =	vld [tilespmem:s23+$0x15FD0]  }
0x409: {  	v48 =	vld [tilespmem:s23+$0x17FD0];
	v17 =	vmul.f32 v18, v17;
	v20 =	vmul.f32 v36, v35  }
0x40a: {  	v49 =	vld [tilespmem:s23+$0x15FE0];
	v47 =	vmul.f32 v39, v38  }
0x40b: {  	v18 =	vld [tilespmem:s23+$0x17FC0];
	v17 =	vmul.f32 v19, v17;
	v20 =	vmul.f32 v37, v20  }
0x40c: {  	v19 =	vld [tilespmem:s31+$0xA050]  }
0x40d: {  	v52 =	vld [tilespmem:s31+$0xA060];
	v51 =	vmul.f32 v42, v41;
	v50 =	vmul.f32 v40, v47;
	v17 =	vadd.f32 v20, v17  }
0x40e: {  	v53 =	vld [tilespmem:s23+$0x17FE0]  }
0x40f: {  	v56 =	vld [tilespmem:s23+$0x15FF0];
	v55 =	vmul.f32 v45, v44;
	v54 =	vmul.f32 v43, v51;
	v17 =	vadd.f32 v50, v17  }
0x410: {  	v57 =	vld [tilespmem:s31+$0xA070]  }
0x411: {  	v18 =	vmul.f32 v18, v55;
	v19 =	vmul.f32 v19, v46;
	v17 =	vadd.f32 v54, v17  }
0x412: {  	v58 =	vld [tilespmem:s23+$0x17FF0]  }
0x413: {  	v17 =	vadd.f32 v18, v17;
	v18 =	vmul.f32 v48, v19;
	v19 =	vmul.f32 v52, v49;
	_ =	sdelay $0x1  }
0x414: {  	v17 =	vadd.f32 v18, v17;
	v18 =	vmul.f32 v53, v19;
	v19 =	vmul.f32 v57, v56;
	_ =	sdelay $0x1  }
0x415: {  	v17 =	vadd.f32 v18, v17;
	v18 =	vmul.f32 v58, v19;
	_ =	sdelay $0x1  }
0x416: {  	v17 =	vadd.f32 v18, v17;
	_ =	sdelay $0x1  }
0x417: {  	[tilespmem:$0x19F80] =	vst v17  }
0x418: {  	v17 =	vld.idx.msk [tilespmem:v0+s16+$0x0], $0xffff  }
0x419: {  	v18 =	vld.idx.msk [tilespmem:v1+s16+$0x0], $0xffff;
	_ =	sdelay $0x1  }
0x41a: {  	v19 =	vld.idx.msk [tilespmem:v2+s16+$0x0], $0xffff;
	_ =	sdelay $0x1  }
0x41b: {  	v59 =	vld.idx.msk [tilespmem:v3+s16+$0x0], $0xffff  }
0x41c: {  	v17 =	vadd.f32 v18, v17  }
0x41d: {  	v18 =	vld.idx.msk [tilespmem:v4+s16+$0x0], $0xffff  }
0x41e: {  	v17 =	vadd.f32 v19, v17  }
0x41f: {  	v19 =	vld.idx.msk [tilespmem:v5+s16+$0x0], $0xffff  }
0x420: {  	v17 =	vadd.f32 v59, v17  }
0x421: {  	v60 =	vld.idx.msk [tilespmem:v6+s16+$0x0], $0xffff  }
0x422: {  	v17 =	vadd.f32 v18, v17  }
0x423: {  	v18 =	vld.idx.msk [tilespmem:v7+s16+$0x0], $0xffff  }
0x424: {  	v17 =	vadd.f32 v19, v17  }
0x425: {  	v19 =	vld.idx.msk [tilespmem:v8+s16+$0x0], $0xffff  }
0x426: {  	v17 =	vadd.f32 v60, v17  }
0x427: {  	v61 =	vld.idx.msk [tilespmem:v9+s16+$0x0], $0xffff  }
0x428: {  	v17 =	vadd.f32 v18, v17  }
0x429: {  	v18 =	vld.idx.msk [tilespmem:v10+s16+$0x0], $0xffff  }
0x42a: {  	v17 =	vadd.f32 v19, v17  }
0x42b: {  	v19 =	vld.idx.msk [tilespmem:v11+s16+$0x0], $0xffff  }
0x42c: {  	v17 =	vadd.f32 v61, v17  }
0x42d: {  	v62 =	vld.idx.msk [tilespmem:v12+s16+$0x0], $0xffff  }
0x42e: {  	v17 =	vadd.f32 v18, v17  }
0x42f: {  	v18 =	vld.idx.msk [tilespmem:v13+s16+$0x0], $0xffff  }
0x430: {  	v17 =	vadd.f32 v19, v17  }
0x431: {  	v19 =	vld.idx.msk [tilespmem:v14+s16+$0x0], $0xffff  }
0x432: {  	v17 =	vadd.f32 v62, v17  }
0x433: {  	v63 =	vld.idx.msk [tilespmem:v15+s16+$0x0], $0xffff  }
0x434: {  	v17 =	vadd.f32 v18, v17  }
0x435: {  	p0 =	sne.s32 s22, $0x3  }
.Ltmp1:
0x436: {  	v17 =	vadd.f32 v19, v17;
	(pc) =	sbr.rel @p0 .LBB2_5-.Ltmp1, $3  }
0x437: {  	_ = 	snop  }
0x438: {  	v17 =	vadd.f32 v63, v17;
	_ =	sdelay $0x1  }
0x439: {  	s22 =	sadd.s32 $0x1, s22;
	[tilespmem:v16+s21+$0x1A000 ss:$0x1] =	vst.idx.msk $0xffff, v17  }
0x43a: {  	s20 =	sadd.s32 $0x1, s20  }
0x43b: {  	p0 =	sne.s32 s20, $0x4F  }
.Ltmp2:
0x43c: {  	_ = 	snop;
	(pc) =	sbr.rel @p0 .LBB2_2-.Ltmp2, $1  }
0x43d: {  	_ =	sdelay $0x3  }
0x43e: {  	s19 =	sadd.s32 $0x1, s19  }
0x43f: {  	p0 =	sne.s32 s19, s8  }
.Ltmp3:
0x440: {  	_ = 	snop;
	(pc) =	sbr.rel @p0 .LBB2_1-.Ltmp3, $4  }
0x441: {  	[hbm4b:s7+s4] =	stream.linear.scatter [tilespmem:s18], [sflag:$0x3], $0x4F00, $0x38;
	[tilespmem:$0x1F000] =	vst v63  }
0x442: {  	_ =	swait.ge [sflag:s9], $0x4F00  }
0x443: {  	[sflag:s9] =	ssyncset.done $0x0  }
0x444: {  	[sflag:s9] =	ssyncadd.s32 $0xFFFFB100  }
0x445: {  	_ =	sfence.sel $0x180000  }
0x446: {  	[bflag:$0x0] =	sbarrier.arrive $0xFFFF  }
0x447: {  	p0 =	sne.s32 s0, $0x0;
	_ =	strace $0x90000047  }
0x448: {  	s0 =	sadd.s32 @!p0 $0x100000, s2;
	[bflag:$0x2] =	sbarrier.arrive $0xFFFF  }
0x449: {  	[sflag:s0] =	ssyncadd.tile.s32 @!p0 $0x1;
	_ =	shalt  }
.Lfunc_end2:
_tile_overlayer_lowered:
.L_overlay_start_2:
0x44a: {  	(tag) =	ssettag $0x2  }
0x44b: {  	s0 =	rddreg [dreg:$0x0];
	s2 =	stileid.u32  }
0x44c: {  	s1 =	rddreg [dreg:$0x1];
	p0 =	sne.s32 s2, $0x0  }
0x44d: {  	s3 =	rddreg [dreg:$0x2];
	[bflag:$0x3] =	sbarrier.arrive $0xFFFF;
	s2 =	simm.s32 @!p0 $0x1C03  }
0x44e: {  	[timem:s3], [sflag:s2] =	dma.local @!p0 [hbm:s0], s1  }
0x44f: {  	s0 =	simm.s32 @!p0 $0x3  }
0x450: {  	_ =	swait.ge @!p0 [sflag:s0], s1  }
0x451: {  	s1 =	ssub.s32 @!p0 $0x0, s1;
	[sflag:s0] =	ssyncset.done @!p0 $0x0  }
0x452: {  	[sflag:s0] =	ssyncadd.s32 @!p0 s1  }
0x453: {  	[bflag:$0x3] =	sbarrier.arrive $0xFFFF  }
0x454: {  	_ =	shalt  }

</sc_bundles>
